<compile_context>
chip_gen: v7x
topology: tpu7x:2x2x1
jax: 0.10.2.dev20260603
libtpu: 0.0.44.dev20260713+nightly
codegen_flags: <defaults>
</compile_context>

<pallas_src>
import functools

import jax
import jax.numpy as jnp
from jax import lax
from jax.experimental import pallas as pl
from jax.experimental.pallas import tpu as pltpu
from jax.experimental.pallas import tpu_sc as plsc

_N = 784
_L = 16
_CHUNK = 8
_NOUT = 100
_NW = 13
_PAD_OUT = _NW * _CHUNK
_HALF = _CHUNK // 2


def _lane_gather(vec, idx):
    dnums = lax.GatherDimensionNumbers(
        offset_dims=(), collapsed_slice_dims=(0,), start_index_map=(0,))
    return lax.gather(vec, idx[:, None], dnums, slice_sizes=(1,),
                      mode=lax.GatherScatterMode.PROMISE_IN_BOUNDS)


def _body(I_hbm, p_hbm, inds_hbm, out_hbm, inds_v, flat_v, flat2_v, rows_v,
          p_v, out_v, sem_i, sem_p, sem_g, sem_g2):
    c = lax.axis_index("c")
    s = lax.axis_index("s")
    wid = s * 2 + c

    @pl.when(wid < _NW)
    def _():
        cp_p = pltpu.async_copy(p_hbm, p_v, sem_p)

        @pl.when(wid < _NW - 1)
        def _():
            pltpu.async_copy(
                inds_hbm.at[pl.ds(wid * 2 * _CHUNK, 2 * _CHUNK)],
                inds_v, sem_i).wait()

        @pl.when(wid == _NW - 1)
        def _():
            pltpu.async_copy(
                inds_hbm.at[pl.ds((_NW - 1) * 2 * _CHUNK, _CHUNK)],
                inds_v.at[pl.ds(0, _CHUNK)], sem_i).wait()

        iota = lax.iota(jnp.int32, _L)
        v = inds_v[...]
        r = _lane_gather(v, (2 * iota) & (_L - 1))
        cc = _lane_gather(v, (2 * iota + 1) & (_L - 1))
        nvalid = jnp.minimum(_NOUT - wid * _CHUNK, _CHUNK)
        flat = jnp.where(iota < nvalid, r * 28 + cc, 0)
        flat_v[...] = flat
        flat2_v[...] = _lane_gather(flat, (iota + 4) & (_L - 1))

        cp_a = pltpu.async_copy(I_hbm.at[flat_v.at[pl.ds(0, _HALF)]],
                                rows_v.at[pl.ds(0, _HALF)], sem_g)
        cp_b = pltpu.async_copy(I_hbm.at[flat2_v.at[pl.ds(0, _HALF)]],
                                rows_v.at[pl.ds(_HALF, _HALF)], sem_g2)

        cp_a.wait()
        cp_p.wait()
        accs = [jnp.zeros((_L,), jnp.float32) for _ in range(_CHUNK)]
        for t in range(_N // _L):
            sl = pl.ds(t * _L, _L)
            pt = p_v[sl]
            for j in range(_HALF):
                accs[j] = accs[j] + rows_v[j, sl] * pt
        cp_b.wait()
        for t in range(_N // _L):
            sl = pl.ds(t * _L, _L)
            pt = p_v[sl]
            for j in range(_HALF, _CHUNK):
                accs[j] = accs[j] + rows_v[j, sl] * pt

        res = jnp.zeros((_L,), jnp.float32)
        for j in range(_CHUNK):
            acc = accs[j]
            for sh in (1, 2, 4, 8):
                acc = acc + _lane_gather(acc, iota ^ sh)
            res = jnp.where(iota == j, acc, res)
        out_v[...] = res

        pltpu.sync_copy(out_v.at[pl.ds(0, _CHUNK)],
                        out_hbm.at[pl.ds(wid * _CHUNK, _CHUNK)])


@jax.jit
def _run(I, p, inds):
    mesh = plsc.VectorSubcoreMesh(core_axis_name="c", subcore_axis_name="s")
    f = functools.partial(
        pl.kernel,
        mesh=mesh,
        out_type=jax.ShapeDtypeStruct((_PAD_OUT,), jnp.float32),
        scratch_types=[
            pltpu.VMEM((2 * _CHUNK,), jnp.int32),
            pltpu.VMEM((_L,), jnp.int32),
            pltpu.VMEM((_L,), jnp.int32),
            pltpu.VMEM((_CHUNK, _N), jnp.float32),
            pltpu.VMEM((_N,), jnp.float32),
            pltpu.VMEM((_L,), jnp.float32),
            pltpu.SemaphoreType.DMA,
            pltpu.SemaphoreType.DMA,
            pltpu.SemaphoreType.DMA,
            pltpu.SemaphoreType.DMA,
        ],
        compiler_params=pltpu.CompilerParams(use_tc_tiling_on_sc=False,
                                             skip_device_barrier=True),
    )(_body)
    return f(I, p, inds)


def kernel(I, p, inds):
    vals = _run(I, p, inds)
    return vals[:_NOUT].reshape(-1, 2)

# --- scband reference (transcript-rebuilt; emitter-appended) ---
"""Pipeline reference for scband-cubical-model-ism-norm-78176994722080 (READ-ONLY COPY).

The authoritative reference and input builder live on the scoring server;
editing this copy changes nothing except your own understanding.
"""

import jax, jax.numpy as jnp
import numpy as np

# The original module computes cubical persistence pairs via gudhi inside a
# tf.numpy_function and wraps them with tf.stop_gradient -- the indices are
# therefore non-differentiable integer constants w.r.t. the graph. Since gudhi
# is an external C++ dependency unavailable here, the persistence-pair indices
# are materialized in setup_inputs() as an int32 constant tensor (values in
# [0, 28)). The differentiable computation -- Ip = reshape(tensordot(I, p, 1),
# [28, 28]) followed by gather_nd at the (birth, death) pixel coordinates and
# reshape to the persistence diagram [card, 2] -- is translated faithfully.


def setup_inputs(seed: int = 0) -> dict:
    key = jax.random.key(seed)
    k1, k2, k3 = jax.random.split(key, 3)
    I = jax.random.normal(k1, (784, 784), dtype=jnp.float32)
    p = jax.random.normal(k2, (784,), dtype=jnp.float32)
    # 2 * D * card = 2 * 2 * 50 = 200 coordinates, each an index into a 28x28 grid
    inds = jax.random.randint(k3, (200,), 0, 28).astype(jnp.int32)
    return {"I": I, "p": p, "inds": inds}


def reference(I, p, inds):
    # Ip = tf.reshape(tf.tensordot(I, p, 1), [28, 28])
    Ip = jnp.reshape(jnp.tensordot(I, p, 1), (28, 28))
    # inds come from the (stop-gradient'd) cubical persistence computation;
    # gather_nd(Ip, reshape(inds, [-1, D])) with D = 2
    idx = jnp.reshape(inds, (-1, 2))
    vals = Ip[idx[:, 0], idx[:, 1]]
    dgm = jnp.reshape(vals, (-1, 2))
    return dgm

if __name__ == "__main__":
    import jax
    _d = setup_inputs()
    print(jax.jit(kernel)(*tuple(_d.values())))

</pallas_src>

<mosaic_0001>
#map = affine_map<(d0, d1) -> (0, 0)>
#map1 = affine_map<(d0, d1) -> (0)>
module attributes {stable_mosaic.version = 14 : i64} {
  func.func @_body(%arg0: i32, %arg1: i32, %arg2: memref<784x784xf32, #tpu.memory_space<hbm>>, %arg3: memref<784xf32, #tpu.memory_space<hbm>>, %arg4: memref<200xi32, #tpu.memory_space<hbm>>, %arg5: memref<104xf32, #tpu.memory_space<hbm>>, %arg6: memref<16xi32, #tpu.memory_space<vmem>>, %arg7: memref<16xi32, #tpu.memory_space<vmem>>, %arg8: memref<16xi32, #tpu.memory_space<vmem>>, %arg9: memref<8x784xf32, #tpu.memory_space<vmem>>, %arg10: memref<784xf32, #tpu.memory_space<vmem>>, %arg11: memref<16xf32, #tpu.memory_space<vmem>>, %arg12: memref<!tpu.dma_semaphore, #tpu.memory_space<semaphore_mem>>, %arg13: memref<!tpu.dma_semaphore, #tpu.memory_space<semaphore_mem>>, %arg14: memref<!tpu.dma_semaphore, #tpu.memory_space<semaphore_mem>>, %arg15: memref<!tpu.dma_semaphore, #tpu.memory_space<semaphore_mem>>) attributes {dimension_semantics = [#tpu.dimension_semantics<core_parallel>, #tpu.dimension_semantics<subcore_parallel>], iteration_bounds = array<i64: 2, 16>, scalar_prefetch = 0 : i64, scratch_operands = 10 : i64, tpu.core_type = #tpu.core_type<sc_vector_subcore>, window_params = [{transform_indices = #map}, {transform_indices = #map1}, {transform_indices = #map1}, {transform_indices = #map1}]} {
    %mul3A = arith.constant 2 : i32
    %mul3A_0 = arith.muli %arg1, %mul3A : i32
    %add3A = arith.addi %mul3A_0, %arg0 : i32
    %lt3A = arith.constant 13 : i32
    %lt3A_1 = arith.cmpi slt, %add3A, %lt3A : i32
    %convert_element_type3A = arith.extui %lt3A_1 : i1 to i32
    %cond3A = arith.constant 0 : i32
    %cond3A_2 = arith.cmpi ne, %convert_element_type3A, %cond3A : i32
    scf.if %cond3A_2 {
      tpu.enqueue_dma source(%arg3 : memref<784xf32, #tpu.memory_space<hbm>>) target(%arg10 : memref<784xf32, #tpu.memory_space<vmem>>) target_semaphore(%arg13 : memref<!tpu.dma_semaphore, #tpu.memory_space<semaphore_mem>>)
      %lt3A_3 = arith.constant 12 : i32
      %lt3A_4 = arith.cmpi slt, %add3A, %lt3A_3 : i32
      %convert_element_type3A_5 = arith.extui %lt3A_4 : i1 to i32
      %cond3A_6 = arith.constant 0 : i32
      %cond3A_7 = arith.cmpi ne, %convert_element_type3A_5, %cond3A_6 : i32
      scf.if %cond3A_7 {
        %mul3A_3406 = arith.constant 2 : i32
        %mul3A_3407 = arith.muli %add3A, %mul3A_3406 : i32
        %mul3A_3408 = arith.constant 8 : i32
        %mul3A_3409 = arith.muli %mul3A_3407, %mul3A_3408 : i32
        %dma_start3A_3410 = tpu.memref_slice %arg4[%mul3A_3409] : memref<200xi32, #tpu.memory_space<hbm>> -> memref<16xi32, #tpu.memory_space<hbm>>
        %dma_start3A_3411 = tpu.memref_slice %arg4[%mul3A_3409] : memref<200xi32, #tpu.memory_space<hbm>> -> memref<16xi32, #tpu.memory_space<hbm>>
        tpu.enqueue_dma source(%dma_start3A_3411 : memref<16xi32, #tpu.memory_space<hbm>>) target(%arg6 : memref<16xi32, #tpu.memory_space<vmem>>) target_semaphore(%arg12 : memref<!tpu.dma_semaphore, #tpu.memory_space<semaphore_mem>>)
        %dma_wait3A_3412 = tpu.memref_slice %arg4[%mul3A_3409] : memref<200xi32, #tpu.memory_space<hbm>> -> memref<16xi32, #tpu.memory_space<hbm>>
        %dma_wait3A_3413 = tpu.memref_slice %arg4[%mul3A_3409] : memref<200xi32, #tpu.memory_space<hbm>> -> memref<16xi32, #tpu.memory_space<hbm>>
        tpu.wait_dma2 semaphore(%arg12 : memref<!tpu.dma_semaphore, #tpu.memory_space<semaphore_mem>>) src(%dma_wait3A_3413 : memref<16xi32, #tpu.memory_space<hbm>>) dst(%arg6 : memref<16xi32, #tpu.memory_space<vmem>>)
      } else {
      }
      %eq3A = arith.constant 12 : i32
      %eq3A_8 = arith.cmpi eq, %add3A, %eq3A : i32
      %convert_element_type3A_9 = arith.extui %eq3A_8 : i1 to i32
      %cond3A_10 = arith.constant 0 : i32
      %cond3A_11 = arith.cmpi ne, %convert_element_type3A_9, %cond3A_10 : i32
      scf.if %cond3A_11 {
        %dma_start3A_3406 = arith.constant 0 : i32
        %dma_start3A_3407 = tpu.memref_slice %arg6[%dma_start3A_3406] : memref<16xi32, #tpu.memory_space<vmem>> -> memref<8xi32, #tpu.memory_space<vmem>>
        %dma_start3A_3408 = arith.constant 192 : i32
        %dma_start3A_3409 = tpu.memref_slice %arg4[%dma_start3A_3408] : memref<200xi32, #tpu.memory_space<hbm>> -> memref<8xi32, #tpu.memory_space<hbm>>
        %dma_start3A_3410 = arith.constant 0 : i32
        %dma_start3A_3411 = tpu.memref_slice %arg6[%dma_start3A_3410] : memref<16xi32, #tpu.memory_space<vmem>> -> memref<8xi32, #tpu.memory_space<vmem>>
        %dma_start3A_3412 = arith.constant 192 : i32
        %dma_start3A_3413 = tpu.memref_slice %arg4[%dma_start3A_3412] : memref<200xi32, #tpu.memory_space<hbm>> -> memref<8xi32, #tpu.memory_space<hbm>>
        tpu.enqueue_dma source(%dma_start3A_3413 : memref<8xi32, #tpu.memory_space<hbm>>) target(%dma_start3A_3411 : memref<8xi32, #tpu.memory_space<vmem>>) target_semaphore(%arg12 : memref<!tpu.dma_semaphore, #tpu.memory_space<semaphore_mem>>)
        %dma_wait3A_3414 = arith.constant 0 : i32
        %dma_wait3A_3415 = tpu.memref_slice %arg6[%dma_wait3A_3414] : memref<16xi32, #tpu.memory_space<vmem>> -> memref<8xi32, #tpu.memory_space<vmem>>
        %dma_wait3A_3416 = arith.constant 192 : i32
        %dma_wait3A_3417 = tpu.memref_slice %arg4[%dma_wait3A_3416] : memref<200xi32, #tpu.memory_space<hbm>> -> memref<8xi32, #tpu.memory_space<hbm>>
        %dma_wait3A_3418 = arith.constant 0 : i32
        %dma_wait3A_3419 = tpu.memref_slice %arg6[%dma_wait3A_3418] : memref<16xi32, #tpu.memory_space<vmem>> -> memref<8xi32, #tpu.memory_space<vmem>>
        %dma_wait3A_3420 = arith.constant 192 : i32
        %dma_wait3A_3421 = tpu.memref_slice %arg4[%dma_wait3A_3420] : memref<200xi32, #tpu.memory_space<hbm>> -> memref<8xi32, #tpu.memory_space<hbm>>
        tpu.wait_dma2 semaphore(%arg12 : memref<!tpu.dma_semaphore, #tpu.memory_space<semaphore_mem>>) src(%dma_wait3A_3421 : memref<8xi32, #tpu.memory_space<hbm>>) dst(%dma_wait3A_3419 : memref<8xi32, #tpu.memory_space<vmem>>)
      } else {
      }
      %iota3A = tpu.iota {dimensions = array<i32: 0>} : vector<16xi32>
      %get3A = arith.constant 0 : index
      %get3A_12 = tpu.vector_load %arg6[%get3A] {strides = array<i32>} : memref<16xi32, #tpu.memory_space<vmem>>, vector<16xi32>,
      %get3A_13 = vector.shape_cast %get3A_12 : vector<16xi32> to vector<16xi32>
      %mul3A_14 = arith.constant 2 : i32
      %mul3A_15 = vector.broadcast %mul3A_14 : i32 to vector<16xi32>
      %mul3A_16 = arith.muli %mul3A_15, %iota3A : vector<16xi32>
      %and3A = arith.constant 15 : i32
      %and3A_17 = vector.broadcast %and3A : i32 to vector<16xi32>
      %and3A_18 = arith.andi %mul3A_16, %and3A_17 : vector<16xi32>
      %broadcast_in_dim3A = vector.shape_cast %and3A_18 : vector<16xi32> to vector<16x1xi32>
      %gather3A = vector.shape_cast %broadcast_in_dim3A : vector<16x1xi32> to vector<16xi32>
      %gather3A_19 = tpu.dynamic_gather %get3A_13[%gather3A] in [0] : vector<16xi32>, vector<16xi32> -> vector<16xi32>
      %mul3A_20 = arith.constant 2 : i32
      %mul3A_21 = vector.broadcast %mul3A_20 : i32 to vector<16xi32>
      %mul3A_22 = arith.muli %mul3A_21, %iota3A : vector<16xi32>
      %add3A_23 = arith.constant 1 : i32
      %add3A_24 = vector.broadcast %add3A_23 : i32 to vector<16xi32>
      %add3A_25 = arith.addi %mul3A_22, %add3A_24 : vector<16xi32>
      %and3A_26 = arith.constant 15 : i32
      %and3A_27 = vector.broadcast %and3A_26 : i32 to vector<16xi32>
      %and3A_28 = arith.andi %add3A_25, %and3A_27 : vector<16xi32>
      %broadcast_in_dim3A_29 = vector.shape_cast %and3A_28 : vector<16xi32> to vector<16x1xi32>
      %gather3A_30 = vector.shape_cast %broadcast_in_dim3A_29 : vector<16x1xi32> to vector<16xi32>
      %gather3A_31 = tpu.dynamic_gather %get3A_13[%gather3A_30] in [0] : vector<16xi32>, vector<16xi32> -> vector<16xi32>
      %mul3A_32 = arith.constant 8 : i32
      %mul3A_33 = arith.muli %add3A, %mul3A_32 : i32
      %sub3A = arith.constant 100 : i32
      %sub3A_34 = arith.subi %sub3A, %mul3A_33 : i32
      %min3A = arith.constant 8 : i32
      %min3A_35 = arith.minsi %sub3A_34, %min3A : i32
      %lt3A_36 = vector.broadcast %min3A_35 : i32 to vector<16xi32>
      %lt3A_37 = arith.cmpi slt, %iota3A, %lt3A_36 : vector<16xi32>
      %mul3A_38 = arith.constant 28 : i32
      %mul3A_39 = vector.broadcast %mul3A_38 : i32 to vector<16xi32>
      %mul3A_40 = arith.muli %gather3A_19, %mul3A_39 : vector<16xi32>
      %add3A_41 = arith.addi %mul3A_40, %gather3A_31 : vector<16xi32>
      %jit3A = arith.constant 0 : i32
      %broadcast_in_dim3A_42 = vector.broadcast %jit3A : i32 to vector<16xi32>
      %select_n3A = arith.select %lt3A_37, %add3A_41, %broadcast_in_dim3A_42 : vector<16xi1>, vector<16xi32>
      %swap3A = arith.constant 0 : index
      %swap3A_43 = tpu.vector_load %arg7[%swap3A] {strides = array<i32>} : memref<16xi32, #tpu.memory_space<vmem>>, vector<16xi32>,
      %swap3A_44 = vector.shape_cast %swap3A_43 : vector<16xi32> to vector<16xi32>
      %swap3A_45 = vector.shape_cast %select_n3A : vector<16xi32> to vector<16xi32>
      tpu.vector_store %arg7[%swap3A], %swap3A_45 {strides = array<i32>} : memref<16xi32, #tpu.memory_space<vmem>>, vector<16xi32>,
      %add3A_46 = arith.constant 4 : i32
      %add3A_47 = vector.broadcast %add3A_46 : i32 to vector<16xi32>
      %add3A_48 = arith.addi %iota3A, %add3A_47 : vector<16xi32>
      %and3A_49 = arith.constant 15 : i32
      %and3A_50 = vector.broadcast %and3A_49 : i32 to vector<16xi32>
      %and3A_51 = arith.andi %add3A_48, %and3A_50 : vector<16xi32>
      %broadcast_in_dim3A_52 = vector.shape_cast %and3A_51 : vector<16xi32> to vector<16x1xi32>
      %gather3A_53 = vector.shape_cast %broadcast_in_dim3A_52 : vector<16x1xi32> to vector<16xi32>
      %gather3A_54 = tpu.dynamic_gather %select_n3A[%gather3A_53] in [0] : vector<16xi32>, vector<16xi32> -> vector<16xi32>
      %swap3A_55 = arith.constant 0 : index
      %swap3A_56 = tpu.vector_load %arg8[%swap3A_55] {strides = array<i32>} : memref<16xi32, #tpu.memory_space<vmem>>, vector<16xi32>,
      %swap3A_57 = vector.shape_cast %swap3A_56 : vector<16xi32> to vector<16xi32>
      %swap3A_58 = vector.shape_cast %gather3A_54 : vector<16xi32> to vector<16xi32>
      tpu.vector_store %arg8[%swap3A_55], %swap3A_58 {strides = array<i32>} : memref<16xi32, #tpu.memory_space<vmem>>, vector<16xi32>,
      %dma_start3A = arith.constant 0 : i32
      %dma_start3A_59 = arith.constant 0 : i32
      %dma_start3A_60 = tpu.memref_slice %arg9[%dma_start3A, %dma_start3A_59] : memref<8x784xf32, #tpu.memory_space<vmem>> -> memref<4x784xf32, #tpu.memory_space<vmem>>
      %dma_start3A_61 = arith.constant 0 : i32
      %dma_start3A_62 = tpu.memref_slice %arg7[%dma_start3A_61] : memref<16xi32, #tpu.memory_space<vmem>> -> memref<4xi32, #tpu.memory_space<vmem>>
      %dma_start3A_63 = arith.constant 0 : i32
      %dma_start3A_64 = arith.constant 0 : i32
      %dma_start3A_65 = tpu.memref_slice %arg2[%dma_start3A_63, %dma_start3A_64] : memref<784x784xf32, #tpu.memory_space<hbm>> -> memref<784x784xf32, #tpu.memory_space<hbm>>
      tpu.enqueue_indirect_dma source(%dma_start3A_65 : memref<784x784xf32, #tpu.memory_space<hbm>>) target(%dma_start3A_60 : memref<4x784xf32, #tpu.memory_space<vmem>>) offsets(%dma_start3A_62 : memref<4xi32, #tpu.memory_space<vmem>>) semaphore(%arg14 : memref<!tpu.dma_semaphore, #tpu.memory_space<semaphore_mem>>)
      %dma_start3A_66 = arith.constant 4 : i32
      %dma_start3A_67 = arith.constant 0 : i32
      %dma_start3A_68 = tpu.memref_slice %arg9[%dma_start3A_66, %dma_start3A_67] : memref<8x784xf32, #tpu.memory_space<vmem>> -> memref<4x784xf32, #tpu.memory_space<vmem>>
      %dma_start3A_69 = arith.constant 0 : i32
      %dma_start3A_70 = tpu.memref_slice %arg8[%dma_start3A_69] : memref<16xi32, #tpu.memory_space<vmem>> -> memref<4xi32, #tpu.memory_space<vmem>>
      %dma_start3A_71 = arith.constant 0 : i32
      %dma_start3A_72 = arith.constant 0 : i32
      %dma_start3A_73 = tpu.memref_slice %arg2[%dma_start3A_71, %dma_start3A_72] : memref<784x784xf32, #tpu.memory_space<hbm>> -> memref<784x784xf32, #tpu.memory_space<hbm>>
      tpu.enqueue_indirect_dma source(%dma_start3A_73 : memref<784x784xf32, #tpu.memory_space<hbm>>) target(%dma_start3A_68 : memref<4x784xf32, #tpu.memory_space<vmem>>) offsets(%dma_start3A_70 : memref<4xi32, #tpu.memory_space<vmem>>) semaphore(%arg15 : memref<!tpu.dma_semaphore, #tpu.memory_space<semaphore_mem>>)
      %dma_wait3A = arith.constant 0 : i32
      %dma_wait3A_74 = arith.constant 0 : i32
      %dma_wait3A_75 = tpu.memref_slice %arg9[%dma_wait3A, %dma_wait3A_74] : memref<8x784xf32, #tpu.memory_space<vmem>> -> memref<4x784xf32, #tpu.memory_space<vmem>>
      %dma_wait3A_76 = arith.constant 0 : i32
      %dma_wait3A_77 = tpu.memref_slice %arg7[%dma_wait3A_76] : memref<16xi32, #tpu.memory_space<vmem>> -> memref<4xi32, #tpu.memory_space<vmem>>
      %dma_wait3A_78 = arith.constant 0 : i32
      %dma_wait3A_79 = arith.constant 0 : i32
      %dma_wait3A_80 = tpu.memref_slice %arg2[%dma_wait3A_78, %dma_wait3A_79] : memref<784x784xf32, #tpu.memory_space<hbm>> -> memref<784x784xf32, #tpu.memory_space<hbm>>
      tpu.wait_indirect_dma semaphore(%arg14 : memref<!tpu.dma_semaphore, #tpu.memory_space<semaphore_mem>>) src(%dma_wait3A_80 : memref<784x784xf32, #tpu.memory_space<hbm>>) dst(%dma_wait3A_75 : memref<4x784xf32, #tpu.memory_space<vmem>>)
      tpu.wait_dma2 semaphore(%arg13 : memref<!tpu.dma_semaphore, #tpu.memory_space<semaphore_mem>>) src(%arg3 : memref<784xf32, #tpu.memory_space<hbm>>) dst(%arg10 : memref<784xf32, #tpu.memory_space<vmem>>)
      %broadcast_in_dim3A_81 = arith.constant 0.000000e+00 : f32
      %broadcast_in_dim3A_82 = vector.broadcast %broadcast_in_dim3A_81 : f32 to vector<16xf32>
      %broadcast_in_dim3A_83 = arith.constant 0.000000e+00 : f32
      %broadcast_in_dim3A_84 = vector.broadcast %broadcast_in_dim3A_83 : f32 to vector<16xf32>
      %broadcast_in_dim3A_85 = arith.constant 0.000000e+00 : f32
      %broadcast_in_dim3A_86 = vector.broadcast %broadcast_in_dim3A_85 : f32 to vector<16xf32>
      %broadcast_in_dim3A_87 = arith.constant 0.000000e+00 : f32
      %broadcast_in_dim3A_88 = vector.broadcast %broadcast_in_dim3A_87 : f32 to vector<16xf32>
      %broadcast_in_dim3A_89 = arith.constant 0.000000e+00 : f32
      %broadcast_in_dim3A_90 = vector.broadcast %broadcast_in_dim3A_89 : f32 to vector<16xf32>
      %broadcast_in_dim3A_91 = arith.constant 0.000000e+00 : f32
      %broadcast_in_dim3A_92 = vector.broadcast %broadcast_in_dim3A_91 : f32 to vector<16xf32>
      %broadcast_in_dim3A_93 = arith.constant 0.000000e+00 : f32
      %broadcast_in_dim3A_94 = vector.broadcast %broadcast_in_dim3A_93 : f32 to vector<16xf32>
      %broadcast_in_dim3A_95 = arith.constant 0.000000e+00 : f32
      %broadcast_in_dim3A_96 = vector.broadcast %broadcast_in_dim3A_95 : f32 to vector<16xf32>
      %get3A_97 = arith.constant 0 : index
      %get3A_98 = tpu.vector_load %arg10[%get3A_97] {strides = array<i32>} : memref<784xf32, #tpu.memory_space<vmem>>, vector<16xf32>,
      %get3A_99 = vector.shape_cast %get3A_98 : vector<16xf32> to vector<16xf32>
      %get3A_100 = arith.constant 0 : i32
      %get3A_101 = arith.index_cast %get3A_100 : i32 to index
      %get3A_102 = arith.constant 0 : index
      %get3A_103 = tpu.vector_load %arg9[%get3A_101, %get3A_102] {strides = array<i32>} : memref<8x784xf32, #tpu.memory_space<vmem>>, vector<1x16xf32>,
      %get3A_104 = vector.shape_cast %get3A_103 : vector<1x16xf32> to vector<16xf32>
      %mul3A_105 = arith.mulf %get3A_104, %get3A_99 : vector<16xf32>
      %add3A_106 = arith.addf %broadcast_in_dim3A_82, %mul3A_105 : vector<16xf32>
      %get3A_107 = arith.constant 1 : i32
      %get3A_108 = arith.index_cast %get3A_107 : i32 to index
      %get3A_109 = arith.constant 0 : index
      %get3A_110 = tpu.vector_load %arg9[%get3A_108, %get3A_109] {strides = array<i32>} : memref<8x784xf32, #tpu.memory_space<vmem>>, vector<1x16xf32>,
      %get3A_111 = vector.shape_cast %get3A_110 : vector<1x16xf32> to vector<16xf32>
      %mul3A_112 = arith.mulf %get3A_111, %get3A_99 : vector<16xf32>
      %add3A_113 = arith.addf %broadcast_in_dim3A_84, %mul3A_112 : vector<16xf32>
      %get3A_114 = arith.constant 2 : i32
      %get3A_115 = arith.index_cast %get3A_114 : i32 to index
      %get3A_116 = arith.constant 0 : index
      %get3A_117 = tpu.vector_load %arg9[%get3A_115, %get3A_116] {strides = array<i32>} : memref<8x784xf32, #tpu.memory_space<vmem>>, vector<1x16xf32>,
      %get3A_118 = vector.shape_cast %get3A_117 : vector<1x16xf32> to vector<16xf32>
      %mul3A_119 = arith.mulf %get3A_118, %get3A_99 : vector<16xf32>
      %add3A_120 = arith.addf %broadcast_in_dim3A_86, %mul3A_119 : vector<16xf32>
      %get3A_121 = arith.constant 3 : i32
      %get3A_122 = arith.index_cast %get3A_121 : i32 to index
      %get3A_123 = arith.constant 0 : index
      %get3A_124 = tpu.vector_load %arg9[%get3A_122, %get3A_123] {strides = array<i32>} : memref<8x784xf32, #tpu.memory_space<vmem>>, vector<1x16xf32>,
      %get3A_125 = vector.shape_cast %get3A_124 : vector<1x16xf32> to vector<16xf32>
      %mul3A_126 = arith.mulf %get3A_125, %get3A_99 : vector<16xf32>
      %add3A_127 = arith.addf %broadcast_in_dim3A_88, %mul3A_126 : vector<16xf32>
      %get3A_128 = arith.constant 16 : index
      %get3A_129 = tpu.vector_load %arg10[%get3A_128] {strides = array<i32>} : memref<784xf32, #tpu.memory_space<vmem>>, vector<16xf32>,
      %get3A_130 = vector.shape_cast %get3A_129 : vector<16xf32> to vector<16xf32>
      %get3A_131 = arith.constant 0 : i32
      %get3A_132 = arith.index_cast %get3A_131 : i32 to index
      %get3A_133 = arith.constant 16 : index
      %get3A_134 = tpu.vector_load %arg9[%get3A_132, %get3A_133] {strides = array<i32>} : memref<8x784xf32, #tpu.memory_space<vmem>>, vector<1x16xf32>,
      %get3A_135 = vector.shape_cast %get3A_134 : vector<1x16xf32> to vector<16xf32>
      %mul3A_136 = arith.mulf %get3A_135, %get3A_130 : vector<16xf32>
      %add3A_137 = arith.addf %add3A_106, %mul3A_136 : vector<16xf32>
      %get3A_138 = arith.constant 1 : i32
      %get3A_139 = arith.index_cast %get3A_138 : i32 to index
      %get3A_140 = arith.constant 16 : index
      %get3A_141 = tpu.vector_load %arg9[%get3A_139, %get3A_140] {strides = array<i32>} : memref<8x784xf32, #tpu.memory_space<vmem>>, vector<1x16xf32>,
      %get3A_142 = vector.shape_cast %get3A_141 : vector<1x16xf32> to vector<16xf32>
      %mul3A_143 = arith.mulf %get3A_142, %get3A_130 : vector<16xf32>
      %add3A_144 = arith.addf %add3A_113, %mul3A_143 : vector<16xf32>
      %get3A_145 = arith.constant 2 : i32
      %get3A_146 = arith.index_cast %get3A_145 : i32 to index
      %get3A_147 = arith.constant 16 : index
      %get3A_148 = tpu.vector_load %arg9[%get3A_146, %get3A_147] {strides = array<i32>} : memref<8x784xf32, #tpu.memory_space<vmem>>, vector<1x16xf32>,
      %get3A_149 = vector.shape_cast %get3A_148 : vector<1x16xf32> to vector<16xf32>
      %mul3A_150 = arith.mulf %get3A_149, %get3A_130 : vector<16xf32>
      %add3A_151 = arith.addf %add3A_120, %mul3A_150 : vector<16xf32>
      %get3A_152 = arith.constant 3 : i32
      %get3A_153 = arith.index_cast %get3A_152 : i32 to index
      %get3A_154 = arith.constant 16 : index
      %get3A_155 = tpu.vector_load %arg9[%get3A_153, %get3A_154] {strides = array<i32>} : memref<8x784xf32, #tpu.memory_space<vmem>>, vector<1x16xf32>,
      %get3A_156 = vector.shape_cast %get3A_155 : vector<1x16xf32> to vector<16xf32>
      %mul3A_157 = arith.mulf %get3A_156, %get3A_130 : vector<16xf32>
      %add3A_158 = arith.addf %add3A_127, %mul3A_157 : vector<16xf32>
      %get3A_159 = arith.constant 32 : index
      %get3A_160 = tpu.vector_load %arg10[%get3A_159] {strides = array<i32>} : memref<784xf32, #tpu.memory_space<vmem>>, vector<16xf32>,
      %get3A_161 = vector.shape_cast %get3A_160 : vector<16xf32> to vector<16xf32>
      %get3A_162 = arith.constant 0 : i32
      %get3A_163 = arith.index_cast %get3A_162 : i32 to index
      %get3A_164 = arith.constant 32 : index
      %get3A_165 = tpu.vector_load %arg9[%get3A_163, %get3A_164] {strides = array<i32>} : memref<8x784xf32, #tpu.memory_space<vmem>>, vector<1x16xf32>,
      %get3A_166 = vector.shape_cast %get3A_165 : vector<1x16xf32> to vector<16xf32>
      %mul3A_167 = arith.mulf %get3A_166, %get3A_161 : vector<16xf32>
      %add3A_168 = arith.addf %add3A_137, %mul3A_167 : vector<16xf32>
      %get3A_169 = arith.constant 1 : i32
      %get3A_170 = arith.index_cast %get3A_169 : i32 to index
      %get3A_171 = arith.constant 32 : index
      %get3A_172 = tpu.vector_load %arg9[%get3A_170, %get3A_171] {strides = array<i32>} : memref<8x784xf32, #tpu.memory_space<vmem>>, vector<1x16xf32>,
      %get3A_173 = vector.shape_cast %get3A_172 : vector<1x16xf32> to vector<16xf32>
      %mul3A_174 = arith.mulf %get3A_173, %get3A_161 : vector<16xf32>
      %add3A_175 = arith.addf %add3A_144, %mul3A_174 : vector<16xf32>
      %get3A_176 = arith.constant 2 : i32
      %get3A_177 = arith.index_cast %get3A_176 : i32 to index
      %get3A_178 = arith.constant 32 : index
      %get3A_179 = tpu.vector_load %arg9[%get3A_177, %get3A_178] {strides = array<i32>} : memref<8x784xf32, #tpu.memory_space<vmem>>, vector<1x16xf32>,
      %get3A_180 = vector.shape_cast %get3A_179 : vector<1x16xf32> to vector<16xf32>
      %mul3A_181 = arith.mulf %get3A_180, %get3A_161 : vector<16xf32>
      %add3A_182 = arith.addf %add3A_151, %mul3A_181 : vector<16xf32>
      %get3A_183 = arith.constant 3 : i32
      %get3A_184 = arith.index_cast %get3A_183 : i32 to index
      %get3A_185 = arith.constant 32 : index
      %get3A_186 = tpu.vector_load %arg9[%get3A_184, %get3A_185] {strides = array<i32>} : memref<8x784xf32, #tpu.memory_space<vmem>>, vector<1x16xf32>,
      %get3A_187 = vector.shape_cast %get3A_186 : vector<1x16xf32> to vector<16xf32>
      %mul3A_188 = arith.mulf %get3A_187, %get3A_161 : vector<16xf32>
      %add3A_189 = arith.addf %add3A_158, %mul3A_188 : vector<16xf32>
      %get3A_190 = arith.constant 48 : index
      %get3A_191 = tpu.vector_load %arg10[%get3A_190] {strides = array<i32>} : memref<784xf32, #tpu.memory_space<vmem>>, vector<16xf32>,
      %get3A_192 = vector.shape_cast %get3A_191 : vector<16xf32> to vector<16xf32>
      %get3A_193 = arith.constant 0 : i32
      %get3A_194 = arith.index_cast %get3A_193 : i32 to index
      %get3A_195 = arith.constant 48 : index
      %get3A_196 = tpu.vector_load %arg9[%get3A_194, %get3A_195] {strides = array<i32>} : memref<8x784xf32, #tpu.memory_space<vmem>>, vector<1x16xf32>,
      %get3A_197 = vector.shape_cast %get3A_196 : vector<1x16xf32> to vector<16xf32>
      %mul3A_198 = arith.mulf %get3A_197, %get3A_192 : vector<16xf32>
      %add3A_199 = arith.addf %add3A_168, %mul3A_198 : vector<16xf32>
      %get3A_200 = arith.constant 1 : i32
      %get3A_201 = arith.index_cast %get3A_200 : i32 to index
      %get3A_202 = arith.constant 48 : index
      %get3A_203 = tpu.vector_load %arg9[%get3A_201, %get3A_202] {strides = array<i32>} : memref<8x784xf32, #tpu.memory_space<vmem>>, vector<1x16xf32>,
      %get3A_204 = vector.shape_cast %get3A_203 : vector<1x16xf32> to vector<16xf32>
      %mul3A_205 = arith.mulf %get3A_204, %get3A_192 : vector<16xf32>
      %add3A_206 = arith.addf %add3A_175, %mul3A_205 : vector<16xf32>
      %get3A_207 = arith.constant 2 : i32
      %get3A_208 = arith.index_cast %get3A_207 : i32 to index
      %get3A_209 = arith.constant 48 : index
      %get3A_210 = tpu.vector_load %arg9[%get3A_208, %get3A_209] {strides = array<i32>} : memref<8x784xf32, #tpu.memory_space<vmem>>, vector<1x16xf32>,
      %get3A_211 = vector.shape_cast %get3A_210 : vector<1x16xf32> to vector<16xf32>
      %mul3A_212 = arith.mulf %get3A_211, %get3A_192 : vector<16xf32>
      %add3A_213 = arith.addf %add3A_182, %mul3A_212 : vector<16xf32>
      %get3A_214 = arith.constant 3 : i32
      %get3A_215 = arith.index_cast %get3A_214 : i32 to index
      %get3A_216 = arith.constant 48 : index
      %get3A_217 = tpu.vector_load %arg9[%get3A_215, %get3A_216] {strides = array<i32>} : memref<8x784xf32, #tpu.memory_space<vmem>>, vector<1x16xf32>,
      %get3A_218 = vector.shape_cast %get3A_217 : vector<1x16xf32> to vector<16xf32>
      %mul3A_219 = arith.mulf %get3A_218, %get3A_192 : vector<16xf32>
      %add3A_220 = arith.addf %add3A_189, %mul3A_219 : vector<16xf32>
      %get3A_221 = arith.constant 64 : index
      %get3A_222 = tpu.vector_load %arg10[%get3A_221] {strides = array<i32>} : memref<784xf32, #tpu.memory_space<vmem>>, vector<16xf32>,
      %get3A_223 = vector.shape_cast %get3A_222 : vector<16xf32> to vector<16xf32>
      %get3A_224 = arith.constant 0 : i32
      %get3A_225 = arith.index_cast %get3A_224 : i32 to index
      %get3A_226 = arith.constant 64 : index
      %get3A_227 = tpu.vector_load %arg9[%get3A_225, %get3A_226] {strides = array<i32>} : memref<8x784xf32, #tpu.memory_space<vmem>>, vector<1x16xf32>,
      %get3A_228 = vector.shape_cast %get3A_227 : vector<1x16xf32> to vector<16xf32>
      %mul3A_229 = arith.mulf %get3A_228, %get3A_223 : vector<16xf32>
      %add3A_230 = arith.addf %add3A_199, %mul3A_229 : vector<16xf32>
      %get3A_231 = arith.constant 1 : i32
      %get3A_232 = arith.index_cast %get3A_231 : i32 to index
      %get3A_233 = arith.constant 64 : index
      %get3A_234 = tpu.vector_load %arg9[%get3A_232, %get3A_233] {strides = array<i32>} : memref<8x784xf32, #tpu.memory_space<vmem>>, vector<1x16xf32>,
      %get3A_235 = vector.shape_cast %get3A_234 : vector<1x16xf32> to vector<16xf32>
      %mul3A_236 = arith.mulf %get3A_235, %get3A_223 : vector<16xf32>
      %add3A_237 = arith.addf %add3A_206, %mul3A_236 : vector<16xf32>
      %get3A_238 = arith.constant 2 : i32
      %get3A_239 = arith.index_cast %get3A_238 : i32 to index
      %get3A_240 = arith.constant 64 : index
      %get3A_241 = tpu.vector_load %arg9[%get3A_239, %get3A_240] {strides = array<i32>} : memref<8x784xf32, #tpu.memory_space<vmem>>, vector<1x16xf32>,
      %get3A_242 = vector.shape_cast %get3A_241 : vector<1x16xf32> to vector<16xf32>
      %mul3A_243 = arith.mulf %get3A_242, %get3A_223 : vector<16xf32>
      %add3A_244 = arith.addf %add3A_213, %mul3A_243 : vector<16xf32>
      %get3A_245 = arith.constant 3 : i32
      %get3A_246 = arith.index_cast %get3A_245 : i32 to index
      %get3A_247 = arith.constant 64 : index
      %get3A_248 = tpu.vector_load %arg9[%get3A_246, %get3A_247] {strides = array<i32>} : memref<8x784xf32, #tpu.memory_space<vmem>>, vector<1x16xf32>,
      %get3A_249 = vector.shape_cast %get3A_248 : vector<1x16xf32> to vector<16xf32>
      %mul3A_250 = arith.mulf %get3A_249, %get3A_223 : vector<16xf32>
      %add3A_251 = arith.addf %add3A_220, %mul3A_250 : vector<16xf32>
      %get3A_252 = arith.constant 80 : index
      %get3A_253 = tpu.vector_load %arg10[%get3A_252] {strides = array<i32>} : memref<784xf32, #tpu.memory_space<vmem>>, vector<16xf32>,
      %get3A_254 = vector.shape_cast %get3A_253 : vector<16xf32> to vector<16xf32>
      %get3A_255 = arith.constant 0 : i32
      %get3A_256 = arith.index_cast %get3A_255 : i32 to index
      %get3A_257 = arith.constant 80 : index
      %get3A_258 = tpu.vector_load %arg9[%get3A_256, %get3A_257] {strides = array<i32>} : memref<8x784xf32, #tpu.memory_space<vmem>>, vector<1x16xf32>,
      %get3A_259 = vector.shape_cast %get3A_258 : vector<1x16xf32> to vector<16xf32>
      %mul3A_260 = arith.mulf %get3A_259, %get3A_254 : vector<16xf32>
      %add3A_261 = arith.addf %add3A_230, %mul3A_260 : vector<16xf32>
      %get3A_262 = arith.constant 1 : i32
      %get3A_263 = arith.index_cast %get3A_262 : i32 to index
      %get3A_264 = arith.constant 80 : index
      %get3A_265 = tpu.vector_load %arg9[%get3A_263, %get3A_264] {strides = array<i32>} : memref<8x784xf32, #tpu.memory_space<vmem>>, vector<1x16xf32>,
      %get3A_266 = vector.shape_cast %get3A_265 : vector<1x16xf32> to vector<16xf32>
      %mul3A_267 = arith.mulf %get3A_266, %get3A_254 : vector<16xf32>
      %add3A_268 = arith.addf %add3A_237, %mul3A_267 : vector<16xf32>
      %get3A_269 = arith.constant 2 : i32
      %get3A_270 = arith.index_cast %get3A_269 : i32 to index
      %get3A_271 = arith.constant 80 : index
      %get3A_272 = tpu.vector_load %arg9[%get3A_270, %get3A_271] {strides = array<i32>} : memref<8x784xf32, #tpu.memory_space<vmem>>, vector<1x16xf32>,
      %get3A_273 = vector.shape_cast %get3A_272 : vector<1x16xf32> to vector<16xf32>
      %mul3A_274 = arith.mulf %get3A_273, %get3A_254 : vector<16xf32>
      %add3A_275 = arith.addf %add3A_244, %mul3A_274 : vector<16xf32>
      %get3A_276 = arith.constant 3 : i32
      %get3A_277 = arith.index_cast %get3A_276 : i32 to index
      %get3A_278 = arith.constant 80 : index
      %get3A_279 = tpu.vector_load %arg9[%get3A_277, %get3A_278] {strides = array<i32>} : memref<8x784xf32, #tpu.memory_space<vmem>>, vector<1x16xf32>,
      %get3A_280 = vector.shape_cast %get3A_279 : vector<1x16xf32> to vector<16xf32>
      %mul3A_281 = arith.mulf %get3A_280, %get3A_254 : vector<16xf32>
      %add3A_282 = arith.addf %add3A_251, %mul3A_281 : vector<16xf32>
      %get3A_283 = arith.constant 96 : index
      %get3A_284 = tpu.vector_load %arg10[%get3A_283] {strides = array<i32>} : memref<784xf32, #tpu.memory_space<vmem>>, vector<16xf32>,
      %get3A_285 = vector.shape_cast %get3A_284 : vector<16xf32> to vector<16xf32>
      %get3A_286 = arith.constant 0 : i32
      %get3A_287 = arith.index_cast %get3A_286 : i32 to index
      %get3A_288 = arith.constant 96 : index
      %get3A_289 = tpu.vector_load %arg9[%get3A_287, %get3A_288] {strides = array<i32>} : memref<8x784xf32, #tpu.memory_space<vmem>>, vector<1x16xf32>,
      %get3A_290 = vector.shape_cast %get3A_289 : vector<1x16xf32> to vector<16xf32>
      %mul3A_291 = arith.mulf %get3A_290, %get3A_285 : vector<16xf32>
      %add3A_292 = arith.addf %add3A_261, %mul3A_291 : vector<16xf32>
      %get3A_293 = arith.constant 1 : i32
      %get3A_294 = arith.index_cast %get3A_293 : i32 to index
      %get3A_295 = arith.constant 96 : index
      %get3A_296 = tpu.vector_load %arg9[%get3A_294, %get3A_295] {strides = array<i32>} : memref<8x784xf32, #tpu.memory_space<vmem>>, vector<1x16xf32>,
      %get3A_297 = vector.shape_cast %get3A_296 : vector<1x16xf32> to vector<16xf32>
      %mul3A_298 = arith.mulf %get3A_297, %get3A_285 : vector<16xf32>
      %add3A_299 = arith.addf %add3A_268, %mul3A_298 : vector<16xf32>
      %get3A_300 = arith.constant 2 : i32
      %get3A_301 = arith.index_cast %get3A_300 : i32 to index
      %get3A_302 = arith.constant 96 : index
      %get3A_303 = tpu.vector_load %arg9[%get3A_301, %get3A_302] {strides = array<i32>} : memref<8x784xf32, #tpu.memory_space<vmem>>, vector<1x16xf32>,
      %get3A_304 = vector.shape_cast %get3A_303 : vector<1x16xf32> to vector<16xf32>
      %mul3A_305 = arith.mulf %get3A_304, %get3A_285 : vector<16xf32>
      %add3A_306 = arith.addf %add3A_275, %mul3A_305 : vector<16xf32>
      %get3A_307 = arith.constant 3 : i32
      %get3A_308 = arith.index_cast %get3A_307 : i32 to index
      %get3A_309 = arith.constant 96 : index
      %get3A_310 = tpu.vector_load %arg9[%get3A_308, %get3A_309] {strides = array<i32>} : memref<8x784xf32, #tpu.memory_space<vmem>>, vector<1x16xf32>,
      %get3A_311 = vector.shape_cast %get3A_310 : vector<1x16xf32> to vector<16xf32>
      %mul3A_312 = arith.mulf %get3A_311, %get3A_285 : vector<16xf32>
      %add3A_313 = arith.addf %add3A_282, %mul3A_312 : vector<16xf32>
      %get3A_314 = arith.constant 112 : index
      %get3A_315 = tpu.vector_load %arg10[%get3A_314] {strides = array<i32>} : memref<784xf32, #tpu.memory_space<vmem>>, vector<16xf32>,
      %get3A_316 = vector.shape_cast %get3A_315 : vector<16xf32> to vector<16xf32>
      %get3A_317 = arith.constant 0 : i32
      %get3A_318 = arith.index_cast %get3A_317 : i32 to index
      %get3A_319 = arith.constant 112 : index
      %get3A_320 = tpu.vector_load %arg9[%get3A_318, %get3A_319] {strides = array<i32>} : memref<8x784xf32, #tpu.memory_space<vmem>>, vector<1x16xf32>,
      %get3A_321 = vector.shape_cast %get3A_320 : vector<1x16xf32> to vector<16xf32>
      %mul3A_322 = arith.mulf %get3A_321, %get3A_316 : vector<16xf32>
      %add3A_323 = arith.addf %add3A_292, %mul3A_322 : vector<16xf32>
      %get3A_324 = arith.constant 1 : i32
      %get3A_325 = arith.index_cast %get3A_324 : i32 to index
      %get3A_326 = arith.constant 112 : index
      %get3A_327 = tpu.vector_load %arg9[%get3A_325, %get3A_326] {strides = array<i32>} : memref<8x784xf32, #tpu.memory_space<vmem>>, vector<1x16xf32>,
      %get3A_328 = vector.shape_cast %get3A_327 : vector<1x16xf32> to vector<16xf32>
      %mul3A_329 = arith.mulf %get3A_328, %get3A_316 : vector<16xf32>
      %add3A_330 = arith.addf %add3A_299, %mul3A_329 : vector<16xf32>
      %get3A_331 = arith.constant 2 : i32
      %get3A_332 = arith.index_cast %get3A_331 : i32 to index
      %get3A_333 = arith.constant 112 : index
      %get3A_334 = tpu.vector_load %arg9[%get3A_332, %get3A_333] {strides = array<i32>} : memref<8x784xf32, #tpu.memory_space<vmem>>, vector<1x16xf32>,
      %get3A_335 = vector.shape_cast %get3A_334 : vector<1x16xf32> to vector<16xf32>
      %mul3A_336 = arith.mulf %get3A_335, %get3A_316 : vector<16xf32>
      %add3A_337 = arith.addf %add3A_306, %mul3A_336 : vector<16xf32>
      %get3A_338 = arith.constant 3 : i32
      %get3A_339 = arith.index_cast %get3A_338 : i32 to index
      %get3A_340 = arith.constant 112 : index
      %get3A_341 = tpu.vector_load %arg9[%get3A_339, %get3A_340] {strides = array<i32>} : memref<8x784xf32, #tpu.memory_space<vmem>>, vector<1x16xf32>,
      %get3A_342 = vector.shape_cast %get3A_341 : vector<1x16xf32> to vector<16xf32>
      %mul3A_343 = arith.mulf %get3A_342, %get3A_316 : vector<16xf32>
      %add3A_344 = arith.addf %add3A_313, %mul3A_343 : vector<16xf32>
      %get3A_345 = arith.constant 128 : index
      %get3A_346 = tpu.vector_load %arg10[%get3A_345] {strides = array<i32>} : memref<784xf32, #tpu.memory_space<vmem>>, vector<16xf32>,
      %get3A_347 = vector.shape_cast %get3A_346 : vector<16xf32> to vector<16xf32>
      %get3A_348 = arith.constant 0 : i32
      %get3A_349 = arith.index_cast %get3A_348 : i32 to index
      %get3A_350 = arith.constant 128 : index
      %get3A_351 = tpu.vector_load %arg9[%get3A_349, %get3A_350] {strides = array<i32>} : memref<8x784xf32, #tpu.memory_space<vmem>>, vector<1x16xf32>,
      %get3A_352 = vector.shape_cast %get3A_351 : vector<1x16xf32> to vector<16xf32>
      %mul3A_353 = arith.mulf %get3A_352, %get3A_347 : vector<16xf32>
      %add3A_354 = arith.addf %add3A_323, %mul3A_353 : vector<16xf32>
      %get3A_355 = arith.constant 1 : i32
      %get3A_356 = arith.index_cast %get3A_355 : i32 to index
      %get3A_357 = arith.constant 128 : index
      %get3A_358 = tpu.vector_load %arg9[%get3A_356, %get3A_357] {strides = array<i32>} : memref<8x784xf32, #tpu.memory_space<vmem>>, vector<1x16xf32>,
      %get3A_359 = vector.shape_cast %get3A_358 : vector<1x16xf32> to vector<16xf32>
      %mul3A_360 = arith.mulf %get3A_359, %get3A_347 : vector<16xf32>
      %add3A_361 = arith.addf %add3A_330, %mul3A_360 : vector<16xf32>
      %get3A_362 = arith.constant 2 : i32
      %get3A_363 = arith.index_cast %get3A_362 : i32 to index
      %get3A_364 = arith.constant 128 : index
      %get3A_365 = tpu.vector_load %arg9[%get3A_363, %get3A_364] {strides = array<i32>} : memref<8x784xf32, #tpu.memory_space<vmem>>, vector<1x16xf32>,
      %get3A_366 = vector.shape_cast %get3A_365 : vector<1x16xf32> to vector<16xf32>
      %mul3A_367 = arith.mulf %get3A_366, %get3A_347 : vector<16xf32>
      %add3A_368 = arith.addf %add3A_337, %mul3A_367 : vector<16xf32>
      %get3A_369 = arith.constant 3 : i32
      %get3A_370 = arith.index_cast %get3A_369 : i32 to index
      %get3A_371 = arith.constant 128 : index
      %get3A_372 = tpu.vector_load %arg9[%get3A_370, %get3A_371] {strides = array<i32>} : memref<8x784xf32, #tpu.memory_space<vmem>>, vector<1x16xf32>,
      %get3A_373 = vector.shape_cast %get3A_372 : vector<1x16xf32> to vector<16xf32>
      %mul3A_374 = arith.mulf %get3A_373, %get3A_347 : vector<16xf32>
      %add3A_375 = arith.addf %add3A_344, %mul3A_374 : vector<16xf32>
      %get3A_376 = arith.constant 144 : index
      %get3A_377 = tpu.vector_load %arg10[%get3A_376] {strides = array<i32>} : memref<784xf32, #tpu.memory_space<vmem>>, vector<16xf32>,
      %get3A_378 = vector.shape_cast %get3A_377 : vector<16xf32> to vector<16xf32>
      %get3A_379 = arith.constant 0 : i32
      %get3A_380 = arith.index_cast %get3A_379 : i32 to index
      %get3A_381 = arith.constant 144 : index
      %get3A_382 = tpu.vector_load %arg9[%get3A_380, %get3A_381] {strides = array<i32>} : memref<8x784xf32, #tpu.memory_space<vmem>>, vector<1x16xf32>,
      %get3A_383 = vector.shape_cast %get3A_382 : vector<1x16xf32> to vector<16xf32>
      %mul3A_384 = arith.mulf %get3A_383, %get3A_378 : vector<16xf32>
      %add3A_385 = arith.addf %add3A_354, %mul3A_384 : vector<16xf32>
      %get3A_386 = arith.constant 1 : i32
      %get3A_387 = arith.index_cast %get3A_386 : i32 to index
      %get3A_388 = arith.constant 144 : index
      %get3A_389 = tpu.vector_load %arg9[%get3A_387, %get3A_388] {strides = array<i32>} : memref<8x784xf32, #tpu.memory_space<vmem>>, vector<1x16xf32>,
      %get3A_390 = vector.shape_cast %get3A_389 : vector<1x16xf32> to vector<16xf32>
      %mul3A_391 = arith.mulf %get3A_390, %get3A_378 : vector<16xf32>
      %add3A_392 = arith.addf %add3A_361, %mul3A_391 : vector<16xf32>
      %get3A_393 = arith.constant 2 : i32
      %get3A_394 = arith.index_cast %get3A_393 : i32 to index
      %get3A_395 = arith.constant 144 : index
      %get3A_396 = tpu.vector_load %arg9[%get3A_394, %get3A_395] {strides = array<i32>} : memref<8x784xf32, #tpu.memory_space<vmem>>, vector<1x16xf32>,
      %get3A_397 = vector.shape_cast %get3A_396 : vector<1x16xf32> to vector<16xf32>
      %mul3A_398 = arith.mulf %get3A_397, %get3A_378 : vector<16xf32>
      %add3A_399 = arith.addf %add3A_368, %mul3A_398 : vector<16xf32>
      %get3A_400 = arith.constant 3 : i32
      %get3A_401 = arith.index_cast %get3A_400 : i32 to index
      %get3A_402 = arith.constant 144 : index
      %get3A_403 = tpu.vector_load %arg9[%get3A_401, %get3A_402] {strides = array<i32>} : memref<8x784xf32, #tpu.memory_space<vmem>>, vector<1x16xf32>,
      %get3A_404 = vector.shape_cast %get3A_403 : vector<1x16xf32> to vector<16xf32>
      %mul3A_405 = arith.mulf %get3A_404, %get3A_378 : vector<16xf32>
      %add3A_406 = arith.addf %add3A_375, %mul3A_405 : vector<16xf32>
      %get3A_407 = arith.constant 160 : index
      %get3A_408 = tpu.vector_load %arg10[%get3A_407] {strides = array<i32>} : memref<784xf32, #tpu.memory_space<vmem>>, vector<16xf32>,
      %get3A_409 = vector.shape_cast %get3A_408 : vector<16xf32> to vector<16xf32>
      %get3A_410 = arith.constant 0 : i32
      %get3A_411 = arith.index_cast %get3A_410 : i32 to index
      %get3A_412 = arith.constant 160 : index
      %get3A_413 = tpu.vector_load %arg9[%get3A_411, %get3A_412] {strides = array<i32>} : memref<8x784xf32, #tpu.memory_space<vmem>>, vector<1x16xf32>,
      %get3A_414 = vector.shape_cast %get3A_413 : vector<1x16xf32> to vector<16xf32>
      %mul3A_415 = arith.mulf %get3A_414, %get3A_409 : vector<16xf32>
      %add3A_416 = arith.addf %add3A_385, %mul3A_415 : vector<16xf32>
      %get3A_417 = arith.constant 1 : i32
      %get3A_418 = arith.index_cast %get3A_417 : i32 to index
      %get3A_419 = arith.constant 160 : index
      %get3A_420 = tpu.vector_load %arg9[%get3A_418, %get3A_419] {strides = array<i32>} : memref<8x784xf32, #tpu.memory_space<vmem>>, vector<1x16xf32>,
      %get3A_421 = vector.shape_cast %get3A_420 : vector<1x16xf32> to vector<16xf32>
      %mul3A_422 = arith.mulf %get3A_421, %get3A_409 : vector<16xf32>
      %add3A_423 = arith.addf %add3A_392, %mul3A_422 : vector<16xf32>
      %get3A_424 = arith.constant 2 : i32
      %get3A_425 = arith.index_cast %get3A_424 : i32 to index
      %get3A_426 = arith.constant 160 : index
      %get3A_427 = tpu.vector_load %arg9[%get3A_425, %get3A_426] {strides = array<i32>} : memref<8x784xf32, #tpu.memory_space<vmem>>, vector<1x16xf32>,
      %get3A_428 = vector.shape_cast %get3A_427 : vector<1x16xf32> to vector<16xf32>
      %mul3A_429 = arith.mulf %get3A_428, %get3A_409 : vector<16xf32>
      %add3A_430 = arith.addf %add3A_399, %mul3A_429 : vector<16xf32>
      %get3A_431 = arith.constant 3 : i32
      %get3A_432 = arith.index_cast %get3A_431 : i32 to index
      %get3A_433 = arith.constant 160 : index
      %get3A_434 = tpu.vector_load %arg9[%get3A_432, %get3A_433] {strides = array<i32>} : memref<8x784xf32, #tpu.memory_space<vmem>>, vector<1x16xf32>,
      %get3A_435 = vector.shape_cast %get3A_434 : vector<1x16xf32> to vector<16xf32>
      %mul3A_436 = arith.mulf %get3A_435, %get3A_409 : vector<16xf32>
      %add3A_437 = arith.addf %add3A_406, %mul3A_436 : vector<16xf32>
      %get3A_438 = arith.constant 176 : index
      %get3A_439 = tpu.vector_load %arg10[%get3A_438] {strides = array<i32>} : memref<784xf32, #tpu.memory_space<vmem>>, vector<16xf32>,
      %get3A_440 = vector.shape_cast %get3A_439 : vector<16xf32> to vector<16xf32>
      %get3A_441 = arith.constant 0 : i32
      %get3A_442 = arith.index_cast %get3A_441 : i32 to index
      %get3A_443 = arith.constant 176 : index
      %get3A_444 = tpu.vector_load %arg9[%get3A_442, %get3A_443] {strides = array<i32>} : memref<8x784xf32, #tpu.memory_space<vmem>>, vector<1x16xf32>,
      %get3A_445 = vector.shape_cast %get3A_444 : vector<1x16xf32> to vector<16xf32>
      %mul3A_446 = arith.mulf %get3A_445, %get3A_440 : vector<16xf32>
      %add3A_447 = arith.addf %add3A_416, %mul3A_446 : vector<16xf32>
      %get3A_448 = arith.constant 1 : i32
      %get3A_449 = arith.index_cast %get3A_448 : i32 to index
      %get3A_450 = arith.constant 176 : index
      %get3A_451 = tpu.vector_load %arg9[%get3A_449, %get3A_450] {strides = array<i32>} : memref<8x784xf32, #tpu.memory_space<vmem>>, vector<1x16xf32>,
      %get3A_452 = vector.shape_cast %get3A_451 : vector<1x16xf32> to vector<16xf32>
      %mul3A_453 = arith.mulf %get3A_452, %get3A_440 : vector<16xf32>
      %add3A_454 = arith.addf %add3A_423, %mul3A_453 : vector<16xf32>
      %get3A_455 = arith.constant 2 : i32
      %get3A_456 = arith.index_cast %get3A_455 : i32 to index
      %get3A_457 = arith.constant 176 : index
      %get3A_458 = tpu.vector_load %arg9[%get3A_456, %get3A_457] {strides = array<i32>} : memref<8x784xf32, #tpu.memory_space<vmem>>, vector<1x16xf32>,
      %get3A_459 = vector.shape_cast %get3A_458 : vector<1x16xf32> to vector<16xf32>
      %mul3A_460 = arith.mulf %get3A_459, %get3A_440 : vector<16xf32>
      %add3A_461 = arith.addf %add3A_430, %mul3A_460 : vector<16xf32>
      %get3A_462 = arith.constant 3 : i32
      %get3A_463 = arith.index_cast %get3A_462 : i32 to index
      %get3A_464 = arith.constant 176 : index
      %get3A_465 = tpu.vector_load %arg9[%get3A_463, %get3A_464] {strides = array<i32>} : memref<8x784xf32, #tpu.memory_space<vmem>>, vector<1x16xf32>,
      %get3A_466 = vector.shape_cast %get3A_465 : vector<1x16xf32> to vector<16xf32>
      %mul3A_467 = arith.mulf %get3A_466, %get3A_440 : vector<16xf32>
      %add3A_468 = arith.addf %add3A_437, %mul3A_467 : vector<16xf32>
      %get3A_469 = arith.constant 192 : index
      %get3A_470 = tpu.vector_load %arg10[%get3A_469] {strides = array<i32>} : memref<784xf32, #tpu.memory_space<vmem>>, vector<16xf32>,
      %get3A_471 = vector.shape_cast %get3A_470 : vector<16xf32> to vector<16xf32>
      %get3A_472 = arith.constant 0 : i32
      %get3A_473 = arith.index_cast %get3A_472 : i32 to index
      %get3A_474 = arith.constant 192 : index
      %get3A_475 = tpu.vector_load %arg9[%get3A_473, %get3A_474] {strides = array<i32>} : memref<8x784xf32, #tpu.memory_space<vmem>>, vector<1x16xf32>,
      %get3A_476 = vector.shape_cast %get3A_475 : vector<1x16xf32> to vector<16xf32>
      %mul3A_477 = arith.mulf %get3A_476, %get3A_471 : vector<16xf32>
      %add3A_478 = arith.addf %add3A_447, %mul3A_477 : vector<16xf32>
      %get3A_479 = arith.constant 1 : i32
      %get3A_480 = arith.index_cast %get3A_479 : i32 to index
      %get3A_481 = arith.constant 192 : index
      %get3A_482 = tpu.vector_load %arg9[%get3A_480, %get3A_481] {strides = array<i32>} : memref<8x784xf32, #tpu.memory_space<vmem>>, vector<1x16xf32>,
      %get3A_483 = vector.shape_cast %get3A_482 : vector<1x16xf32> to vector<16xf32>
      %mul3A_484 = arith.mulf %get3A_483, %get3A_471 : vector<16xf32>
      %add3A_485 = arith.addf %add3A_454, %mul3A_484 : vector<16xf32>
      %get3A_486 = arith.constant 2 : i32
      %get3A_487 = arith.index_cast %get3A_486 : i32 to index
      %get3A_488 = arith.constant 192 : index
      %get3A_489 = tpu.vector_load %arg9[%get3A_487, %get3A_488] {strides = array<i32>} : memref<8x784xf32, #tpu.memory_space<vmem>>, vector<1x16xf32>,
      %get3A_490 = vector.shape_cast %get3A_489 : vector<1x16xf32> to vector<16xf32>
      %mul3A_491 = arith.mulf %get3A_490, %get3A_471 : vector<16xf32>
      %add3A_492 = arith.addf %add3A_461, %mul3A_491 : vector<16xf32>
      %get3A_493 = arith.constant 3 : i32
      %get3A_494 = arith.index_cast %get3A_493 : i32 to index
      %get3A_495 = arith.constant 192 : index
      %get3A_496 = tpu.vector_load %arg9[%get3A_494, %get3A_495] {strides = array<i32>} : memref<8x784xf32, #tpu.memory_space<vmem>>, vector<1x16xf32>,
      %get3A_497 = vector.shape_cast %get3A_496 : vector<1x16xf32> to vector<16xf32>
      %mul3A_498 = arith.mulf %get3A_497, %get3A_471 : vector<16xf32>
      %add3A_499 = arith.addf %add3A_468, %mul3A_498 : vector<16xf32>
      %get3A_500 = arith.constant 208 : index
      %get3A_501 = tpu.vector_load %arg10[%get3A_500] {strides = array<i32>} : memref<784xf32, #tpu.memory_space<vmem>>, vector<16xf32>,
      %get3A_502 = vector.shape_cast %get3A_501 : vector<16xf32> to vector<16xf32>
      %get3A_503 = arith.constant 0 : i32
      %get3A_504 = arith.index_cast %get3A_503 : i32 to index
      %get3A_505 = arith.constant 208 : index
      %get3A_506 = tpu.vector_load %arg9[%get3A_504, %get3A_505] {strides = array<i32>} : memref<8x784xf32, #tpu.memory_space<vmem>>, vector<1x16xf32>,
      %get3A_507 = vector.shape_cast %get3A_506 : vector<1x16xf32> to vector<16xf32>
      %mul3A_508 = arith.mulf %get3A_507, %get3A_502 : vector<16xf32>
      %add3A_509 = arith.addf %add3A_478, %mul3A_508 : vector<16xf32>
      %get3A_510 = arith.constant 1 : i32
      %get3A_511 = arith.index_cast %get3A_510 : i32 to index
      %get3A_512 = arith.constant 208 : index
      %get3A_513 = tpu.vector_load %arg9[%get3A_511, %get3A_512] {strides = array<i32>} : memref<8x784xf32, #tpu.memory_space<vmem>>, vector<1x16xf32>,
      %get3A_514 = vector.shape_cast %get3A_513 : vector<1x16xf32> to vector<16xf32>
      %mul3A_515 = arith.mulf %get3A_514, %get3A_502 : vector<16xf32>
      %add3A_516 = arith.addf %add3A_485, %mul3A_515 : vector<16xf32>
      %get3A_517 = arith.constant 2 : i32
      %get3A_518 = arith.index_cast %get3A_517 : i32 to index
      %get3A_519 = arith.constant 208 : index
      %get3A_520 = tpu.vector_load %arg9[%get3A_518, %get3A_519] {strides = array<i32>} : memref<8x784xf32, #tpu.memory_space<vmem>>, vector<1x16xf32>,
      %get3A_521 = vector.shape_cast %get3A_520 : vector<1x16xf32> to vector<16xf32>
      %mul3A_522 = arith.mulf %get3A_521, %get3A_502 : vector<16xf32>
      %add3A_523 = arith.addf %add3A_492, %mul3A_522 : vector<16xf32>
      %get3A_524 = arith.constant 3 : i32
      %get3A_525 = arith.index_cast %get3A_524 : i32 to index
      %get3A_526 = arith.constant 208 : index
      %get3A_527 = tpu.vector_load %arg9[%get3A_525, %get3A_526] {strides = array<i32>} : memref<8x784xf32, #tpu.memory_space<vmem>>, vector<1x16xf32>,
      %get3A_528 = vector.shape_cast %get3A_527 : vector<1x16xf32> to vector<16xf32>
      %mul3A_529 = arith.mulf %get3A_528, %get3A_502 : vector<16xf32>
      %add3A_530 = arith.addf %add3A_499, %mul3A_529 : vector<16xf32>
      %get3A_531 = arith.constant 224 : index
      %get3A_532 = tpu.vector_load %arg10[%get3A_531] {strides = array<i32>} : memref<784xf32, #tpu.memory_space<vmem>>, vector<16xf32>,
      %get3A_533 = vector.shape_cast %get3A_532 : vector<16xf32> to vector<16xf32>
      %get3A_534 = arith.constant 0 : i32
      %get3A_535 = arith.index_cast %get3A_534 : i32 to index
      %get3A_536 = arith.constant 224 : index
      %get3A_537 = tpu.vector_load %arg9[%get3A_535, %get3A_536] {strides = array<i32>} : memref<8x784xf32, #tpu.memory_space<vmem>>, vector<1x16xf32>,
      %get3A_538 = vector.shape_cast %get3A_537 : vector<1x16xf32> to vector<16xf32>
      %mul3A_539 = arith.mulf %get3A_538, %get3A_533 : vector<16xf32>
      %add3A_540 = arith.addf %add3A_509, %mul3A_539 : vector<16xf32>
      %get3A_541 = arith.constant 1 : i32
      %get3A_542 = arith.index_cast %get3A_541 : i32 to index
      %get3A_543 = arith.constant 224 : index
      %get3A_544 = tpu.vector_load %arg9[%get3A_542, %get3A_543] {strides = array<i32>} : memref<8x784xf32, #tpu.memory_space<vmem>>, vector<1x16xf32>,
      %get3A_545 = vector.shape_cast %get3A_544 : vector<1x16xf32> to vector<16xf32>
      %mul3A_546 = arith.mulf %get3A_545, %get3A_533 : vector<16xf32>
      %add3A_547 = arith.addf %add3A_516, %mul3A_546 : vector<16xf32>
      %get3A_548 = arith.constant 2 : i32
      %get3A_549 = arith.index_cast %get3A_548 : i32 to index
      %get3A_550 = arith.constant 224 : index
      %get3A_551 = tpu.vector_load %arg9[%get3A_549, %get3A_550] {strides = array<i32>} : memref<8x784xf32, #tpu.memory_space<vmem>>, vector<1x16xf32>,
      %get3A_552 = vector.shape_cast %get3A_551 : vector<1x16xf32> to vector<16xf32>
      %mul3A_553 = arith.mulf %get3A_552, %get3A_533 : vector<16xf32>
      %add3A_554 = arith.addf %add3A_523, %mul3A_553 : vector<16xf32>
      %get3A_555 = arith.constant 3 : i32
      %get3A_556 = arith.index_cast %get3A_555 : i32 to index
      %get3A_557 = arith.constant 224 : index
      %get3A_558 = tpu.vector_load %arg9[%get3A_556, %get3A_557] {strides = array<i32>} : memref<8x784xf32, #tpu.memory_space<vmem>>, vector<1x16xf32>,
      %get3A_559 = vector.shape_cast %get3A_558 : vector<1x16xf32> to vector<16xf32>
      %mul3A_560 = arith.mulf %get3A_559, %get3A_533 : vector<16xf32>
      %add3A_561 = arith.addf %add3A_530, %mul3A_560 : vector<16xf32>
      %get3A_562 = arith.constant 240 : index
      %get3A_563 = tpu.vector_load %arg10[%get3A_562] {strides = array<i32>} : memref<784xf32, #tpu.memory_space<vmem>>, vector<16xf32>,
      %get3A_564 = vector.shape_cast %get3A_563 : vector<16xf32> to vector<16xf32>
      %get3A_565 = arith.constant 0 : i32
      %get3A_566 = arith.index_cast %get3A_565 : i32 to index
      %get3A_567 = arith.constant 240 : index
      %get3A_568 = tpu.vector_load %arg9[%get3A_566, %get3A_567] {strides = array<i32>} : memref<8x784xf32, #tpu.memory_space<vmem>>, vector<1x16xf32>,
      %get3A_569 = vector.shape_cast %get3A_568 : vector<1x16xf32> to vector<16xf32>
      %mul3A_570 = arith.mulf %get3A_569, %get3A_564 : vector<16xf32>
      %add3A_571 = arith.addf %add3A_540, %mul3A_570 : vector<16xf32>
      %get3A_572 = arith.constant 1 : i32
      %get3A_573 = arith.index_cast %get3A_572 : i32 to index
      %get3A_574 = arith.constant 240 : index
      %get3A_575 = tpu.vector_load %arg9[%get3A_573, %get3A_574] {strides = array<i32>} : memref<8x784xf32, #tpu.memory_space<vmem>>, vector<1x16xf32>,
      %get3A_576 = vector.shape_cast %get3A_575 : vector<1x16xf32> to vector<16xf32>
      %mul3A_577 = arith.mulf %get3A_576, %get3A_564 : vector<16xf32>
      %add3A_578 = arith.addf %add3A_547, %mul3A_577 : vector<16xf32>
      %get3A_579 = arith.constant 2 : i32
      %get3A_580 = arith.index_cast %get3A_579 : i32 to index
      %get3A_581 = arith.constant 240 : index
      %get3A_582 = tpu.vector_load %arg9[%get3A_580, %get3A_581] {strides = array<i32>} : memref<8x784xf32, #tpu.memory_space<vmem>>, vector<1x16xf32>,
      %get3A_583 = vector.shape_cast %get3A_582 : vector<1x16xf32> to vector<16xf32>
      %mul3A_584 = arith.mulf %get3A_583, %get3A_564 : vector<16xf32>
      %add3A_585 = arith.addf %add3A_554, %mul3A_584 : vector<16xf32>
      %get3A_586 = arith.constant 3 : i32
      %get3A_587 = arith.index_cast %get3A_586 : i32 to index
      %get3A_588 = arith.constant 240 : index
      %get3A_589 = tpu.vector_load %arg9[%get3A_587, %get3A_588] {strides = array<i32>} : memref<8x784xf32, #tpu.memory_space<vmem>>, vector<1x16xf32>,
      %get3A_590 = vector.shape_cast %get3A_589 : vector<1x16xf32> to vector<16xf32>
      %mul3A_591 = arith.mulf %get3A_590, %get3A_564 : vector<16xf32>
      %add3A_592 = arith.addf %add3A_561, %mul3A_591 : vector<16xf32>
      %get3A_593 = arith.constant 256 : index
      %get3A_594 = tpu.vector_load %arg10[%get3A_593] {strides = array<i32>} : memref<784xf32, #tpu.memory_space<vmem>>, vector<16xf32>,
      %get3A_595 = vector.shape_cast %get3A_594 : vector<16xf32> to vector<16xf32>
      %get3A_596 = arith.constant 0 : i32
      %get3A_597 = arith.index_cast %get3A_596 : i32 to index
      %get3A_598 = arith.constant 256 : index
      %get3A_599 = tpu.vector_load %arg9[%get3A_597, %get3A_598] {strides = array<i32>} : memref<8x784xf32, #tpu.memory_space<vmem>>, vector<1x16xf32>,
      %get3A_600 = vector.shape_cast %get3A_599 : vector<1x16xf32> to vector<16xf32>
      %mul3A_601 = arith.mulf %get3A_600, %get3A_595 : vector<16xf32>
      %add3A_602 = arith.addf %add3A_571, %mul3A_601 : vector<16xf32>
      %get3A_603 = arith.constant 1 : i32
      %get3A_604 = arith.index_cast %get3A_603 : i32 to index
      %get3A_605 = arith.constant 256 : index
      %get3A_606 = tpu.vector_load %arg9[%get3A_604, %get3A_605] {strides = array<i32>} : memref<8x784xf32, #tpu.memory_space<vmem>>, vector<1x16xf32>,
      %get3A_607 = vector.shape_cast %get3A_606 : vector<1x16xf32> to vector<16xf32>
      %mul3A_608 = arith.mulf %get3A_607, %get3A_595 : vector<16xf32>
      %add3A_609 = arith.addf %add3A_578, %mul3A_608 : vector<16xf32>
      %get3A_610 = arith.constant 2 : i32
      %get3A_611 = arith.index_cast %get3A_610 : i32 to index
      %get3A_612 = arith.constant 256 : index
      %get3A_613 = tpu.vector_load %arg9[%get3A_611, %get3A_612] {strides = array<i32>} : memref<8x784xf32, #tpu.memory_space<vmem>>, vector<1x16xf32>,
      %get3A_614 = vector.shape_cast %get3A_613 : vector<1x16xf32> to vector<16xf32>
      %mul3A_615 = arith.mulf %get3A_614, %get3A_595 : vector<16xf32>
      %add3A_616 = arith.addf %add3A_585, %mul3A_615 : vector<16xf32>
      %get3A_617 = arith.constant 3 : i32
      %get3A_618 = arith.index_cast %get3A_617 : i32 to index
      %get3A_619 = arith.constant 256 : index
      %get3A_620 = tpu.vector_load %arg9[%get3A_618, %get3A_619] {strides = array<i32>} : memref<8x784xf32, #tpu.memory_space<vmem>>, vector<1x16xf32>,
      %get3A_621 = vector.shape_cast %get3A_620 : vector<1x16xf32> to vector<16xf32>
      %mul3A_622 = arith.mulf %get3A_621, %get3A_595 : vector<16xf32>
      %add3A_623 = arith.addf %add3A_592, %mul3A_622 : vector<16xf32>
      %get3A_624 = arith.constant 272 : index
      %get3A_625 = tpu.vector_load %arg10[%get3A_624] {strides = array<i32>} : memref<784xf32, #tpu.memory_space<vmem>>, vector<16xf32>,
      %get3A_626 = vector.shape_cast %get3A_625 : vector<16xf32> to vector<16xf32>
      %get3A_627 = arith.constant 0 : i32
      %get3A_628 = arith.index_cast %get3A_627 : i32 to index
      %get3A_629 = arith.constant 272 : index
      %get3A_630 = tpu.vector_load %arg9[%get3A_628, %get3A_629] {strides = array<i32>} : memref<8x784xf32, #tpu.memory_space<vmem>>, vector<1x16xf32>,
      %get3A_631 = vector.shape_cast %get3A_630 : vector<1x16xf32> to vector<16xf32>
      %mul3A_632 = arith.mulf %get3A_631, %get3A_626 : vector<16xf32>
      %add3A_633 = arith.addf %add3A_602, %mul3A_632 : vector<16xf32>
      %get3A_634 = arith.constant 1 : i32
      %get3A_635 = arith.index_cast %get3A_634 : i32 to index
      %get3A_636 = arith.constant 272 : index
      %get3A_637 = tpu.vector_load %arg9[%get3A_635, %get3A_636] {strides = array<i32>} : memref<8x784xf32, #tpu.memory_space<vmem>>, vector<1x16xf32>,
      %get3A_638 = vector.shape_cast %get3A_637 : vector<1x16xf32> to vector<16xf32>
      %mul3A_639 = arith.mulf %get3A_638, %get3A_626 : vector<16xf32>
      %add3A_640 = arith.addf %add3A_609, %mul3A_639 : vector<16xf32>
      %get3A_641 = arith.constant 2 : i32
      %get3A_642 = arith.index_cast %get3A_641 : i32 to index
      %get3A_643 = arith.constant 272 : index
      %get3A_644 = tpu.vector_load %arg9[%get3A_642, %get3A_643] {strides = array<i32>} : memref<8x784xf32, #tpu.memory_space<vmem>>, vector<1x16xf32>,
      %get3A_645 = vector.shape_cast %get3A_644 : vector<1x16xf32> to vector<16xf32>
      %mul3A_646 = arith.mulf %get3A_645, %get3A_626 : vector<16xf32>
      %add3A_647 = arith.addf %add3A_616, %mul3A_646 : vector<16xf32>
      %get3A_648 = arith.constant 3 : i32
      %get3A_649 = arith.index_cast %get3A_648 : i32 to index
      %get3A_650 = arith.constant 272 : index
      %get3A_651 = tpu.vector_load %arg9[%get3A_649, %get3A_650] {strides = array<i32>} : memref<8x784xf32, #tpu.memory_space<vmem>>, vector<1x16xf32>,
      %get3A_652 = vector.shape_cast %get3A_651 : vector<1x16xf32> to vector<16xf32>
      %mul3A_653 = arith.mulf %get3A_652, %get3A_626 : vector<16xf32>
      %add3A_654 = arith.addf %add3A_623, %mul3A_653 : vector<16xf32>
      %get3A_655 = arith.constant 288 : index
      %get3A_656 = tpu.vector_load %arg10[%get3A_655] {strides = array<i32>} : memref<784xf32, #tpu.memory_space<vmem>>, vector<16xf32>,
      %get3A_657 = vector.shape_cast %get3A_656 : vector<16xf32> to vector<16xf32>
      %get3A_658 = arith.constant 0 : i32
      %get3A_659 = arith.index_cast %get3A_658 : i32 to index
      %get3A_660 = arith.constant 288 : index
      %get3A_661 = tpu.vector_load %arg9[%get3A_659, %get3A_660] {strides = array<i32>} : memref<8x784xf32, #tpu.memory_space<vmem>>, vector<1x16xf32>,
      %get3A_662 = vector.shape_cast %get3A_661 : vector<1x16xf32> to vector<16xf32>
      %mul3A_663 = arith.mulf %get3A_662, %get3A_657 : vector<16xf32>
      %add3A_664 = arith.addf %add3A_633, %mul3A_663 : vector<16xf32>
      %get3A_665 = arith.constant 1 : i32
      %get3A_666 = arith.index_cast %get3A_665 : i32 to index
      %get3A_667 = arith.constant 288 : index
      %get3A_668 = tpu.vector_load %arg9[%get3A_666, %get3A_667] {strides = array<i32>} : memref<8x784xf32, #tpu.memory_space<vmem>>, vector<1x16xf32>,
      %get3A_669 = vector.shape_cast %get3A_668 : vector<1x16xf32> to vector<16xf32>
      %mul3A_670 = arith.mulf %get3A_669, %get3A_657 : vector<16xf32>
      %add3A_671 = arith.addf %add3A_640, %mul3A_670 : vector<16xf32>
      %get3A_672 = arith.constant 2 : i32
      %get3A_673 = arith.index_cast %get3A_672 : i32 to index
      %get3A_674 = arith.constant 288 : index
      %get3A_675 = tpu.vector_load %arg9[%get3A_673, %get3A_674] {strides = array<i32>} : memref<8x784xf32, #tpu.memory_space<vmem>>, vector<1x16xf32>,
      %get3A_676 = vector.shape_cast %get3A_675 : vector<1x16xf32> to vector<16xf32>
      %mul3A_677 = arith.mulf %get3A_676, %get3A_657 : vector<16xf32>
      %add3A_678 = arith.addf %add3A_647, %mul3A_677 : vector<16xf32>
      %get3A_679 = arith.constant 3 : i32
      %get3A_680 = arith.index_cast %get3A_679 : i32 to index
      %get3A_681 = arith.constant 288 : index
      %get3A_682 = tpu.vector_load %arg9[%get3A_680, %get3A_681] {strides = array<i32>} : memref<8x784xf32, #tpu.memory_space<vmem>>, vector<1x16xf32>,
      %get3A_683 = vector.shape_cast %get3A_682 : vector<1x16xf32> to vector<16xf32>
      %mul3A_684 = arith.mulf %get3A_683, %get3A_657 : vector<16xf32>
      %add3A_685 = arith.addf %add3A_654, %mul3A_684 : vector<16xf32>
      %get3A_686 = arith.constant 304 : index
      %get3A_687 = tpu.vector_load %arg10[%get3A_686] {strides = array<i32>} : memref<784xf32, #tpu.memory_space<vmem>>, vector<16xf32>,
      %get3A_688 = vector.shape_cast %get3A_687 : vector<16xf32> to vector<16xf32>
      %get3A_689 = arith.constant 0 : i32
      %get3A_690 = arith.index_cast %get3A_689 : i32 to index
      %get3A_691 = arith.constant 304 : index
      %get3A_692 = tpu.vector_load %arg9[%get3A_690, %get3A_691] {strides = array<i32>} : memref<8x784xf32, #tpu.memory_space<vmem>>, vector<1x16xf32>,
      %get3A_693 = vector.shape_cast %get3A_692 : vector<1x16xf32> to vector<16xf32>
      %mul3A_694 = arith.mulf %get3A_693, %get3A_688 : vector<16xf32>
      %add3A_695 = arith.addf %add3A_664, %mul3A_694 : vector<16xf32>
      %get3A_696 = arith.constant 1 : i32
      %get3A_697 = arith.index_cast %get3A_696 : i32 to index
      %get3A_698 = arith.constant 304 : index
      %get3A_699 = tpu.vector_load %arg9[%get3A_697, %get3A_698] {strides = array<i32>} : memref<8x784xf32, #tpu.memory_space<vmem>>, vector<1x16xf32>,
      %get3A_700 = vector.shape_cast %get3A_699 : vector<1x16xf32> to vector<16xf32>
      %mul3A_701 = arith.mulf %get3A_700, %get3A_688 : vector<16xf32>
      %add3A_702 = arith.addf %add3A_671, %mul3A_701 : vector<16xf32>
      %get3A_703 = arith.constant 2 : i32
      %get3A_704 = arith.index_cast %get3A_703 : i32 to index
      %get3A_705 = arith.constant 304 : index
      %get3A_706 = tpu.vector_load %arg9[%get3A_704, %get3A_705] {strides = array<i32>} : memref<8x784xf32, #tpu.memory_space<vmem>>, vector<1x16xf32>,
      %get3A_707 = vector.shape_cast %get3A_706 : vector<1x16xf32> to vector<16xf32>
      %mul3A_708 = arith.mulf %get3A_707, %get3A_688 : vector<16xf32>
      %add3A_709 = arith.addf %add3A_678, %mul3A_708 : vector<16xf32>
      %get3A_710 = arith.constant 3 : i32
      %get3A_711 = arith.index_cast %get3A_710 : i32 to index
      %get3A_712 = arith.constant 304 : index
      %get3A_713 = tpu.vector_load %arg9[%get3A_711, %get3A_712] {strides = array<i32>} : memref<8x784xf32, #tpu.memory_space<vmem>>, vector<1x16xf32>,
      %get3A_714 = vector.shape_cast %get3A_713 : vector<1x16xf32> to vector<16xf32>
      %mul3A_715 = arith.mulf %get3A_714, %get3A_688 : vector<16xf32>
      %add3A_716 = arith.addf %add3A_685, %mul3A_715 : vector<16xf32>
      %get3A_717 = arith.constant 320 : index
      %get3A_718 = tpu.vector_load %arg10[%get3A_717] {strides = array<i32>} : memref<784xf32, #tpu.memory_space<vmem>>, vector<16xf32>,
      %get3A_719 = vector.shape_cast %get3A_718 : vector<16xf32> to vector<16xf32>
      %get3A_720 = arith.constant 0 : i32
      %get3A_721 = arith.index_cast %get3A_720 : i32 to index
      %get3A_722 = arith.constant 320 : index
      %get3A_723 = tpu.vector_load %arg9[%get3A_721, %get3A_722] {strides = array<i32>} : memref<8x784xf32, #tpu.memory_space<vmem>>, vector<1x16xf32>,
      %get3A_724 = vector.shape_cast %get3A_723 : vector<1x16xf32> to vector<16xf32>
      %mul3A_725 = arith.mulf %get3A_724, %get3A_719 : vector<16xf32>
      %add3A_726 = arith.addf %add3A_695, %mul3A_725 : vector<16xf32>
      %get3A_727 = arith.constant 1 : i32
      %get3A_728 = arith.index_cast %get3A_727 : i32 to index
      %get3A_729 = arith.constant 320 : index
      %get3A_730 = tpu.vector_load %arg9[%get3A_728, %get3A_729] {strides = array<i32>} : memref<8x784xf32, #tpu.memory_space<vmem>>, vector<1x16xf32>,
      %get3A_731 = vector.shape_cast %get3A_730 : vector<1x16xf32> to vector<16xf32>
      %mul3A_732 = arith.mulf %get3A_731, %get3A_719 : vector<16xf32>
      %add3A_733 = arith.addf %add3A_702, %mul3A_732 : vector<16xf32>
      %get3A_734 = arith.constant 2 : i32
      %get3A_735 = arith.index_cast %get3A_734 : i32 to index
      %get3A_736 = arith.constant 320 : index
      %get3A_737 = tpu.vector_load %arg9[%get3A_735, %get3A_736] {strides = array<i32>} : memref<8x784xf32, #tpu.memory_space<vmem>>, vector<1x16xf32>,
      %get3A_738 = vector.shape_cast %get3A_737 : vector<1x16xf32> to vector<16xf32>
      %mul3A_739 = arith.mulf %get3A_738, %get3A_719 : vector<16xf32>
      %add3A_740 = arith.addf %add3A_709, %mul3A_739 : vector<16xf32>
      %get3A_741 = arith.constant 3 : i32
      %get3A_742 = arith.index_cast %get3A_741 : i32 to index
      %get3A_743 = arith.constant 320 : index
      %get3A_744 = tpu.vector_load %arg9[%get3A_742, %get3A_743] {strides = array<i32>} : memref<8x784xf32, #tpu.memory_space<vmem>>, vector<1x16xf32>,
      %get3A_745 = vector.shape_cast %get3A_744 : vector<1x16xf32> to vector<16xf32>
      %mul3A_746 = arith.mulf %get3A_745, %get3A_719 : vector<16xf32>
      %add3A_747 = arith.addf %add3A_716, %mul3A_746 : vector<16xf32>
      %get3A_748 = arith.constant 336 : index
      %get3A_749 = tpu.vector_load %arg10[%get3A_748] {strides = array<i32>} : memref<784xf32, #tpu.memory_space<vmem>>, vector<16xf32>,
      %get3A_750 = vector.shape_cast %get3A_749 : vector<16xf32> to vector<16xf32>
      %get3A_751 = arith.constant 0 : i32
      %get3A_752 = arith.index_cast %get3A_751 : i32 to index
      %get3A_753 = arith.constant 336 : index
      %get3A_754 = tpu.vector_load %arg9[%get3A_752, %get3A_753] {strides = array<i32>} : memref<8x784xf32, #tpu.memory_space<vmem>>, vector<1x16xf32>,
      %get3A_755 = vector.shape_cast %get3A_754 : vector<1x16xf32> to vector<16xf32>
      %mul3A_756 = arith.mulf %get3A_755, %get3A_750 : vector<16xf32>
      %add3A_757 = arith.addf %add3A_726, %mul3A_756 : vector<16xf32>
      %get3A_758 = arith.constant 1 : i32
      %get3A_759 = arith.index_cast %get3A_758 : i32 to index
      %get3A_760 = arith.constant 336 : index
      %get3A_761 = tpu.vector_load %arg9[%get3A_759, %get3A_760] {strides = array<i32>} : memref<8x784xf32, #tpu.memory_space<vmem>>, vector<1x16xf32>,
      %get3A_762 = vector.shape_cast %get3A_761 : vector<1x16xf32> to vector<16xf32>
      %mul3A_763 = arith.mulf %get3A_762, %get3A_750 : vector<16xf32>
      %add3A_764 = arith.addf %add3A_733, %mul3A_763 : vector<16xf32>
      %get3A_765 = arith.constant 2 : i32
      %get3A_766 = arith.index_cast %get3A_765 : i32 to index
      %get3A_767 = arith.constant 336 : index
      %get3A_768 = tpu.vector_load %arg9[%get3A_766, %get3A_767] {strides = array<i32>} : memref<8x784xf32, #tpu.memory_space<vmem>>, vector<1x16xf32>,
      %get3A_769 = vector.shape_cast %get3A_768 : vector<1x16xf32> to vector<16xf32>
      %mul3A_770 = arith.mulf %get3A_769, %get3A_750 : vector<16xf32>
      %add3A_771 = arith.addf %add3A_740, %mul3A_770 : vector<16xf32>
      %get3A_772 = arith.constant 3 : i32
      %get3A_773 = arith.index_cast %get3A_772 : i32 to index
      %get3A_774 = arith.constant 336 : index
      %get3A_775 = tpu.vector_load %arg9[%get3A_773, %get3A_774] {strides = array<i32>} : memref<8x784xf32, #tpu.memory_space<vmem>>, vector<1x16xf32>,
      %get3A_776 = vector.shape_cast %get3A_775 : vector<1x16xf32> to vector<16xf32>
      %mul3A_777 = arith.mulf %get3A_776, %get3A_750 : vector<16xf32>
      %add3A_778 = arith.addf %add3A_747, %mul3A_777 : vector<16xf32>
      %get3A_779 = arith.constant 352 : index
      %get3A_780 = tpu.vector_load %arg10[%get3A_779] {strides = array<i32>} : memref<784xf32, #tpu.memory_space<vmem>>, vector<16xf32>,
      %get3A_781 = vector.shape_cast %get3A_780 : vector<16xf32> to vector<16xf32>
      %get3A_782 = arith.constant 0 : i32
      %get3A_783 = arith.index_cast %get3A_782 : i32 to index
      %get3A_784 = arith.constant 352 : index
      %get3A_785 = tpu.vector_load %arg9[%get3A_783, %get3A_784] {strides = array<i32>} : memref<8x784xf32, #tpu.memory_space<vmem>>, vector<1x16xf32>,
      %get3A_786 = vector.shape_cast %get3A_785 : vector<1x16xf32> to vector<16xf32>
      %mul3A_787 = arith.mulf %get3A_786, %get3A_781 : vector<16xf32>
      %add3A_788 = arith.addf %add3A_757, %mul3A_787 : vector<16xf32>
      %get3A_789 = arith.constant 1 : i32
      %get3A_790 = arith.index_cast %get3A_789 : i32 to index
      %get3A_791 = arith.constant 352 : index
      %get3A_792 = tpu.vector_load %arg9[%get3A_790, %get3A_791] {strides = array<i32>} : memref<8x784xf32, #tpu.memory_space<vmem>>, vector<1x16xf32>,
      %get3A_793 = vector.shape_cast %get3A_792 : vector<1x16xf32> to vector<16xf32>
      %mul3A_794 = arith.mulf %get3A_793, %get3A_781 : vector<16xf32>
      %add3A_795 = arith.addf %add3A_764, %mul3A_794 : vector<16xf32>
      %get3A_796 = arith.constant 2 : i32
      %get3A_797 = arith.index_cast %get3A_796 : i32 to index
      %get3A_798 = arith.constant 352 : index
      %get3A_799 = tpu.vector_load %arg9[%get3A_797, %get3A_798] {strides = array<i32>} : memref<8x784xf32, #tpu.memory_space<vmem>>, vector<1x16xf32>,
      %get3A_800 = vector.shape_cast %get3A_799 : vector<1x16xf32> to vector<16xf32>
      %mul3A_801 = arith.mulf %get3A_800, %get3A_781 : vector<16xf32>
      %add3A_802 = arith.addf %add3A_771, %mul3A_801 : vector<16xf32>
      %get3A_803 = arith.constant 3 : i32
      %get3A_804 = arith.index_cast %get3A_803 : i32 to index
      %get3A_805 = arith.constant 352 : index
      %get3A_806 = tpu.vector_load %arg9[%get3A_804, %get3A_805] {strides = array<i32>} : memref<8x784xf32, #tpu.memory_space<vmem>>, vector<1x16xf32>,
      %get3A_807 = vector.shape_cast %get3A_806 : vector<1x16xf32> to vector<16xf32>
      %mul3A_808 = arith.mulf %get3A_807, %get3A_781 : vector<16xf32>
      %add3A_809 = arith.addf %add3A_778, %mul3A_808 : vector<16xf32>
      %get3A_810 = arith.constant 368 : index
      %get3A_811 = tpu.vector_load %arg10[%get3A_810] {strides = array<i32>} : memref<784xf32, #tpu.memory_space<vmem>>, vector<16xf32>,
      %get3A_812 = vector.shape_cast %get3A_811 : vector<16xf32> to vector<16xf32>
      %get3A_813 = arith.constant 0 : i32
      %get3A_814 = arith.index_cast %get3A_813 : i32 to index
      %get3A_815 = arith.constant 368 : index
      %get3A_816 = tpu.vector_load %arg9[%get3A_814, %get3A_815] {strides = array<i32>} : memref<8x784xf32, #tpu.memory_space<vmem>>, vector<1x16xf32>,
      %get3A_817 = vector.shape_cast %get3A_816 : vector<1x16xf32> to vector<16xf32>
      %mul3A_818 = arith.mulf %get3A_817, %get3A_812 : vector<16xf32>
      %add3A_819 = arith.addf %add3A_788, %mul3A_818 : vector<16xf32>
      %get3A_820 = arith.constant 1 : i32
      %get3A_821 = arith.index_cast %get3A_820 : i32 to index
      %get3A_822 = arith.constant 368 : index
      %get3A_823 = tpu.vector_load %arg9[%get3A_821, %get3A_822] {strides = array<i32>} : memref<8x784xf32, #tpu.memory_space<vmem>>, vector<1x16xf32>,
      %get3A_824 = vector.shape_cast %get3A_823 : vector<1x16xf32> to vector<16xf32>
      %mul3A_825 = arith.mulf %get3A_824, %get3A_812 : vector<16xf32>
      %add3A_826 = arith.addf %add3A_795, %mul3A_825 : vector<16xf32>
      %get3A_827 = arith.constant 2 : i32
      %get3A_828 = arith.index_cast %get3A_827 : i32 to index
      %get3A_829 = arith.constant 368 : index
      %get3A_830 = tpu.vector_load %arg9[%get3A_828, %get3A_829] {strides = array<i32>} : memref<8x784xf32, #tpu.memory_space<vmem>>, vector<1x16xf32>,
      %get3A_831 = vector.shape_cast %get3A_830 : vector<1x16xf32> to vector<16xf32>
      %mul3A_832 = arith.mulf %get3A_831, %get3A_812 : vector<16xf32>
      %add3A_833 = arith.addf %add3A_802, %mul3A_832 : vector<16xf32>
      %get3A_834 = arith.constant 3 : i32
      %get3A_835 = arith.index_cast %get3A_834 : i32 to index
      %get3A_836 = arith.constant 368 : index
      %get3A_837 = tpu.vector_load %arg9[%get3A_835, %get3A_836] {strides = array<i32>} : memref<8x784xf32, #tpu.memory_space<vmem>>, vector<1x16xf32>,
      %get3A_838 = vector.shape_cast %get3A_837 : vector<1x16xf32> to vector<16xf32>
      %mul3A_839 = arith.mulf %get3A_838, %get3A_812 : vector<16xf32>
      %add3A_840 = arith.addf %add3A_809, %mul3A_839 : vector<16xf32>
      %get3A_841 = arith.constant 384 : index
      %get3A_842 = tpu.vector_load %arg10[%get3A_841] {strides = array<i32>} : memref<784xf32, #tpu.memory_space<vmem>>, vector<16xf32>,
      %get3A_843 = vector.shape_cast %get3A_842 : vector<16xf32> to vector<16xf32>
      %get3A_844 = arith.constant 0 : i32
      %get3A_845 = arith.index_cast %get3A_844 : i32 to index
      %get3A_846 = arith.constant 384 : index
      %get3A_847 = tpu.vector_load %arg9[%get3A_845, %get3A_846] {strides = array<i32>} : memref<8x784xf32, #tpu.memory_space<vmem>>, vector<1x16xf32>,
      %get3A_848 = vector.shape_cast %get3A_847 : vector<1x16xf32> to vector<16xf32>
      %mul3A_849 = arith.mulf %get3A_848, %get3A_843 : vector<16xf32>
      %add3A_850 = arith.addf %add3A_819, %mul3A_849 : vector<16xf32>
      %get3A_851 = arith.constant 1 : i32
      %get3A_852 = arith.index_cast %get3A_851 : i32 to index
      %get3A_853 = arith.constant 384 : index
      %get3A_854 = tpu.vector_load %arg9[%get3A_852, %get3A_853] {strides = array<i32>} : memref<8x784xf32, #tpu.memory_space<vmem>>, vector<1x16xf32>,
      %get3A_855 = vector.shape_cast %get3A_854 : vector<1x16xf32> to vector<16xf32>
      %mul3A_856 = arith.mulf %get3A_855, %get3A_843 : vector<16xf32>
      %add3A_857 = arith.addf %add3A_826, %mul3A_856 : vector<16xf32>
      %get3A_858 = arith.constant 2 : i32
      %get3A_859 = arith.index_cast %get3A_858 : i32 to index
      %get3A_860 = arith.constant 384 : index
      %get3A_861 = tpu.vector_load %arg9[%get3A_859, %get3A_860] {strides = array<i32>} : memref<8x784xf32, #tpu.memory_space<vmem>>, vector<1x16xf32>,
      %get3A_862 = vector.shape_cast %get3A_861 : vector<1x16xf32> to vector<16xf32>
      %mul3A_863 = arith.mulf %get3A_862, %get3A_843 : vector<16xf32>
      %add3A_864 = arith.addf %add3A_833, %mul3A_863 : vector<16xf32>
      %get3A_865 = arith.constant 3 : i32
      %get3A_866 = arith.index_cast %get3A_865 : i32 to index
      %get3A_867 = arith.constant 384 : index
      %get3A_868 = tpu.vector_load %arg9[%get3A_866, %get3A_867] {strides = array<i32>} : memref<8x784xf32, #tpu.memory_space<vmem>>, vector<1x16xf32>,
      %get3A_869 = vector.shape_cast %get3A_868 : vector<1x16xf32> to vector<16xf32>
      %mul3A_870 = arith.mulf %get3A_869, %get3A_843 : vector<16xf32>
      %add3A_871 = arith.addf %add3A_840, %mul3A_870 : vector<16xf32>
      %get3A_872 = arith.constant 400 : index
      %get3A_873 = tpu.vector_load %arg10[%get3A_872] {strides = array<i32>} : memref<784xf32, #tpu.memory_space<vmem>>, vector<16xf32>,
      %get3A_874 = vector.shape_cast %get3A_873 : vector<16xf32> to vector<16xf32>
      %get3A_875 = arith.constant 0 : i32
      %get3A_876 = arith.index_cast %get3A_875 : i32 to index
      %get3A_877 = arith.constant 400 : index
      %get3A_878 = tpu.vector_load %arg9[%get3A_876, %get3A_877] {strides = array<i32>} : memref<8x784xf32, #tpu.memory_space<vmem>>, vector<1x16xf32>,
      %get3A_879 = vector.shape_cast %get3A_878 : vector<1x16xf32> to vector<16xf32>
      %mul3A_880 = arith.mulf %get3A_879, %get3A_874 : vector<16xf32>
      %add3A_881 = arith.addf %add3A_850, %mul3A_880 : vector<16xf32>
      %get3A_882 = arith.constant 1 : i32
      %get3A_883 = arith.index_cast %get3A_882 : i32 to index
      %get3A_884 = arith.constant 400 : index
      %get3A_885 = tpu.vector_load %arg9[%get3A_883, %get3A_884] {strides = array<i32>} : memref<8x784xf32, #tpu.memory_space<vmem>>, vector<1x16xf32>,
      %get3A_886 = vector.shape_cast %get3A_885 : vector<1x16xf32> to vector<16xf32>
      %mul3A_887 = arith.mulf %get3A_886, %get3A_874 : vector<16xf32>
      %add3A_888 = arith.addf %add3A_857, %mul3A_887 : vector<16xf32>
      %get3A_889 = arith.constant 2 : i32
      %get3A_890 = arith.index_cast %get3A_889 : i32 to index
      %get3A_891 = arith.constant 400 : index
      %get3A_892 = tpu.vector_load %arg9[%get3A_890, %get3A_891] {strides = array<i32>} : memref<8x784xf32, #tpu.memory_space<vmem>>, vector<1x16xf32>,
      %get3A_893 = vector.shape_cast %get3A_892 : vector<1x16xf32> to vector<16xf32>
      %mul3A_894 = arith.mulf %get3A_893, %get3A_874 : vector<16xf32>
      %add3A_895 = arith.addf %add3A_864, %mul3A_894 : vector<16xf32>
      %get3A_896 = arith.constant 3 : i32
      %get3A_897 = arith.index_cast %get3A_896 : i32 to index
      %get3A_898 = arith.constant 400 : index
      %get3A_899 = tpu.vector_load %arg9[%get3A_897, %get3A_898] {strides = array<i32>} : memref<8x784xf32, #tpu.memory_space<vmem>>, vector<1x16xf32>,
      %get3A_900 = vector.shape_cast %get3A_899 : vector<1x16xf32> to vector<16xf32>
      %mul3A_901 = arith.mulf %get3A_900, %get3A_874 : vector<16xf32>
      %add3A_902 = arith.addf %add3A_871, %mul3A_901 : vector<16xf32>
      %get3A_903 = arith.constant 416 : index
      %get3A_904 = tpu.vector_load %arg10[%get3A_903] {strides = array<i32>} : memref<784xf32, #tpu.memory_space<vmem>>, vector<16xf32>,
      %get3A_905 = vector.shape_cast %get3A_904 : vector<16xf32> to vector<16xf32>
      %get3A_906 = arith.constant 0 : i32
      %get3A_907 = arith.index_cast %get3A_906 : i32 to index
      %get3A_908 = arith.constant 416 : index
      %get3A_909 = tpu.vector_load %arg9[%get3A_907, %get3A_908] {strides = array<i32>} : memref<8x784xf32, #tpu.memory_space<vmem>>, vector<1x16xf32>,
      %get3A_910 = vector.shape_cast %get3A_909 : vector<1x16xf32> to vector<16xf32>
      %mul3A_911 = arith.mulf %get3A_910, %get3A_905 : vector<16xf32>
      %add3A_912 = arith.addf %add3A_881, %mul3A_911 : vector<16xf32>
      %get3A_913 = arith.constant 1 : i32
      %get3A_914 = arith.index_cast %get3A_913 : i32 to index
      %get3A_915 = arith.constant 416 : index
      %get3A_916 = tpu.vector_load %arg9[%get3A_914, %get3A_915] {strides = array<i32>} : memref<8x784xf32, #tpu.memory_space<vmem>>, vector<1x16xf32>,
      %get3A_917 = vector.shape_cast %get3A_916 : vector<1x16xf32> to vector<16xf32>
      %mul3A_918 = arith.mulf %get3A_917, %get3A_905 : vector<16xf32>
      %add3A_919 = arith.addf %add3A_888, %mul3A_918 : vector<16xf32>
      %get3A_920 = arith.constant 2 : i32
      %get3A_921 = arith.index_cast %get3A_920 : i32 to index
      %get3A_922 = arith.constant 416 : index
      %get3A_923 = tpu.vector_load %arg9[%get3A_921, %get3A_922] {strides = array<i32>} : memref<8x784xf32, #tpu.memory_space<vmem>>, vector<1x16xf32>,
      %get3A_924 = vector.shape_cast %get3A_923 : vector<1x16xf32> to vector<16xf32>
      %mul3A_925 = arith.mulf %get3A_924, %get3A_905 : vector<16xf32>
      %add3A_926 = arith.addf %add3A_895, %mul3A_925 : vector<16xf32>
      %get3A_927 = arith.constant 3 : i32
      %get3A_928 = arith.index_cast %get3A_927 : i32 to index
      %get3A_929 = arith.constant 416 : index
      %get3A_930 = tpu.vector_load %arg9[%get3A_928, %get3A_929] {strides = array<i32>} : memref<8x784xf32, #tpu.memory_space<vmem>>, vector<1x16xf32>,
      %get3A_931 = vector.shape_cast %get3A_930 : vector<1x16xf32> to vector<16xf32>
      %mul3A_932 = arith.mulf %get3A_931, %get3A_905 : vector<16xf32>
      %add3A_933 = arith.addf %add3A_902, %mul3A_932 : vector<16xf32>
      %get3A_934 = arith.constant 432 : index
      %get3A_935 = tpu.vector_load %arg10[%get3A_934] {strides = array<i32>} : memref<784xf32, #tpu.memory_space<vmem>>, vector<16xf32>,
      %get3A_936 = vector.shape_cast %get3A_935 : vector<16xf32> to vector<16xf32>
      %get3A_937 = arith.constant 0 : i32
      %get3A_938 = arith.index_cast %get3A_937 : i32 to index
      %get3A_939 = arith.constant 432 : index
      %get3A_940 = tpu.vector_load %arg9[%get3A_938, %get3A_939] {strides = array<i32>} : memref<8x784xf32, #tpu.memory_space<vmem>>, vector<1x16xf32>,
      %get3A_941 = vector.shape_cast %get3A_940 : vector<1x16xf32> to vector<16xf32>
      %mul3A_942 = arith.mulf %get3A_941, %get3A_936 : vector<16xf32>
      %add3A_943 = arith.addf %add3A_912, %mul3A_942 : vector<16xf32>
      %get3A_944 = arith.constant 1 : i32
      %get3A_945 = arith.index_cast %get3A_944 : i32 to index
      %get3A_946 = arith.constant 432 : index
      %get3A_947 = tpu.vector_load %arg9[%get3A_945, %get3A_946] {strides = array<i32>} : memref<8x784xf32, #tpu.memory_space<vmem>>, vector<1x16xf32>,
      %get3A_948 = vector.shape_cast %get3A_947 : vector<1x16xf32> to vector<16xf32>
      %mul3A_949 = arith.mulf %get3A_948, %get3A_936 : vector<16xf32>
      %add3A_950 = arith.addf %add3A_919, %mul3A_949 : vector<16xf32>
      %get3A_951 = arith.constant 2 : i32
      %get3A_952 = arith.index_cast %get3A_951 : i32 to index
      %get3A_953 = arith.constant 432 : index
      %get3A_954 = tpu.vector_load %arg9[%get3A_952, %get3A_953] {strides = array<i32>} : memref<8x784xf32, #tpu.memory_space<vmem>>, vector<1x16xf32>,
      %get3A_955 = vector.shape_cast %get3A_954 : vector<1x16xf32> to vector<16xf32>
      %mul3A_956 = arith.mulf %get3A_955, %get3A_936 : vector<16xf32>
      %add3A_957 = arith.addf %add3A_926, %mul3A_956 : vector<16xf32>
      %get3A_958 = arith.constant 3 : i32
      %get3A_959 = arith.index_cast %get3A_958 : i32 to index
      %get3A_960 = arith.constant 432 : index
      %get3A_961 = tpu.vector_load %arg9[%get3A_959, %get3A_960] {strides = array<i32>} : memref<8x784xf32, #tpu.memory_space<vmem>>, vector<1x16xf32>,
      %get3A_962 = vector.shape_cast %get3A_961 : vector<1x16xf32> to vector<16xf32>
      %mul3A_963 = arith.mulf %get3A_962, %get3A_936 : vector<16xf32>
      %add3A_964 = arith.addf %add3A_933, %mul3A_963 : vector<16xf32>
      %get3A_965 = arith.constant 448 : index
      %get3A_966 = tpu.vector_load %arg10[%get3A_965] {strides = array<i32>} : memref<784xf32, #tpu.memory_space<vmem>>, vector<16xf32>,
      %get3A_967 = vector.shape_cast %get3A_966 : vector<16xf32> to vector<16xf32>
      %get3A_968 = arith.constant 0 : i32
      %get3A_969 = arith.index_cast %get3A_968 : i32 to index
      %get3A_970 = arith.constant 448 : index
      %get3A_971 = tpu.vector_load %arg9[%get3A_969, %get3A_970] {strides = array<i32>} : memref<8x784xf32, #tpu.memory_space<vmem>>, vector<1x16xf32>,
      %get3A_972 = vector.shape_cast %get3A_971 : vector<1x16xf32> to vector<16xf32>
      %mul3A_973 = arith.mulf %get3A_972, %get3A_967 : vector<16xf32>
      %add3A_974 = arith.addf %add3A_943, %mul3A_973 : vector<16xf32>
      %get3A_975 = arith.constant 1 : i32
      %get3A_976 = arith.index_cast %get3A_975 : i32 to index
      %get3A_977 = arith.constant 448 : index
      %get3A_978 = tpu.vector_load %arg9[%get3A_976, %get3A_977] {strides = array<i32>} : memref<8x784xf32, #tpu.memory_space<vmem>>, vector<1x16xf32>,
      %get3A_979 = vector.shape_cast %get3A_978 : vector<1x16xf32> to vector<16xf32>
      %mul3A_980 = arith.mulf %get3A_979, %get3A_967 : vector<16xf32>
      %add3A_981 = arith.addf %add3A_950, %mul3A_980 : vector<16xf32>
      %get3A_982 = arith.constant 2 : i32
      %get3A_983 = arith.index_cast %get3A_982 : i32 to index
      %get3A_984 = arith.constant 448 : index
      %get3A_985 = tpu.vector_load %arg9[%get3A_983, %get3A_984] {strides = array<i32>} : memref<8x784xf32, #tpu.memory_space<vmem>>, vector<1x16xf32>,
      %get3A_986 = vector.shape_cast %get3A_985 : vector<1x16xf32> to vector<16xf32>
      %mul3A_987 = arith.mulf %get3A_986, %get3A_967 : vector<16xf32>
      %add3A_988 = arith.addf %add3A_957, %mul3A_987 : vector<16xf32>
      %get3A_989 = arith.constant 3 : i32
      %get3A_990 = arith.index_cast %get3A_989 : i32 to index
      %get3A_991 = arith.constant 448 : index
      %get3A_992 = tpu.vector_load %arg9[%get3A_990, %get3A_991] {strides = array<i32>} : memref<8x784xf32, #tpu.memory_space<vmem>>, vector<1x16xf32>,
      %get3A_993 = vector.shape_cast %get3A_992 : vector<1x16xf32> to vector<16xf32>
      %mul3A_994 = arith.mulf %get3A_993, %get3A_967 : vector<16xf32>
      %add3A_995 = arith.addf %add3A_964, %mul3A_994 : vector<16xf32>
      %get3A_996 = arith.constant 464 : index
      %get3A_997 = tpu.vector_load %arg10[%get3A_996] {strides = array<i32>} : memref<784xf32, #tpu.memory_space<vmem>>, vector<16xf32>,
      %get3A_998 = vector.shape_cast %get3A_997 : vector<16xf32> to vector<16xf32>
      %get3A_999 = arith.constant 0 : i32
      %get3A_1000 = arith.index_cast %get3A_999 : i32 to index
      %get3A_1001 = arith.constant 464 : index
      %get3A_1002 = tpu.vector_load %arg9[%get3A_1000, %get3A_1001] {strides = array<i32>} : memref<8x784xf32, #tpu.memory_space<vmem>>, vector<1x16xf32>,
      %get3A_1003 = vector.shape_cast %get3A_1002 : vector<1x16xf32> to vector<16xf32>
      %mul3A_1004 = arith.mulf %get3A_1003, %get3A_998 : vector<16xf32>
      %add3A_1005 = arith.addf %add3A_974, %mul3A_1004 : vector<16xf32>
      %get3A_1006 = arith.constant 1 : i32
      %get3A_1007 = arith.index_cast %get3A_1006 : i32 to index
      %get3A_1008 = arith.constant 464 : index
      %get3A_1009 = tpu.vector_load %arg9[%get3A_1007, %get3A_1008] {strides = array<i32>} : memref<8x784xf32, #tpu.memory_space<vmem>>, vector<1x16xf32>,
      %get3A_1010 = vector.shape_cast %get3A_1009 : vector<1x16xf32> to vector<16xf32>
      %mul3A_1011 = arith.mulf %get3A_1010, %get3A_998 : vector<16xf32>
      %add3A_1012 = arith.addf %add3A_981, %mul3A_1011 : vector<16xf32>
      %get3A_1013 = arith.constant 2 : i32
      %get3A_1014 = arith.index_cast %get3A_1013 : i32 to index
      %get3A_1015 = arith.constant 464 : index
      %get3A_1016 = tpu.vector_load %arg9[%get3A_1014, %get3A_1015] {strides = array<i32>} : memref<8x784xf32, #tpu.memory_space<vmem>>, vector<1x16xf32>,
      %get3A_1017 = vector.shape_cast %get3A_1016 : vector<1x16xf32> to vector<16xf32>
      %mul3A_1018 = arith.mulf %get3A_1017, %get3A_998 : vector<16xf32>
      %add3A_1019 = arith.addf %add3A_988, %mul3A_1018 : vector<16xf32>
      %get3A_1020 = arith.constant 3 : i32
      %get3A_1021 = arith.index_cast %get3A_1020 : i32 to index
      %get3A_1022 = arith.constant 464 : index
      %get3A_1023 = tpu.vector_load %arg9[%get3A_1021, %get3A_1022] {strides = array<i32>} : memref<8x784xf32, #tpu.memory_space<vmem>>, vector<1x16xf32>,
      %get3A_1024 = vector.shape_cast %get3A_1023 : vector<1x16xf32> to vector<16xf32>
      %mul3A_1025 = arith.mulf %get3A_1024, %get3A_998 : vector<16xf32>
      %add3A_1026 = arith.addf %add3A_995, %mul3A_1025 : vector<16xf32>
      %get3A_1027 = arith.constant 480 : index
      %get3A_1028 = tpu.vector_load %arg10[%get3A_1027] {strides = array<i32>} : memref<784xf32, #tpu.memory_space<vmem>>, vector<16xf32>,
      %get3A_1029 = vector.shape_cast %get3A_1028 : vector<16xf32> to vector<16xf32>
      %get3A_1030 = arith.constant 0 : i32
      %get3A_1031 = arith.index_cast %get3A_1030 : i32 to index
      %get3A_1032 = arith.constant 480 : index
      %get3A_1033 = tpu.vector_load %arg9[%get3A_1031, %get3A_1032] {strides = array<i32>} : memref<8x784xf32, #tpu.memory_space<vmem>>, vector<1x16xf32>,
      %get3A_1034 = vector.shape_cast %get3A_1033 : vector<1x16xf32> to vector<16xf32>
      %mul3A_1035 = arith.mulf %get3A_1034, %get3A_1029 : vector<16xf32>
      %add3A_1036 = arith.addf %add3A_1005, %mul3A_1035 : vector<16xf32>
      %get3A_1037 = arith.constant 1 : i32
      %get3A_1038 = arith.index_cast %get3A_1037 : i32 to index
      %get3A_1039 = arith.constant 480 : index
      %get3A_1040 = tpu.vector_load %arg9[%get3A_1038, %get3A_1039] {strides = array<i32>} : memref<8x784xf32, #tpu.memory_space<vmem>>, vector<1x16xf32>,
      %get3A_1041 = vector.shape_cast %get3A_1040 : vector<1x16xf32> to vector<16xf32>
      %mul3A_1042 = arith.mulf %get3A_1041, %get3A_1029 : vector<16xf32>
      %add3A_1043 = arith.addf %add3A_1012, %mul3A_1042 : vector<16xf32>
      %get3A_1044 = arith.constant 2 : i32
      %get3A_1045 = arith.index_cast %get3A_1044 : i32 to index
      %get3A_1046 = arith.constant 480 : index
      %get3A_1047 = tpu.vector_load %arg9[%get3A_1045, %get3A_1046] {strides = array<i32>} : memref<8x784xf32, #tpu.memory_space<vmem>>, vector<1x16xf32>,
      %get3A_1048 = vector.shape_cast %get3A_1047 : vector<1x16xf32> to vector<16xf32>
      %mul3A_1049 = arith.mulf %get3A_1048, %get3A_1029 : vector<16xf32>
      %add3A_1050 = arith.addf %add3A_1019, %mul3A_1049 : vector<16xf32>
      %get3A_1051 = arith.constant 3 : i32
      %get3A_1052 = arith.index_cast %get3A_1051 : i32 to index
      %get3A_1053 = arith.constant 480 : index
      %get3A_1054 = tpu.vector_load %arg9[%get3A_1052, %get3A_1053] {strides = array<i32>} : memref<8x784xf32, #tpu.memory_space<vmem>>, vector<1x16xf32>,
      %get3A_1055 = vector.shape_cast %get3A_1054 : vector<1x16xf32> to vector<16xf32>
      %mul3A_1056 = arith.mulf %get3A_1055, %get3A_1029 : vector<16xf32>
      %add3A_1057 = arith.addf %add3A_1026, %mul3A_1056 : vector<16xf32>
      %get3A_1058 = arith.constant 496 : index
      %get3A_1059 = tpu.vector_load %arg10[%get3A_1058] {strides = array<i32>} : memref<784xf32, #tpu.memory_space<vmem>>, vector<16xf32>,
      %get3A_1060 = vector.shape_cast %get3A_1059 : vector<16xf32> to vector<16xf32>
      %get3A_1061 = arith.constant 0 : i32
      %get3A_1062 = arith.index_cast %get3A_1061 : i32 to index
      %get3A_1063 = arith.constant 496 : index
      %get3A_1064 = tpu.vector_load %arg9[%get3A_1062, %get3A_1063] {strides = array<i32>} : memref<8x784xf32, #tpu.memory_space<vmem>>, vector<1x16xf32>,
      %get3A_1065 = vector.shape_cast %get3A_1064 : vector<1x16xf32> to vector<16xf32>
      %mul3A_1066 = arith.mulf %get3A_1065, %get3A_1060 : vector<16xf32>
      %add3A_1067 = arith.addf %add3A_1036, %mul3A_1066 : vector<16xf32>
      %get3A_1068 = arith.constant 1 : i32
      %get3A_1069 = arith.index_cast %get3A_1068 : i32 to index
      %get3A_1070 = arith.constant 496 : index
      %get3A_1071 = tpu.vector_load %arg9[%get3A_1069, %get3A_1070] {strides = array<i32>} : memref<8x784xf32, #tpu.memory_space<vmem>>, vector<1x16xf32>,
      %get3A_1072 = vector.shape_cast %get3A_1071 : vector<1x16xf32> to vector<16xf32>
      %mul3A_1073 = arith.mulf %get3A_1072, %get3A_1060 : vector<16xf32>
      %add3A_1074 = arith.addf %add3A_1043, %mul3A_1073 : vector<16xf32>
      %get3A_1075 = arith.constant 2 : i32
      %get3A_1076 = arith.index_cast %get3A_1075 : i32 to index
      %get3A_1077 = arith.constant 496 : index
      %get3A_1078 = tpu.vector_load %arg9[%get3A_1076, %get3A_1077] {strides = array<i32>} : memref<8x784xf32, #tpu.memory_space<vmem>>, vector<1x16xf32>,
      %get3A_1079 = vector.shape_cast %get3A_1078 : vector<1x16xf32> to vector<16xf32>
      %mul3A_1080 = arith.mulf %get3A_1079, %get3A_1060 : vector<16xf32>
      %add3A_1081 = arith.addf %add3A_1050, %mul3A_1080 : vector<16xf32>
      %get3A_1082 = arith.constant 3 : i32
      %get3A_1083 = arith.index_cast %get3A_1082 : i32 to index
      %get3A_1084 = arith.constant 496 : index
      %get3A_1085 = tpu.vector_load %arg9[%get3A_1083, %get3A_1084] {strides = array<i32>} : memref<8x784xf32, #tpu.memory_space<vmem>>, vector<1x16xf32>,
      %get3A_1086 = vector.shape_cast %get3A_1085 : vector<1x16xf32> to vector<16xf32>
      %mul3A_1087 = arith.mulf %get3A_1086, %get3A_1060 : vector<16xf32>
      %add3A_1088 = arith.addf %add3A_1057, %mul3A_1087 : vector<16xf32>
      %get3A_1089 = arith.constant 512 : index
      %get3A_1090 = tpu.vector_load %arg10[%get3A_1089] {strides = array<i32>} : memref<784xf32, #tpu.memory_space<vmem>>, vector<16xf32>,
      %get3A_1091 = vector.shape_cast %get3A_1090 : vector<16xf32> to vector<16xf32>
      %get3A_1092 = arith.constant 0 : i32
      %get3A_1093 = arith.index_cast %get3A_1092 : i32 to index
      %get3A_1094 = arith.constant 512 : index
      %get3A_1095 = tpu.vector_load %arg9[%get3A_1093, %get3A_1094] {strides = array<i32>} : memref<8x784xf32, #tpu.memory_space<vmem>>, vector<1x16xf32>,
      %get3A_1096 = vector.shape_cast %get3A_1095 : vector<1x16xf32> to vector<16xf32>
      %mul3A_1097 = arith.mulf %get3A_1096, %get3A_1091 : vector<16xf32>
      %add3A_1098 = arith.addf %add3A_1067, %mul3A_1097 : vector<16xf32>
      %get3A_1099 = arith.constant 1 : i32
      %get3A_1100 = arith.index_cast %get3A_1099 : i32 to index
      %get3A_1101 = arith.constant 512 : index
      %get3A_1102 = tpu.vector_load %arg9[%get3A_1100, %get3A_1101] {strides = array<i32>} : memref<8x784xf32, #tpu.memory_space<vmem>>, vector<1x16xf32>,
      %get3A_1103 = vector.shape_cast %get3A_1102 : vector<1x16xf32> to vector<16xf32>
      %mul3A_1104 = arith.mulf %get3A_1103, %get3A_1091 : vector<16xf32>
      %add3A_1105 = arith.addf %add3A_1074, %mul3A_1104 : vector<16xf32>
      %get3A_1106 = arith.constant 2 : i32
      %get3A_1107 = arith.index_cast %get3A_1106 : i32 to index
      %get3A_1108 = arith.constant 512 : index
      %get3A_1109 = tpu.vector_load %arg9[%get3A_1107, %get3A_1108] {strides = array<i32>} : memref<8x784xf32, #tpu.memory_space<vmem>>, vector<1x16xf32>,
      %get3A_1110 = vector.shape_cast %get3A_1109 : vector<1x16xf32> to vector<16xf32>
      %mul3A_1111 = arith.mulf %get3A_1110, %get3A_1091 : vector<16xf32>
      %add3A_1112 = arith.addf %add3A_1081, %mul3A_1111 : vector<16xf32>
      %get3A_1113 = arith.constant 3 : i32
      %get3A_1114 = arith.index_cast %get3A_1113 : i32 to index
      %get3A_1115 = arith.constant 512 : index
      %get3A_1116 = tpu.vector_load %arg9[%get3A_1114, %get3A_1115] {strides = array<i32>} : memref<8x784xf32, #tpu.memory_space<vmem>>, vector<1x16xf32>,
      %get3A_1117 = vector.shape_cast %get3A_1116 : vector<1x16xf32> to vector<16xf32>
      %mul3A_1118 = arith.mulf %get3A_1117, %get3A_1091 : vector<16xf32>
      %add3A_1119 = arith.addf %add3A_1088, %mul3A_1118 : vector<16xf32>
      %get3A_1120 = arith.constant 528 : index
      %get3A_1121 = tpu.vector_load %arg10[%get3A_1120] {strides = array<i32>} : memref<784xf32, #tpu.memory_space<vmem>>, vector<16xf32>,
      %get3A_1122 = vector.shape_cast %get3A_1121 : vector<16xf32> to vector<16xf32>
      %get3A_1123 = arith.constant 0 : i32
      %get3A_1124 = arith.index_cast %get3A_1123 : i32 to index
      %get3A_1125 = arith.constant 528 : index
      %get3A_1126 = tpu.vector_load %arg9[%get3A_1124, %get3A_1125] {strides = array<i32>} : memref<8x784xf32, #tpu.memory_space<vmem>>, vector<1x16xf32>,
      %get3A_1127 = vector.shape_cast %get3A_1126 : vector<1x16xf32> to vector<16xf32>
      %mul3A_1128 = arith.mulf %get3A_1127, %get3A_1122 : vector<16xf32>
      %add3A_1129 = arith.addf %add3A_1098, %mul3A_1128 : vector<16xf32>
      %get3A_1130 = arith.constant 1 : i32
      %get3A_1131 = arith.index_cast %get3A_1130 : i32 to index
      %get3A_1132 = arith.constant 528 : index
      %get3A_1133 = tpu.vector_load %arg9[%get3A_1131, %get3A_1132] {strides = array<i32>} : memref<8x784xf32, #tpu.memory_space<vmem>>, vector<1x16xf32>,
      %get3A_1134 = vector.shape_cast %get3A_1133 : vector<1x16xf32> to vector<16xf32>
      %mul3A_1135 = arith.mulf %get3A_1134, %get3A_1122 : vector<16xf32>
      %add3A_1136 = arith.addf %add3A_1105, %mul3A_1135 : vector<16xf32>
      %get3A_1137 = arith.constant 2 : i32
      %get3A_1138 = arith.index_cast %get3A_1137 : i32 to index
      %get3A_1139 = arith.constant 528 : index
      %get3A_1140 = tpu.vector_load %arg9[%get3A_1138, %get3A_1139] {strides = array<i32>} : memref<8x784xf32, #tpu.memory_space<vmem>>, vector<1x16xf32>,
      %get3A_1141 = vector.shape_cast %get3A_1140 : vector<1x16xf32> to vector<16xf32>
      %mul3A_1142 = arith.mulf %get3A_1141, %get3A_1122 : vector<16xf32>
      %add3A_1143 = arith.addf %add3A_1112, %mul3A_1142 : vector<16xf32>
      %get3A_1144 = arith.constant 3 : i32
      %get3A_1145 = arith.index_cast %get3A_1144 : i32 to index
      %get3A_1146 = arith.constant 528 : index
      %get3A_1147 = tpu.vector_load %arg9[%get3A_1145, %get3A_1146] {strides = array<i32>} : memref<8x784xf32, #tpu.memory_space<vmem>>, vector<1x16xf32>,
      %get3A_1148 = vector.shape_cast %get3A_1147 : vector<1x16xf32> to vector<16xf32>
      %mul3A_1149 = arith.mulf %get3A_1148, %get3A_1122 : vector<16xf32>
      %add3A_1150 = arith.addf %add3A_1119, %mul3A_1149 : vector<16xf32>
      %get3A_1151 = arith.constant 544 : index
      %get3A_1152 = tpu.vector_load %arg10[%get3A_1151] {strides = array<i32>} : memref<784xf32, #tpu.memory_space<vmem>>, vector<16xf32>,
      %get3A_1153 = vector.shape_cast %get3A_1152 : vector<16xf32> to vector<16xf32>
      %get3A_1154 = arith.constant 0 : i32
      %get3A_1155 = arith.index_cast %get3A_1154 : i32 to index
      %get3A_1156 = arith.constant 544 : index
      %get3A_1157 = tpu.vector_load %arg9[%get3A_1155, %get3A_1156] {strides = array<i32>} : memref<8x784xf32, #tpu.memory_space<vmem>>, vector<1x16xf32>,
      %get3A_1158 = vector.shape_cast %get3A_1157 : vector<1x16xf32> to vector<16xf32>
      %mul3A_1159 = arith.mulf %get3A_1158, %get3A_1153 : vector<16xf32>
      %add3A_1160 = arith.addf %add3A_1129, %mul3A_1159 : vector<16xf32>
      %get3A_1161 = arith.constant 1 : i32
      %get3A_1162 = arith.index_cast %get3A_1161 : i32 to index
      %get3A_1163 = arith.constant 544 : index
      %get3A_1164 = tpu.vector_load %arg9[%get3A_1162, %get3A_1163] {strides = array<i32>} : memref<8x784xf32, #tpu.memory_space<vmem>>, vector<1x16xf32>,
      %get3A_1165 = vector.shape_cast %get3A_1164 : vector<1x16xf32> to vector<16xf32>
      %mul3A_1166 = arith.mulf %get3A_1165, %get3A_1153 : vector<16xf32>
      %add3A_1167 = arith.addf %add3A_1136, %mul3A_1166 : vector<16xf32>
      %get3A_1168 = arith.constant 2 : i32
      %get3A_1169 = arith.index_cast %get3A_1168 : i32 to index
      %get3A_1170 = arith.constant 544 : index
      %get3A_1171 = tpu.vector_load %arg9[%get3A_1169, %get3A_1170] {strides = array<i32>} : memref<8x784xf32, #tpu.memory_space<vmem>>, vector<1x16xf32>,
      %get3A_1172 = vector.shape_cast %get3A_1171 : vector<1x16xf32> to vector<16xf32>
      %mul3A_1173 = arith.mulf %get3A_1172, %get3A_1153 : vector<16xf32>
      %add3A_1174 = arith.addf %add3A_1143, %mul3A_1173 : vector<16xf32>
      %get3A_1175 = arith.constant 3 : i32
      %get3A_1176 = arith.index_cast %get3A_1175 : i32 to index
      %get3A_1177 = arith.constant 544 : index
      %get3A_1178 = tpu.vector_load %arg9[%get3A_1176, %get3A_1177] {strides = array<i32>} : memref<8x784xf32, #tpu.memory_space<vmem>>, vector<1x16xf32>,
      %get3A_1179 = vector.shape_cast %get3A_1178 : vector<1x16xf32> to vector<16xf32>
      %mul3A_1180 = arith.mulf %get3A_1179, %get3A_1153 : vector<16xf32>
      %add3A_1181 = arith.addf %add3A_1150, %mul3A_1180 : vector<16xf32>
      %get3A_1182 = arith.constant 560 : index
      %get3A_1183 = tpu.vector_load %arg10[%get3A_1182] {strides = array<i32>} : memref<784xf32, #tpu.memory_space<vmem>>, vector<16xf32>,
      %get3A_1184 = vector.shape_cast %get3A_1183 : vector<16xf32> to vector<16xf32>
      %get3A_1185 = arith.constant 0 : i32
      %get3A_1186 = arith.index_cast %get3A_1185 : i32 to index
      %get3A_1187 = arith.constant 560 : index
      %get3A_1188 = tpu.vector_load %arg9[%get3A_1186, %get3A_1187] {strides = array<i32>} : memref<8x784xf32, #tpu.memory_space<vmem>>, vector<1x16xf32>,
      %get3A_1189 = vector.shape_cast %get3A_1188 : vector<1x16xf32> to vector<16xf32>
      %mul3A_1190 = arith.mulf %get3A_1189, %get3A_1184 : vector<16xf32>
      %add3A_1191 = arith.addf %add3A_1160, %mul3A_1190 : vector<16xf32>
      %get3A_1192 = arith.constant 1 : i32
      %get3A_1193 = arith.index_cast %get3A_1192 : i32 to index
      %get3A_1194 = arith.constant 560 : index
      %get3A_1195 = tpu.vector_load %arg9[%get3A_1193, %get3A_1194] {strides = array<i32>} : memref<8x784xf32, #tpu.memory_space<vmem>>, vector<1x16xf32>,
      %get3A_1196 = vector.shape_cast %get3A_1195 : vector<1x16xf32> to vector<16xf32>
      %mul3A_1197 = arith.mulf %get3A_1196, %get3A_1184 : vector<16xf32>
      %add3A_1198 = arith.addf %add3A_1167, %mul3A_1197 : vector<16xf32>
      %get3A_1199 = arith.constant 2 : i32
      %get3A_1200 = arith.index_cast %get3A_1199 : i32 to index
      %get3A_1201 = arith.constant 560 : index
      %get3A_1202 = tpu.vector_load %arg9[%get3A_1200, %get3A_1201] {strides = array<i32>} : memref<8x784xf32, #tpu.memory_space<vmem>>, vector<1x16xf32>,
      %get3A_1203 = vector.shape_cast %get3A_1202 : vector<1x16xf32> to vector<16xf32>
      %mul3A_1204 = arith.mulf %get3A_1203, %get3A_1184 : vector<16xf32>
      %add3A_1205 = arith.addf %add3A_1174, %mul3A_1204 : vector<16xf32>
      %get3A_1206 = arith.constant 3 : i32
      %get3A_1207 = arith.index_cast %get3A_1206 : i32 to index
      %get3A_1208 = arith.constant 560 : index
      %get3A_1209 = tpu.vector_load %arg9[%get3A_1207, %get3A_1208] {strides = array<i32>} : memref<8x784xf32, #tpu.memory_space<vmem>>, vector<1x16xf32>,
      %get3A_1210 = vector.shape_cast %get3A_1209 : vector<1x16xf32> to vector<16xf32>
      %mul3A_1211 = arith.mulf %get3A_1210, %get3A_1184 : vector<16xf32>
      %add3A_1212 = arith.addf %add3A_1181, %mul3A_1211 : vector<16xf32>
      %get3A_1213 = arith.constant 576 : index
      %get3A_1214 = tpu.vector_load %arg10[%get3A_1213] {strides = array<i32>} : memref<784xf32, #tpu.memory_space<vmem>>, vector<16xf32>,
      %get3A_1215 = vector.shape_cast %get3A_1214 : vector<16xf32> to vector<16xf32>
      %get3A_1216 = arith.constant 0 : i32
      %get3A_1217 = arith.index_cast %get3A_1216 : i32 to index
      %get3A_1218 = arith.constant 576 : index
      %get3A_1219 = tpu.vector_load %arg9[%get3A_1217, %get3A_1218] {strides = array<i32>} : memref<8x784xf32, #tpu.memory_space<vmem>>, vector<1x16xf32>,
      %get3A_1220 = vector.shape_cast %get3A_1219 : vector<1x16xf32> to vector<16xf32>
      %mul3A_1221 = arith.mulf %get3A_1220, %get3A_1215 : vector<16xf32>
      %add3A_1222 = arith.addf %add3A_1191, %mul3A_1221 : vector<16xf32>
      %get3A_1223 = arith.constant 1 : i32
      %get3A_1224 = arith.index_cast %get3A_1223 : i32 to index
      %get3A_1225 = arith.constant 576 : index
      %get3A_1226 = tpu.vector_load %arg9[%get3A_1224, %get3A_1225] {strides = array<i32>} : memref<8x784xf32, #tpu.memory_space<vmem>>, vector<1x16xf32>,
      %get3A_1227 = vector.shape_cast %get3A_1226 : vector<1x16xf32> to vector<16xf32>
      %mul3A_1228 = arith.mulf %get3A_1227, %get3A_1215 : vector<16xf32>
      %add3A_1229 = arith.addf %add3A_1198, %mul3A_1228 : vector<16xf32>
      %get3A_1230 = arith.constant 2 : i32
      %get3A_1231 = arith.index_cast %get3A_1230 : i32 to index
      %get3A_1232 = arith.constant 576 : index
      %get3A_1233 = tpu.vector_load %arg9[%get3A_1231, %get3A_1232] {strides = array<i32>} : memref<8x784xf32, #tpu.memory_space<vmem>>, vector<1x16xf32>,
      %get3A_1234 = vector.shape_cast %get3A_1233 : vector<1x16xf32> to vector<16xf32>
      %mul3A_1235 = arith.mulf %get3A_1234, %get3A_1215 : vector<16xf32>
      %add3A_1236 = arith.addf %add3A_1205, %mul3A_1235 : vector<16xf32>
      %get3A_1237 = arith.constant 3 : i32
      %get3A_1238 = arith.index_cast %get3A_1237 : i32 to index
      %get3A_1239 = arith.constant 576 : index
      %get3A_1240 = tpu.vector_load %arg9[%get3A_1238, %get3A_1239] {strides = array<i32>} : memref<8x784xf32, #tpu.memory_space<vmem>>, vector<1x16xf32>,
      %get3A_1241 = vector.shape_cast %get3A_1240 : vector<1x16xf32> to vector<16xf32>
      %mul3A_1242 = arith.mulf %get3A_1241, %get3A_1215 : vector<16xf32>
      %add3A_1243 = arith.addf %add3A_1212, %mul3A_1242 : vector<16xf32>
      %get3A_1244 = arith.constant 592 : index
      %get3A_1245 = tpu.vector_load %arg10[%get3A_1244] {strides = array<i32>} : memref<784xf32, #tpu.memory_space<vmem>>, vector<16xf32>,
      %get3A_1246 = vector.shape_cast %get3A_1245 : vector<16xf32> to vector<16xf32>
      %get3A_1247 = arith.constant 0 : i32
      %get3A_1248 = arith.index_cast %get3A_1247 : i32 to index
      %get3A_1249 = arith.constant 592 : index
      %get3A_1250 = tpu.vector_load %arg9[%get3A_1248, %get3A_1249] {strides = array<i32>} : memref<8x784xf32, #tpu.memory_space<vmem>>, vector<1x16xf32>,
      %get3A_1251 = vector.shape_cast %get3A_1250 : vector<1x16xf32> to vector<16xf32>
      %mul3A_1252 = arith.mulf %get3A_1251, %get3A_1246 : vector<16xf32>
      %add3A_1253 = arith.addf %add3A_1222, %mul3A_1252 : vector<16xf32>
      %get3A_1254 = arith.constant 1 : i32
      %get3A_1255 = arith.index_cast %get3A_1254 : i32 to index
      %get3A_1256 = arith.constant 592 : index
      %get3A_1257 = tpu.vector_load %arg9[%get3A_1255, %get3A_1256] {strides = array<i32>} : memref<8x784xf32, #tpu.memory_space<vmem>>, vector<1x16xf32>,
      %get3A_1258 = vector.shape_cast %get3A_1257 : vector<1x16xf32> to vector<16xf32>
      %mul3A_1259 = arith.mulf %get3A_1258, %get3A_1246 : vector<16xf32>
      %add3A_1260 = arith.addf %add3A_1229, %mul3A_1259 : vector<16xf32>
      %get3A_1261 = arith.constant 2 : i32
      %get3A_1262 = arith.index_cast %get3A_1261 : i32 to index
      %get3A_1263 = arith.constant 592 : index
      %get3A_1264 = tpu.vector_load %arg9[%get3A_1262, %get3A_1263] {strides = array<i32>} : memref<8x784xf32, #tpu.memory_space<vmem>>, vector<1x16xf32>,
      %get3A_1265 = vector.shape_cast %get3A_1264 : vector<1x16xf32> to vector<16xf32>
      %mul3A_1266 = arith.mulf %get3A_1265, %get3A_1246 : vector<16xf32>
      %add3A_1267 = arith.addf %add3A_1236, %mul3A_1266 : vector<16xf32>
      %get3A_1268 = arith.constant 3 : i32
      %get3A_1269 = arith.index_cast %get3A_1268 : i32 to index
      %get3A_1270 = arith.constant 592 : index
      %get3A_1271 = tpu.vector_load %arg9[%get3A_1269, %get3A_1270] {strides = array<i32>} : memref<8x784xf32, #tpu.memory_space<vmem>>, vector<1x16xf32>,
      %get3A_1272 = vector.shape_cast %get3A_1271 : vector<1x16xf32> to vector<16xf32>
      %mul3A_1273 = arith.mulf %get3A_1272, %get3A_1246 : vector<16xf32>
      %add3A_1274 = arith.addf %add3A_1243, %mul3A_1273 : vector<16xf32>
      %get3A_1275 = arith.constant 608 : index
      %get3A_1276 = tpu.vector_load %arg10[%get3A_1275] {strides = array<i32>} : memref<784xf32, #tpu.memory_space<vmem>>, vector<16xf32>,
      %get3A_1277 = vector.shape_cast %get3A_1276 : vector<16xf32> to vector<16xf32>
      %get3A_1278 = arith.constant 0 : i32
      %get3A_1279 = arith.index_cast %get3A_1278 : i32 to index
      %get3A_1280 = arith.constant 608 : index
      %get3A_1281 = tpu.vector_load %arg9[%get3A_1279, %get3A_1280] {strides = array<i32>} : memref<8x784xf32, #tpu.memory_space<vmem>>, vector<1x16xf32>,
      %get3A_1282 = vector.shape_cast %get3A_1281 : vector<1x16xf32> to vector<16xf32>
      %mul3A_1283 = arith.mulf %get3A_1282, %get3A_1277 : vector<16xf32>
      %add3A_1284 = arith.addf %add3A_1253, %mul3A_1283 : vector<16xf32>
      %get3A_1285 = arith.constant 1 : i32
      %get3A_1286 = arith.index_cast %get3A_1285 : i32 to index
      %get3A_1287 = arith.constant 608 : index
      %get3A_1288 = tpu.vector_load %arg9[%get3A_1286, %get3A_1287] {strides = array<i32>} : memref<8x784xf32, #tpu.memory_space<vmem>>, vector<1x16xf32>,
      %get3A_1289 = vector.shape_cast %get3A_1288 : vector<1x16xf32> to vector<16xf32>
      %mul3A_1290 = arith.mulf %get3A_1289, %get3A_1277 : vector<16xf32>
      %add3A_1291 = arith.addf %add3A_1260, %mul3A_1290 : vector<16xf32>
      %get3A_1292 = arith.constant 2 : i32
      %get3A_1293 = arith.index_cast %get3A_1292 : i32 to index
      %get3A_1294 = arith.constant 608 : index
      %get3A_1295 = tpu.vector_load %arg9[%get3A_1293, %get3A_1294] {strides = array<i32>} : memref<8x784xf32, #tpu.memory_space<vmem>>, vector<1x16xf32>,
      %get3A_1296 = vector.shape_cast %get3A_1295 : vector<1x16xf32> to vector<16xf32>
      %mul3A_1297 = arith.mulf %get3A_1296, %get3A_1277 : vector<16xf32>
      %add3A_1298 = arith.addf %add3A_1267, %mul3A_1297 : vector<16xf32>
      %get3A_1299 = arith.constant 3 : i32
      %get3A_1300 = arith.index_cast %get3A_1299 : i32 to index
      %get3A_1301 = arith.constant 608 : index
      %get3A_1302 = tpu.vector_load %arg9[%get3A_1300, %get3A_1301] {strides = array<i32>} : memref<8x784xf32, #tpu.memory_space<vmem>>, vector<1x16xf32>,
      %get3A_1303 = vector.shape_cast %get3A_1302 : vector<1x16xf32> to vector<16xf32>
      %mul3A_1304 = arith.mulf %get3A_1303, %get3A_1277 : vector<16xf32>
      %add3A_1305 = arith.addf %add3A_1274, %mul3A_1304 : vector<16xf32>
      %get3A_1306 = arith.constant 624 : index
      %get3A_1307 = tpu.vector_load %arg10[%get3A_1306] {strides = array<i32>} : memref<784xf32, #tpu.memory_space<vmem>>, vector<16xf32>,
      %get3A_1308 = vector.shape_cast %get3A_1307 : vector<16xf32> to vector<16xf32>
      %get3A_1309 = arith.constant 0 : i32
      %get3A_1310 = arith.index_cast %get3A_1309 : i32 to index
      %get3A_1311 = arith.constant 624 : index
      %get3A_1312 = tpu.vector_load %arg9[%get3A_1310, %get3A_1311] {strides = array<i32>} : memref<8x784xf32, #tpu.memory_space<vmem>>, vector<1x16xf32>,
      %get3A_1313 = vector.shape_cast %get3A_1312 : vector<1x16xf32> to vector<16xf32>
      %mul3A_1314 = arith.mulf %get3A_1313, %get3A_1308 : vector<16xf32>
      %add3A_1315 = arith.addf %add3A_1284, %mul3A_1314 : vector<16xf32>
      %get3A_1316 = arith.constant 1 : i32
      %get3A_1317 = arith.index_cast %get3A_1316 : i32 to index
      %get3A_1318 = arith.constant 624 : index
      %get3A_1319 = tpu.vector_load %arg9[%get3A_1317, %get3A_1318] {strides = array<i32>} : memref<8x784xf32, #tpu.memory_space<vmem>>, vector<1x16xf32>,
      %get3A_1320 = vector.shape_cast %get3A_1319 : vector<1x16xf32> to vector<16xf32>
      %mul3A_1321 = arith.mulf %get3A_1320, %get3A_1308 : vector<16xf32>
      %add3A_1322 = arith.addf %add3A_1291, %mul3A_1321 : vector<16xf32>
      %get3A_1323 = arith.constant 2 : i32
      %get3A_1324 = arith.index_cast %get3A_1323 : i32 to index
      %get3A_1325 = arith.constant 624 : index
      %get3A_1326 = tpu.vector_load %arg9[%get3A_1324, %get3A_1325] {strides = array<i32>} : memref<8x784xf32, #tpu.memory_space<vmem>>, vector<1x16xf32>,
      %get3A_1327 = vector.shape_cast %get3A_1326 : vector<1x16xf32> to vector<16xf32>
      %mul3A_1328 = arith.mulf %get3A_1327, %get3A_1308 : vector<16xf32>
      %add3A_1329 = arith.addf %add3A_1298, %mul3A_1328 : vector<16xf32>
      %get3A_1330 = arith.constant 3 : i32
      %get3A_1331 = arith.index_cast %get3A_1330 : i32 to index
      %get3A_1332 = arith.constant 624 : index
      %get3A_1333 = tpu.vector_load %arg9[%get3A_1331, %get3A_1332] {strides = array<i32>} : memref<8x784xf32, #tpu.memory_space<vmem>>, vector<1x16xf32>,
      %get3A_1334 = vector.shape_cast %get3A_1333 : vector<1x16xf32> to vector<16xf32>
      %mul3A_1335 = arith.mulf %get3A_1334, %get3A_1308 : vector<16xf32>
      %add3A_1336 = arith.addf %add3A_1305, %mul3A_1335 : vector<16xf32>
      %get3A_1337 = arith.constant 640 : index
      %get3A_1338 = tpu.vector_load %arg10[%get3A_1337] {strides = array<i32>} : memref<784xf32, #tpu.memory_space<vmem>>, vector<16xf32>,
      %get3A_1339 = vector.shape_cast %get3A_1338 : vector<16xf32> to vector<16xf32>
      %get3A_1340 = arith.constant 0 : i32
      %get3A_1341 = arith.index_cast %get3A_1340 : i32 to index
      %get3A_1342 = arith.constant 640 : index
      %get3A_1343 = tpu.vector_load %arg9[%get3A_1341, %get3A_1342] {strides = array<i32>} : memref<8x784xf32, #tpu.memory_space<vmem>>, vector<1x16xf32>,
      %get3A_1344 = vector.shape_cast %get3A_1343 : vector<1x16xf32> to vector<16xf32>
      %mul3A_1345 = arith.mulf %get3A_1344, %get3A_1339 : vector<16xf32>
      %add3A_1346 = arith.addf %add3A_1315, %mul3A_1345 : vector<16xf32>
      %get3A_1347 = arith.constant 1 : i32
      %get3A_1348 = arith.index_cast %get3A_1347 : i32 to index
      %get3A_1349 = arith.constant 640 : index
      %get3A_1350 = tpu.vector_load %arg9[%get3A_1348, %get3A_1349] {strides = array<i32>} : memref<8x784xf32, #tpu.memory_space<vmem>>, vector<1x16xf32>,
      %get3A_1351 = vector.shape_cast %get3A_1350 : vector<1x16xf32> to vector<16xf32>
      %mul3A_1352 = arith.mulf %get3A_1351, %get3A_1339 : vector<16xf32>
      %add3A_1353 = arith.addf %add3A_1322, %mul3A_1352 : vector<16xf32>
      %get3A_1354 = arith.constant 2 : i32
      %get3A_1355 = arith.index_cast %get3A_1354 : i32 to index
      %get3A_1356 = arith.constant 640 : index
      %get3A_1357 = tpu.vector_load %arg9[%get3A_1355, %get3A_1356] {strides = array<i32>} : memref<8x784xf32, #tpu.memory_space<vmem>>, vector<1x16xf32>,
      %get3A_1358 = vector.shape_cast %get3A_1357 : vector<1x16xf32> to vector<16xf32>
      %mul3A_1359 = arith.mulf %get3A_1358, %get3A_1339 : vector<16xf32>
      %add3A_1360 = arith.addf %add3A_1329, %mul3A_1359 : vector<16xf32>
      %get3A_1361 = arith.constant 3 : i32
      %get3A_1362 = arith.index_cast %get3A_1361 : i32 to index
      %get3A_1363 = arith.constant 640 : index
      %get3A_1364 = tpu.vector_load %arg9[%get3A_1362, %get3A_1363] {strides = array<i32>} : memref<8x784xf32, #tpu.memory_space<vmem>>, vector<1x16xf32>,
      %get3A_1365 = vector.shape_cast %get3A_1364 : vector<1x16xf32> to vector<16xf32>
      %mul3A_1366 = arith.mulf %get3A_1365, %get3A_1339 : vector<16xf32>
      %add3A_1367 = arith.addf %add3A_1336, %mul3A_1366 : vector<16xf32>
      %get3A_1368 = arith.constant 656 : index
      %get3A_1369 = tpu.vector_load %arg10[%get3A_1368] {strides = array<i32>} : memref<784xf32, #tpu.memory_space<vmem>>, vector<16xf32>,
      %get3A_1370 = vector.shape_cast %get3A_1369 : vector<16xf32> to vector<16xf32>
      %get3A_1371 = arith.constant 0 : i32
      %get3A_1372 = arith.index_cast %get3A_1371 : i32 to index
      %get3A_1373 = arith.constant 656 : index
      %get3A_1374 = tpu.vector_load %arg9[%get3A_1372, %get3A_1373] {strides = array<i32>} : memref<8x784xf32, #tpu.memory_space<vmem>>, vector<1x16xf32>,
      %get3A_1375 = vector.shape_cast %get3A_1374 : vector<1x16xf32> to vector<16xf32>
      %mul3A_1376 = arith.mulf %get3A_1375, %get3A_1370 : vector<16xf32>
      %add3A_1377 = arith.addf %add3A_1346, %mul3A_1376 : vector<16xf32>
      %get3A_1378 = arith.constant 1 : i32
      %get3A_1379 = arith.index_cast %get3A_1378 : i32 to index
      %get3A_1380 = arith.constant 656 : index
      %get3A_1381 = tpu.vector_load %arg9[%get3A_1379, %get3A_1380] {strides = array<i32>} : memref<8x784xf32, #tpu.memory_space<vmem>>, vector<1x16xf32>,
      %get3A_1382 = vector.shape_cast %get3A_1381 : vector<1x16xf32> to vector<16xf32>
      %mul3A_1383 = arith.mulf %get3A_1382, %get3A_1370 : vector<16xf32>
      %add3A_1384 = arith.addf %add3A_1353, %mul3A_1383 : vector<16xf32>
      %get3A_1385 = arith.constant 2 : i32
      %get3A_1386 = arith.index_cast %get3A_1385 : i32 to index
      %get3A_1387 = arith.constant 656 : index
      %get3A_1388 = tpu.vector_load %arg9[%get3A_1386, %get3A_1387] {strides = array<i32>} : memref<8x784xf32, #tpu.memory_space<vmem>>, vector<1x16xf32>,
      %get3A_1389 = vector.shape_cast %get3A_1388 : vector<1x16xf32> to vector<16xf32>
      %mul3A_1390 = arith.mulf %get3A_1389, %get3A_1370 : vector<16xf32>
      %add3A_1391 = arith.addf %add3A_1360, %mul3A_1390 : vector<16xf32>
      %get3A_1392 = arith.constant 3 : i32
      %get3A_1393 = arith.index_cast %get3A_1392 : i32 to index
      %get3A_1394 = arith.constant 656 : index
      %get3A_1395 = tpu.vector_load %arg9[%get3A_1393, %get3A_1394] {strides = array<i32>} : memref<8x784xf32, #tpu.memory_space<vmem>>, vector<1x16xf32>,
      %get3A_1396 = vector.shape_cast %get3A_1395 : vector<1x16xf32> to vector<16xf32>
      %mul3A_1397 = arith.mulf %get3A_1396, %get3A_1370 : vector<16xf32>
      %add3A_1398 = arith.addf %add3A_1367, %mul3A_1397 : vector<16xf32>
      %get3A_1399 = arith.constant 672 : index
      %get3A_1400 = tpu.vector_load %arg10[%get3A_1399] {strides = array<i32>} : memref<784xf32, #tpu.memory_space<vmem>>, vector<16xf32>,
      %get3A_1401 = vector.shape_cast %get3A_1400 : vector<16xf32> to vector<16xf32>
      %get3A_1402 = arith.constant 0 : i32
      %get3A_1403 = arith.index_cast %get3A_1402 : i32 to index
      %get3A_1404 = arith.constant 672 : index
      %get3A_1405 = tpu.vector_load %arg9[%get3A_1403, %get3A_1404] {strides = array<i32>} : memref<8x784xf32, #tpu.memory_space<vmem>>, vector<1x16xf32>,
      %get3A_1406 = vector.shape_cast %get3A_1405 : vector<1x16xf32> to vector<16xf32>
      %mul3A_1407 = arith.mulf %get3A_1406, %get3A_1401 : vector<16xf32>
      %add3A_1408 = arith.addf %add3A_1377, %mul3A_1407 : vector<16xf32>
      %get3A_1409 = arith.constant 1 : i32
      %get3A_1410 = arith.index_cast %get3A_1409 : i32 to index
      %get3A_1411 = arith.constant 672 : index
      %get3A_1412 = tpu.vector_load %arg9[%get3A_1410, %get3A_1411] {strides = array<i32>} : memref<8x784xf32, #tpu.memory_space<vmem>>, vector<1x16xf32>,
      %get3A_1413 = vector.shape_cast %get3A_1412 : vector<1x16xf32> to vector<16xf32>
      %mul3A_1414 = arith.mulf %get3A_1413, %get3A_1401 : vector<16xf32>
      %add3A_1415 = arith.addf %add3A_1384, %mul3A_1414 : vector<16xf32>
      %get3A_1416 = arith.constant 2 : i32
      %get3A_1417 = arith.index_cast %get3A_1416 : i32 to index
      %get3A_1418 = arith.constant 672 : index
      %get3A_1419 = tpu.vector_load %arg9[%get3A_1417, %get3A_1418] {strides = array<i32>} : memref<8x784xf32, #tpu.memory_space<vmem>>, vector<1x16xf32>,
      %get3A_1420 = vector.shape_cast %get3A_1419 : vector<1x16xf32> to vector<16xf32>
      %mul3A_1421 = arith.mulf %get3A_1420, %get3A_1401 : vector<16xf32>
      %add3A_1422 = arith.addf %add3A_1391, %mul3A_1421 : vector<16xf32>
      %get3A_1423 = arith.constant 3 : i32
      %get3A_1424 = arith.index_cast %get3A_1423 : i32 to index
      %get3A_1425 = arith.constant 672 : index
      %get3A_1426 = tpu.vector_load %arg9[%get3A_1424, %get3A_1425] {strides = array<i32>} : memref<8x784xf32, #tpu.memory_space<vmem>>, vector<1x16xf32>,
      %get3A_1427 = vector.shape_cast %get3A_1426 : vector<1x16xf32> to vector<16xf32>
      %mul3A_1428 = arith.mulf %get3A_1427, %get3A_1401 : vector<16xf32>
      %add3A_1429 = arith.addf %add3A_1398, %mul3A_1428 : vector<16xf32>
      %get3A_1430 = arith.constant 688 : index
      %get3A_1431 = tpu.vector_load %arg10[%get3A_1430] {strides = array<i32>} : memref<784xf32, #tpu.memory_space<vmem>>, vector<16xf32>,
      %get3A_1432 = vector.shape_cast %get3A_1431 : vector<16xf32> to vector<16xf32>
      %get3A_1433 = arith.constant 0 : i32
      %get3A_1434 = arith.index_cast %get3A_1433 : i32 to index
      %get3A_1435 = arith.constant 688 : index
      %get3A_1436 = tpu.vector_load %arg9[%get3A_1434, %get3A_1435] {strides = array<i32>} : memref<8x784xf32, #tpu.memory_space<vmem>>, vector<1x16xf32>,
      %get3A_1437 = vector.shape_cast %get3A_1436 : vector<1x16xf32> to vector<16xf32>
      %mul3A_1438 = arith.mulf %get3A_1437, %get3A_1432 : vector<16xf32>
      %add3A_1439 = arith.addf %add3A_1408, %mul3A_1438 : vector<16xf32>
      %get3A_1440 = arith.constant 1 : i32
      %get3A_1441 = arith.index_cast %get3A_1440 : i32 to index
      %get3A_1442 = arith.constant 688 : index
      %get3A_1443 = tpu.vector_load %arg9[%get3A_1441, %get3A_1442] {strides = array<i32>} : memref<8x784xf32, #tpu.memory_space<vmem>>, vector<1x16xf32>,
      %get3A_1444 = vector.shape_cast %get3A_1443 : vector<1x16xf32> to vector<16xf32>
      %mul3A_1445 = arith.mulf %get3A_1444, %get3A_1432 : vector<16xf32>
      %add3A_1446 = arith.addf %add3A_1415, %mul3A_1445 : vector<16xf32>
      %get3A_1447 = arith.constant 2 : i32
      %get3A_1448 = arith.index_cast %get3A_1447 : i32 to index
      %get3A_1449 = arith.constant 688 : index
      %get3A_1450 = tpu.vector_load %arg9[%get3A_1448, %get3A_1449] {strides = array<i32>} : memref<8x784xf32, #tpu.memory_space<vmem>>, vector<1x16xf32>,
      %get3A_1451 = vector.shape_cast %get3A_1450 : vector<1x16xf32> to vector<16xf32>
      %mul3A_1452 = arith.mulf %get3A_1451, %get3A_1432 : vector<16xf32>
      %add3A_1453 = arith.addf %add3A_1422, %mul3A_1452 : vector<16xf32>
      %get3A_1454 = arith.constant 3 : i32
      %get3A_1455 = arith.index_cast %get3A_1454 : i32 to index
      %get3A_1456 = arith.constant 688 : index
      %get3A_1457 = tpu.vector_load %arg9[%get3A_1455, %get3A_1456] {strides = array<i32>} : memref<8x784xf32, #tpu.memory_space<vmem>>, vector<1x16xf32>,
      %get3A_1458 = vector.shape_cast %get3A_1457 : vector<1x16xf32> to vector<16xf32>
      %mul3A_1459 = arith.mulf %get3A_1458, %get3A_1432 : vector<16xf32>
      %add3A_1460 = arith.addf %add3A_1429, %mul3A_1459 : vector<16xf32>
      %get3A_1461 = arith.constant 704 : index
      %get3A_1462 = tpu.vector_load %arg10[%get3A_1461] {strides = array<i32>} : memref<784xf32, #tpu.memory_space<vmem>>, vector<16xf32>,
      %get3A_1463 = vector.shape_cast %get3A_1462 : vector<16xf32> to vector<16xf32>
      %get3A_1464 = arith.constant 0 : i32
      %get3A_1465 = arith.index_cast %get3A_1464 : i32 to index
      %get3A_1466 = arith.constant 704 : index
      %get3A_1467 = tpu.vector_load %arg9[%get3A_1465, %get3A_1466] {strides = array<i32>} : memref<8x784xf32, #tpu.memory_space<vmem>>, vector<1x16xf32>,
      %get3A_1468 = vector.shape_cast %get3A_1467 : vector<1x16xf32> to vector<16xf32>
      %mul3A_1469 = arith.mulf %get3A_1468, %get3A_1463 : vector<16xf32>
      %add3A_1470 = arith.addf %add3A_1439, %mul3A_1469 : vector<16xf32>
      %get3A_1471 = arith.constant 1 : i32
      %get3A_1472 = arith.index_cast %get3A_1471 : i32 to index
      %get3A_1473 = arith.constant 704 : index
      %get3A_1474 = tpu.vector_load %arg9[%get3A_1472, %get3A_1473] {strides = array<i32>} : memref<8x784xf32, #tpu.memory_space<vmem>>, vector<1x16xf32>,
      %get3A_1475 = vector.shape_cast %get3A_1474 : vector<1x16xf32> to vector<16xf32>
      %mul3A_1476 = arith.mulf %get3A_1475, %get3A_1463 : vector<16xf32>
      %add3A_1477 = arith.addf %add3A_1446, %mul3A_1476 : vector<16xf32>
      %get3A_1478 = arith.constant 2 : i32
      %get3A_1479 = arith.index_cast %get3A_1478 : i32 to index
      %get3A_1480 = arith.constant 704 : index
      %get3A_1481 = tpu.vector_load %arg9[%get3A_1479, %get3A_1480] {strides = array<i32>} : memref<8x784xf32, #tpu.memory_space<vmem>>, vector<1x16xf32>,
      %get3A_1482 = vector.shape_cast %get3A_1481 : vector<1x16xf32> to vector<16xf32>
      %mul3A_1483 = arith.mulf %get3A_1482, %get3A_1463 : vector<16xf32>
      %add3A_1484 = arith.addf %add3A_1453, %mul3A_1483 : vector<16xf32>
      %get3A_1485 = arith.constant 3 : i32
      %get3A_1486 = arith.index_cast %get3A_1485 : i32 to index
      %get3A_1487 = arith.constant 704 : index
      %get3A_1488 = tpu.vector_load %arg9[%get3A_1486, %get3A_1487] {strides = array<i32>} : memref<8x784xf32, #tpu.memory_space<vmem>>, vector<1x16xf32>,
      %get3A_1489 = vector.shape_cast %get3A_1488 : vector<1x16xf32> to vector<16xf32>
      %mul3A_1490 = arith.mulf %get3A_1489, %get3A_1463 : vector<16xf32>
      %add3A_1491 = arith.addf %add3A_1460, %mul3A_1490 : vector<16xf32>
      %get3A_1492 = arith.constant 720 : index
      %get3A_1493 = tpu.vector_load %arg10[%get3A_1492] {strides = array<i32>} : memref<784xf32, #tpu.memory_space<vmem>>, vector<16xf32>,
      %get3A_1494 = vector.shape_cast %get3A_1493 : vector<16xf32> to vector<16xf32>
      %get3A_1495 = arith.constant 0 : i32
      %get3A_1496 = arith.index_cast %get3A_1495 : i32 to index
      %get3A_1497 = arith.constant 720 : index
      %get3A_1498 = tpu.vector_load %arg9[%get3A_1496, %get3A_1497] {strides = array<i32>} : memref<8x784xf32, #tpu.memory_space<vmem>>, vector<1x16xf32>,
      %get3A_1499 = vector.shape_cast %get3A_1498 : vector<1x16xf32> to vector<16xf32>
      %mul3A_1500 = arith.mulf %get3A_1499, %get3A_1494 : vector<16xf32>
      %add3A_1501 = arith.addf %add3A_1470, %mul3A_1500 : vector<16xf32>
      %get3A_1502 = arith.constant 1 : i32
      %get3A_1503 = arith.index_cast %get3A_1502 : i32 to index
      %get3A_1504 = arith.constant 720 : index
      %get3A_1505 = tpu.vector_load %arg9[%get3A_1503, %get3A_1504] {strides = array<i32>} : memref<8x784xf32, #tpu.memory_space<vmem>>, vector<1x16xf32>,
      %get3A_1506 = vector.shape_cast %get3A_1505 : vector<1x16xf32> to vector<16xf32>
      %mul3A_1507 = arith.mulf %get3A_1506, %get3A_1494 : vector<16xf32>
      %add3A_1508 = arith.addf %add3A_1477, %mul3A_1507 : vector<16xf32>
      %get3A_1509 = arith.constant 2 : i32
      %get3A_1510 = arith.index_cast %get3A_1509 : i32 to index
      %get3A_1511 = arith.constant 720 : index
      %get3A_1512 = tpu.vector_load %arg9[%get3A_1510, %get3A_1511] {strides = array<i32>} : memref<8x784xf32, #tpu.memory_space<vmem>>, vector<1x16xf32>,
      %get3A_1513 = vector.shape_cast %get3A_1512 : vector<1x16xf32> to vector<16xf32>
      %mul3A_1514 = arith.mulf %get3A_1513, %get3A_1494 : vector<16xf32>
      %add3A_1515 = arith.addf %add3A_1484, %mul3A_1514 : vector<16xf32>
      %get3A_1516 = arith.constant 3 : i32
      %get3A_1517 = arith.index_cast %get3A_1516 : i32 to index
      %get3A_1518 = arith.constant 720 : index
      %get3A_1519 = tpu.vector_load %arg9[%get3A_1517, %get3A_1518] {strides = array<i32>} : memref<8x784xf32, #tpu.memory_space<vmem>>, vector<1x16xf32>,
      %get3A_1520 = vector.shape_cast %get3A_1519 : vector<1x16xf32> to vector<16xf32>
      %mul3A_1521 = arith.mulf %get3A_1520, %get3A_1494 : vector<16xf32>
      %add3A_1522 = arith.addf %add3A_1491, %mul3A_1521 : vector<16xf32>
      %get3A_1523 = arith.constant 736 : index
      %get3A_1524 = tpu.vector_load %arg10[%get3A_1523] {strides = array<i32>} : memref<784xf32, #tpu.memory_space<vmem>>, vector<16xf32>,
      %get3A_1525 = vector.shape_cast %get3A_1524 : vector<16xf32> to vector<16xf32>
      %get3A_1526 = arith.constant 0 : i32
      %get3A_1527 = arith.index_cast %get3A_1526 : i32 to index
      %get3A_1528 = arith.constant 736 : index
      %get3A_1529 = tpu.vector_load %arg9[%get3A_1527, %get3A_1528] {strides = array<i32>} : memref<8x784xf32, #tpu.memory_space<vmem>>, vector<1x16xf32>,
      %get3A_1530 = vector.shape_cast %get3A_1529 : vector<1x16xf32> to vector<16xf32>
      %mul3A_1531 = arith.mulf %get3A_1530, %get3A_1525 : vector<16xf32>
      %add3A_1532 = arith.addf %add3A_1501, %mul3A_1531 : vector<16xf32>
      %get3A_1533 = arith.constant 1 : i32
      %get3A_1534 = arith.index_cast %get3A_1533 : i32 to index
      %get3A_1535 = arith.constant 736 : index
      %get3A_1536 = tpu.vector_load %arg9[%get3A_1534, %get3A_1535] {strides = array<i32>} : memref<8x784xf32, #tpu.memory_space<vmem>>, vector<1x16xf32>,
      %get3A_1537 = vector.shape_cast %get3A_1536 : vector<1x16xf32> to vector<16xf32>
      %mul3A_1538 = arith.mulf %get3A_1537, %get3A_1525 : vector<16xf32>
      %add3A_1539 = arith.addf %add3A_1508, %mul3A_1538 : vector<16xf32>
      %get3A_1540 = arith.constant 2 : i32
      %get3A_1541 = arith.index_cast %get3A_1540 : i32 to index
      %get3A_1542 = arith.constant 736 : index
      %get3A_1543 = tpu.vector_load %arg9[%get3A_1541, %get3A_1542] {strides = array<i32>} : memref<8x784xf32, #tpu.memory_space<vmem>>, vector<1x16xf32>,
      %get3A_1544 = vector.shape_cast %get3A_1543 : vector<1x16xf32> to vector<16xf32>
      %mul3A_1545 = arith.mulf %get3A_1544, %get3A_1525 : vector<16xf32>
      %add3A_1546 = arith.addf %add3A_1515, %mul3A_1545 : vector<16xf32>
      %get3A_1547 = arith.constant 3 : i32
      %get3A_1548 = arith.index_cast %get3A_1547 : i32 to index
      %get3A_1549 = arith.constant 736 : index
      %get3A_1550 = tpu.vector_load %arg9[%get3A_1548, %get3A_1549] {strides = array<i32>} : memref<8x784xf32, #tpu.memory_space<vmem>>, vector<1x16xf32>,
      %get3A_1551 = vector.shape_cast %get3A_1550 : vector<1x16xf32> to vector<16xf32>
      %mul3A_1552 = arith.mulf %get3A_1551, %get3A_1525 : vector<16xf32>
      %add3A_1553 = arith.addf %add3A_1522, %mul3A_1552 : vector<16xf32>
      %get3A_1554 = arith.constant 752 : index
      %get3A_1555 = tpu.vector_load %arg10[%get3A_1554] {strides = array<i32>} : memref<784xf32, #tpu.memory_space<vmem>>, vector<16xf32>,
      %get3A_1556 = vector.shape_cast %get3A_1555 : vector<16xf32> to vector<16xf32>
      %get3A_1557 = arith.constant 0 : i32
      %get3A_1558 = arith.index_cast %get3A_1557 : i32 to index
      %get3A_1559 = arith.constant 752 : index
      %get3A_1560 = tpu.vector_load %arg9[%get3A_1558, %get3A_1559] {strides = array<i32>} : memref<8x784xf32, #tpu.memory_space<vmem>>, vector<1x16xf32>,
      %get3A_1561 = vector.shape_cast %get3A_1560 : vector<1x16xf32> to vector<16xf32>
      %mul3A_1562 = arith.mulf %get3A_1561, %get3A_1556 : vector<16xf32>
      %add3A_1563 = arith.addf %add3A_1532, %mul3A_1562 : vector<16xf32>
      %get3A_1564 = arith.constant 1 : i32
      %get3A_1565 = arith.index_cast %get3A_1564 : i32 to index
      %get3A_1566 = arith.constant 752 : index
      %get3A_1567 = tpu.vector_load %arg9[%get3A_1565, %get3A_1566] {strides = array<i32>} : memref<8x784xf32, #tpu.memory_space<vmem>>, vector<1x16xf32>,
      %get3A_1568 = vector.shape_cast %get3A_1567 : vector<1x16xf32> to vector<16xf32>
      %mul3A_1569 = arith.mulf %get3A_1568, %get3A_1556 : vector<16xf32>
      %add3A_1570 = arith.addf %add3A_1539, %mul3A_1569 : vector<16xf32>
      %get3A_1571 = arith.constant 2 : i32
      %get3A_1572 = arith.index_cast %get3A_1571 : i32 to index
      %get3A_1573 = arith.constant 752 : index
      %get3A_1574 = tpu.vector_load %arg9[%get3A_1572, %get3A_1573] {strides = array<i32>} : memref<8x784xf32, #tpu.memory_space<vmem>>, vector<1x16xf32>,
      %get3A_1575 = vector.shape_cast %get3A_1574 : vector<1x16xf32> to vector<16xf32>
      %mul3A_1576 = arith.mulf %get3A_1575, %get3A_1556 : vector<16xf32>
      %add3A_1577 = arith.addf %add3A_1546, %mul3A_1576 : vector<16xf32>
      %get3A_1578 = arith.constant 3 : i32
      %get3A_1579 = arith.index_cast %get3A_1578 : i32 to index
      %get3A_1580 = arith.constant 752 : index
      %get3A_1581 = tpu.vector_load %arg9[%get3A_1579, %get3A_1580] {strides = array<i32>} : memref<8x784xf32, #tpu.memory_space<vmem>>, vector<1x16xf32>,
      %get3A_1582 = vector.shape_cast %get3A_1581 : vector<1x16xf32> to vector<16xf32>
      %mul3A_1583 = arith.mulf %get3A_1582, %get3A_1556 : vector<16xf32>
      %add3A_1584 = arith.addf %add3A_1553, %mul3A_1583 : vector<16xf32>
      %get3A_1585 = arith.constant 768 : index
      %get3A_1586 = tpu.vector_load %arg10[%get3A_1585] {strides = array<i32>} : memref<784xf32, #tpu.memory_space<vmem>>, vector<16xf32>,
      %get3A_1587 = vector.shape_cast %get3A_1586 : vector<16xf32> to vector<16xf32>
      %get3A_1588 = arith.constant 0 : i32
      %get3A_1589 = arith.index_cast %get3A_1588 : i32 to index
      %get3A_1590 = arith.constant 768 : index
      %get3A_1591 = tpu.vector_load %arg9[%get3A_1589, %get3A_1590] {strides = array<i32>} : memref<8x784xf32, #tpu.memory_space<vmem>>, vector<1x16xf32>,
      %get3A_1592 = vector.shape_cast %get3A_1591 : vector<1x16xf32> to vector<16xf32>
      %mul3A_1593 = arith.mulf %get3A_1592, %get3A_1587 : vector<16xf32>
      %add3A_1594 = arith.addf %add3A_1563, %mul3A_1593 : vector<16xf32>
      %get3A_1595 = arith.constant 1 : i32
      %get3A_1596 = arith.index_cast %get3A_1595 : i32 to index
      %get3A_1597 = arith.constant 768 : index
      %get3A_1598 = tpu.vector_load %arg9[%get3A_1596, %get3A_1597] {strides = array<i32>} : memref<8x784xf32, #tpu.memory_space<vmem>>, vector<1x16xf32>,
      %get3A_1599 = vector.shape_cast %get3A_1598 : vector<1x16xf32> to vector<16xf32>
      %mul3A_1600 = arith.mulf %get3A_1599, %get3A_1587 : vector<16xf32>
      %add3A_1601 = arith.addf %add3A_1570, %mul3A_1600 : vector<16xf32>
      %get3A_1602 = arith.constant 2 : i32
      %get3A_1603 = arith.index_cast %get3A_1602 : i32 to index
      %get3A_1604 = arith.constant 768 : index
      %get3A_1605 = tpu.vector_load %arg9[%get3A_1603, %get3A_1604] {strides = array<i32>} : memref<8x784xf32, #tpu.memory_space<vmem>>, vector<1x16xf32>,
      %get3A_1606 = vector.shape_cast %get3A_1605 : vector<1x16xf32> to vector<16xf32>
      %mul3A_1607 = arith.mulf %get3A_1606, %get3A_1587 : vector<16xf32>
      %add3A_1608 = arith.addf %add3A_1577, %mul3A_1607 : vector<16xf32>
      %get3A_1609 = arith.constant 3 : i32
      %get3A_1610 = arith.index_cast %get3A_1609 : i32 to index
      %get3A_1611 = arith.constant 768 : index
      %get3A_1612 = tpu.vector_load %arg9[%get3A_1610, %get3A_1611] {strides = array<i32>} : memref<8x784xf32, #tpu.memory_space<vmem>>, vector<1x16xf32>,
      %get3A_1613 = vector.shape_cast %get3A_1612 : vector<1x16xf32> to vector<16xf32>
      %mul3A_1614 = arith.mulf %get3A_1613, %get3A_1587 : vector<16xf32>
      %add3A_1615 = arith.addf %add3A_1584, %mul3A_1614 : vector<16xf32>
      %dma_wait3A_1616 = arith.constant 4 : i32
      %dma_wait3A_1617 = arith.constant 0 : i32
      %dma_wait3A_1618 = tpu.memref_slice %arg9[%dma_wait3A_1616, %dma_wait3A_1617] : memref<8x784xf32, #tpu.memory_space<vmem>> -> memref<4x784xf32, #tpu.memory_space<vmem>>
      %dma_wait3A_1619 = arith.constant 0 : i32
      %dma_wait3A_1620 = tpu.memref_slice %arg8[%dma_wait3A_1619] : memref<16xi32, #tpu.memory_space<vmem>> -> memref<4xi32, #tpu.memory_space<vmem>>
      %dma_wait3A_1621 = arith.constant 0 : i32
      %dma_wait3A_1622 = arith.constant 0 : i32
      %dma_wait3A_1623 = tpu.memref_slice %arg2[%dma_wait3A_1621, %dma_wait3A_1622] : memref<784x784xf32, #tpu.memory_space<hbm>> -> memref<784x784xf32, #tpu.memory_space<hbm>>
      tpu.wait_indirect_dma semaphore(%arg15 : memref<!tpu.dma_semaphore, #tpu.memory_space<semaphore_mem>>) src(%dma_wait3A_1623 : memref<784x784xf32, #tpu.memory_space<hbm>>) dst(%dma_wait3A_1618 : memref<4x784xf32, #tpu.memory_space<vmem>>)
      %get3A_1624 = arith.constant 0 : index
      %get3A_1625 = tpu.vector_load %arg10[%get3A_1624] {strides = array<i32>} : memref<784xf32, #tpu.memory_space<vmem>>, vector<16xf32>,
      %get3A_1626 = vector.shape_cast %get3A_1625 : vector<16xf32> to vector<16xf32>
      %get3A_1627 = arith.constant 4 : i32
      %get3A_1628 = arith.index_cast %get3A_1627 : i32 to index
      %get3A_1629 = arith.constant 0 : index
      %get3A_1630 = tpu.vector_load %arg9[%get3A_1628, %get3A_1629] {strides = array<i32>} : memref<8x784xf32, #tpu.memory_space<vmem>>, vector<1x16xf32>,
      %get3A_1631 = vector.shape_cast %get3A_1630 : vector<1x16xf32> to vector<16xf32>
      %mul3A_1632 = arith.mulf %get3A_1631, %get3A_1626 : vector<16xf32>
      %add3A_1633 = arith.addf %broadcast_in_dim3A_90, %mul3A_1632 : vector<16xf32>
      %get3A_1634 = arith.constant 5 : i32
      %get3A_1635 = arith.index_cast %get3A_1634 : i32 to index
      %get3A_1636 = arith.constant 0 : index
      %get3A_1637 = tpu.vector_load %arg9[%get3A_1635, %get3A_1636] {strides = array<i32>} : memref<8x784xf32, #tpu.memory_space<vmem>>, vector<1x16xf32>,
      %get3A_1638 = vector.shape_cast %get3A_1637 : vector<1x16xf32> to vector<16xf32>
      %mul3A_1639 = arith.mulf %get3A_1638, %get3A_1626 : vector<16xf32>
      %add3A_1640 = arith.addf %broadcast_in_dim3A_92, %mul3A_1639 : vector<16xf32>
      %get3A_1641 = arith.constant 6 : i32
      %get3A_1642 = arith.index_cast %get3A_1641 : i32 to index
      %get3A_1643 = arith.constant 0 : index
      %get3A_1644 = tpu.vector_load %arg9[%get3A_1642, %get3A_1643] {strides = array<i32>} : memref<8x784xf32, #tpu.memory_space<vmem>>, vector<1x16xf32>,
      %get3A_1645 = vector.shape_cast %get3A_1644 : vector<1x16xf32> to vector<16xf32>
      %mul3A_1646 = arith.mulf %get3A_1645, %get3A_1626 : vector<16xf32>
      %add3A_1647 = arith.addf %broadcast_in_dim3A_94, %mul3A_1646 : vector<16xf32>
      %get3A_1648 = arith.constant 7 : i32
      %get3A_1649 = arith.index_cast %get3A_1648 : i32 to index
      %get3A_1650 = arith.constant 0 : index
      %get3A_1651 = tpu.vector_load %arg9[%get3A_1649, %get3A_1650] {strides = array<i32>} : memref<8x784xf32, #tpu.memory_space<vmem>>, vector<1x16xf32>,
      %get3A_1652 = vector.shape_cast %get3A_1651 : vector<1x16xf32> to vector<16xf32>
      %mul3A_1653 = arith.mulf %get3A_1652, %get3A_1626 : vector<16xf32>
      %add3A_1654 = arith.addf %broadcast_in_dim3A_96, %mul3A_1653 : vector<16xf32>
      %get3A_1655 = arith.constant 16 : index
      %get3A_1656 = tpu.vector_load %arg10[%get3A_1655] {strides = array<i32>} : memref<784xf32, #tpu.memory_space<vmem>>, vector<16xf32>,
      %get3A_1657 = vector.shape_cast %get3A_1656 : vector<16xf32> to vector<16xf32>
      %get3A_1658 = arith.constant 4 : i32
      %get3A_1659 = arith.index_cast %get3A_1658 : i32 to index
      %get3A_1660 = arith.constant 16 : index
      %get3A_1661 = tpu.vector_load %arg9[%get3A_1659, %get3A_1660] {strides = array<i32>} : memref<8x784xf32, #tpu.memory_space<vmem>>, vector<1x16xf32>,
      %get3A_1662 = vector.shape_cast %get3A_1661 : vector<1x16xf32> to vector<16xf32>
      %mul3A_1663 = arith.mulf %get3A_1662, %get3A_1657 : vector<16xf32>
      %add3A_1664 = arith.addf %add3A_1633, %mul3A_1663 : vector<16xf32>
      %get3A_1665 = arith.constant 5 : i32
      %get3A_1666 = arith.index_cast %get3A_1665 : i32 to index
      %get3A_1667 = arith.constant 16 : index
      %get3A_1668 = tpu.vector_load %arg9[%get3A_1666, %get3A_1667] {strides = array<i32>} : memref<8x784xf32, #tpu.memory_space<vmem>>, vector<1x16xf32>,
      %get3A_1669 = vector.shape_cast %get3A_1668 : vector<1x16xf32> to vector<16xf32>
      %mul3A_1670 = arith.mulf %get3A_1669, %get3A_1657 : vector<16xf32>
      %add3A_1671 = arith.addf %add3A_1640, %mul3A_1670 : vector<16xf32>
      %get3A_1672 = arith.constant 6 : i32
      %get3A_1673 = arith.index_cast %get3A_1672 : i32 to index
      %get3A_1674 = arith.constant 16 : index
      %get3A_1675 = tpu.vector_load %arg9[%get3A_1673, %get3A_1674] {strides = array<i32>} : memref<8x784xf32, #tpu.memory_space<vmem>>, vector<1x16xf32>,
      %get3A_1676 = vector.shape_cast %get3A_1675 : vector<1x16xf32> to vector<16xf32>
      %mul3A_1677 = arith.mulf %get3A_1676, %get3A_1657 : vector<16xf32>
      %add3A_1678 = arith.addf %add3A_1647, %mul3A_1677 : vector<16xf32>
      %get3A_1679 = arith.constant 7 : i32
      %get3A_1680 = arith.index_cast %get3A_1679 : i32 to index
      %get3A_1681 = arith.constant 16 : index
      %get3A_1682 = tpu.vector_load %arg9[%get3A_1680, %get3A_1681] {strides = array<i32>} : memref<8x784xf32, #tpu.memory_space<vmem>>, vector<1x16xf32>,
      %get3A_1683 = vector.shape_cast %get3A_1682 : vector<1x16xf32> to vector<16xf32>
      %mul3A_1684 = arith.mulf %get3A_1683, %get3A_1657 : vector<16xf32>
      %add3A_1685 = arith.addf %add3A_1654, %mul3A_1684 : vector<16xf32>
      %get3A_1686 = arith.constant 32 : index
      %get3A_1687 = tpu.vector_load %arg10[%get3A_1686] {strides = array<i32>} : memref<784xf32, #tpu.memory_space<vmem>>, vector<16xf32>,
      %get3A_1688 = vector.shape_cast %get3A_1687 : vector<16xf32> to vector<16xf32>
      %get3A_1689 = arith.constant 4 : i32
      %get3A_1690 = arith.index_cast %get3A_1689 : i32 to index
      %get3A_1691 = arith.constant 32 : index
      %get3A_1692 = tpu.vector_load %arg9[%get3A_1690, %get3A_1691] {strides = array<i32>} : memref<8x784xf32, #tpu.memory_space<vmem>>, vector<1x16xf32>,
      %get3A_1693 = vector.shape_cast %get3A_1692 : vector<1x16xf32> to vector<16xf32>
      %mul3A_1694 = arith.mulf %get3A_1693, %get3A_1688 : vector<16xf32>
      %add3A_1695 = arith.addf %add3A_1664, %mul3A_1694 : vector<16xf32>
      %get3A_1696 = arith.constant 5 : i32
      %get3A_1697 = arith.index_cast %get3A_1696 : i32 to index
      %get3A_1698 = arith.constant 32 : index
      %get3A_1699 = tpu.vector_load %arg9[%get3A_1697, %get3A_1698] {strides = array<i32>} : memref<8x784xf32, #tpu.memory_space<vmem>>, vector<1x16xf32>,
      %get3A_1700 = vector.shape_cast %get3A_1699 : vector<1x16xf32> to vector<16xf32>
      %mul3A_1701 = arith.mulf %get3A_1700, %get3A_1688 : vector<16xf32>
      %add3A_1702 = arith.addf %add3A_1671, %mul3A_1701 : vector<16xf32>
      %get3A_1703 = arith.constant 6 : i32
      %get3A_1704 = arith.index_cast %get3A_1703 : i32 to index
      %get3A_1705 = arith.constant 32 : index
      %get3A_1706 = tpu.vector_load %arg9[%get3A_1704, %get3A_1705] {strides = array<i32>} : memref<8x784xf32, #tpu.memory_space<vmem>>, vector<1x16xf32>,
      %get3A_1707 = vector.shape_cast %get3A_1706 : vector<1x16xf32> to vector<16xf32>
      %mul3A_1708 = arith.mulf %get3A_1707, %get3A_1688 : vector<16xf32>
      %add3A_1709 = arith.addf %add3A_1678, %mul3A_1708 : vector<16xf32>
      %get3A_1710 = arith.constant 7 : i32
      %get3A_1711 = arith.index_cast %get3A_1710 : i32 to index
      %get3A_1712 = arith.constant 32 : index
      %get3A_1713 = tpu.vector_load %arg9[%get3A_1711, %get3A_1712] {strides = array<i32>} : memref<8x784xf32, #tpu.memory_space<vmem>>, vector<1x16xf32>,
      %get3A_1714 = vector.shape_cast %get3A_1713 : vector<1x16xf32> to vector<16xf32>
      %mul3A_1715 = arith.mulf %get3A_1714, %get3A_1688 : vector<16xf32>
      %add3A_1716 = arith.addf %add3A_1685, %mul3A_1715 : vector<16xf32>
      %get3A_1717 = arith.constant 48 : index
      %get3A_1718 = tpu.vector_load %arg10[%get3A_1717] {strides = array<i32>} : memref<784xf32, #tpu.memory_space<vmem>>, vector<16xf32>,
      %get3A_1719 = vector.shape_cast %get3A_1718 : vector<16xf32> to vector<16xf32>
      %get3A_1720 = arith.constant 4 : i32
      %get3A_1721 = arith.index_cast %get3A_1720 : i32 to index
      %get3A_1722 = arith.constant 48 : index
      %get3A_1723 = tpu.vector_load %arg9[%get3A_1721, %get3A_1722] {strides = array<i32>} : memref<8x784xf32, #tpu.memory_space<vmem>>, vector<1x16xf32>,
      %get3A_1724 = vector.shape_cast %get3A_1723 : vector<1x16xf32> to vector<16xf32>
      %mul3A_1725 = arith.mulf %get3A_1724, %get3A_1719 : vector<16xf32>
      %add3A_1726 = arith.addf %add3A_1695, %mul3A_1725 : vector<16xf32>
      %get3A_1727 = arith.constant 5 : i32
      %get3A_1728 = arith.index_cast %get3A_1727 : i32 to index
      %get3A_1729 = arith.constant 48 : index
      %get3A_1730 = tpu.vector_load %arg9[%get3A_1728, %get3A_1729] {strides = array<i32>} : memref<8x784xf32, #tpu.memory_space<vmem>>, vector<1x16xf32>,
      %get3A_1731 = vector.shape_cast %get3A_1730 : vector<1x16xf32> to vector<16xf32>
      %mul3A_1732 = arith.mulf %get3A_1731, %get3A_1719 : vector<16xf32>
      %add3A_1733 = arith.addf %add3A_1702, %mul3A_1732 : vector<16xf32>
      %get3A_1734 = arith.constant 6 : i32
      %get3A_1735 = arith.index_cast %get3A_1734 : i32 to index
      %get3A_1736 = arith.constant 48 : index
      %get3A_1737 = tpu.vector_load %arg9[%get3A_1735, %get3A_1736] {strides = array<i32>} : memref<8x784xf32, #tpu.memory_space<vmem>>, vector<1x16xf32>,
      %get3A_1738 = vector.shape_cast %get3A_1737 : vector<1x16xf32> to vector<16xf32>
      %mul3A_1739 = arith.mulf %get3A_1738, %get3A_1719 : vector<16xf32>
      %add3A_1740 = arith.addf %add3A_1709, %mul3A_1739 : vector<16xf32>
      %get3A_1741 = arith.constant 7 : i32
      %get3A_1742 = arith.index_cast %get3A_1741 : i32 to index
      %get3A_1743 = arith.constant 48 : index
      %get3A_1744 = tpu.vector_load %arg9[%get3A_1742, %get3A_1743] {strides = array<i32>} : memref<8x784xf32, #tpu.memory_space<vmem>>, vector<1x16xf32>,
      %get3A_1745 = vector.shape_cast %get3A_1744 : vector<1x16xf32> to vector<16xf32>
      %mul3A_1746 = arith.mulf %get3A_1745, %get3A_1719 : vector<16xf32>
      %add3A_1747 = arith.addf %add3A_1716, %mul3A_1746 : vector<16xf32>
      %get3A_1748 = arith.constant 64 : index
      %get3A_1749 = tpu.vector_load %arg10[%get3A_1748] {strides = array<i32>} : memref<784xf32, #tpu.memory_space<vmem>>, vector<16xf32>,
      %get3A_1750 = vector.shape_cast %get3A_1749 : vector<16xf32> to vector<16xf32>
      %get3A_1751 = arith.constant 4 : i32
      %get3A_1752 = arith.index_cast %get3A_1751 : i32 to index
      %get3A_1753 = arith.constant 64 : index
      %get3A_1754 = tpu.vector_load %arg9[%get3A_1752, %get3A_1753] {strides = array<i32>} : memref<8x784xf32, #tpu.memory_space<vmem>>, vector<1x16xf32>,
      %get3A_1755 = vector.shape_cast %get3A_1754 : vector<1x16xf32> to vector<16xf32>
      %mul3A_1756 = arith.mulf %get3A_1755, %get3A_1750 : vector<16xf32>
      %add3A_1757 = arith.addf %add3A_1726, %mul3A_1756 : vector<16xf32>
      %get3A_1758 = arith.constant 5 : i32
      %get3A_1759 = arith.index_cast %get3A_1758 : i32 to index
      %get3A_1760 = arith.constant 64 : index
      %get3A_1761 = tpu.vector_load %arg9[%get3A_1759, %get3A_1760] {strides = array<i32>} : memref<8x784xf32, #tpu.memory_space<vmem>>, vector<1x16xf32>,
      %get3A_1762 = vector.shape_cast %get3A_1761 : vector<1x16xf32> to vector<16xf32>
      %mul3A_1763 = arith.mulf %get3A_1762, %get3A_1750 : vector<16xf32>
      %add3A_1764 = arith.addf %add3A_1733, %mul3A_1763 : vector<16xf32>
      %get3A_1765 = arith.constant 6 : i32
      %get3A_1766 = arith.index_cast %get3A_1765 : i32 to index
      %get3A_1767 = arith.constant 64 : index
      %get3A_1768 = tpu.vector_load %arg9[%get3A_1766, %get3A_1767] {strides = array<i32>} : memref<8x784xf32, #tpu.memory_space<vmem>>, vector<1x16xf32>,
      %get3A_1769 = vector.shape_cast %get3A_1768 : vector<1x16xf32> to vector<16xf32>
      %mul3A_1770 = arith.mulf %get3A_1769, %get3A_1750 : vector<16xf32>
      %add3A_1771 = arith.addf %add3A_1740, %mul3A_1770 : vector<16xf32>
      %get3A_1772 = arith.constant 7 : i32
      %get3A_1773 = arith.index_cast %get3A_1772 : i32 to index
      %get3A_1774 = arith.constant 64 : index
      %get3A_1775 = tpu.vector_load %arg9[%get3A_1773, %get3A_1774] {strides = array<i32>} : memref<8x784xf32, #tpu.memory_space<vmem>>, vector<1x16xf32>,
      %get3A_1776 = vector.shape_cast %get3A_1775 : vector<1x16xf32> to vector<16xf32>
      %mul3A_1777 = arith.mulf %get3A_1776, %get3A_1750 : vector<16xf32>
      %add3A_1778 = arith.addf %add3A_1747, %mul3A_1777 : vector<16xf32>
      %get3A_1779 = arith.constant 80 : index
      %get3A_1780 = tpu.vector_load %arg10[%get3A_1779] {strides = array<i32>} : memref<784xf32, #tpu.memory_space<vmem>>, vector<16xf32>,
      %get3A_1781 = vector.shape_cast %get3A_1780 : vector<16xf32> to vector<16xf32>
      %get3A_1782 = arith.constant 4 : i32
      %get3A_1783 = arith.index_cast %get3A_1782 : i32 to index
      %get3A_1784 = arith.constant 80 : index
      %get3A_1785 = tpu.vector_load %arg9[%get3A_1783, %get3A_1784] {strides = array<i32>} : memref<8x784xf32, #tpu.memory_space<vmem>>, vector<1x16xf32>,
      %get3A_1786 = vector.shape_cast %get3A_1785 : vector<1x16xf32> to vector<16xf32>
      %mul3A_1787 = arith.mulf %get3A_1786, %get3A_1781 : vector<16xf32>
      %add3A_1788 = arith.addf %add3A_1757, %mul3A_1787 : vector<16xf32>
      %get3A_1789 = arith.constant 5 : i32
      %get3A_1790 = arith.index_cast %get3A_1789 : i32 to index
      %get3A_1791 = arith.constant 80 : index
      %get3A_1792 = tpu.vector_load %arg9[%get3A_1790, %get3A_1791] {strides = array<i32>} : memref<8x784xf32, #tpu.memory_space<vmem>>, vector<1x16xf32>,
      %get3A_1793 = vector.shape_cast %get3A_1792 : vector<1x16xf32> to vector<16xf32>
      %mul3A_1794 = arith.mulf %get3A_1793, %get3A_1781 : vector<16xf32>
      %add3A_1795 = arith.addf %add3A_1764, %mul3A_1794 : vector<16xf32>
      %get3A_1796 = arith.constant 6 : i32
      %get3A_1797 = arith.index_cast %get3A_1796 : i32 to index
      %get3A_1798 = arith.constant 80 : index
      %get3A_1799 = tpu.vector_load %arg9[%get3A_1797, %get3A_1798] {strides = array<i32>} : memref<8x784xf32, #tpu.memory_space<vmem>>, vector<1x16xf32>,
      %get3A_1800 = vector.shape_cast %get3A_1799 : vector<1x16xf32> to vector<16xf32>
      %mul3A_1801 = arith.mulf %get3A_1800, %get3A_1781 : vector<16xf32>
      %add3A_1802 = arith.addf %add3A_1771, %mul3A_1801 : vector<16xf32>
      %get3A_1803 = arith.constant 7 : i32
      %get3A_1804 = arith.index_cast %get3A_1803 : i32 to index
      %get3A_1805 = arith.constant 80 : index
      %get3A_1806 = tpu.vector_load %arg9[%get3A_1804, %get3A_1805] {strides = array<i32>} : memref<8x784xf32, #tpu.memory_space<vmem>>, vector<1x16xf32>,
      %get3A_1807 = vector.shape_cast %get3A_1806 : vector<1x16xf32> to vector<16xf32>
      %mul3A_1808 = arith.mulf %get3A_1807, %get3A_1781 : vector<16xf32>
      %add3A_1809 = arith.addf %add3A_1778, %mul3A_1808 : vector<16xf32>
      %get3A_1810 = arith.constant 96 : index
      %get3A_1811 = tpu.vector_load %arg10[%get3A_1810] {strides = array<i32>} : memref<784xf32, #tpu.memory_space<vmem>>, vector<16xf32>,
      %get3A_1812 = vector.shape_cast %get3A_1811 : vector<16xf32> to vector<16xf32>
      %get3A_1813 = arith.constant 4 : i32
      %get3A_1814 = arith.index_cast %get3A_1813 : i32 to index
      %get3A_1815 = arith.constant 96 : index
      %get3A_1816 = tpu.vector_load %arg9[%get3A_1814, %get3A_1815] {strides = array<i32>} : memref<8x784xf32, #tpu.memory_space<vmem>>, vector<1x16xf32>,
      %get3A_1817 = vector.shape_cast %get3A_1816 : vector<1x16xf32> to vector<16xf32>
      %mul3A_1818 = arith.mulf %get3A_1817, %get3A_1812 : vector<16xf32>
      %add3A_1819 = arith.addf %add3A_1788, %mul3A_1818 : vector<16xf32>
      %get3A_1820 = arith.constant 5 : i32
      %get3A_1821 = arith.index_cast %get3A_1820 : i32 to index
      %get3A_1822 = arith.constant 96 : index
      %get3A_1823 = tpu.vector_load %arg9[%get3A_1821, %get3A_1822] {strides = array<i32>} : memref<8x784xf32, #tpu.memory_space<vmem>>, vector<1x16xf32>,
      %get3A_1824 = vector.shape_cast %get3A_1823 : vector<1x16xf32> to vector<16xf32>
      %mul3A_1825 = arith.mulf %get3A_1824, %get3A_1812 : vector<16xf32>
      %add3A_1826 = arith.addf %add3A_1795, %mul3A_1825 : vector<16xf32>
      %get3A_1827 = arith.constant 6 : i32
      %get3A_1828 = arith.index_cast %get3A_1827 : i32 to index
      %get3A_1829 = arith.constant 96 : index
      %get3A_1830 = tpu.vector_load %arg9[%get3A_1828, %get3A_1829] {strides = array<i32>} : memref<8x784xf32, #tpu.memory_space<vmem>>, vector<1x16xf32>,
      %get3A_1831 = vector.shape_cast %get3A_1830 : vector<1x16xf32> to vector<16xf32>
      %mul3A_1832 = arith.mulf %get3A_1831, %get3A_1812 : vector<16xf32>
      %add3A_1833 = arith.addf %add3A_1802, %mul3A_1832 : vector<16xf32>
      %get3A_1834 = arith.constant 7 : i32
      %get3A_1835 = arith.index_cast %get3A_1834 : i32 to index
      %get3A_1836 = arith.constant 96 : index
      %get3A_1837 = tpu.vector_load %arg9[%get3A_1835, %get3A_1836] {strides = array<i32>} : memref<8x784xf32, #tpu.memory_space<vmem>>, vector<1x16xf32>,
      %get3A_1838 = vector.shape_cast %get3A_1837 : vector<1x16xf32> to vector<16xf32>
      %mul3A_1839 = arith.mulf %get3A_1838, %get3A_1812 : vector<16xf32>
      %add3A_1840 = arith.addf %add3A_1809, %mul3A_1839 : vector<16xf32>
      %get3A_1841 = arith.constant 112 : index
      %get3A_1842 = tpu.vector_load %arg10[%get3A_1841] {strides = array<i32>} : memref<784xf32, #tpu.memory_space<vmem>>, vector<16xf32>,
      %get3A_1843 = vector.shape_cast %get3A_1842 : vector<16xf32> to vector<16xf32>
      %get3A_1844 = arith.constant 4 : i32
      %get3A_1845 = arith.index_cast %get3A_1844 : i32 to index
      %get3A_1846 = arith.constant 112 : index
      %get3A_1847 = tpu.vector_load %arg9[%get3A_1845, %get3A_1846] {strides = array<i32>} : memref<8x784xf32, #tpu.memory_space<vmem>>, vector<1x16xf32>,
      %get3A_1848 = vector.shape_cast %get3A_1847 : vector<1x16xf32> to vector<16xf32>
      %mul3A_1849 = arith.mulf %get3A_1848, %get3A_1843 : vector<16xf32>
      %add3A_1850 = arith.addf %add3A_1819, %mul3A_1849 : vector<16xf32>
      %get3A_1851 = arith.constant 5 : i32
      %get3A_1852 = arith.index_cast %get3A_1851 : i32 to index
      %get3A_1853 = arith.constant 112 : index
      %get3A_1854 = tpu.vector_load %arg9[%get3A_1852, %get3A_1853] {strides = array<i32>} : memref<8x784xf32, #tpu.memory_space<vmem>>, vector<1x16xf32>,
      %get3A_1855 = vector.shape_cast %get3A_1854 : vector<1x16xf32> to vector<16xf32>
      %mul3A_1856 = arith.mulf %get3A_1855, %get3A_1843 : vector<16xf32>
      %add3A_1857 = arith.addf %add3A_1826, %mul3A_1856 : vector<16xf32>
      %get3A_1858 = arith.constant 6 : i32
      %get3A_1859 = arith.index_cast %get3A_1858 : i32 to index
      %get3A_1860 = arith.constant 112 : index
      %get3A_1861 = tpu.vector_load %arg9[%get3A_1859, %get3A_1860] {strides = array<i32>} : memref<8x784xf32, #tpu.memory_space<vmem>>, vector<1x16xf32>,
      %get3A_1862 = vector.shape_cast %get3A_1861 : vector<1x16xf32> to vector<16xf32>
      %mul3A_1863 = arith.mulf %get3A_1862, %get3A_1843 : vector<16xf32>
      %add3A_1864 = arith.addf %add3A_1833, %mul3A_1863 : vector<16xf32>
      %get3A_1865 = arith.constant 7 : i32
      %get3A_1866 = arith.index_cast %get3A_1865 : i32 to index
      %get3A_1867 = arith.constant 112 : index
      %get3A_1868 = tpu.vector_load %arg9[%get3A_1866, %get3A_1867] {strides = array<i32>} : memref<8x784xf32, #tpu.memory_space<vmem>>, vector<1x16xf32>,
      %get3A_1869 = vector.shape_cast %get3A_1868 : vector<1x16xf32> to vector<16xf32>
      %mul3A_1870 = arith.mulf %get3A_1869, %get3A_1843 : vector<16xf32>
      %add3A_1871 = arith.addf %add3A_1840, %mul3A_1870 : vector<16xf32>
      %get3A_1872 = arith.constant 128 : index
      %get3A_1873 = tpu.vector_load %arg10[%get3A_1872] {strides = array<i32>} : memref<784xf32, #tpu.memory_space<vmem>>, vector<16xf32>,
      %get3A_1874 = vector.shape_cast %get3A_1873 : vector<16xf32> to vector<16xf32>
      %get3A_1875 = arith.constant 4 : i32
      %get3A_1876 = arith.index_cast %get3A_1875 : i32 to index
      %get3A_1877 = arith.constant 128 : index
      %get3A_1878 = tpu.vector_load %arg9[%get3A_1876, %get3A_1877] {strides = array<i32>} : memref<8x784xf32, #tpu.memory_space<vmem>>, vector<1x16xf32>,
      %get3A_1879 = vector.shape_cast %get3A_1878 : vector<1x16xf32> to vector<16xf32>
      %mul3A_1880 = arith.mulf %get3A_1879, %get3A_1874 : vector<16xf32>
      %add3A_1881 = arith.addf %add3A_1850, %mul3A_1880 : vector<16xf32>
      %get3A_1882 = arith.constant 5 : i32
      %get3A_1883 = arith.index_cast %get3A_1882 : i32 to index
      %get3A_1884 = arith.constant 128 : index
      %get3A_1885 = tpu.vector_load %arg9[%get3A_1883, %get3A_1884] {strides = array<i32>} : memref<8x784xf32, #tpu.memory_space<vmem>>, vector<1x16xf32>,
      %get3A_1886 = vector.shape_cast %get3A_1885 : vector<1x16xf32> to vector<16xf32>
      %mul3A_1887 = arith.mulf %get3A_1886, %get3A_1874 : vector<16xf32>
      %add3A_1888 = arith.addf %add3A_1857, %mul3A_1887 : vector<16xf32>
      %get3A_1889 = arith.constant 6 : i32
      %get3A_1890 = arith.index_cast %get3A_1889 : i32 to index
      %get3A_1891 = arith.constant 128 : index
      %get3A_1892 = tpu.vector_load %arg9[%get3A_1890, %get3A_1891] {strides = array<i32>} : memref<8x784xf32, #tpu.memory_space<vmem>>, vector<1x16xf32>,
      %get3A_1893 = vector.shape_cast %get3A_1892 : vector<1x16xf32> to vector<16xf32>
      %mul3A_1894 = arith.mulf %get3A_1893, %get3A_1874 : vector<16xf32>
      %add3A_1895 = arith.addf %add3A_1864, %mul3A_1894 : vector<16xf32>
      %get3A_1896 = arith.constant 7 : i32
      %get3A_1897 = arith.index_cast %get3A_1896 : i32 to index
      %get3A_1898 = arith.constant 128 : index
      %get3A_1899 = tpu.vector_load %arg9[%get3A_1897, %get3A_1898] {strides = array<i32>} : memref<8x784xf32, #tpu.memory_space<vmem>>, vector<1x16xf32>,
      %get3A_1900 = vector.shape_cast %get3A_1899 : vector<1x16xf32> to vector<16xf32>
      %mul3A_1901 = arith.mulf %get3A_1900, %get3A_1874 : vector<16xf32>
      %add3A_1902 = arith.addf %add3A_1871, %mul3A_1901 : vector<16xf32>
      %get3A_1903 = arith.constant 144 : index
      %get3A_1904 = tpu.vector_load %arg10[%get3A_1903] {strides = array<i32>} : memref<784xf32, #tpu.memory_space<vmem>>, vector<16xf32>,
      %get3A_1905 = vector.shape_cast %get3A_1904 : vector<16xf32> to vector<16xf32>
      %get3A_1906 = arith.constant 4 : i32
      %get3A_1907 = arith.index_cast %get3A_1906 : i32 to index
      %get3A_1908 = arith.constant 144 : index
      %get3A_1909 = tpu.vector_load %arg9[%get3A_1907, %get3A_1908] {strides = array<i32>} : memref<8x784xf32, #tpu.memory_space<vmem>>, vector<1x16xf32>,
      %get3A_1910 = vector.shape_cast %get3A_1909 : vector<1x16xf32> to vector<16xf32>
      %mul3A_1911 = arith.mulf %get3A_1910, %get3A_1905 : vector<16xf32>
      %add3A_1912 = arith.addf %add3A_1881, %mul3A_1911 : vector<16xf32>
      %get3A_1913 = arith.constant 5 : i32
      %get3A_1914 = arith.index_cast %get3A_1913 : i32 to index
      %get3A_1915 = arith.constant 144 : index
      %get3A_1916 = tpu.vector_load %arg9[%get3A_1914, %get3A_1915] {strides = array<i32>} : memref<8x784xf32, #tpu.memory_space<vmem>>, vector<1x16xf32>,
      %get3A_1917 = vector.shape_cast %get3A_1916 : vector<1x16xf32> to vector<16xf32>
      %mul3A_1918 = arith.mulf %get3A_1917, %get3A_1905 : vector<16xf32>
      %add3A_1919 = arith.addf %add3A_1888, %mul3A_1918 : vector<16xf32>
      %get3A_1920 = arith.constant 6 : i32
      %get3A_1921 = arith.index_cast %get3A_1920 : i32 to index
      %get3A_1922 = arith.constant 144 : index
      %get3A_1923 = tpu.vector_load %arg9[%get3A_1921, %get3A_1922] {strides = array<i32>} : memref<8x784xf32, #tpu.memory_space<vmem>>, vector<1x16xf32>,
      %get3A_1924 = vector.shape_cast %get3A_1923 : vector<1x16xf32> to vector<16xf32>
      %mul3A_1925 = arith.mulf %get3A_1924, %get3A_1905 : vector<16xf32>
      %add3A_1926 = arith.addf %add3A_1895, %mul3A_1925 : vector<16xf32>
      %get3A_1927 = arith.constant 7 : i32
      %get3A_1928 = arith.index_cast %get3A_1927 : i32 to index
      %get3A_1929 = arith.constant 144 : index
      %get3A_1930 = tpu.vector_load %arg9[%get3A_1928, %get3A_1929] {strides = array<i32>} : memref<8x784xf32, #tpu.memory_space<vmem>>, vector<1x16xf32>,
      %get3A_1931 = vector.shape_cast %get3A_1930 : vector<1x16xf32> to vector<16xf32>
      %mul3A_1932 = arith.mulf %get3A_1931, %get3A_1905 : vector<16xf32>
      %add3A_1933 = arith.addf %add3A_1902, %mul3A_1932 : vector<16xf32>
      %get3A_1934 = arith.constant 160 : index
      %get3A_1935 = tpu.vector_load %arg10[%get3A_1934] {strides = array<i32>} : memref<784xf32, #tpu.memory_space<vmem>>, vector<16xf32>,
      %get3A_1936 = vector.shape_cast %get3A_1935 : vector<16xf32> to vector<16xf32>
      %get3A_1937 = arith.constant 4 : i32
      %get3A_1938 = arith.index_cast %get3A_1937 : i32 to index
      %get3A_1939 = arith.constant 160 : index
      %get3A_1940 = tpu.vector_load %arg9[%get3A_1938, %get3A_1939] {strides = array<i32>} : memref<8x784xf32, #tpu.memory_space<vmem>>, vector<1x16xf32>,
      %get3A_1941 = vector.shape_cast %get3A_1940 : vector<1x16xf32> to vector<16xf32>
      %mul3A_1942 = arith.mulf %get3A_1941, %get3A_1936 : vector<16xf32>
      %add3A_1943 = arith.addf %add3A_1912, %mul3A_1942 : vector<16xf32>
      %get3A_1944 = arith.constant 5 : i32
      %get3A_1945 = arith.index_cast %get3A_1944 : i32 to index
      %get3A_1946 = arith.constant 160 : index
      %get3A_1947 = tpu.vector_load %arg9[%get3A_1945, %get3A_1946] {strides = array<i32>} : memref<8x784xf32, #tpu.memory_space<vmem>>, vector<1x16xf32>,
      %get3A_1948 = vector.shape_cast %get3A_1947 : vector<1x16xf32> to vector<16xf32>
      %mul3A_1949 = arith.mulf %get3A_1948, %get3A_1936 : vector<16xf32>
      %add3A_1950 = arith.addf %add3A_1919, %mul3A_1949 : vector<16xf32>
      %get3A_1951 = arith.constant 6 : i32
      %get3A_1952 = arith.index_cast %get3A_1951 : i32 to index
      %get3A_1953 = arith.constant 160 : index
      %get3A_1954 = tpu.vector_load %arg9[%get3A_1952, %get3A_1953] {strides = array<i32>} : memref<8x784xf32, #tpu.memory_space<vmem>>, vector<1x16xf32>,
      %get3A_1955 = vector.shape_cast %get3A_1954 : vector<1x16xf32> to vector<16xf32>
      %mul3A_1956 = arith.mulf %get3A_1955, %get3A_1936 : vector<16xf32>
      %add3A_1957 = arith.addf %add3A_1926, %mul3A_1956 : vector<16xf32>
      %get3A_1958 = arith.constant 7 : i32
      %get3A_1959 = arith.index_cast %get3A_1958 : i32 to index
      %get3A_1960 = arith.constant 160 : index
      %get3A_1961 = tpu.vector_load %arg9[%get3A_1959, %get3A_1960] {strides = array<i32>} : memref<8x784xf32, #tpu.memory_space<vmem>>, vector<1x16xf32>,
      %get3A_1962 = vector.shape_cast %get3A_1961 : vector<1x16xf32> to vector<16xf32>
      %mul3A_1963 = arith.mulf %get3A_1962, %get3A_1936 : vector<16xf32>
      %add3A_1964 = arith.addf %add3A_1933, %mul3A_1963 : vector<16xf32>
      %get3A_1965 = arith.constant 176 : index
      %get3A_1966 = tpu.vector_load %arg10[%get3A_1965] {strides = array<i32>} : memref<784xf32, #tpu.memory_space<vmem>>, vector<16xf32>,
      %get3A_1967 = vector.shape_cast %get3A_1966 : vector<16xf32> to vector<16xf32>
      %get3A_1968 = arith.constant 4 : i32
      %get3A_1969 = arith.index_cast %get3A_1968 : i32 to index
      %get3A_1970 = arith.constant 176 : index
      %get3A_1971 = tpu.vector_load %arg9[%get3A_1969, %get3A_1970] {strides = array<i32>} : memref<8x784xf32, #tpu.memory_space<vmem>>, vector<1x16xf32>,
      %get3A_1972 = vector.shape_cast %get3A_1971 : vector<1x16xf32> to vector<16xf32>
      %mul3A_1973 = arith.mulf %get3A_1972, %get3A_1967 : vector<16xf32>
      %add3A_1974 = arith.addf %add3A_1943, %mul3A_1973 : vector<16xf32>
      %get3A_1975 = arith.constant 5 : i32
      %get3A_1976 = arith.index_cast %get3A_1975 : i32 to index
      %get3A_1977 = arith.constant 176 : index
      %get3A_1978 = tpu.vector_load %arg9[%get3A_1976, %get3A_1977] {strides = array<i32>} : memref<8x784xf32, #tpu.memory_space<vmem>>, vector<1x16xf32>,
      %get3A_1979 = vector.shape_cast %get3A_1978 : vector<1x16xf32> to vector<16xf32>
      %mul3A_1980 = arith.mulf %get3A_1979, %get3A_1967 : vector<16xf32>
      %add3A_1981 = arith.addf %add3A_1950, %mul3A_1980 : vector<16xf32>
      %get3A_1982 = arith.constant 6 : i32
      %get3A_1983 = arith.index_cast %get3A_1982 : i32 to index
      %get3A_1984 = arith.constant 176 : index
      %get3A_1985 = tpu.vector_load %arg9[%get3A_1983, %get3A_1984] {strides = array<i32>} : memref<8x784xf32, #tpu.memory_space<vmem>>, vector<1x16xf32>,
      %get3A_1986 = vector.shape_cast %get3A_1985 : vector<1x16xf32> to vector<16xf32>
      %mul3A_1987 = arith.mulf %get3A_1986, %get3A_1967 : vector<16xf32>
      %add3A_1988 = arith.addf %add3A_1957, %mul3A_1987 : vector<16xf32>
      %get3A_1989 = arith.constant 7 : i32
      %get3A_1990 = arith.index_cast %get3A_1989 : i32 to index
      %get3A_1991 = arith.constant 176 : index
      %get3A_1992 = tpu.vector_load %arg9[%get3A_1990, %get3A_1991] {strides = array<i32>} : memref<8x784xf32, #tpu.memory_space<vmem>>, vector<1x16xf32>,
      %get3A_1993 = vector.shape_cast %get3A_1992 : vector<1x16xf32> to vector<16xf32>
      %mul3A_1994 = arith.mulf %get3A_1993, %get3A_1967 : vector<16xf32>
      %add3A_1995 = arith.addf %add3A_1964, %mul3A_1994 : vector<16xf32>
      %get3A_1996 = arith.constant 192 : index
      %get3A_1997 = tpu.vector_load %arg10[%get3A_1996] {strides = array<i32>} : memref<784xf32, #tpu.memory_space<vmem>>, vector<16xf32>,
      %get3A_1998 = vector.shape_cast %get3A_1997 : vector<16xf32> to vector<16xf32>
      %get3A_1999 = arith.constant 4 : i32
      %get3A_2000 = arith.index_cast %get3A_1999 : i32 to index
      %get3A_2001 = arith.constant 192 : index
      %get3A_2002 = tpu.vector_load %arg9[%get3A_2000, %get3A_2001] {strides = array<i32>} : memref<8x784xf32, #tpu.memory_space<vmem>>, vector<1x16xf32>,
      %get3A_2003 = vector.shape_cast %get3A_2002 : vector<1x16xf32> to vector<16xf32>
      %mul3A_2004 = arith.mulf %get3A_2003, %get3A_1998 : vector<16xf32>
      %add3A_2005 = arith.addf %add3A_1974, %mul3A_2004 : vector<16xf32>
      %get3A_2006 = arith.constant 5 : i32
      %get3A_2007 = arith.index_cast %get3A_2006 : i32 to index
      %get3A_2008 = arith.constant 192 : index
      %get3A_2009 = tpu.vector_load %arg9[%get3A_2007, %get3A_2008] {strides = array<i32>} : memref<8x784xf32, #tpu.memory_space<vmem>>, vector<1x16xf32>,
      %get3A_2010 = vector.shape_cast %get3A_2009 : vector<1x16xf32> to vector<16xf32>
      %mul3A_2011 = arith.mulf %get3A_2010, %get3A_1998 : vector<16xf32>
      %add3A_2012 = arith.addf %add3A_1981, %mul3A_2011 : vector<16xf32>
      %get3A_2013 = arith.constant 6 : i32
      %get3A_2014 = arith.index_cast %get3A_2013 : i32 to index
      %get3A_2015 = arith.constant 192 : index
      %get3A_2016 = tpu.vector_load %arg9[%get3A_2014, %get3A_2015] {strides = array<i32>} : memref<8x784xf32, #tpu.memory_space<vmem>>, vector<1x16xf32>,
      %get3A_2017 = vector.shape_cast %get3A_2016 : vector<1x16xf32> to vector<16xf32>
      %mul3A_2018 = arith.mulf %get3A_2017, %get3A_1998 : vector<16xf32>
      %add3A_2019 = arith.addf %add3A_1988, %mul3A_2018 : vector<16xf32>
      %get3A_2020 = arith.constant 7 : i32
      %get3A_2021 = arith.index_cast %get3A_2020 : i32 to index
      %get3A_2022 = arith.constant 192 : index
      %get3A_2023 = tpu.vector_load %arg9[%get3A_2021, %get3A_2022] {strides = array<i32>} : memref<8x784xf32, #tpu.memory_space<vmem>>, vector<1x16xf32>,
      %get3A_2024 = vector.shape_cast %get3A_2023 : vector<1x16xf32> to vector<16xf32>
      %mul3A_2025 = arith.mulf %get3A_2024, %get3A_1998 : vector<16xf32>
      %add3A_2026 = arith.addf %add3A_1995, %mul3A_2025 : vector<16xf32>
      %get3A_2027 = arith.constant 208 : index
      %get3A_2028 = tpu.vector_load %arg10[%get3A_2027] {strides = array<i32>} : memref<784xf32, #tpu.memory_space<vmem>>, vector<16xf32>,
      %get3A_2029 = vector.shape_cast %get3A_2028 : vector<16xf32> to vector<16xf32>
      %get3A_2030 = arith.constant 4 : i32
      %get3A_2031 = arith.index_cast %get3A_2030 : i32 to index
      %get3A_2032 = arith.constant 208 : index
      %get3A_2033 = tpu.vector_load %arg9[%get3A_2031, %get3A_2032] {strides = array<i32>} : memref<8x784xf32, #tpu.memory_space<vmem>>, vector<1x16xf32>,
      %get3A_2034 = vector.shape_cast %get3A_2033 : vector<1x16xf32> to vector<16xf32>
      %mul3A_2035 = arith.mulf %get3A_2034, %get3A_2029 : vector<16xf32>
      %add3A_2036 = arith.addf %add3A_2005, %mul3A_2035 : vector<16xf32>
      %get3A_2037 = arith.constant 5 : i32
      %get3A_2038 = arith.index_cast %get3A_2037 : i32 to index
      %get3A_2039 = arith.constant 208 : index
      %get3A_2040 = tpu.vector_load %arg9[%get3A_2038, %get3A_2039] {strides = array<i32>} : memref<8x784xf32, #tpu.memory_space<vmem>>, vector<1x16xf32>,
      %get3A_2041 = vector.shape_cast %get3A_2040 : vector<1x16xf32> to vector<16xf32>
      %mul3A_2042 = arith.mulf %get3A_2041, %get3A_2029 : vector<16xf32>
      %add3A_2043 = arith.addf %add3A_2012, %mul3A_2042 : vector<16xf32>
      %get3A_2044 = arith.constant 6 : i32
      %get3A_2045 = arith.index_cast %get3A_2044 : i32 to index
      %get3A_2046 = arith.constant 208 : index
      %get3A_2047 = tpu.vector_load %arg9[%get3A_2045, %get3A_2046] {strides = array<i32>} : memref<8x784xf32, #tpu.memory_space<vmem>>, vector<1x16xf32>,
      %get3A_2048 = vector.shape_cast %get3A_2047 : vector<1x16xf32> to vector<16xf32>
      %mul3A_2049 = arith.mulf %get3A_2048, %get3A_2029 : vector<16xf32>
      %add3A_2050 = arith.addf %add3A_2019, %mul3A_2049 : vector<16xf32>
      %get3A_2051 = arith.constant 7 : i32
      %get3A_2052 = arith.index_cast %get3A_2051 : i32 to index
      %get3A_2053 = arith.constant 208 : index
      %get3A_2054 = tpu.vector_load %arg9[%get3A_2052, %get3A_2053] {strides = array<i32>} : memref<8x784xf32, #tpu.memory_space<vmem>>, vector<1x16xf32>,
      %get3A_2055 = vector.shape_cast %get3A_2054 : vector<1x16xf32> to vector<16xf32>
      %mul3A_2056 = arith.mulf %get3A_2055, %get3A_2029 : vector<16xf32>
      %add3A_2057 = arith.addf %add3A_2026, %mul3A_2056 : vector<16xf32>
      %get3A_2058 = arith.constant 224 : index
      %get3A_2059 = tpu.vector_load %arg10[%get3A_2058] {strides = array<i32>} : memref<784xf32, #tpu.memory_space<vmem>>, vector<16xf32>,
      %get3A_2060 = vector.shape_cast %get3A_2059 : vector<16xf32> to vector<16xf32>
      %get3A_2061 = arith.constant 4 : i32
      %get3A_2062 = arith.index_cast %get3A_2061 : i32 to index
      %get3A_2063 = arith.constant 224 : index
      %get3A_2064 = tpu.vector_load %arg9[%get3A_2062, %get3A_2063] {strides = array<i32>} : memref<8x784xf32, #tpu.memory_space<vmem>>, vector<1x16xf32>,
      %get3A_2065 = vector.shape_cast %get3A_2064 : vector<1x16xf32> to vector<16xf32>
      %mul3A_2066 = arith.mulf %get3A_2065, %get3A_2060 : vector<16xf32>
      %add3A_2067 = arith.addf %add3A_2036, %mul3A_2066 : vector<16xf32>
      %get3A_2068 = arith.constant 5 : i32
      %get3A_2069 = arith.index_cast %get3A_2068 : i32 to index
      %get3A_2070 = arith.constant 224 : index
      %get3A_2071 = tpu.vector_load %arg9[%get3A_2069, %get3A_2070] {strides = array<i32>} : memref<8x784xf32, #tpu.memory_space<vmem>>, vector<1x16xf32>,
      %get3A_2072 = vector.shape_cast %get3A_2071 : vector<1x16xf32> to vector<16xf32>
      %mul3A_2073 = arith.mulf %get3A_2072, %get3A_2060 : vector<16xf32>
      %add3A_2074 = arith.addf %add3A_2043, %mul3A_2073 : vector<16xf32>
      %get3A_2075 = arith.constant 6 : i32
      %get3A_2076 = arith.index_cast %get3A_2075 : i32 to index
      %get3A_2077 = arith.constant 224 : index
      %get3A_2078 = tpu.vector_load %arg9[%get3A_2076, %get3A_2077] {strides = array<i32>} : memref<8x784xf32, #tpu.memory_space<vmem>>, vector<1x16xf32>,
      %get3A_2079 = vector.shape_cast %get3A_2078 : vector<1x16xf32> to vector<16xf32>
      %mul3A_2080 = arith.mulf %get3A_2079, %get3A_2060 : vector<16xf32>
      %add3A_2081 = arith.addf %add3A_2050, %mul3A_2080 : vector<16xf32>
      %get3A_2082 = arith.constant 7 : i32
      %get3A_2083 = arith.index_cast %get3A_2082 : i32 to index
      %get3A_2084 = arith.constant 224 : index
      %get3A_2085 = tpu.vector_load %arg9[%get3A_2083, %get3A_2084] {strides = array<i32>} : memref<8x784xf32, #tpu.memory_space<vmem>>, vector<1x16xf32>,
      %get3A_2086 = vector.shape_cast %get3A_2085 : vector<1x16xf32> to vector<16xf32>
      %mul3A_2087 = arith.mulf %get3A_2086, %get3A_2060 : vector<16xf32>
      %add3A_2088 = arith.addf %add3A_2057, %mul3A_2087 : vector<16xf32>
      %get3A_2089 = arith.constant 240 : index
      %get3A_2090 = tpu.vector_load %arg10[%get3A_2089] {strides = array<i32>} : memref<784xf32, #tpu.memory_space<vmem>>, vector<16xf32>,
      %get3A_2091 = vector.shape_cast %get3A_2090 : vector<16xf32> to vector<16xf32>
      %get3A_2092 = arith.constant 4 : i32
      %get3A_2093 = arith.index_cast %get3A_2092 : i32 to index
      %get3A_2094 = arith.constant 240 : index
      %get3A_2095 = tpu.vector_load %arg9[%get3A_2093, %get3A_2094] {strides = array<i32>} : memref<8x784xf32, #tpu.memory_space<vmem>>, vector<1x16xf32>,
      %get3A_2096 = vector.shape_cast %get3A_2095 : vector<1x16xf32> to vector<16xf32>
      %mul3A_2097 = arith.mulf %get3A_2096, %get3A_2091 : vector<16xf32>
      %add3A_2098 = arith.addf %add3A_2067, %mul3A_2097 : vector<16xf32>
      %get3A_2099 = arith.constant 5 : i32
      %get3A_2100 = arith.index_cast %get3A_2099 : i32 to index
      %get3A_2101 = arith.constant 240 : index
      %get3A_2102 = tpu.vector_load %arg9[%get3A_2100, %get3A_2101] {strides = array<i32>} : memref<8x784xf32, #tpu.memory_space<vmem>>, vector<1x16xf32>,
      %get3A_2103 = vector.shape_cast %get3A_2102 : vector<1x16xf32> to vector<16xf32>
      %mul3A_2104 = arith.mulf %get3A_2103, %get3A_2091 : vector<16xf32>
      %add3A_2105 = arith.addf %add3A_2074, %mul3A_2104 : vector<16xf32>
      %get3A_2106 = arith.constant 6 : i32
      %get3A_2107 = arith.index_cast %get3A_2106 : i32 to index
      %get3A_2108 = arith.constant 240 : index
      %get3A_2109 = tpu.vector_load %arg9[%get3A_2107, %get3A_2108] {strides = array<i32>} : memref<8x784xf32, #tpu.memory_space<vmem>>, vector<1x16xf32>,
      %get3A_2110 = vector.shape_cast %get3A_2109 : vector<1x16xf32> to vector<16xf32>
      %mul3A_2111 = arith.mulf %get3A_2110, %get3A_2091 : vector<16xf32>
      %add3A_2112 = arith.addf %add3A_2081, %mul3A_2111 : vector<16xf32>
      %get3A_2113 = arith.constant 7 : i32
      %get3A_2114 = arith.index_cast %get3A_2113 : i32 to index
      %get3A_2115 = arith.constant 240 : index
      %get3A_2116 = tpu.vector_load %arg9[%get3A_2114, %get3A_2115] {strides = array<i32>} : memref<8x784xf32, #tpu.memory_space<vmem>>, vector<1x16xf32>,
      %get3A_2117 = vector.shape_cast %get3A_2116 : vector<1x16xf32> to vector<16xf32>
      %mul3A_2118 = arith.mulf %get3A_2117, %get3A_2091 : vector<16xf32>
      %add3A_2119 = arith.addf %add3A_2088, %mul3A_2118 : vector<16xf32>
      %get3A_2120 = arith.constant 256 : index
      %get3A_2121 = tpu.vector_load %arg10[%get3A_2120] {strides = array<i32>} : memref<784xf32, #tpu.memory_space<vmem>>, vector<16xf32>,
      %get3A_2122 = vector.shape_cast %get3A_2121 : vector<16xf32> to vector<16xf32>
      %get3A_2123 = arith.constant 4 : i32
      %get3A_2124 = arith.index_cast %get3A_2123 : i32 to index
      %get3A_2125 = arith.constant 256 : index
      %get3A_2126 = tpu.vector_load %arg9[%get3A_2124, %get3A_2125] {strides = array<i32>} : memref<8x784xf32, #tpu.memory_space<vmem>>, vector<1x16xf32>,
      %get3A_2127 = vector.shape_cast %get3A_2126 : vector<1x16xf32> to vector<16xf32>
      %mul3A_2128 = arith.mulf %get3A_2127, %get3A_2122 : vector<16xf32>
      %add3A_2129 = arith.addf %add3A_2098, %mul3A_2128 : vector<16xf32>
      %get3A_2130 = arith.constant 5 : i32
      %get3A_2131 = arith.index_cast %get3A_2130 : i32 to index
      %get3A_2132 = arith.constant 256 : index
      %get3A_2133 = tpu.vector_load %arg9[%get3A_2131, %get3A_2132] {strides = array<i32>} : memref<8x784xf32, #tpu.memory_space<vmem>>, vector<1x16xf32>,
      %get3A_2134 = vector.shape_cast %get3A_2133 : vector<1x16xf32> to vector<16xf32>
      %mul3A_2135 = arith.mulf %get3A_2134, %get3A_2122 : vector<16xf32>
      %add3A_2136 = arith.addf %add3A_2105, %mul3A_2135 : vector<16xf32>
      %get3A_2137 = arith.constant 6 : i32
      %get3A_2138 = arith.index_cast %get3A_2137 : i32 to index
      %get3A_2139 = arith.constant 256 : index
      %get3A_2140 = tpu.vector_load %arg9[%get3A_2138, %get3A_2139] {strides = array<i32>} : memref<8x784xf32, #tpu.memory_space<vmem>>, vector<1x16xf32>,
      %get3A_2141 = vector.shape_cast %get3A_2140 : vector<1x16xf32> to vector<16xf32>
      %mul3A_2142 = arith.mulf %get3A_2141, %get3A_2122 : vector<16xf32>
      %add3A_2143 = arith.addf %add3A_2112, %mul3A_2142 : vector<16xf32>
      %get3A_2144 = arith.constant 7 : i32
      %get3A_2145 = arith.index_cast %get3A_2144 : i32 to index
      %get3A_2146 = arith.constant 256 : index
      %get3A_2147 = tpu.vector_load %arg9[%get3A_2145, %get3A_2146] {strides = array<i32>} : memref<8x784xf32, #tpu.memory_space<vmem>>, vector<1x16xf32>,
      %get3A_2148 = vector.shape_cast %get3A_2147 : vector<1x16xf32> to vector<16xf32>
      %mul3A_2149 = arith.mulf %get3A_2148, %get3A_2122 : vector<16xf32>
      %add3A_2150 = arith.addf %add3A_2119, %mul3A_2149 : vector<16xf32>
      %get3A_2151 = arith.constant 272 : index
      %get3A_2152 = tpu.vector_load %arg10[%get3A_2151] {strides = array<i32>} : memref<784xf32, #tpu.memory_space<vmem>>, vector<16xf32>,
      %get3A_2153 = vector.shape_cast %get3A_2152 : vector<16xf32> to vector<16xf32>
      %get3A_2154 = arith.constant 4 : i32
      %get3A_2155 = arith.index_cast %get3A_2154 : i32 to index
      %get3A_2156 = arith.constant 272 : index
      %get3A_2157 = tpu.vector_load %arg9[%get3A_2155, %get3A_2156] {strides = array<i32>} : memref<8x784xf32, #tpu.memory_space<vmem>>, vector<1x16xf32>,
      %get3A_2158 = vector.shape_cast %get3A_2157 : vector<1x16xf32> to vector<16xf32>
      %mul3A_2159 = arith.mulf %get3A_2158, %get3A_2153 : vector<16xf32>
      %add3A_2160 = arith.addf %add3A_2129, %mul3A_2159 : vector<16xf32>
      %get3A_2161 = arith.constant 5 : i32
      %get3A_2162 = arith.index_cast %get3A_2161 : i32 to index
      %get3A_2163 = arith.constant 272 : index
      %get3A_2164 = tpu.vector_load %arg9[%get3A_2162, %get3A_2163] {strides = array<i32>} : memref<8x784xf32, #tpu.memory_space<vmem>>, vector<1x16xf32>,
      %get3A_2165 = vector.shape_cast %get3A_2164 : vector<1x16xf32> to vector<16xf32>
      %mul3A_2166 = arith.mulf %get3A_2165, %get3A_2153 : vector<16xf32>
      %add3A_2167 = arith.addf %add3A_2136, %mul3A_2166 : vector<16xf32>
      %get3A_2168 = arith.constant 6 : i32
      %get3A_2169 = arith.index_cast %get3A_2168 : i32 to index
      %get3A_2170 = arith.constant 272 : index
      %get3A_2171 = tpu.vector_load %arg9[%get3A_2169, %get3A_2170] {strides = array<i32>} : memref<8x784xf32, #tpu.memory_space<vmem>>, vector<1x16xf32>,
      %get3A_2172 = vector.shape_cast %get3A_2171 : vector<1x16xf32> to vector<16xf32>
      %mul3A_2173 = arith.mulf %get3A_2172, %get3A_2153 : vector<16xf32>
      %add3A_2174 = arith.addf %add3A_2143, %mul3A_2173 : vector<16xf32>
      %get3A_2175 = arith.constant 7 : i32
      %get3A_2176 = arith.index_cast %get3A_2175 : i32 to index
      %get3A_2177 = arith.constant 272 : index
      %get3A_2178 = tpu.vector_load %arg9[%get3A_2176, %get3A_2177] {strides = array<i32>} : memref<8x784xf32, #tpu.memory_space<vmem>>, vector<1x16xf32>,
      %get3A_2179 = vector.shape_cast %get3A_2178 : vector<1x16xf32> to vector<16xf32>
      %mul3A_2180 = arith.mulf %get3A_2179, %get3A_2153 : vector<16xf32>
      %add3A_2181 = arith.addf %add3A_2150, %mul3A_2180 : vector<16xf32>
      %get3A_2182 = arith.constant 288 : index
      %get3A_2183 = tpu.vector_load %arg10[%get3A_2182] {strides = array<i32>} : memref<784xf32, #tpu.memory_space<vmem>>, vector<16xf32>,
      %get3A_2184 = vector.shape_cast %get3A_2183 : vector<16xf32> to vector<16xf32>
      %get3A_2185 = arith.constant 4 : i32
      %get3A_2186 = arith.index_cast %get3A_2185 : i32 to index
      %get3A_2187 = arith.constant 288 : index
      %get3A_2188 = tpu.vector_load %arg9[%get3A_2186, %get3A_2187] {strides = array<i32>} : memref<8x784xf32, #tpu.memory_space<vmem>>, vector<1x16xf32>,
      %get3A_2189 = vector.shape_cast %get3A_2188 : vector<1x16xf32> to vector<16xf32>
      %mul3A_2190 = arith.mulf %get3A_2189, %get3A_2184 : vector<16xf32>
      %add3A_2191 = arith.addf %add3A_2160, %mul3A_2190 : vector<16xf32>
      %get3A_2192 = arith.constant 5 : i32
      %get3A_2193 = arith.index_cast %get3A_2192 : i32 to index
      %get3A_2194 = arith.constant 288 : index
      %get3A_2195 = tpu.vector_load %arg9[%get3A_2193, %get3A_2194] {strides = array<i32>} : memref<8x784xf32, #tpu.memory_space<vmem>>, vector<1x16xf32>,
      %get3A_2196 = vector.shape_cast %get3A_2195 : vector<1x16xf32> to vector<16xf32>
      %mul3A_2197 = arith.mulf %get3A_2196, %get3A_2184 : vector<16xf32>
      %add3A_2198 = arith.addf %add3A_2167, %mul3A_2197 : vector<16xf32>
      %get3A_2199 = arith.constant 6 : i32
      %get3A_2200 = arith.index_cast %get3A_2199 : i32 to index
      %get3A_2201 = arith.constant 288 : index
      %get3A_2202 = tpu.vector_load %arg9[%get3A_2200, %get3A_2201] {strides = array<i32>} : memref<8x784xf32, #tpu.memory_space<vmem>>, vector<1x16xf32>,
      %get3A_2203 = vector.shape_cast %get3A_2202 : vector<1x16xf32> to vector<16xf32>
      %mul3A_2204 = arith.mulf %get3A_2203, %get3A_2184 : vector<16xf32>
      %add3A_2205 = arith.addf %add3A_2174, %mul3A_2204 : vector<16xf32>
      %get3A_2206 = arith.constant 7 : i32
      %get3A_2207 = arith.index_cast %get3A_2206 : i32 to index
      %get3A_2208 = arith.constant 288 : index
      %get3A_2209 = tpu.vector_load %arg9[%get3A_2207, %get3A_2208] {strides = array<i32>} : memref<8x784xf32, #tpu.memory_space<vmem>>, vector<1x16xf32>,
      %get3A_2210 = vector.shape_cast %get3A_2209 : vector<1x16xf32> to vector<16xf32>
      %mul3A_2211 = arith.mulf %get3A_2210, %get3A_2184 : vector<16xf32>
      %add3A_2212 = arith.addf %add3A_2181, %mul3A_2211 : vector<16xf32>
      %get3A_2213 = arith.constant 304 : index
      %get3A_2214 = tpu.vector_load %arg10[%get3A_2213] {strides = array<i32>} : memref<784xf32, #tpu.memory_space<vmem>>, vector<16xf32>,
      %get3A_2215 = vector.shape_cast %get3A_2214 : vector<16xf32> to vector<16xf32>
      %get3A_2216 = arith.constant 4 : i32
      %get3A_2217 = arith.index_cast %get3A_2216 : i32 to index
      %get3A_2218 = arith.constant 304 : index
      %get3A_2219 = tpu.vector_load %arg9[%get3A_2217, %get3A_2218] {strides = array<i32>} : memref<8x784xf32, #tpu.memory_space<vmem>>, vector<1x16xf32>,
      %get3A_2220 = vector.shape_cast %get3A_2219 : vector<1x16xf32> to vector<16xf32>
      %mul3A_2221 = arith.mulf %get3A_2220, %get3A_2215 : vector<16xf32>
      %add3A_2222 = arith.addf %add3A_2191, %mul3A_2221 : vector<16xf32>
      %get3A_2223 = arith.constant 5 : i32
      %get3A_2224 = arith.index_cast %get3A_2223 : i32 to index
      %get3A_2225 = arith.constant 304 : index
      %get3A_2226 = tpu.vector_load %arg9[%get3A_2224, %get3A_2225] {strides = array<i32>} : memref<8x784xf32, #tpu.memory_space<vmem>>, vector<1x16xf32>,
      %get3A_2227 = vector.shape_cast %get3A_2226 : vector<1x16xf32> to vector<16xf32>
      %mul3A_2228 = arith.mulf %get3A_2227, %get3A_2215 : vector<16xf32>
      %add3A_2229 = arith.addf %add3A_2198, %mul3A_2228 : vector<16xf32>
      %get3A_2230 = arith.constant 6 : i32
      %get3A_2231 = arith.index_cast %get3A_2230 : i32 to index
      %get3A_2232 = arith.constant 304 : index
      %get3A_2233 = tpu.vector_load %arg9[%get3A_2231, %get3A_2232] {strides = array<i32>} : memref<8x784xf32, #tpu.memory_space<vmem>>, vector<1x16xf32>,
      %get3A_2234 = vector.shape_cast %get3A_2233 : vector<1x16xf32> to vector<16xf32>
      %mul3A_2235 = arith.mulf %get3A_2234, %get3A_2215 : vector<16xf32>
      %add3A_2236 = arith.addf %add3A_2205, %mul3A_2235 : vector<16xf32>
      %get3A_2237 = arith.constant 7 : i32
      %get3A_2238 = arith.index_cast %get3A_2237 : i32 to index
      %get3A_2239 = arith.constant 304 : index
      %get3A_2240 = tpu.vector_load %arg9[%get3A_2238, %get3A_2239] {strides = array<i32>} : memref<8x784xf32, #tpu.memory_space<vmem>>, vector<1x16xf32>,
      %get3A_2241 = vector.shape_cast %get3A_2240 : vector<1x16xf32> to vector<16xf32>
      %mul3A_2242 = arith.mulf %get3A_2241, %get3A_2215 : vector<16xf32>
      %add3A_2243 = arith.addf %add3A_2212, %mul3A_2242 : vector<16xf32>
      %get3A_2244 = arith.constant 320 : index
      %get3A_2245 = tpu.vector_load %arg10[%get3A_2244] {strides = array<i32>} : memref<784xf32, #tpu.memory_space<vmem>>, vector<16xf32>,
      %get3A_2246 = vector.shape_cast %get3A_2245 : vector<16xf32> to vector<16xf32>
      %get3A_2247 = arith.constant 4 : i32
      %get3A_2248 = arith.index_cast %get3A_2247 : i32 to index
      %get3A_2249 = arith.constant 320 : index
      %get3A_2250 = tpu.vector_load %arg9[%get3A_2248, %get3A_2249] {strides = array<i32>} : memref<8x784xf32, #tpu.memory_space<vmem>>, vector<1x16xf32>,
      %get3A_2251 = vector.shape_cast %get3A_2250 : vector<1x16xf32> to vector<16xf32>
      %mul3A_2252 = arith.mulf %get3A_2251, %get3A_2246 : vector<16xf32>
      %add3A_2253 = arith.addf %add3A_2222, %mul3A_2252 : vector<16xf32>
      %get3A_2254 = arith.constant 5 : i32
      %get3A_2255 = arith.index_cast %get3A_2254 : i32 to index
      %get3A_2256 = arith.constant 320 : index
      %get3A_2257 = tpu.vector_load %arg9[%get3A_2255, %get3A_2256] {strides = array<i32>} : memref<8x784xf32, #tpu.memory_space<vmem>>, vector<1x16xf32>,
      %get3A_2258 = vector.shape_cast %get3A_2257 : vector<1x16xf32> to vector<16xf32>
      %mul3A_2259 = arith.mulf %get3A_2258, %get3A_2246 : vector<16xf32>
      %add3A_2260 = arith.addf %add3A_2229, %mul3A_2259 : vector<16xf32>
      %get3A_2261 = arith.constant 6 : i32
      %get3A_2262 = arith.index_cast %get3A_2261 : i32 to index
      %get3A_2263 = arith.constant 320 : index
      %get3A_2264 = tpu.vector_load %arg9[%get3A_2262, %get3A_2263] {strides = array<i32>} : memref<8x784xf32, #tpu.memory_space<vmem>>, vector<1x16xf32>,
      %get3A_2265 = vector.shape_cast %get3A_2264 : vector<1x16xf32> to vector<16xf32>
      %mul3A_2266 = arith.mulf %get3A_2265, %get3A_2246 : vector<16xf32>
      %add3A_2267 = arith.addf %add3A_2236, %mul3A_2266 : vector<16xf32>
      %get3A_2268 = arith.constant 7 : i32
      %get3A_2269 = arith.index_cast %get3A_2268 : i32 to index
      %get3A_2270 = arith.constant 320 : index
      %get3A_2271 = tpu.vector_load %arg9[%get3A_2269, %get3A_2270] {strides = array<i32>} : memref<8x784xf32, #tpu.memory_space<vmem>>, vector<1x16xf32>,
      %get3A_2272 = vector.shape_cast %get3A_2271 : vector<1x16xf32> to vector<16xf32>
      %mul3A_2273 = arith.mulf %get3A_2272, %get3A_2246 : vector<16xf32>
      %add3A_2274 = arith.addf %add3A_2243, %mul3A_2273 : vector<16xf32>
      %get3A_2275 = arith.constant 336 : index
      %get3A_2276 = tpu.vector_load %arg10[%get3A_2275] {strides = array<i32>} : memref<784xf32, #tpu.memory_space<vmem>>, vector<16xf32>,
      %get3A_2277 = vector.shape_cast %get3A_2276 : vector<16xf32> to vector<16xf32>
      %get3A_2278 = arith.constant 4 : i32
      %get3A_2279 = arith.index_cast %get3A_2278 : i32 to index
      %get3A_2280 = arith.constant 336 : index
      %get3A_2281 = tpu.vector_load %arg9[%get3A_2279, %get3A_2280] {strides = array<i32>} : memref<8x784xf32, #tpu.memory_space<vmem>>, vector<1x16xf32>,
      %get3A_2282 = vector.shape_cast %get3A_2281 : vector<1x16xf32> to vector<16xf32>
      %mul3A_2283 = arith.mulf %get3A_2282, %get3A_2277 : vector<16xf32>
      %add3A_2284 = arith.addf %add3A_2253, %mul3A_2283 : vector<16xf32>
      %get3A_2285 = arith.constant 5 : i32
      %get3A_2286 = arith.index_cast %get3A_2285 : i32 to index
      %get3A_2287 = arith.constant 336 : index
      %get3A_2288 = tpu.vector_load %arg9[%get3A_2286, %get3A_2287] {strides = array<i32>} : memref<8x784xf32, #tpu.memory_space<vmem>>, vector<1x16xf32>,
      %get3A_2289 = vector.shape_cast %get3A_2288 : vector<1x16xf32> to vector<16xf32>
      %mul3A_2290 = arith.mulf %get3A_2289, %get3A_2277 : vector<16xf32>
      %add3A_2291 = arith.addf %add3A_2260, %mul3A_2290 : vector<16xf32>
      %get3A_2292 = arith.constant 6 : i32
      %get3A_2293 = arith.index_cast %get3A_2292 : i32 to index
      %get3A_2294 = arith.constant 336 : index
      %get3A_2295 = tpu.vector_load %arg9[%get3A_2293, %get3A_2294] {strides = array<i32>} : memref<8x784xf32, #tpu.memory_space<vmem>>, vector<1x16xf32>,
      %get3A_2296 = vector.shape_cast %get3A_2295 : vector<1x16xf32> to vector<16xf32>
      %mul3A_2297 = arith.mulf %get3A_2296, %get3A_2277 : vector<16xf32>
      %add3A_2298 = arith.addf %add3A_2267, %mul3A_2297 : vector<16xf32>
      %get3A_2299 = arith.constant 7 : i32
      %get3A_2300 = arith.index_cast %get3A_2299 : i32 to index
      %get3A_2301 = arith.constant 336 : index
      %get3A_2302 = tpu.vector_load %arg9[%get3A_2300, %get3A_2301] {strides = array<i32>} : memref<8x784xf32, #tpu.memory_space<vmem>>, vector<1x16xf32>,
      %get3A_2303 = vector.shape_cast %get3A_2302 : vector<1x16xf32> to vector<16xf32>
      %mul3A_2304 = arith.mulf %get3A_2303, %get3A_2277 : vector<16xf32>
      %add3A_2305 = arith.addf %add3A_2274, %mul3A_2304 : vector<16xf32>
      %get3A_2306 = arith.constant 352 : index
      %get3A_2307 = tpu.vector_load %arg10[%get3A_2306] {strides = array<i32>} : memref<784xf32, #tpu.memory_space<vmem>>, vector<16xf32>,
      %get3A_2308 = vector.shape_cast %get3A_2307 : vector<16xf32> to vector<16xf32>
      %get3A_2309 = arith.constant 4 : i32
      %get3A_2310 = arith.index_cast %get3A_2309 : i32 to index
      %get3A_2311 = arith.constant 352 : index
      %get3A_2312 = tpu.vector_load %arg9[%get3A_2310, %get3A_2311] {strides = array<i32>} : memref<8x784xf32, #tpu.memory_space<vmem>>, vector<1x16xf32>,
      %get3A_2313 = vector.shape_cast %get3A_2312 : vector<1x16xf32> to vector<16xf32>
      %mul3A_2314 = arith.mulf %get3A_2313, %get3A_2308 : vector<16xf32>
      %add3A_2315 = arith.addf %add3A_2284, %mul3A_2314 : vector<16xf32>
      %get3A_2316 = arith.constant 5 : i32
      %get3A_2317 = arith.index_cast %get3A_2316 : i32 to index
      %get3A_2318 = arith.constant 352 : index
      %get3A_2319 = tpu.vector_load %arg9[%get3A_2317, %get3A_2318] {strides = array<i32>} : memref<8x784xf32, #tpu.memory_space<vmem>>, vector<1x16xf32>,
      %get3A_2320 = vector.shape_cast %get3A_2319 : vector<1x16xf32> to vector<16xf32>
      %mul3A_2321 = arith.mulf %get3A_2320, %get3A_2308 : vector<16xf32>
      %add3A_2322 = arith.addf %add3A_2291, %mul3A_2321 : vector<16xf32>
      %get3A_2323 = arith.constant 6 : i32
      %get3A_2324 = arith.index_cast %get3A_2323 : i32 to index
      %get3A_2325 = arith.constant 352 : index
      %get3A_2326 = tpu.vector_load %arg9[%get3A_2324, %get3A_2325] {strides = array<i32>} : memref<8x784xf32, #tpu.memory_space<vmem>>, vector<1x16xf32>,
      %get3A_2327 = vector.shape_cast %get3A_2326 : vector<1x16xf32> to vector<16xf32>
      %mul3A_2328 = arith.mulf %get3A_2327, %get3A_2308 : vector<16xf32>
      %add3A_2329 = arith.addf %add3A_2298, %mul3A_2328 : vector<16xf32>
      %get3A_2330 = arith.constant 7 : i32
      %get3A_2331 = arith.index_cast %get3A_2330 : i32 to index
      %get3A_2332 = arith.constant 352 : index
      %get3A_2333 = tpu.vector_load %arg9[%get3A_2331, %get3A_2332] {strides = array<i32>} : memref<8x784xf32, #tpu.memory_space<vmem>>, vector<1x16xf32>,
      %get3A_2334 = vector.shape_cast %get3A_2333 : vector<1x16xf32> to vector<16xf32>
      %mul3A_2335 = arith.mulf %get3A_2334, %get3A_2308 : vector<16xf32>
      %add3A_2336 = arith.addf %add3A_2305, %mul3A_2335 : vector<16xf32>
      %get3A_2337 = arith.constant 368 : index
      %get3A_2338 = tpu.vector_load %arg10[%get3A_2337] {strides = array<i32>} : memref<784xf32, #tpu.memory_space<vmem>>, vector<16xf32>,
      %get3A_2339 = vector.shape_cast %get3A_2338 : vector<16xf32> to vector<16xf32>
      %get3A_2340 = arith.constant 4 : i32
      %get3A_2341 = arith.index_cast %get3A_2340 : i32 to index
      %get3A_2342 = arith.constant 368 : index
      %get3A_2343 = tpu.vector_load %arg9[%get3A_2341, %get3A_2342] {strides = array<i32>} : memref<8x784xf32, #tpu.memory_space<vmem>>, vector<1x16xf32>,
      %get3A_2344 = vector.shape_cast %get3A_2343 : vector<1x16xf32> to vector<16xf32>
      %mul3A_2345 = arith.mulf %get3A_2344, %get3A_2339 : vector<16xf32>
      %add3A_2346 = arith.addf %add3A_2315, %mul3A_2345 : vector<16xf32>
      %get3A_2347 = arith.constant 5 : i32
      %get3A_2348 = arith.index_cast %get3A_2347 : i32 to index
      %get3A_2349 = arith.constant 368 : index
      %get3A_2350 = tpu.vector_load %arg9[%get3A_2348, %get3A_2349] {strides = array<i32>} : memref<8x784xf32, #tpu.memory_space<vmem>>, vector<1x16xf32>,
      %get3A_2351 = vector.shape_cast %get3A_2350 : vector<1x16xf32> to vector<16xf32>
      %mul3A_2352 = arith.mulf %get3A_2351, %get3A_2339 : vector<16xf32>
      %add3A_2353 = arith.addf %add3A_2322, %mul3A_2352 : vector<16xf32>
      %get3A_2354 = arith.constant 6 : i32
      %get3A_2355 = arith.index_cast %get3A_2354 : i32 to index
      %get3A_2356 = arith.constant 368 : index
      %get3A_2357 = tpu.vector_load %arg9[%get3A_2355, %get3A_2356] {strides = array<i32>} : memref<8x784xf32, #tpu.memory_space<vmem>>, vector<1x16xf32>,
      %get3A_2358 = vector.shape_cast %get3A_2357 : vector<1x16xf32> to vector<16xf32>
      %mul3A_2359 = arith.mulf %get3A_2358, %get3A_2339 : vector<16xf32>
      %add3A_2360 = arith.addf %add3A_2329, %mul3A_2359 : vector<16xf32>
      %get3A_2361 = arith.constant 7 : i32
      %get3A_2362 = arith.index_cast %get3A_2361 : i32 to index
      %get3A_2363 = arith.constant 368 : index
      %get3A_2364 = tpu.vector_load %arg9[%get3A_2362, %get3A_2363] {strides = array<i32>} : memref<8x784xf32, #tpu.memory_space<vmem>>, vector<1x16xf32>,
      %get3A_2365 = vector.shape_cast %get3A_2364 : vector<1x16xf32> to vector<16xf32>
      %mul3A_2366 = arith.mulf %get3A_2365, %get3A_2339 : vector<16xf32>
      %add3A_2367 = arith.addf %add3A_2336, %mul3A_2366 : vector<16xf32>
      %get3A_2368 = arith.constant 384 : index
      %get3A_2369 = tpu.vector_load %arg10[%get3A_2368] {strides = array<i32>} : memref<784xf32, #tpu.memory_space<vmem>>, vector<16xf32>,
      %get3A_2370 = vector.shape_cast %get3A_2369 : vector<16xf32> to vector<16xf32>
      %get3A_2371 = arith.constant 4 : i32
      %get3A_2372 = arith.index_cast %get3A_2371 : i32 to index
      %get3A_2373 = arith.constant 384 : index
      %get3A_2374 = tpu.vector_load %arg9[%get3A_2372, %get3A_2373] {strides = array<i32>} : memref<8x784xf32, #tpu.memory_space<vmem>>, vector<1x16xf32>,
      %get3A_2375 = vector.shape_cast %get3A_2374 : vector<1x16xf32> to vector<16xf32>
      %mul3A_2376 = arith.mulf %get3A_2375, %get3A_2370 : vector<16xf32>
      %add3A_2377 = arith.addf %add3A_2346, %mul3A_2376 : vector<16xf32>
      %get3A_2378 = arith.constant 5 : i32
      %get3A_2379 = arith.index_cast %get3A_2378 : i32 to index
      %get3A_2380 = arith.constant 384 : index
      %get3A_2381 = tpu.vector_load %arg9[%get3A_2379, %get3A_2380] {strides = array<i32>} : memref<8x784xf32, #tpu.memory_space<vmem>>, vector<1x16xf32>,
      %get3A_2382 = vector.shape_cast %get3A_2381 : vector<1x16xf32> to vector<16xf32>
      %mul3A_2383 = arith.mulf %get3A_2382, %get3A_2370 : vector<16xf32>
      %add3A_2384 = arith.addf %add3A_2353, %mul3A_2383 : vector<16xf32>
      %get3A_2385 = arith.constant 6 : i32
      %get3A_2386 = arith.index_cast %get3A_2385 : i32 to index
      %get3A_2387 = arith.constant 384 : index
      %get3A_2388 = tpu.vector_load %arg9[%get3A_2386, %get3A_2387] {strides = array<i32>} : memref<8x784xf32, #tpu.memory_space<vmem>>, vector<1x16xf32>,
      %get3A_2389 = vector.shape_cast %get3A_2388 : vector<1x16xf32> to vector<16xf32>
      %mul3A_2390 = arith.mulf %get3A_2389, %get3A_2370 : vector<16xf32>
      %add3A_2391 = arith.addf %add3A_2360, %mul3A_2390 : vector<16xf32>
      %get3A_2392 = arith.constant 7 : i32
      %get3A_2393 = arith.index_cast %get3A_2392 : i32 to index
      %get3A_2394 = arith.constant 384 : index
      %get3A_2395 = tpu.vector_load %arg9[%get3A_2393, %get3A_2394] {strides = array<i32>} : memref<8x784xf32, #tpu.memory_space<vmem>>, vector<1x16xf32>,
      %get3A_2396 = vector.shape_cast %get3A_2395 : vector<1x16xf32> to vector<16xf32>
      %mul3A_2397 = arith.mulf %get3A_2396, %get3A_2370 : vector<16xf32>
      %add3A_2398 = arith.addf %add3A_2367, %mul3A_2397 : vector<16xf32>
      %get3A_2399 = arith.constant 400 : index
      %get3A_2400 = tpu.vector_load %arg10[%get3A_2399] {strides = array<i32>} : memref<784xf32, #tpu.memory_space<vmem>>, vector<16xf32>,
      %get3A_2401 = vector.shape_cast %get3A_2400 : vector<16xf32> to vector<16xf32>
      %get3A_2402 = arith.constant 4 : i32
      %get3A_2403 = arith.index_cast %get3A_2402 : i32 to index
      %get3A_2404 = arith.constant 400 : index
      %get3A_2405 = tpu.vector_load %arg9[%get3A_2403, %get3A_2404] {strides = array<i32>} : memref<8x784xf32, #tpu.memory_space<vmem>>, vector<1x16xf32>,
      %get3A_2406 = vector.shape_cast %get3A_2405 : vector<1x16xf32> to vector<16xf32>
      %mul3A_2407 = arith.mulf %get3A_2406, %get3A_2401 : vector<16xf32>
      %add3A_2408 = arith.addf %add3A_2377, %mul3A_2407 : vector<16xf32>
      %get3A_2409 = arith.constant 5 : i32
      %get3A_2410 = arith.index_cast %get3A_2409 : i32 to index
      %get3A_2411 = arith.constant 400 : index
      %get3A_2412 = tpu.vector_load %arg9[%get3A_2410, %get3A_2411] {strides = array<i32>} : memref<8x784xf32, #tpu.memory_space<vmem>>, vector<1x16xf32>,
      %get3A_2413 = vector.shape_cast %get3A_2412 : vector<1x16xf32> to vector<16xf32>
      %mul3A_2414 = arith.mulf %get3A_2413, %get3A_2401 : vector<16xf32>
      %add3A_2415 = arith.addf %add3A_2384, %mul3A_2414 : vector<16xf32>
      %get3A_2416 = arith.constant 6 : i32
      %get3A_2417 = arith.index_cast %get3A_2416 : i32 to index
      %get3A_2418 = arith.constant 400 : index
      %get3A_2419 = tpu.vector_load %arg9[%get3A_2417, %get3A_2418] {strides = array<i32>} : memref<8x784xf32, #tpu.memory_space<vmem>>, vector<1x16xf32>,
      %get3A_2420 = vector.shape_cast %get3A_2419 : vector<1x16xf32> to vector<16xf32>
      %mul3A_2421 = arith.mulf %get3A_2420, %get3A_2401 : vector<16xf32>
      %add3A_2422 = arith.addf %add3A_2391, %mul3A_2421 : vector<16xf32>
      %get3A_2423 = arith.constant 7 : i32
      %get3A_2424 = arith.index_cast %get3A_2423 : i32 to index
      %get3A_2425 = arith.constant 400 : index
      %get3A_2426 = tpu.vector_load %arg9[%get3A_2424, %get3A_2425] {strides = array<i32>} : memref<8x784xf32, #tpu.memory_space<vmem>>, vector<1x16xf32>,
      %get3A_2427 = vector.shape_cast %get3A_2426 : vector<1x16xf32> to vector<16xf32>
      %mul3A_2428 = arith.mulf %get3A_2427, %get3A_2401 : vector<16xf32>
      %add3A_2429 = arith.addf %add3A_2398, %mul3A_2428 : vector<16xf32>
      %get3A_2430 = arith.constant 416 : index
      %get3A_2431 = tpu.vector_load %arg10[%get3A_2430] {strides = array<i32>} : memref<784xf32, #tpu.memory_space<vmem>>, vector<16xf32>,
      %get3A_2432 = vector.shape_cast %get3A_2431 : vector<16xf32> to vector<16xf32>
      %get3A_2433 = arith.constant 4 : i32
      %get3A_2434 = arith.index_cast %get3A_2433 : i32 to index
      %get3A_2435 = arith.constant 416 : index
      %get3A_2436 = tpu.vector_load %arg9[%get3A_2434, %get3A_2435] {strides = array<i32>} : memref<8x784xf32, #tpu.memory_space<vmem>>, vector<1x16xf32>,
      %get3A_2437 = vector.shape_cast %get3A_2436 : vector<1x16xf32> to vector<16xf32>
      %mul3A_2438 = arith.mulf %get3A_2437, %get3A_2432 : vector<16xf32>
      %add3A_2439 = arith.addf %add3A_2408, %mul3A_2438 : vector<16xf32>
      %get3A_2440 = arith.constant 5 : i32
      %get3A_2441 = arith.index_cast %get3A_2440 : i32 to index
      %get3A_2442 = arith.constant 416 : index
      %get3A_2443 = tpu.vector_load %arg9[%get3A_2441, %get3A_2442] {strides = array<i32>} : memref<8x784xf32, #tpu.memory_space<vmem>>, vector<1x16xf32>,
      %get3A_2444 = vector.shape_cast %get3A_2443 : vector<1x16xf32> to vector<16xf32>
      %mul3A_2445 = arith.mulf %get3A_2444, %get3A_2432 : vector<16xf32>
      %add3A_2446 = arith.addf %add3A_2415, %mul3A_2445 : vector<16xf32>
      %get3A_2447 = arith.constant 6 : i32
      %get3A_2448 = arith.index_cast %get3A_2447 : i32 to index
      %get3A_2449 = arith.constant 416 : index
      %get3A_2450 = tpu.vector_load %arg9[%get3A_2448, %get3A_2449] {strides = array<i32>} : memref<8x784xf32, #tpu.memory_space<vmem>>, vector<1x16xf32>,
      %get3A_2451 = vector.shape_cast %get3A_2450 : vector<1x16xf32> to vector<16xf32>
      %mul3A_2452 = arith.mulf %get3A_2451, %get3A_2432 : vector<16xf32>
      %add3A_2453 = arith.addf %add3A_2422, %mul3A_2452 : vector<16xf32>
      %get3A_2454 = arith.constant 7 : i32
      %get3A_2455 = arith.index_cast %get3A_2454 : i32 to index
      %get3A_2456 = arith.constant 416 : index
      %get3A_2457 = tpu.vector_load %arg9[%get3A_2455, %get3A_2456] {strides = array<i32>} : memref<8x784xf32, #tpu.memory_space<vmem>>, vector<1x16xf32>,
      %get3A_2458 = vector.shape_cast %get3A_2457 : vector<1x16xf32> to vector<16xf32>
      %mul3A_2459 = arith.mulf %get3A_2458, %get3A_2432 : vector<16xf32>
      %add3A_2460 = arith.addf %add3A_2429, %mul3A_2459 : vector<16xf32>
      %get3A_2461 = arith.constant 432 : index
      %get3A_2462 = tpu.vector_load %arg10[%get3A_2461] {strides = array<i32>} : memref<784xf32, #tpu.memory_space<vmem>>, vector<16xf32>,
      %get3A_2463 = vector.shape_cast %get3A_2462 : vector<16xf32> to vector<16xf32>
      %get3A_2464 = arith.constant 4 : i32
      %get3A_2465 = arith.index_cast %get3A_2464 : i32 to index
      %get3A_2466 = arith.constant 432 : index
      %get3A_2467 = tpu.vector_load %arg9[%get3A_2465, %get3A_2466] {strides = array<i32>} : memref<8x784xf32, #tpu.memory_space<vmem>>, vector<1x16xf32>,
      %get3A_2468 = vector.shape_cast %get3A_2467 : vector<1x16xf32> to vector<16xf32>
      %mul3A_2469 = arith.mulf %get3A_2468, %get3A_2463 : vector<16xf32>
      %add3A_2470 = arith.addf %add3A_2439, %mul3A_2469 : vector<16xf32>
      %get3A_2471 = arith.constant 5 : i32
      %get3A_2472 = arith.index_cast %get3A_2471 : i32 to index
      %get3A_2473 = arith.constant 432 : index
      %get3A_2474 = tpu.vector_load %arg9[%get3A_2472, %get3A_2473] {strides = array<i32>} : memref<8x784xf32, #tpu.memory_space<vmem>>, vector<1x16xf32>,
      %get3A_2475 = vector.shape_cast %get3A_2474 : vector<1x16xf32> to vector<16xf32>
      %mul3A_2476 = arith.mulf %get3A_2475, %get3A_2463 : vector<16xf32>
      %add3A_2477 = arith.addf %add3A_2446, %mul3A_2476 : vector<16xf32>
      %get3A_2478 = arith.constant 6 : i32
      %get3A_2479 = arith.index_cast %get3A_2478 : i32 to index
      %get3A_2480 = arith.constant 432 : index
      %get3A_2481 = tpu.vector_load %arg9[%get3A_2479, %get3A_2480] {strides = array<i32>} : memref<8x784xf32, #tpu.memory_space<vmem>>, vector<1x16xf32>,
      %get3A_2482 = vector.shape_cast %get3A_2481 : vector<1x16xf32> to vector<16xf32>
      %mul3A_2483 = arith.mulf %get3A_2482, %get3A_2463 : vector<16xf32>
      %add3A_2484 = arith.addf %add3A_2453, %mul3A_2483 : vector<16xf32>
      %get3A_2485 = arith.constant 7 : i32
      %get3A_2486 = arith.index_cast %get3A_2485 : i32 to index
      %get3A_2487 = arith.constant 432 : index
      %get3A_2488 = tpu.vector_load %arg9[%get3A_2486, %get3A_2487] {strides = array<i32>} : memref<8x784xf32, #tpu.memory_space<vmem>>, vector<1x16xf32>,
      %get3A_2489 = vector.shape_cast %get3A_2488 : vector<1x16xf32> to vector<16xf32>
      %mul3A_2490 = arith.mulf %get3A_2489, %get3A_2463 : vector<16xf32>
      %add3A_2491 = arith.addf %add3A_2460, %mul3A_2490 : vector<16xf32>
      %get3A_2492 = arith.constant 448 : index
      %get3A_2493 = tpu.vector_load %arg10[%get3A_2492] {strides = array<i32>} : memref<784xf32, #tpu.memory_space<vmem>>, vector<16xf32>,
      %get3A_2494 = vector.shape_cast %get3A_2493 : vector<16xf32> to vector<16xf32>
      %get3A_2495 = arith.constant 4 : i32
      %get3A_2496 = arith.index_cast %get3A_2495 : i32 to index
      %get3A_2497 = arith.constant 448 : index
      %get3A_2498 = tpu.vector_load %arg9[%get3A_2496, %get3A_2497] {strides = array<i32>} : memref<8x784xf32, #tpu.memory_space<vmem>>, vector<1x16xf32>,
      %get3A_2499 = vector.shape_cast %get3A_2498 : vector<1x16xf32> to vector<16xf32>
      %mul3A_2500 = arith.mulf %get3A_2499, %get3A_2494 : vector<16xf32>
      %add3A_2501 = arith.addf %add3A_2470, %mul3A_2500 : vector<16xf32>
      %get3A_2502 = arith.constant 5 : i32
      %get3A_2503 = arith.index_cast %get3A_2502 : i32 to index
      %get3A_2504 = arith.constant 448 : index
      %get3A_2505 = tpu.vector_load %arg9[%get3A_2503, %get3A_2504] {strides = array<i32>} : memref<8x784xf32, #tpu.memory_space<vmem>>, vector<1x16xf32>,
      %get3A_2506 = vector.shape_cast %get3A_2505 : vector<1x16xf32> to vector<16xf32>
      %mul3A_2507 = arith.mulf %get3A_2506, %get3A_2494 : vector<16xf32>
      %add3A_2508 = arith.addf %add3A_2477, %mul3A_2507 : vector<16xf32>
      %get3A_2509 = arith.constant 6 : i32
      %get3A_2510 = arith.index_cast %get3A_2509 : i32 to index
      %get3A_2511 = arith.constant 448 : index
      %get3A_2512 = tpu.vector_load %arg9[%get3A_2510, %get3A_2511] {strides = array<i32>} : memref<8x784xf32, #tpu.memory_space<vmem>>, vector<1x16xf32>,
      %get3A_2513 = vector.shape_cast %get3A_2512 : vector<1x16xf32> to vector<16xf32>
      %mul3A_2514 = arith.mulf %get3A_2513, %get3A_2494 : vector<16xf32>
      %add3A_2515 = arith.addf %add3A_2484, %mul3A_2514 : vector<16xf32>
      %get3A_2516 = arith.constant 7 : i32
      %get3A_2517 = arith.index_cast %get3A_2516 : i32 to index
      %get3A_2518 = arith.constant 448 : index
      %get3A_2519 = tpu.vector_load %arg9[%get3A_2517, %get3A_2518] {strides = array<i32>} : memref<8x784xf32, #tpu.memory_space<vmem>>, vector<1x16xf32>,
      %get3A_2520 = vector.shape_cast %get3A_2519 : vector<1x16xf32> to vector<16xf32>
      %mul3A_2521 = arith.mulf %get3A_2520, %get3A_2494 : vector<16xf32>
      %add3A_2522 = arith.addf %add3A_2491, %mul3A_2521 : vector<16xf32>
      %get3A_2523 = arith.constant 464 : index
      %get3A_2524 = tpu.vector_load %arg10[%get3A_2523] {strides = array<i32>} : memref<784xf32, #tpu.memory_space<vmem>>, vector<16xf32>,
      %get3A_2525 = vector.shape_cast %get3A_2524 : vector<16xf32> to vector<16xf32>
      %get3A_2526 = arith.constant 4 : i32
      %get3A_2527 = arith.index_cast %get3A_2526 : i32 to index
      %get3A_2528 = arith.constant 464 : index
      %get3A_2529 = tpu.vector_load %arg9[%get3A_2527, %get3A_2528] {strides = array<i32>} : memref<8x784xf32, #tpu.memory_space<vmem>>, vector<1x16xf32>,
      %get3A_2530 = vector.shape_cast %get3A_2529 : vector<1x16xf32> to vector<16xf32>
      %mul3A_2531 = arith.mulf %get3A_2530, %get3A_2525 : vector<16xf32>
      %add3A_2532 = arith.addf %add3A_2501, %mul3A_2531 : vector<16xf32>
      %get3A_2533 = arith.constant 5 : i32
      %get3A_2534 = arith.index_cast %get3A_2533 : i32 to index
      %get3A_2535 = arith.constant 464 : index
      %get3A_2536 = tpu.vector_load %arg9[%get3A_2534, %get3A_2535] {strides = array<i32>} : memref<8x784xf32, #tpu.memory_space<vmem>>, vector<1x16xf32>,
      %get3A_2537 = vector.shape_cast %get3A_2536 : vector<1x16xf32> to vector<16xf32>
      %mul3A_2538 = arith.mulf %get3A_2537, %get3A_2525 : vector<16xf32>
      %add3A_2539 = arith.addf %add3A_2508, %mul3A_2538 : vector<16xf32>
      %get3A_2540 = arith.constant 6 : i32
      %get3A_2541 = arith.index_cast %get3A_2540 : i32 to index
      %get3A_2542 = arith.constant 464 : index
      %get3A_2543 = tpu.vector_load %arg9[%get3A_2541, %get3A_2542] {strides = array<i32>} : memref<8x784xf32, #tpu.memory_space<vmem>>, vector<1x16xf32>,
      %get3A_2544 = vector.shape_cast %get3A_2543 : vector<1x16xf32> to vector<16xf32>
      %mul3A_2545 = arith.mulf %get3A_2544, %get3A_2525 : vector<16xf32>
      %add3A_2546 = arith.addf %add3A_2515, %mul3A_2545 : vector<16xf32>
      %get3A_2547 = arith.constant 7 : i32
      %get3A_2548 = arith.index_cast %get3A_2547 : i32 to index
      %get3A_2549 = arith.constant 464 : index
      %get3A_2550 = tpu.vector_load %arg9[%get3A_2548, %get3A_2549] {strides = array<i32>} : memref<8x784xf32, #tpu.memory_space<vmem>>, vector<1x16xf32>,
      %get3A_2551 = vector.shape_cast %get3A_2550 : vector<1x16xf32> to vector<16xf32>
      %mul3A_2552 = arith.mulf %get3A_2551, %get3A_2525 : vector<16xf32>
      %add3A_2553 = arith.addf %add3A_2522, %mul3A_2552 : vector<16xf32>
      %get3A_2554 = arith.constant 480 : index
      %get3A_2555 = tpu.vector_load %arg10[%get3A_2554] {strides = array<i32>} : memref<784xf32, #tpu.memory_space<vmem>>, vector<16xf32>,
      %get3A_2556 = vector.shape_cast %get3A_2555 : vector<16xf32> to vector<16xf32>
      %get3A_2557 = arith.constant 4 : i32
      %get3A_2558 = arith.index_cast %get3A_2557 : i32 to index
      %get3A_2559 = arith.constant 480 : index
      %get3A_2560 = tpu.vector_load %arg9[%get3A_2558, %get3A_2559] {strides = array<i32>} : memref<8x784xf32, #tpu.memory_space<vmem>>, vector<1x16xf32>,
      %get3A_2561 = vector.shape_cast %get3A_2560 : vector<1x16xf32> to vector<16xf32>
      %mul3A_2562 = arith.mulf %get3A_2561, %get3A_2556 : vector<16xf32>
      %add3A_2563 = arith.addf %add3A_2532, %mul3A_2562 : vector<16xf32>
      %get3A_2564 = arith.constant 5 : i32
      %get3A_2565 = arith.index_cast %get3A_2564 : i32 to index
      %get3A_2566 = arith.constant 480 : index
      %get3A_2567 = tpu.vector_load %arg9[%get3A_2565, %get3A_2566] {strides = array<i32>} : memref<8x784xf32, #tpu.memory_space<vmem>>, vector<1x16xf32>,
      %get3A_2568 = vector.shape_cast %get3A_2567 : vector<1x16xf32> to vector<16xf32>
      %mul3A_2569 = arith.mulf %get3A_2568, %get3A_2556 : vector<16xf32>
      %add3A_2570 = arith.addf %add3A_2539, %mul3A_2569 : vector<16xf32>
      %get3A_2571 = arith.constant 6 : i32
      %get3A_2572 = arith.index_cast %get3A_2571 : i32 to index
      %get3A_2573 = arith.constant 480 : index
      %get3A_2574 = tpu.vector_load %arg9[%get3A_2572, %get3A_2573] {strides = array<i32>} : memref<8x784xf32, #tpu.memory_space<vmem>>, vector<1x16xf32>,
      %get3A_2575 = vector.shape_cast %get3A_2574 : vector<1x16xf32> to vector<16xf32>
      %mul3A_2576 = arith.mulf %get3A_2575, %get3A_2556 : vector<16xf32>
      %add3A_2577 = arith.addf %add3A_2546, %mul3A_2576 : vector<16xf32>
      %get3A_2578 = arith.constant 7 : i32
      %get3A_2579 = arith.index_cast %get3A_2578 : i32 to index
      %get3A_2580 = arith.constant 480 : index
      %get3A_2581 = tpu.vector_load %arg9[%get3A_2579, %get3A_2580] {strides = array<i32>} : memref<8x784xf32, #tpu.memory_space<vmem>>, vector<1x16xf32>,
      %get3A_2582 = vector.shape_cast %get3A_2581 : vector<1x16xf32> to vector<16xf32>
      %mul3A_2583 = arith.mulf %get3A_2582, %get3A_2556 : vector<16xf32>
      %add3A_2584 = arith.addf %add3A_2553, %mul3A_2583 : vector<16xf32>
      %get3A_2585 = arith.constant 496 : index
      %get3A_2586 = tpu.vector_load %arg10[%get3A_2585] {strides = array<i32>} : memref<784xf32, #tpu.memory_space<vmem>>, vector<16xf32>,
      %get3A_2587 = vector.shape_cast %get3A_2586 : vector<16xf32> to vector<16xf32>
      %get3A_2588 = arith.constant 4 : i32
      %get3A_2589 = arith.index_cast %get3A_2588 : i32 to index
      %get3A_2590 = arith.constant 496 : index
      %get3A_2591 = tpu.vector_load %arg9[%get3A_2589, %get3A_2590] {strides = array<i32>} : memref<8x784xf32, #tpu.memory_space<vmem>>, vector<1x16xf32>,
      %get3A_2592 = vector.shape_cast %get3A_2591 : vector<1x16xf32> to vector<16xf32>
      %mul3A_2593 = arith.mulf %get3A_2592, %get3A_2587 : vector<16xf32>
      %add3A_2594 = arith.addf %add3A_2563, %mul3A_2593 : vector<16xf32>
      %get3A_2595 = arith.constant 5 : i32
      %get3A_2596 = arith.index_cast %get3A_2595 : i32 to index
      %get3A_2597 = arith.constant 496 : index
      %get3A_2598 = tpu.vector_load %arg9[%get3A_2596, %get3A_2597] {strides = array<i32>} : memref<8x784xf32, #tpu.memory_space<vmem>>, vector<1x16xf32>,
      %get3A_2599 = vector.shape_cast %get3A_2598 : vector<1x16xf32> to vector<16xf32>
      %mul3A_2600 = arith.mulf %get3A_2599, %get3A_2587 : vector<16xf32>
      %add3A_2601 = arith.addf %add3A_2570, %mul3A_2600 : vector<16xf32>
      %get3A_2602 = arith.constant 6 : i32
      %get3A_2603 = arith.index_cast %get3A_2602 : i32 to index
      %get3A_2604 = arith.constant 496 : index
      %get3A_2605 = tpu.vector_load %arg9[%get3A_2603, %get3A_2604] {strides = array<i32>} : memref<8x784xf32, #tpu.memory_space<vmem>>, vector<1x16xf32>,
      %get3A_2606 = vector.shape_cast %get3A_2605 : vector<1x16xf32> to vector<16xf32>
      %mul3A_2607 = arith.mulf %get3A_2606, %get3A_2587 : vector<16xf32>
      %add3A_2608 = arith.addf %add3A_2577, %mul3A_2607 : vector<16xf32>
      %get3A_2609 = arith.constant 7 : i32
      %get3A_2610 = arith.index_cast %get3A_2609 : i32 to index
      %get3A_2611 = arith.constant 496 : index
      %get3A_2612 = tpu.vector_load %arg9[%get3A_2610, %get3A_2611] {strides = array<i32>} : memref<8x784xf32, #tpu.memory_space<vmem>>, vector<1x16xf32>,
      %get3A_2613 = vector.shape_cast %get3A_2612 : vector<1x16xf32> to vector<16xf32>
      %mul3A_2614 = arith.mulf %get3A_2613, %get3A_2587 : vector<16xf32>
      %add3A_2615 = arith.addf %add3A_2584, %mul3A_2614 : vector<16xf32>
      %get3A_2616 = arith.constant 512 : index
      %get3A_2617 = tpu.vector_load %arg10[%get3A_2616] {strides = array<i32>} : memref<784xf32, #tpu.memory_space<vmem>>, vector<16xf32>,
      %get3A_2618 = vector.shape_cast %get3A_2617 : vector<16xf32> to vector<16xf32>
      %get3A_2619 = arith.constant 4 : i32
      %get3A_2620 = arith.index_cast %get3A_2619 : i32 to index
      %get3A_2621 = arith.constant 512 : index
      %get3A_2622 = tpu.vector_load %arg9[%get3A_2620, %get3A_2621] {strides = array<i32>} : memref<8x784xf32, #tpu.memory_space<vmem>>, vector<1x16xf32>,
      %get3A_2623 = vector.shape_cast %get3A_2622 : vector<1x16xf32> to vector<16xf32>
      %mul3A_2624 = arith.mulf %get3A_2623, %get3A_2618 : vector<16xf32>
      %add3A_2625 = arith.addf %add3A_2594, %mul3A_2624 : vector<16xf32>
      %get3A_2626 = arith.constant 5 : i32
      %get3A_2627 = arith.index_cast %get3A_2626 : i32 to index
      %get3A_2628 = arith.constant 512 : index
      %get3A_2629 = tpu.vector_load %arg9[%get3A_2627, %get3A_2628] {strides = array<i32>} : memref<8x784xf32, #tpu.memory_space<vmem>>, vector<1x16xf32>,
      %get3A_2630 = vector.shape_cast %get3A_2629 : vector<1x16xf32> to vector<16xf32>
      %mul3A_2631 = arith.mulf %get3A_2630, %get3A_2618 : vector<16xf32>
      %add3A_2632 = arith.addf %add3A_2601, %mul3A_2631 : vector<16xf32>
      %get3A_2633 = arith.constant 6 : i32
      %get3A_2634 = arith.index_cast %get3A_2633 : i32 to index
      %get3A_2635 = arith.constant 512 : index
      %get3A_2636 = tpu.vector_load %arg9[%get3A_2634, %get3A_2635] {strides = array<i32>} : memref<8x784xf32, #tpu.memory_space<vmem>>, vector<1x16xf32>,
      %get3A_2637 = vector.shape_cast %get3A_2636 : vector<1x16xf32> to vector<16xf32>
      %mul3A_2638 = arith.mulf %get3A_2637, %get3A_2618 : vector<16xf32>
      %add3A_2639 = arith.addf %add3A_2608, %mul3A_2638 : vector<16xf32>
      %get3A_2640 = arith.constant 7 : i32
      %get3A_2641 = arith.index_cast %get3A_2640 : i32 to index
      %get3A_2642 = arith.constant 512 : index
      %get3A_2643 = tpu.vector_load %arg9[%get3A_2641, %get3A_2642] {strides = array<i32>} : memref<8x784xf32, #tpu.memory_space<vmem>>, vector<1x16xf32>,
      %get3A_2644 = vector.shape_cast %get3A_2643 : vector<1x16xf32> to vector<16xf32>
      %mul3A_2645 = arith.mulf %get3A_2644, %get3A_2618 : vector<16xf32>
      %add3A_2646 = arith.addf %add3A_2615, %mul3A_2645 : vector<16xf32>
      %get3A_2647 = arith.constant 528 : index
      %get3A_2648 = tpu.vector_load %arg10[%get3A_2647] {strides = array<i32>} : memref<784xf32, #tpu.memory_space<vmem>>, vector<16xf32>,
      %get3A_2649 = vector.shape_cast %get3A_2648 : vector<16xf32> to vector<16xf32>
      %get3A_2650 = arith.constant 4 : i32
      %get3A_2651 = arith.index_cast %get3A_2650 : i32 to index
      %get3A_2652 = arith.constant 528 : index
      %get3A_2653 = tpu.vector_load %arg9[%get3A_2651, %get3A_2652] {strides = array<i32>} : memref<8x784xf32, #tpu.memory_space<vmem>>, vector<1x16xf32>,
      %get3A_2654 = vector.shape_cast %get3A_2653 : vector<1x16xf32> to vector<16xf32>
      %mul3A_2655 = arith.mulf %get3A_2654, %get3A_2649 : vector<16xf32>
      %add3A_2656 = arith.addf %add3A_2625, %mul3A_2655 : vector<16xf32>
      %get3A_2657 = arith.constant 5 : i32
      %get3A_2658 = arith.index_cast %get3A_2657 : i32 to index
      %get3A_2659 = arith.constant 528 : index
      %get3A_2660 = tpu.vector_load %arg9[%get3A_2658, %get3A_2659] {strides = array<i32>} : memref<8x784xf32, #tpu.memory_space<vmem>>, vector<1x16xf32>,
      %get3A_2661 = vector.shape_cast %get3A_2660 : vector<1x16xf32> to vector<16xf32>
      %mul3A_2662 = arith.mulf %get3A_2661, %get3A_2649 : vector<16xf32>
      %add3A_2663 = arith.addf %add3A_2632, %mul3A_2662 : vector<16xf32>
      %get3A_2664 = arith.constant 6 : i32
      %get3A_2665 = arith.index_cast %get3A_2664 : i32 to index
      %get3A_2666 = arith.constant 528 : index
      %get3A_2667 = tpu.vector_load %arg9[%get3A_2665, %get3A_2666] {strides = array<i32>} : memref<8x784xf32, #tpu.memory_space<vmem>>, vector<1x16xf32>,
      %get3A_2668 = vector.shape_cast %get3A_2667 : vector<1x16xf32> to vector<16xf32>
      %mul3A_2669 = arith.mulf %get3A_2668, %get3A_2649 : vector<16xf32>
      %add3A_2670 = arith.addf %add3A_2639, %mul3A_2669 : vector<16xf32>
      %get3A_2671 = arith.constant 7 : i32
      %get3A_2672 = arith.index_cast %get3A_2671 : i32 to index
      %get3A_2673 = arith.constant 528 : index
      %get3A_2674 = tpu.vector_load %arg9[%get3A_2672, %get3A_2673] {strides = array<i32>} : memref<8x784xf32, #tpu.memory_space<vmem>>, vector<1x16xf32>,
      %get3A_2675 = vector.shape_cast %get3A_2674 : vector<1x16xf32> to vector<16xf32>
      %mul3A_2676 = arith.mulf %get3A_2675, %get3A_2649 : vector<16xf32>
      %add3A_2677 = arith.addf %add3A_2646, %mul3A_2676 : vector<16xf32>
      %get3A_2678 = arith.constant 544 : index
      %get3A_2679 = tpu.vector_load %arg10[%get3A_2678] {strides = array<i32>} : memref<784xf32, #tpu.memory_space<vmem>>, vector<16xf32>,
      %get3A_2680 = vector.shape_cast %get3A_2679 : vector<16xf32> to vector<16xf32>
      %get3A_2681 = arith.constant 4 : i32
      %get3A_2682 = arith.index_cast %get3A_2681 : i32 to index
      %get3A_2683 = arith.constant 544 : index
      %get3A_2684 = tpu.vector_load %arg9[%get3A_2682, %get3A_2683] {strides = array<i32>} : memref<8x784xf32, #tpu.memory_space<vmem>>, vector<1x16xf32>,
      %get3A_2685 = vector.shape_cast %get3A_2684 : vector<1x16xf32> to vector<16xf32>
      %mul3A_2686 = arith.mulf %get3A_2685, %get3A_2680 : vector<16xf32>
      %add3A_2687 = arith.addf %add3A_2656, %mul3A_2686 : vector<16xf32>
      %get3A_2688 = arith.constant 5 : i32
      %get3A_2689 = arith.index_cast %get3A_2688 : i32 to index
      %get3A_2690 = arith.constant 544 : index
      %get3A_2691 = tpu.vector_load %arg9[%get3A_2689, %get3A_2690] {strides = array<i32>} : memref<8x784xf32, #tpu.memory_space<vmem>>, vector<1x16xf32>,
      %get3A_2692 = vector.shape_cast %get3A_2691 : vector<1x16xf32> to vector<16xf32>
      %mul3A_2693 = arith.mulf %get3A_2692, %get3A_2680 : vector<16xf32>
      %add3A_2694 = arith.addf %add3A_2663, %mul3A_2693 : vector<16xf32>
      %get3A_2695 = arith.constant 6 : i32
      %get3A_2696 = arith.index_cast %get3A_2695 : i32 to index
      %get3A_2697 = arith.constant 544 : index
      %get3A_2698 = tpu.vector_load %arg9[%get3A_2696, %get3A_2697] {strides = array<i32>} : memref<8x784xf32, #tpu.memory_space<vmem>>, vector<1x16xf32>,
      %get3A_2699 = vector.shape_cast %get3A_2698 : vector<1x16xf32> to vector<16xf32>
      %mul3A_2700 = arith.mulf %get3A_2699, %get3A_2680 : vector<16xf32>
      %add3A_2701 = arith.addf %add3A_2670, %mul3A_2700 : vector<16xf32>
      %get3A_2702 = arith.constant 7 : i32
      %get3A_2703 = arith.index_cast %get3A_2702 : i32 to index
      %get3A_2704 = arith.constant 544 : index
      %get3A_2705 = tpu.vector_load %arg9[%get3A_2703, %get3A_2704] {strides = array<i32>} : memref<8x784xf32, #tpu.memory_space<vmem>>, vector<1x16xf32>,
      %get3A_2706 = vector.shape_cast %get3A_2705 : vector<1x16xf32> to vector<16xf32>
      %mul3A_2707 = arith.mulf %get3A_2706, %get3A_2680 : vector<16xf32>
      %add3A_2708 = arith.addf %add3A_2677, %mul3A_2707 : vector<16xf32>
      %get3A_2709 = arith.constant 560 : index
      %get3A_2710 = tpu.vector_load %arg10[%get3A_2709] {strides = array<i32>} : memref<784xf32, #tpu.memory_space<vmem>>, vector<16xf32>,
      %get3A_2711 = vector.shape_cast %get3A_2710 : vector<16xf32> to vector<16xf32>
      %get3A_2712 = arith.constant 4 : i32
      %get3A_2713 = arith.index_cast %get3A_2712 : i32 to index
      %get3A_2714 = arith.constant 560 : index
      %get3A_2715 = tpu.vector_load %arg9[%get3A_2713, %get3A_2714] {strides = array<i32>} : memref<8x784xf32, #tpu.memory_space<vmem>>, vector<1x16xf32>,
      %get3A_2716 = vector.shape_cast %get3A_2715 : vector<1x16xf32> to vector<16xf32>
      %mul3A_2717 = arith.mulf %get3A_2716, %get3A_2711 : vector<16xf32>
      %add3A_2718 = arith.addf %add3A_2687, %mul3A_2717 : vector<16xf32>
      %get3A_2719 = arith.constant 5 : i32
      %get3A_2720 = arith.index_cast %get3A_2719 : i32 to index
      %get3A_2721 = arith.constant 560 : index
      %get3A_2722 = tpu.vector_load %arg9[%get3A_2720, %get3A_2721] {strides = array<i32>} : memref<8x784xf32, #tpu.memory_space<vmem>>, vector<1x16xf32>,
      %get3A_2723 = vector.shape_cast %get3A_2722 : vector<1x16xf32> to vector<16xf32>
      %mul3A_2724 = arith.mulf %get3A_2723, %get3A_2711 : vector<16xf32>
      %add3A_2725 = arith.addf %add3A_2694, %mul3A_2724 : vector<16xf32>
      %get3A_2726 = arith.constant 6 : i32
      %get3A_2727 = arith.index_cast %get3A_2726 : i32 to index
      %get3A_2728 = arith.constant 560 : index
      %get3A_2729 = tpu.vector_load %arg9[%get3A_2727, %get3A_2728] {strides = array<i32>} : memref<8x784xf32, #tpu.memory_space<vmem>>, vector<1x16xf32>,
      %get3A_2730 = vector.shape_cast %get3A_2729 : vector<1x16xf32> to vector<16xf32>
      %mul3A_2731 = arith.mulf %get3A_2730, %get3A_2711 : vector<16xf32>
      %add3A_2732 = arith.addf %add3A_2701, %mul3A_2731 : vector<16xf32>
      %get3A_2733 = arith.constant 7 : i32
      %get3A_2734 = arith.index_cast %get3A_2733 : i32 to index
      %get3A_2735 = arith.constant 560 : index
      %get3A_2736 = tpu.vector_load %arg9[%get3A_2734, %get3A_2735] {strides = array<i32>} : memref<8x784xf32, #tpu.memory_space<vmem>>, vector<1x16xf32>,
      %get3A_2737 = vector.shape_cast %get3A_2736 : vector<1x16xf32> to vector<16xf32>
      %mul3A_2738 = arith.mulf %get3A_2737, %get3A_2711 : vector<16xf32>
      %add3A_2739 = arith.addf %add3A_2708, %mul3A_2738 : vector<16xf32>
      %get3A_2740 = arith.constant 576 : index
      %get3A_2741 = tpu.vector_load %arg10[%get3A_2740] {strides = array<i32>} : memref<784xf32, #tpu.memory_space<vmem>>, vector<16xf32>,
      %get3A_2742 = vector.shape_cast %get3A_2741 : vector<16xf32> to vector<16xf32>
      %get3A_2743 = arith.constant 4 : i32
      %get3A_2744 = arith.index_cast %get3A_2743 : i32 to index
      %get3A_2745 = arith.constant 576 : index
      %get3A_2746 = tpu.vector_load %arg9[%get3A_2744, %get3A_2745] {strides = array<i32>} : memref<8x784xf32, #tpu.memory_space<vmem>>, vector<1x16xf32>,
      %get3A_2747 = vector.shape_cast %get3A_2746 : vector<1x16xf32> to vector<16xf32>
      %mul3A_2748 = arith.mulf %get3A_2747, %get3A_2742 : vector<16xf32>
      %add3A_2749 = arith.addf %add3A_2718, %mul3A_2748 : vector<16xf32>
      %get3A_2750 = arith.constant 5 : i32
      %get3A_2751 = arith.index_cast %get3A_2750 : i32 to index
      %get3A_2752 = arith.constant 576 : index
      %get3A_2753 = tpu.vector_load %arg9[%get3A_2751, %get3A_2752] {strides = array<i32>} : memref<8x784xf32, #tpu.memory_space<vmem>>, vector<1x16xf32>,
      %get3A_2754 = vector.shape_cast %get3A_2753 : vector<1x16xf32> to vector<16xf32>
      %mul3A_2755 = arith.mulf %get3A_2754, %get3A_2742 : vector<16xf32>
      %add3A_2756 = arith.addf %add3A_2725, %mul3A_2755 : vector<16xf32>
      %get3A_2757 = arith.constant 6 : i32
      %get3A_2758 = arith.index_cast %get3A_2757 : i32 to index
      %get3A_2759 = arith.constant 576 : index
      %get3A_2760 = tpu.vector_load %arg9[%get3A_2758, %get3A_2759] {strides = array<i32>} : memref<8x784xf32, #tpu.memory_space<vmem>>, vector<1x16xf32>,
      %get3A_2761 = vector.shape_cast %get3A_2760 : vector<1x16xf32> to vector<16xf32>
      %mul3A_2762 = arith.mulf %get3A_2761, %get3A_2742 : vector<16xf32>
      %add3A_2763 = arith.addf %add3A_2732, %mul3A_2762 : vector<16xf32>
      %get3A_2764 = arith.constant 7 : i32
      %get3A_2765 = arith.index_cast %get3A_2764 : i32 to index
      %get3A_2766 = arith.constant 576 : index
      %get3A_2767 = tpu.vector_load %arg9[%get3A_2765, %get3A_2766] {strides = array<i32>} : memref<8x784xf32, #tpu.memory_space<vmem>>, vector<1x16xf32>,
      %get3A_2768 = vector.shape_cast %get3A_2767 : vector<1x16xf32> to vector<16xf32>
      %mul3A_2769 = arith.mulf %get3A_2768, %get3A_2742 : vector<16xf32>
      %add3A_2770 = arith.addf %add3A_2739, %mul3A_2769 : vector<16xf32>
      %get3A_2771 = arith.constant 592 : index
      %get3A_2772 = tpu.vector_load %arg10[%get3A_2771] {strides = array<i32>} : memref<784xf32, #tpu.memory_space<vmem>>, vector<16xf32>,
      %get3A_2773 = vector.shape_cast %get3A_2772 : vector<16xf32> to vector<16xf32>
      %get3A_2774 = arith.constant 4 : i32
      %get3A_2775 = arith.index_cast %get3A_2774 : i32 to index
      %get3A_2776 = arith.constant 592 : index
      %get3A_2777 = tpu.vector_load %arg9[%get3A_2775, %get3A_2776] {strides = array<i32>} : memref<8x784xf32, #tpu.memory_space<vmem>>, vector<1x16xf32>,
      %get3A_2778 = vector.shape_cast %get3A_2777 : vector<1x16xf32> to vector<16xf32>
      %mul3A_2779 = arith.mulf %get3A_2778, %get3A_2773 : vector<16xf32>
      %add3A_2780 = arith.addf %add3A_2749, %mul3A_2779 : vector<16xf32>
      %get3A_2781 = arith.constant 5 : i32
      %get3A_2782 = arith.index_cast %get3A_2781 : i32 to index
      %get3A_2783 = arith.constant 592 : index
      %get3A_2784 = tpu.vector_load %arg9[%get3A_2782, %get3A_2783] {strides = array<i32>} : memref<8x784xf32, #tpu.memory_space<vmem>>, vector<1x16xf32>,
      %get3A_2785 = vector.shape_cast %get3A_2784 : vector<1x16xf32> to vector<16xf32>
      %mul3A_2786 = arith.mulf %get3A_2785, %get3A_2773 : vector<16xf32>
      %add3A_2787 = arith.addf %add3A_2756, %mul3A_2786 : vector<16xf32>
      %get3A_2788 = arith.constant 6 : i32
      %get3A_2789 = arith.index_cast %get3A_2788 : i32 to index
      %get3A_2790 = arith.constant 592 : index
      %get3A_2791 = tpu.vector_load %arg9[%get3A_2789, %get3A_2790] {strides = array<i32>} : memref<8x784xf32, #tpu.memory_space<vmem>>, vector<1x16xf32>,
      %get3A_2792 = vector.shape_cast %get3A_2791 : vector<1x16xf32> to vector<16xf32>
      %mul3A_2793 = arith.mulf %get3A_2792, %get3A_2773 : vector<16xf32>
      %add3A_2794 = arith.addf %add3A_2763, %mul3A_2793 : vector<16xf32>
      %get3A_2795 = arith.constant 7 : i32
      %get3A_2796 = arith.index_cast %get3A_2795 : i32 to index
      %get3A_2797 = arith.constant 592 : index
      %get3A_2798 = tpu.vector_load %arg9[%get3A_2796, %get3A_2797] {strides = array<i32>} : memref<8x784xf32, #tpu.memory_space<vmem>>, vector<1x16xf32>,
      %get3A_2799 = vector.shape_cast %get3A_2798 : vector<1x16xf32> to vector<16xf32>
      %mul3A_2800 = arith.mulf %get3A_2799, %get3A_2773 : vector<16xf32>
      %add3A_2801 = arith.addf %add3A_2770, %mul3A_2800 : vector<16xf32>
      %get3A_2802 = arith.constant 608 : index
      %get3A_2803 = tpu.vector_load %arg10[%get3A_2802] {strides = array<i32>} : memref<784xf32, #tpu.memory_space<vmem>>, vector<16xf32>,
      %get3A_2804 = vector.shape_cast %get3A_2803 : vector<16xf32> to vector<16xf32>
      %get3A_2805 = arith.constant 4 : i32
      %get3A_2806 = arith.index_cast %get3A_2805 : i32 to index
      %get3A_2807 = arith.constant 608 : index
      %get3A_2808 = tpu.vector_load %arg9[%get3A_2806, %get3A_2807] {strides = array<i32>} : memref<8x784xf32, #tpu.memory_space<vmem>>, vector<1x16xf32>,
      %get3A_2809 = vector.shape_cast %get3A_2808 : vector<1x16xf32> to vector<16xf32>
      %mul3A_2810 = arith.mulf %get3A_2809, %get3A_2804 : vector<16xf32>
      %add3A_2811 = arith.addf %add3A_2780, %mul3A_2810 : vector<16xf32>
      %get3A_2812 = arith.constant 5 : i32
      %get3A_2813 = arith.index_cast %get3A_2812 : i32 to index
      %get3A_2814 = arith.constant 608 : index
      %get3A_2815 = tpu.vector_load %arg9[%get3A_2813, %get3A_2814] {strides = array<i32>} : memref<8x784xf32, #tpu.memory_space<vmem>>, vector<1x16xf32>,
      %get3A_2816 = vector.shape_cast %get3A_2815 : vector<1x16xf32> to vector<16xf32>
      %mul3A_2817 = arith.mulf %get3A_2816, %get3A_2804 : vector<16xf32>
      %add3A_2818 = arith.addf %add3A_2787, %mul3A_2817 : vector<16xf32>
      %get3A_2819 = arith.constant 6 : i32
      %get3A_2820 = arith.index_cast %get3A_2819 : i32 to index
      %get3A_2821 = arith.constant 608 : index
      %get3A_2822 = tpu.vector_load %arg9[%get3A_2820, %get3A_2821] {strides = array<i32>} : memref<8x784xf32, #tpu.memory_space<vmem>>, vector<1x16xf32>,
      %get3A_2823 = vector.shape_cast %get3A_2822 : vector<1x16xf32> to vector<16xf32>
      %mul3A_2824 = arith.mulf %get3A_2823, %get3A_2804 : vector<16xf32>
      %add3A_2825 = arith.addf %add3A_2794, %mul3A_2824 : vector<16xf32>
      %get3A_2826 = arith.constant 7 : i32
      %get3A_2827 = arith.index_cast %get3A_2826 : i32 to index
      %get3A_2828 = arith.constant 608 : index
      %get3A_2829 = tpu.vector_load %arg9[%get3A_2827, %get3A_2828] {strides = array<i32>} : memref<8x784xf32, #tpu.memory_space<vmem>>, vector<1x16xf32>,
      %get3A_2830 = vector.shape_cast %get3A_2829 : vector<1x16xf32> to vector<16xf32>
      %mul3A_2831 = arith.mulf %get3A_2830, %get3A_2804 : vector<16xf32>
      %add3A_2832 = arith.addf %add3A_2801, %mul3A_2831 : vector<16xf32>
      %get3A_2833 = arith.constant 624 : index
      %get3A_2834 = tpu.vector_load %arg10[%get3A_2833] {strides = array<i32>} : memref<784xf32, #tpu.memory_space<vmem>>, vector<16xf32>,
      %get3A_2835 = vector.shape_cast %get3A_2834 : vector<16xf32> to vector<16xf32>
      %get3A_2836 = arith.constant 4 : i32
      %get3A_2837 = arith.index_cast %get3A_2836 : i32 to index
      %get3A_2838 = arith.constant 624 : index
      %get3A_2839 = tpu.vector_load %arg9[%get3A_2837, %get3A_2838] {strides = array<i32>} : memref<8x784xf32, #tpu.memory_space<vmem>>, vector<1x16xf32>,
      %get3A_2840 = vector.shape_cast %get3A_2839 : vector<1x16xf32> to vector<16xf32>
      %mul3A_2841 = arith.mulf %get3A_2840, %get3A_2835 : vector<16xf32>
      %add3A_2842 = arith.addf %add3A_2811, %mul3A_2841 : vector<16xf32>
      %get3A_2843 = arith.constant 5 : i32
      %get3A_2844 = arith.index_cast %get3A_2843 : i32 to index
      %get3A_2845 = arith.constant 624 : index
      %get3A_2846 = tpu.vector_load %arg9[%get3A_2844, %get3A_2845] {strides = array<i32>} : memref<8x784xf32, #tpu.memory_space<vmem>>, vector<1x16xf32>,
      %get3A_2847 = vector.shape_cast %get3A_2846 : vector<1x16xf32> to vector<16xf32>
      %mul3A_2848 = arith.mulf %get3A_2847, %get3A_2835 : vector<16xf32>
      %add3A_2849 = arith.addf %add3A_2818, %mul3A_2848 : vector<16xf32>
      %get3A_2850 = arith.constant 6 : i32
      %get3A_2851 = arith.index_cast %get3A_2850 : i32 to index
      %get3A_2852 = arith.constant 624 : index
      %get3A_2853 = tpu.vector_load %arg9[%get3A_2851, %get3A_2852] {strides = array<i32>} : memref<8x784xf32, #tpu.memory_space<vmem>>, vector<1x16xf32>,
      %get3A_2854 = vector.shape_cast %get3A_2853 : vector<1x16xf32> to vector<16xf32>
      %mul3A_2855 = arith.mulf %get3A_2854, %get3A_2835 : vector<16xf32>
      %add3A_2856 = arith.addf %add3A_2825, %mul3A_2855 : vector<16xf32>
      %get3A_2857 = arith.constant 7 : i32
      %get3A_2858 = arith.index_cast %get3A_2857 : i32 to index
      %get3A_2859 = arith.constant 624 : index
      %get3A_2860 = tpu.vector_load %arg9[%get3A_2858, %get3A_2859] {strides = array<i32>} : memref<8x784xf32, #tpu.memory_space<vmem>>, vector<1x16xf32>,
      %get3A_2861 = vector.shape_cast %get3A_2860 : vector<1x16xf32> to vector<16xf32>
      %mul3A_2862 = arith.mulf %get3A_2861, %get3A_2835 : vector<16xf32>
      %add3A_2863 = arith.addf %add3A_2832, %mul3A_2862 : vector<16xf32>
      %get3A_2864 = arith.constant 640 : index
      %get3A_2865 = tpu.vector_load %arg10[%get3A_2864] {strides = array<i32>} : memref<784xf32, #tpu.memory_space<vmem>>, vector<16xf32>,
      %get3A_2866 = vector.shape_cast %get3A_2865 : vector<16xf32> to vector<16xf32>
      %get3A_2867 = arith.constant 4 : i32
      %get3A_2868 = arith.index_cast %get3A_2867 : i32 to index
      %get3A_2869 = arith.constant 640 : index
      %get3A_2870 = tpu.vector_load %arg9[%get3A_2868, %get3A_2869] {strides = array<i32>} : memref<8x784xf32, #tpu.memory_space<vmem>>, vector<1x16xf32>,
      %get3A_2871 = vector.shape_cast %get3A_2870 : vector<1x16xf32> to vector<16xf32>
      %mul3A_2872 = arith.mulf %get3A_2871, %get3A_2866 : vector<16xf32>
      %add3A_2873 = arith.addf %add3A_2842, %mul3A_2872 : vector<16xf32>
      %get3A_2874 = arith.constant 5 : i32
      %get3A_2875 = arith.index_cast %get3A_2874 : i32 to index
      %get3A_2876 = arith.constant 640 : index
      %get3A_2877 = tpu.vector_load %arg9[%get3A_2875, %get3A_2876] {strides = array<i32>} : memref<8x784xf32, #tpu.memory_space<vmem>>, vector<1x16xf32>,
      %get3A_2878 = vector.shape_cast %get3A_2877 : vector<1x16xf32> to vector<16xf32>
      %mul3A_2879 = arith.mulf %get3A_2878, %get3A_2866 : vector<16xf32>
      %add3A_2880 = arith.addf %add3A_2849, %mul3A_2879 : vector<16xf32>
      %get3A_2881 = arith.constant 6 : i32
      %get3A_2882 = arith.index_cast %get3A_2881 : i32 to index
      %get3A_2883 = arith.constant 640 : index
      %get3A_2884 = tpu.vector_load %arg9[%get3A_2882, %get3A_2883] {strides = array<i32>} : memref<8x784xf32, #tpu.memory_space<vmem>>, vector<1x16xf32>,
      %get3A_2885 = vector.shape_cast %get3A_2884 : vector<1x16xf32> to vector<16xf32>
      %mul3A_2886 = arith.mulf %get3A_2885, %get3A_2866 : vector<16xf32>
      %add3A_2887 = arith.addf %add3A_2856, %mul3A_2886 : vector<16xf32>
      %get3A_2888 = arith.constant 7 : i32
      %get3A_2889 = arith.index_cast %get3A_2888 : i32 to index
      %get3A_2890 = arith.constant 640 : index
      %get3A_2891 = tpu.vector_load %arg9[%get3A_2889, %get3A_2890] {strides = array<i32>} : memref<8x784xf32, #tpu.memory_space<vmem>>, vector<1x16xf32>,
      %get3A_2892 = vector.shape_cast %get3A_2891 : vector<1x16xf32> to vector<16xf32>
      %mul3A_2893 = arith.mulf %get3A_2892, %get3A_2866 : vector<16xf32>
      %add3A_2894 = arith.addf %add3A_2863, %mul3A_2893 : vector<16xf32>
      %get3A_2895 = arith.constant 656 : index
      %get3A_2896 = tpu.vector_load %arg10[%get3A_2895] {strides = array<i32>} : memref<784xf32, #tpu.memory_space<vmem>>, vector<16xf32>,
      %get3A_2897 = vector.shape_cast %get3A_2896 : vector<16xf32> to vector<16xf32>
      %get3A_2898 = arith.constant 4 : i32
      %get3A_2899 = arith.index_cast %get3A_2898 : i32 to index
      %get3A_2900 = arith.constant 656 : index
      %get3A_2901 = tpu.vector_load %arg9[%get3A_2899, %get3A_2900] {strides = array<i32>} : memref<8x784xf32, #tpu.memory_space<vmem>>, vector<1x16xf32>,
      %get3A_2902 = vector.shape_cast %get3A_2901 : vector<1x16xf32> to vector<16xf32>
      %mul3A_2903 = arith.mulf %get3A_2902, %get3A_2897 : vector<16xf32>
      %add3A_2904 = arith.addf %add3A_2873, %mul3A_2903 : vector<16xf32>
      %get3A_2905 = arith.constant 5 : i32
      %get3A_2906 = arith.index_cast %get3A_2905 : i32 to index
      %get3A_2907 = arith.constant 656 : index
      %get3A_2908 = tpu.vector_load %arg9[%get3A_2906, %get3A_2907] {strides = array<i32>} : memref<8x784xf32, #tpu.memory_space<vmem>>, vector<1x16xf32>,
      %get3A_2909 = vector.shape_cast %get3A_2908 : vector<1x16xf32> to vector<16xf32>
      %mul3A_2910 = arith.mulf %get3A_2909, %get3A_2897 : vector<16xf32>
      %add3A_2911 = arith.addf %add3A_2880, %mul3A_2910 : vector<16xf32>
      %get3A_2912 = arith.constant 6 : i32
      %get3A_2913 = arith.index_cast %get3A_2912 : i32 to index
      %get3A_2914 = arith.constant 656 : index
      %get3A_2915 = tpu.vector_load %arg9[%get3A_2913, %get3A_2914] {strides = array<i32>} : memref<8x784xf32, #tpu.memory_space<vmem>>, vector<1x16xf32>,
      %get3A_2916 = vector.shape_cast %get3A_2915 : vector<1x16xf32> to vector<16xf32>
      %mul3A_2917 = arith.mulf %get3A_2916, %get3A_2897 : vector<16xf32>
      %add3A_2918 = arith.addf %add3A_2887, %mul3A_2917 : vector<16xf32>
      %get3A_2919 = arith.constant 7 : i32
      %get3A_2920 = arith.index_cast %get3A_2919 : i32 to index
      %get3A_2921 = arith.constant 656 : index
      %get3A_2922 = tpu.vector_load %arg9[%get3A_2920, %get3A_2921] {strides = array<i32>} : memref<8x784xf32, #tpu.memory_space<vmem>>, vector<1x16xf32>,
      %get3A_2923 = vector.shape_cast %get3A_2922 : vector<1x16xf32> to vector<16xf32>
      %mul3A_2924 = arith.mulf %get3A_2923, %get3A_2897 : vector<16xf32>
      %add3A_2925 = arith.addf %add3A_2894, %mul3A_2924 : vector<16xf32>
      %get3A_2926 = arith.constant 672 : index
      %get3A_2927 = tpu.vector_load %arg10[%get3A_2926] {strides = array<i32>} : memref<784xf32, #tpu.memory_space<vmem>>, vector<16xf32>,
      %get3A_2928 = vector.shape_cast %get3A_2927 : vector<16xf32> to vector<16xf32>
      %get3A_2929 = arith.constant 4 : i32
      %get3A_2930 = arith.index_cast %get3A_2929 : i32 to index
      %get3A_2931 = arith.constant 672 : index
      %get3A_2932 = tpu.vector_load %arg9[%get3A_2930, %get3A_2931] {strides = array<i32>} : memref<8x784xf32, #tpu.memory_space<vmem>>, vector<1x16xf32>,
      %get3A_2933 = vector.shape_cast %get3A_2932 : vector<1x16xf32> to vector<16xf32>
      %mul3A_2934 = arith.mulf %get3A_2933, %get3A_2928 : vector<16xf32>
      %add3A_2935 = arith.addf %add3A_2904, %mul3A_2934 : vector<16xf32>
      %get3A_2936 = arith.constant 5 : i32
      %get3A_2937 = arith.index_cast %get3A_2936 : i32 to index
      %get3A_2938 = arith.constant 672 : index
      %get3A_2939 = tpu.vector_load %arg9[%get3A_2937, %get3A_2938] {strides = array<i32>} : memref<8x784xf32, #tpu.memory_space<vmem>>, vector<1x16xf32>,
      %get3A_2940 = vector.shape_cast %get3A_2939 : vector<1x16xf32> to vector<16xf32>
      %mul3A_2941 = arith.mulf %get3A_2940, %get3A_2928 : vector<16xf32>
      %add3A_2942 = arith.addf %add3A_2911, %mul3A_2941 : vector<16xf32>
      %get3A_2943 = arith.constant 6 : i32
      %get3A_2944 = arith.index_cast %get3A_2943 : i32 to index
      %get3A_2945 = arith.constant 672 : index
      %get3A_2946 = tpu.vector_load %arg9[%get3A_2944, %get3A_2945] {strides = array<i32>} : memref<8x784xf32, #tpu.memory_space<vmem>>, vector<1x16xf32>,
      %get3A_2947 = vector.shape_cast %get3A_2946 : vector<1x16xf32> to vector<16xf32>
      %mul3A_2948 = arith.mulf %get3A_2947, %get3A_2928 : vector<16xf32>
      %add3A_2949 = arith.addf %add3A_2918, %mul3A_2948 : vector<16xf32>
      %get3A_2950 = arith.constant 7 : i32
      %get3A_2951 = arith.index_cast %get3A_2950 : i32 to index
      %get3A_2952 = arith.constant 672 : index
      %get3A_2953 = tpu.vector_load %arg9[%get3A_2951, %get3A_2952] {strides = array<i32>} : memref<8x784xf32, #tpu.memory_space<vmem>>, vector<1x16xf32>,
      %get3A_2954 = vector.shape_cast %get3A_2953 : vector<1x16xf32> to vector<16xf32>
      %mul3A_2955 = arith.mulf %get3A_2954, %get3A_2928 : vector<16xf32>
      %add3A_2956 = arith.addf %add3A_2925, %mul3A_2955 : vector<16xf32>
      %get3A_2957 = arith.constant 688 : index
      %get3A_2958 = tpu.vector_load %arg10[%get3A_2957] {strides = array<i32>} : memref<784xf32, #tpu.memory_space<vmem>>, vector<16xf32>,
      %get3A_2959 = vector.shape_cast %get3A_2958 : vector<16xf32> to vector<16xf32>
      %get3A_2960 = arith.constant 4 : i32
      %get3A_2961 = arith.index_cast %get3A_2960 : i32 to index
      %get3A_2962 = arith.constant 688 : index
      %get3A_2963 = tpu.vector_load %arg9[%get3A_2961, %get3A_2962] {strides = array<i32>} : memref<8x784xf32, #tpu.memory_space<vmem>>, vector<1x16xf32>,
      %get3A_2964 = vector.shape_cast %get3A_2963 : vector<1x16xf32> to vector<16xf32>
      %mul3A_2965 = arith.mulf %get3A_2964, %get3A_2959 : vector<16xf32>
      %add3A_2966 = arith.addf %add3A_2935, %mul3A_2965 : vector<16xf32>
      %get3A_2967 = arith.constant 5 : i32
      %get3A_2968 = arith.index_cast %get3A_2967 : i32 to index
      %get3A_2969 = arith.constant 688 : index
      %get3A_2970 = tpu.vector_load %arg9[%get3A_2968, %get3A_2969] {strides = array<i32>} : memref<8x784xf32, #tpu.memory_space<vmem>>, vector<1x16xf32>,
      %get3A_2971 = vector.shape_cast %get3A_2970 : vector<1x16xf32> to vector<16xf32>
      %mul3A_2972 = arith.mulf %get3A_2971, %get3A_2959 : vector<16xf32>
      %add3A_2973 = arith.addf %add3A_2942, %mul3A_2972 : vector<16xf32>
      %get3A_2974 = arith.constant 6 : i32
      %get3A_2975 = arith.index_cast %get3A_2974 : i32 to index
      %get3A_2976 = arith.constant 688 : index
      %get3A_2977 = tpu.vector_load %arg9[%get3A_2975, %get3A_2976] {strides = array<i32>} : memref<8x784xf32, #tpu.memory_space<vmem>>, vector<1x16xf32>,
      %get3A_2978 = vector.shape_cast %get3A_2977 : vector<1x16xf32> to vector<16xf32>
      %mul3A_2979 = arith.mulf %get3A_2978, %get3A_2959 : vector<16xf32>
      %add3A_2980 = arith.addf %add3A_2949, %mul3A_2979 : vector<16xf32>
      %get3A_2981 = arith.constant 7 : i32
      %get3A_2982 = arith.index_cast %get3A_2981 : i32 to index
      %get3A_2983 = arith.constant 688 : index
      %get3A_2984 = tpu.vector_load %arg9[%get3A_2982, %get3A_2983] {strides = array<i32>} : memref<8x784xf32, #tpu.memory_space<vmem>>, vector<1x16xf32>,
      %get3A_2985 = vector.shape_cast %get3A_2984 : vector<1x16xf32> to vector<16xf32>
      %mul3A_2986 = arith.mulf %get3A_2985, %get3A_2959 : vector<16xf32>
      %add3A_2987 = arith.addf %add3A_2956, %mul3A_2986 : vector<16xf32>
      %get3A_2988 = arith.constant 704 : index
      %get3A_2989 = tpu.vector_load %arg10[%get3A_2988] {strides = array<i32>} : memref<784xf32, #tpu.memory_space<vmem>>, vector<16xf32>,
      %get3A_2990 = vector.shape_cast %get3A_2989 : vector<16xf32> to vector<16xf32>
      %get3A_2991 = arith.constant 4 : i32
      %get3A_2992 = arith.index_cast %get3A_2991 : i32 to index
      %get3A_2993 = arith.constant 704 : index
      %get3A_2994 = tpu.vector_load %arg9[%get3A_2992, %get3A_2993] {strides = array<i32>} : memref<8x784xf32, #tpu.memory_space<vmem>>, vector<1x16xf32>,
      %get3A_2995 = vector.shape_cast %get3A_2994 : vector<1x16xf32> to vector<16xf32>
      %mul3A_2996 = arith.mulf %get3A_2995, %get3A_2990 : vector<16xf32>
      %add3A_2997 = arith.addf %add3A_2966, %mul3A_2996 : vector<16xf32>
      %get3A_2998 = arith.constant 5 : i32
      %get3A_2999 = arith.index_cast %get3A_2998 : i32 to index
      %get3A_3000 = arith.constant 704 : index
      %get3A_3001 = tpu.vector_load %arg9[%get3A_2999, %get3A_3000] {strides = array<i32>} : memref<8x784xf32, #tpu.memory_space<vmem>>, vector<1x16xf32>,
      %get3A_3002 = vector.shape_cast %get3A_3001 : vector<1x16xf32> to vector<16xf32>
      %mul3A_3003 = arith.mulf %get3A_3002, %get3A_2990 : vector<16xf32>
      %add3A_3004 = arith.addf %add3A_2973, %mul3A_3003 : vector<16xf32>
      %get3A_3005 = arith.constant 6 : i32
      %get3A_3006 = arith.index_cast %get3A_3005 : i32 to index
      %get3A_3007 = arith.constant 704 : index
      %get3A_3008 = tpu.vector_load %arg9[%get3A_3006, %get3A_3007] {strides = array<i32>} : memref<8x784xf32, #tpu.memory_space<vmem>>, vector<1x16xf32>,
      %get3A_3009 = vector.shape_cast %get3A_3008 : vector<1x16xf32> to vector<16xf32>
      %mul3A_3010 = arith.mulf %get3A_3009, %get3A_2990 : vector<16xf32>
      %add3A_3011 = arith.addf %add3A_2980, %mul3A_3010 : vector<16xf32>
      %get3A_3012 = arith.constant 7 : i32
      %get3A_3013 = arith.index_cast %get3A_3012 : i32 to index
      %get3A_3014 = arith.constant 704 : index
      %get3A_3015 = tpu.vector_load %arg9[%get3A_3013, %get3A_3014] {strides = array<i32>} : memref<8x784xf32, #tpu.memory_space<vmem>>, vector<1x16xf32>,
      %get3A_3016 = vector.shape_cast %get3A_3015 : vector<1x16xf32> to vector<16xf32>
      %mul3A_3017 = arith.mulf %get3A_3016, %get3A_2990 : vector<16xf32>
      %add3A_3018 = arith.addf %add3A_2987, %mul3A_3017 : vector<16xf32>
      %get3A_3019 = arith.constant 720 : index
      %get3A_3020 = tpu.vector_load %arg10[%get3A_3019] {strides = array<i32>} : memref<784xf32, #tpu.memory_space<vmem>>, vector<16xf32>,
      %get3A_3021 = vector.shape_cast %get3A_3020 : vector<16xf32> to vector<16xf32>
      %get3A_3022 = arith.constant 4 : i32
      %get3A_3023 = arith.index_cast %get3A_3022 : i32 to index
      %get3A_3024 = arith.constant 720 : index
      %get3A_3025 = tpu.vector_load %arg9[%get3A_3023, %get3A_3024] {strides = array<i32>} : memref<8x784xf32, #tpu.memory_space<vmem>>, vector<1x16xf32>,
      %get3A_3026 = vector.shape_cast %get3A_3025 : vector<1x16xf32> to vector<16xf32>
      %mul3A_3027 = arith.mulf %get3A_3026, %get3A_3021 : vector<16xf32>
      %add3A_3028 = arith.addf %add3A_2997, %mul3A_3027 : vector<16xf32>
      %get3A_3029 = arith.constant 5 : i32
      %get3A_3030 = arith.index_cast %get3A_3029 : i32 to index
      %get3A_3031 = arith.constant 720 : index
      %get3A_3032 = tpu.vector_load %arg9[%get3A_3030, %get3A_3031] {strides = array<i32>} : memref<8x784xf32, #tpu.memory_space<vmem>>, vector<1x16xf32>,
      %get3A_3033 = vector.shape_cast %get3A_3032 : vector<1x16xf32> to vector<16xf32>
      %mul3A_3034 = arith.mulf %get3A_3033, %get3A_3021 : vector<16xf32>
      %add3A_3035 = arith.addf %add3A_3004, %mul3A_3034 : vector<16xf32>
      %get3A_3036 = arith.constant 6 : i32
      %get3A_3037 = arith.index_cast %get3A_3036 : i32 to index
      %get3A_3038 = arith.constant 720 : index
      %get3A_3039 = tpu.vector_load %arg9[%get3A_3037, %get3A_3038] {strides = array<i32>} : memref<8x784xf32, #tpu.memory_space<vmem>>, vector<1x16xf32>,
      %get3A_3040 = vector.shape_cast %get3A_3039 : vector<1x16xf32> to vector<16xf32>
      %mul3A_3041 = arith.mulf %get3A_3040, %get3A_3021 : vector<16xf32>
      %add3A_3042 = arith.addf %add3A_3011, %mul3A_3041 : vector<16xf32>
      %get3A_3043 = arith.constant 7 : i32
      %get3A_3044 = arith.index_cast %get3A_3043 : i32 to index
      %get3A_3045 = arith.constant 720 : index
      %get3A_3046 = tpu.vector_load %arg9[%get3A_3044, %get3A_3045] {strides = array<i32>} : memref<8x784xf32, #tpu.memory_space<vmem>>, vector<1x16xf32>,
      %get3A_3047 = vector.shape_cast %get3A_3046 : vector<1x16xf32> to vector<16xf32>
      %mul3A_3048 = arith.mulf %get3A_3047, %get3A_3021 : vector<16xf32>
      %add3A_3049 = arith.addf %add3A_3018, %mul3A_3048 : vector<16xf32>
      %get3A_3050 = arith.constant 736 : index
      %get3A_3051 = tpu.vector_load %arg10[%get3A_3050] {strides = array<i32>} : memref<784xf32, #tpu.memory_space<vmem>>, vector<16xf32>,
      %get3A_3052 = vector.shape_cast %get3A_3051 : vector<16xf32> to vector<16xf32>
      %get3A_3053 = arith.constant 4 : i32
      %get3A_3054 = arith.index_cast %get3A_3053 : i32 to index
      %get3A_3055 = arith.constant 736 : index
      %get3A_3056 = tpu.vector_load %arg9[%get3A_3054, %get3A_3055] {strides = array<i32>} : memref<8x784xf32, #tpu.memory_space<vmem>>, vector<1x16xf32>,
      %get3A_3057 = vector.shape_cast %get3A_3056 : vector<1x16xf32> to vector<16xf32>
      %mul3A_3058 = arith.mulf %get3A_3057, %get3A_3052 : vector<16xf32>
      %add3A_3059 = arith.addf %add3A_3028, %mul3A_3058 : vector<16xf32>
      %get3A_3060 = arith.constant 5 : i32
      %get3A_3061 = arith.index_cast %get3A_3060 : i32 to index
      %get3A_3062 = arith.constant 736 : index
      %get3A_3063 = tpu.vector_load %arg9[%get3A_3061, %get3A_3062] {strides = array<i32>} : memref<8x784xf32, #tpu.memory_space<vmem>>, vector<1x16xf32>,
      %get3A_3064 = vector.shape_cast %get3A_3063 : vector<1x16xf32> to vector<16xf32>
      %mul3A_3065 = arith.mulf %get3A_3064, %get3A_3052 : vector<16xf32>
      %add3A_3066 = arith.addf %add3A_3035, %mul3A_3065 : vector<16xf32>
      %get3A_3067 = arith.constant 6 : i32
      %get3A_3068 = arith.index_cast %get3A_3067 : i32 to index
      %get3A_3069 = arith.constant 736 : index
      %get3A_3070 = tpu.vector_load %arg9[%get3A_3068, %get3A_3069] {strides = array<i32>} : memref<8x784xf32, #tpu.memory_space<vmem>>, vector<1x16xf32>,
      %get3A_3071 = vector.shape_cast %get3A_3070 : vector<1x16xf32> to vector<16xf32>
      %mul3A_3072 = arith.mulf %get3A_3071, %get3A_3052 : vector<16xf32>
      %add3A_3073 = arith.addf %add3A_3042, %mul3A_3072 : vector<16xf32>
      %get3A_3074 = arith.constant 7 : i32
      %get3A_3075 = arith.index_cast %get3A_3074 : i32 to index
      %get3A_3076 = arith.constant 736 : index
      %get3A_3077 = tpu.vector_load %arg9[%get3A_3075, %get3A_3076] {strides = array<i32>} : memref<8x784xf32, #tpu.memory_space<vmem>>, vector<1x16xf32>,
      %get3A_3078 = vector.shape_cast %get3A_3077 : vector<1x16xf32> to vector<16xf32>
      %mul3A_3079 = arith.mulf %get3A_3078, %get3A_3052 : vector<16xf32>
      %add3A_3080 = arith.addf %add3A_3049, %mul3A_3079 : vector<16xf32>
      %get3A_3081 = arith.constant 752 : index
      %get3A_3082 = tpu.vector_load %arg10[%get3A_3081] {strides = array<i32>} : memref<784xf32, #tpu.memory_space<vmem>>, vector<16xf32>,
      %get3A_3083 = vector.shape_cast %get3A_3082 : vector<16xf32> to vector<16xf32>
      %get3A_3084 = arith.constant 4 : i32
      %get3A_3085 = arith.index_cast %get3A_3084 : i32 to index
      %get3A_3086 = arith.constant 752 : index
      %get3A_3087 = tpu.vector_load %arg9[%get3A_3085, %get3A_3086] {strides = array<i32>} : memref<8x784xf32, #tpu.memory_space<vmem>>, vector<1x16xf32>,
      %get3A_3088 = vector.shape_cast %get3A_3087 : vector<1x16xf32> to vector<16xf32>
      %mul3A_3089 = arith.mulf %get3A_3088, %get3A_3083 : vector<16xf32>
      %add3A_3090 = arith.addf %add3A_3059, %mul3A_3089 : vector<16xf32>
      %get3A_3091 = arith.constant 5 : i32
      %get3A_3092 = arith.index_cast %get3A_3091 : i32 to index
      %get3A_3093 = arith.constant 752 : index
      %get3A_3094 = tpu.vector_load %arg9[%get3A_3092, %get3A_3093] {strides = array<i32>} : memref<8x784xf32, #tpu.memory_space<vmem>>, vector<1x16xf32>,
      %get3A_3095 = vector.shape_cast %get3A_3094 : vector<1x16xf32> to vector<16xf32>
      %mul3A_3096 = arith.mulf %get3A_3095, %get3A_3083 : vector<16xf32>
      %add3A_3097 = arith.addf %add3A_3066, %mul3A_3096 : vector<16xf32>
      %get3A_3098 = arith.constant 6 : i32
      %get3A_3099 = arith.index_cast %get3A_3098 : i32 to index
      %get3A_3100 = arith.constant 752 : index
      %get3A_3101 = tpu.vector_load %arg9[%get3A_3099, %get3A_3100] {strides = array<i32>} : memref<8x784xf32, #tpu.memory_space<vmem>>, vector<1x16xf32>,
      %get3A_3102 = vector.shape_cast %get3A_3101 : vector<1x16xf32> to vector<16xf32>
      %mul3A_3103 = arith.mulf %get3A_3102, %get3A_3083 : vector<16xf32>
      %add3A_3104 = arith.addf %add3A_3073, %mul3A_3103 : vector<16xf32>
      %get3A_3105 = arith.constant 7 : i32
      %get3A_3106 = arith.index_cast %get3A_3105 : i32 to index
      %get3A_3107 = arith.constant 752 : index
      %get3A_3108 = tpu.vector_load %arg9[%get3A_3106, %get3A_3107] {strides = array<i32>} : memref<8x784xf32, #tpu.memory_space<vmem>>, vector<1x16xf32>,
      %get3A_3109 = vector.shape_cast %get3A_3108 : vector<1x16xf32> to vector<16xf32>
      %mul3A_3110 = arith.mulf %get3A_3109, %get3A_3083 : vector<16xf32>
      %add3A_3111 = arith.addf %add3A_3080, %mul3A_3110 : vector<16xf32>
      %get3A_3112 = arith.constant 768 : index
      %get3A_3113 = tpu.vector_load %arg10[%get3A_3112] {strides = array<i32>} : memref<784xf32, #tpu.memory_space<vmem>>, vector<16xf32>,
      %get3A_3114 = vector.shape_cast %get3A_3113 : vector<16xf32> to vector<16xf32>
      %get3A_3115 = arith.constant 4 : i32
      %get3A_3116 = arith.index_cast %get3A_3115 : i32 to index
      %get3A_3117 = arith.constant 768 : index
      %get3A_3118 = tpu.vector_load %arg9[%get3A_3116, %get3A_3117] {strides = array<i32>} : memref<8x784xf32, #tpu.memory_space<vmem>>, vector<1x16xf32>,
      %get3A_3119 = vector.shape_cast %get3A_3118 : vector<1x16xf32> to vector<16xf32>
      %mul3A_3120 = arith.mulf %get3A_3119, %get3A_3114 : vector<16xf32>
      %add3A_3121 = arith.addf %add3A_3090, %mul3A_3120 : vector<16xf32>
      %get3A_3122 = arith.constant 5 : i32
      %get3A_3123 = arith.index_cast %get3A_3122 : i32 to index
      %get3A_3124 = arith.constant 768 : index
      %get3A_3125 = tpu.vector_load %arg9[%get3A_3123, %get3A_3124] {strides = array<i32>} : memref<8x784xf32, #tpu.memory_space<vmem>>, vector<1x16xf32>,
      %get3A_3126 = vector.shape_cast %get3A_3125 : vector<1x16xf32> to vector<16xf32>
      %mul3A_3127 = arith.mulf %get3A_3126, %get3A_3114 : vector<16xf32>
      %add3A_3128 = arith.addf %add3A_3097, %mul3A_3127 : vector<16xf32>
      %get3A_3129 = arith.constant 6 : i32
      %get3A_3130 = arith.index_cast %get3A_3129 : i32 to index
      %get3A_3131 = arith.constant 768 : index
      %get3A_3132 = tpu.vector_load %arg9[%get3A_3130, %get3A_3131] {strides = array<i32>} : memref<8x784xf32, #tpu.memory_space<vmem>>, vector<1x16xf32>,
      %get3A_3133 = vector.shape_cast %get3A_3132 : vector<1x16xf32> to vector<16xf32>
      %mul3A_3134 = arith.mulf %get3A_3133, %get3A_3114 : vector<16xf32>
      %add3A_3135 = arith.addf %add3A_3104, %mul3A_3134 : vector<16xf32>
      %get3A_3136 = arith.constant 7 : i32
      %get3A_3137 = arith.index_cast %get3A_3136 : i32 to index
      %get3A_3138 = arith.constant 768 : index
      %get3A_3139 = tpu.vector_load %arg9[%get3A_3137, %get3A_3138] {strides = array<i32>} : memref<8x784xf32, #tpu.memory_space<vmem>>, vector<1x16xf32>,
      %get3A_3140 = vector.shape_cast %get3A_3139 : vector<1x16xf32> to vector<16xf32>
      %mul3A_3141 = arith.mulf %get3A_3140, %get3A_3114 : vector<16xf32>
      %add3A_3142 = arith.addf %add3A_3111, %mul3A_3141 : vector<16xf32>
      %broadcast_in_dim3A_3143 = arith.constant 0.000000e+00 : f32
      %broadcast_in_dim3A_3144 = vector.broadcast %broadcast_in_dim3A_3143 : f32 to vector<16xf32>
      %xor3A = arith.constant 1 : i32
      %xor3A_3145 = vector.broadcast %xor3A : i32 to vector<16xi32>
      %xor3A_3146 = arith.xori %iota3A, %xor3A_3145 : vector<16xi32>
      %broadcast_in_dim3A_3147 = vector.shape_cast %xor3A_3146 : vector<16xi32> to vector<16x1xi32>
      %gather3A_3148 = vector.shape_cast %broadcast_in_dim3A_3147 : vector<16x1xi32> to vector<16xi32>
      %gather3A_3149 = tpu.dynamic_gather %add3A_1594[%gather3A_3148] in [0] : vector<16xf32>, vector<16xi32> -> vector<16xf32>
      %add3A_3150 = arith.addf %add3A_1594, %gather3A_3149 : vector<16xf32>
      %xor3A_3151 = arith.constant 2 : i32
      %xor3A_3152 = vector.broadcast %xor3A_3151 : i32 to vector<16xi32>
      %xor3A_3153 = arith.xori %iota3A, %xor3A_3152 : vector<16xi32>
      %broadcast_in_dim3A_3154 = vector.shape_cast %xor3A_3153 : vector<16xi32> to vector<16x1xi32>
      %gather3A_3155 = vector.shape_cast %broadcast_in_dim3A_3154 : vector<16x1xi32> to vector<16xi32>
      %gather3A_3156 = tpu.dynamic_gather %add3A_3150[%gather3A_3155] in [0] : vector<16xf32>, vector<16xi32> -> vector<16xf32>
      %add3A_3157 = arith.addf %add3A_3150, %gather3A_3156 : vector<16xf32>
      %xor3A_3158 = arith.constant 4 : i32
      %xor3A_3159 = vector.broadcast %xor3A_3158 : i32 to vector<16xi32>
      %xor3A_3160 = arith.xori %iota3A, %xor3A_3159 : vector<16xi32>
      %broadcast_in_dim3A_3161 = vector.shape_cast %xor3A_3160 : vector<16xi32> to vector<16x1xi32>
      %gather3A_3162 = vector.shape_cast %broadcast_in_dim3A_3161 : vector<16x1xi32> to vector<16xi32>
      %gather3A_3163 = tpu.dynamic_gather %add3A_3157[%gather3A_3162] in [0] : vector<16xf32>, vector<16xi32> -> vector<16xf32>
      %add3A_3164 = arith.addf %add3A_3157, %gather3A_3163 : vector<16xf32>
      %xor3A_3165 = arith.constant 8 : i32
      %xor3A_3166 = vector.broadcast %xor3A_3165 : i32 to vector<16xi32>
      %xor3A_3167 = arith.xori %iota3A, %xor3A_3166 : vector<16xi32>
      %broadcast_in_dim3A_3168 = vector.shape_cast %xor3A_3167 : vector<16xi32> to vector<16x1xi32>
      %gather3A_3169 = vector.shape_cast %broadcast_in_dim3A_3168 : vector<16x1xi32> to vector<16xi32>
      %gather3A_3170 = tpu.dynamic_gather %add3A_3164[%gather3A_3169] in [0] : vector<16xf32>, vector<16xi32> -> vector<16xf32>
      %add3A_3171 = arith.addf %add3A_3164, %gather3A_3170 : vector<16xf32>
      %eq3A_3172 = arith.constant 0 : i32
      %eq3A_3173 = vector.broadcast %eq3A_3172 : i32 to vector<16xi32>
      %eq3A_3174 = arith.cmpi eq, %iota3A, %eq3A_3173 : vector<16xi32>
      %select_n3A_3175 = arith.select %eq3A_3174, %add3A_3171, %broadcast_in_dim3A_3144 : vector<16xi1>, vector<16xf32>
      %xor3A_3176 = arith.constant 1 : i32
      %xor3A_3177 = vector.broadcast %xor3A_3176 : i32 to vector<16xi32>
      %xor3A_3178 = arith.xori %iota3A, %xor3A_3177 : vector<16xi32>
      %broadcast_in_dim3A_3179 = vector.shape_cast %xor3A_3178 : vector<16xi32> to vector<16x1xi32>
      %gather3A_3180 = vector.shape_cast %broadcast_in_dim3A_3179 : vector<16x1xi32> to vector<16xi32>
      %gather3A_3181 = tpu.dynamic_gather %add3A_1601[%gather3A_3180] in [0] : vector<16xf32>, vector<16xi32> -> vector<16xf32>
      %add3A_3182 = arith.addf %add3A_1601, %gather3A_3181 : vector<16xf32>
      %xor3A_3183 = arith.constant 2 : i32
      %xor3A_3184 = vector.broadcast %xor3A_3183 : i32 to vector<16xi32>
      %xor3A_3185 = arith.xori %iota3A, %xor3A_3184 : vector<16xi32>
      %broadcast_in_dim3A_3186 = vector.shape_cast %xor3A_3185 : vector<16xi32> to vector<16x1xi32>
      %gather3A_3187 = vector.shape_cast %broadcast_in_dim3A_3186 : vector<16x1xi32> to vector<16xi32>
      %gather3A_3188 = tpu.dynamic_gather %add3A_3182[%gather3A_3187] in [0] : vector<16xf32>, vector<16xi32> -> vector<16xf32>
      %add3A_3189 = arith.addf %add3A_3182, %gather3A_3188 : vector<16xf32>
      %xor3A_3190 = arith.constant 4 : i32
      %xor3A_3191 = vector.broadcast %xor3A_3190 : i32 to vector<16xi32>
      %xor3A_3192 = arith.xori %iota3A, %xor3A_3191 : vector<16xi32>
      %broadcast_in_dim3A_3193 = vector.shape_cast %xor3A_3192 : vector<16xi32> to vector<16x1xi32>
      %gather3A_3194 = vector.shape_cast %broadcast_in_dim3A_3193 : vector<16x1xi32> to vector<16xi32>
      %gather3A_3195 = tpu.dynamic_gather %add3A_3189[%gather3A_3194] in [0] : vector<16xf32>, vector<16xi32> -> vector<16xf32>
      %add3A_3196 = arith.addf %add3A_3189, %gather3A_3195 : vector<16xf32>
      %xor3A_3197 = arith.constant 8 : i32
      %xor3A_3198 = vector.broadcast %xor3A_3197 : i32 to vector<16xi32>
      %xor3A_3199 = arith.xori %iota3A, %xor3A_3198 : vector<16xi32>
      %broadcast_in_dim3A_3200 = vector.shape_cast %xor3A_3199 : vector<16xi32> to vector<16x1xi32>
      %gather3A_3201 = vector.shape_cast %broadcast_in_dim3A_3200 : vector<16x1xi32> to vector<16xi32>
      %gather3A_3202 = tpu.dynamic_gather %add3A_3196[%gather3A_3201] in [0] : vector<16xf32>, vector<16xi32> -> vector<16xf32>
      %add3A_3203 = arith.addf %add3A_3196, %gather3A_3202 : vector<16xf32>
      %eq3A_3204 = arith.constant 1 : i32
      %eq3A_3205 = vector.broadcast %eq3A_3204 : i32 to vector<16xi32>
      %eq3A_3206 = arith.cmpi eq, %iota3A, %eq3A_3205 : vector<16xi32>
      %select_n3A_3207 = arith.select %eq3A_3206, %add3A_3203, %select_n3A_3175 : vector<16xi1>, vector<16xf32>
      %xor3A_3208 = arith.constant 1 : i32
      %xor3A_3209 = vector.broadcast %xor3A_3208 : i32 to vector<16xi32>
      %xor3A_3210 = arith.xori %iota3A, %xor3A_3209 : vector<16xi32>
      %broadcast_in_dim3A_3211 = vector.shape_cast %xor3A_3210 : vector<16xi32> to vector<16x1xi32>
      %gather3A_3212 = vector.shape_cast %broadcast_in_dim3A_3211 : vector<16x1xi32> to vector<16xi32>
      %gather3A_3213 = tpu.dynamic_gather %add3A_1608[%gather3A_3212] in [0] : vector<16xf32>, vector<16xi32> -> vector<16xf32>
      %add3A_3214 = arith.addf %add3A_1608, %gather3A_3213 : vector<16xf32>
      %xor3A_3215 = arith.constant 2 : i32
      %xor3A_3216 = vector.broadcast %xor3A_3215 : i32 to vector<16xi32>
      %xor3A_3217 = arith.xori %iota3A, %xor3A_3216 : vector<16xi32>
      %broadcast_in_dim3A_3218 = vector.shape_cast %xor3A_3217 : vector<16xi32> to vector<16x1xi32>
      %gather3A_3219 = vector.shape_cast %broadcast_in_dim3A_3218 : vector<16x1xi32> to vector<16xi32>
      %gather3A_3220 = tpu.dynamic_gather %add3A_3214[%gather3A_3219] in [0] : vector<16xf32>, vector<16xi32> -> vector<16xf32>
      %add3A_3221 = arith.addf %add3A_3214, %gather3A_3220 : vector<16xf32>
      %xor3A_3222 = arith.constant 4 : i32
      %xor3A_3223 = vector.broadcast %xor3A_3222 : i32 to vector<16xi32>
      %xor3A_3224 = arith.xori %iota3A, %xor3A_3223 : vector<16xi32>
      %broadcast_in_dim3A_3225 = vector.shape_cast %xor3A_3224 : vector<16xi32> to vector<16x1xi32>
      %gather3A_3226 = vector.shape_cast %broadcast_in_dim3A_3225 : vector<16x1xi32> to vector<16xi32>
      %gather3A_3227 = tpu.dynamic_gather %add3A_3221[%gather3A_3226] in [0] : vector<16xf32>, vector<16xi32> -> vector<16xf32>
      %add3A_3228 = arith.addf %add3A_3221, %gather3A_3227 : vector<16xf32>
      %xor3A_3229 = arith.constant 8 : i32
      %xor3A_3230 = vector.broadcast %xor3A_3229 : i32 to vector<16xi32>
      %xor3A_3231 = arith.xori %iota3A, %xor3A_3230 : vector<16xi32>
      %broadcast_in_dim3A_3232 = vector.shape_cast %xor3A_3231 : vector<16xi32> to vector<16x1xi32>
      %gather3A_3233 = vector.shape_cast %broadcast_in_dim3A_3232 : vector<16x1xi32> to vector<16xi32>
      %gather3A_3234 = tpu.dynamic_gather %add3A_3228[%gather3A_3233] in [0] : vector<16xf32>, vector<16xi32> -> vector<16xf32>
      %add3A_3235 = arith.addf %add3A_3228, %gather3A_3234 : vector<16xf32>
      %eq3A_3236 = arith.constant 2 : i32
      %eq3A_3237 = vector.broadcast %eq3A_3236 : i32 to vector<16xi32>
      %eq3A_3238 = arith.cmpi eq, %iota3A, %eq3A_3237 : vector<16xi32>
      %select_n3A_3239 = arith.select %eq3A_3238, %add3A_3235, %select_n3A_3207 : vector<16xi1>, vector<16xf32>
      %xor3A_3240 = arith.constant 1 : i32
      %xor3A_3241 = vector.broadcast %xor3A_3240 : i32 to vector<16xi32>
      %xor3A_3242 = arith.xori %iota3A, %xor3A_3241 : vector<16xi32>
      %broadcast_in_dim3A_3243 = vector.shape_cast %xor3A_3242 : vector<16xi32> to vector<16x1xi32>
      %gather3A_3244 = vector.shape_cast %broadcast_in_dim3A_3243 : vector<16x1xi32> to vector<16xi32>
      %gather3A_3245 = tpu.dynamic_gather %add3A_1615[%gather3A_3244] in [0] : vector<16xf32>, vector<16xi32> -> vector<16xf32>
      %add3A_3246 = arith.addf %add3A_1615, %gather3A_3245 : vector<16xf32>
      %xor3A_3247 = arith.constant 2 : i32
      %xor3A_3248 = vector.broadcast %xor3A_3247 : i32 to vector<16xi32>
      %xor3A_3249 = arith.xori %iota3A, %xor3A_3248 : vector<16xi32>
      %broadcast_in_dim3A_3250 = vector.shape_cast %xor3A_3249 : vector<16xi32> to vector<16x1xi32>
      %gather3A_3251 = vector.shape_cast %broadcast_in_dim3A_3250 : vector<16x1xi32> to vector<16xi32>
      %gather3A_3252 = tpu.dynamic_gather %add3A_3246[%gather3A_3251] in [0] : vector<16xf32>, vector<16xi32> -> vector<16xf32>
      %add3A_3253 = arith.addf %add3A_3246, %gather3A_3252 : vector<16xf32>
      %xor3A_3254 = arith.constant 4 : i32
      %xor3A_3255 = vector.broadcast %xor3A_3254 : i32 to vector<16xi32>
      %xor3A_3256 = arith.xori %iota3A, %xor3A_3255 : vector<16xi32>
      %broadcast_in_dim3A_3257 = vector.shape_cast %xor3A_3256 : vector<16xi32> to vector<16x1xi32>
      %gather3A_3258 = vector.shape_cast %broadcast_in_dim3A_3257 : vector<16x1xi32> to vector<16xi32>
      %gather3A_3259 = tpu.dynamic_gather %add3A_3253[%gather3A_3258] in [0] : vector<16xf32>, vector<16xi32> -> vector<16xf32>
      %add3A_3260 = arith.addf %add3A_3253, %gather3A_3259 : vector<16xf32>
      %xor3A_3261 = arith.constant 8 : i32
      %xor3A_3262 = vector.broadcast %xor3A_3261 : i32 to vector<16xi32>
      %xor3A_3263 = arith.xori %iota3A, %xor3A_3262 : vector<16xi32>
      %broadcast_in_dim3A_3264 = vector.shape_cast %xor3A_3263 : vector<16xi32> to vector<16x1xi32>
      %gather3A_3265 = vector.shape_cast %broadcast_in_dim3A_3264 : vector<16x1xi32> to vector<16xi32>
      %gather3A_3266 = tpu.dynamic_gather %add3A_3260[%gather3A_3265] in [0] : vector<16xf32>, vector<16xi32> -> vector<16xf32>
      %add3A_3267 = arith.addf %add3A_3260, %gather3A_3266 : vector<16xf32>
      %eq3A_3268 = arith.constant 3 : i32
      %eq3A_3269 = vector.broadcast %eq3A_3268 : i32 to vector<16xi32>
      %eq3A_3270 = arith.cmpi eq, %iota3A, %eq3A_3269 : vector<16xi32>
      %select_n3A_3271 = arith.select %eq3A_3270, %add3A_3267, %select_n3A_3239 : vector<16xi1>, vector<16xf32>
      %xor3A_3272 = arith.constant 1 : i32
      %xor3A_3273 = vector.broadcast %xor3A_3272 : i32 to vector<16xi32>
      %xor3A_3274 = arith.xori %iota3A, %xor3A_3273 : vector<16xi32>
      %broadcast_in_dim3A_3275 = vector.shape_cast %xor3A_3274 : vector<16xi32> to vector<16x1xi32>
      %gather3A_3276 = vector.shape_cast %broadcast_in_dim3A_3275 : vector<16x1xi32> to vector<16xi32>
      %gather3A_3277 = tpu.dynamic_gather %add3A_3121[%gather3A_3276] in [0] : vector<16xf32>, vector<16xi32> -> vector<16xf32>
      %add3A_3278 = arith.addf %add3A_3121, %gather3A_3277 : vector<16xf32>
      %xor3A_3279 = arith.constant 2 : i32
      %xor3A_3280 = vector.broadcast %xor3A_3279 : i32 to vector<16xi32>
      %xor3A_3281 = arith.xori %iota3A, %xor3A_3280 : vector<16xi32>
      %broadcast_in_dim3A_3282 = vector.shape_cast %xor3A_3281 : vector<16xi32> to vector<16x1xi32>
      %gather3A_3283 = vector.shape_cast %broadcast_in_dim3A_3282 : vector<16x1xi32> to vector<16xi32>
      %gather3A_3284 = tpu.dynamic_gather %add3A_3278[%gather3A_3283] in [0] : vector<16xf32>, vector<16xi32> -> vector<16xf32>
      %add3A_3285 = arith.addf %add3A_3278, %gather3A_3284 : vector<16xf32>
      %xor3A_3286 = arith.constant 4 : i32
      %xor3A_3287 = vector.broadcast %xor3A_3286 : i32 to vector<16xi32>
      %xor3A_3288 = arith.xori %iota3A, %xor3A_3287 : vector<16xi32>
      %broadcast_in_dim3A_3289 = vector.shape_cast %xor3A_3288 : vector<16xi32> to vector<16x1xi32>
      %gather3A_3290 = vector.shape_cast %broadcast_in_dim3A_3289 : vector<16x1xi32> to vector<16xi32>
      %gather3A_3291 = tpu.dynamic_gather %add3A_3285[%gather3A_3290] in [0] : vector<16xf32>, vector<16xi32> -> vector<16xf32>
      %add3A_3292 = arith.addf %add3A_3285, %gather3A_3291 : vector<16xf32>
      %xor3A_3293 = arith.constant 8 : i32
      %xor3A_3294 = vector.broadcast %xor3A_3293 : i32 to vector<16xi32>
      %xor3A_3295 = arith.xori %iota3A, %xor3A_3294 : vector<16xi32>
      %broadcast_in_dim3A_3296 = vector.shape_cast %xor3A_3295 : vector<16xi32> to vector<16x1xi32>
      %gather3A_3297 = vector.shape_cast %broadcast_in_dim3A_3296 : vector<16x1xi32> to vector<16xi32>
      %gather3A_3298 = tpu.dynamic_gather %add3A_3292[%gather3A_3297] in [0] : vector<16xf32>, vector<16xi32> -> vector<16xf32>
      %add3A_3299 = arith.addf %add3A_3292, %gather3A_3298 : vector<16xf32>
      %eq3A_3300 = arith.constant 4 : i32
      %eq3A_3301 = vector.broadcast %eq3A_3300 : i32 to vector<16xi32>
      %eq3A_3302 = arith.cmpi eq, %iota3A, %eq3A_3301 : vector<16xi32>
      %select_n3A_3303 = arith.select %eq3A_3302, %add3A_3299, %select_n3A_3271 : vector<16xi1>, vector<16xf32>
      %xor3A_3304 = arith.constant 1 : i32
      %xor3A_3305 = vector.broadcast %xor3A_3304 : i32 to vector<16xi32>
      %xor3A_3306 = arith.xori %iota3A, %xor3A_3305 : vector<16xi32>
      %broadcast_in_dim3A_3307 = vector.shape_cast %xor3A_3306 : vector<16xi32> to vector<16x1xi32>
      %gather3A_3308 = vector.shape_cast %broadcast_in_dim3A_3307 : vector<16x1xi32> to vector<16xi32>
      %gather3A_3309 = tpu.dynamic_gather %add3A_3128[%gather3A_3308] in [0] : vector<16xf32>, vector<16xi32> -> vector<16xf32>
      %add3A_3310 = arith.addf %add3A_3128, %gather3A_3309 : vector<16xf32>
      %xor3A_3311 = arith.constant 2 : i32
      %xor3A_3312 = vector.broadcast %xor3A_3311 : i32 to vector<16xi32>
      %xor3A_3313 = arith.xori %iota3A, %xor3A_3312 : vector<16xi32>
      %broadcast_in_dim3A_3314 = vector.shape_cast %xor3A_3313 : vector<16xi32> to vector<16x1xi32>
      %gather3A_3315 = vector.shape_cast %broadcast_in_dim3A_3314 : vector<16x1xi32> to vector<16xi32>
      %gather3A_3316 = tpu.dynamic_gather %add3A_3310[%gather3A_3315] in [0] : vector<16xf32>, vector<16xi32> -> vector<16xf32>
      %add3A_3317 = arith.addf %add3A_3310, %gather3A_3316 : vector<16xf32>
      %xor3A_3318 = arith.constant 4 : i32
      %xor3A_3319 = vector.broadcast %xor3A_3318 : i32 to vector<16xi32>
      %xor3A_3320 = arith.xori %iota3A, %xor3A_3319 : vector<16xi32>
      %broadcast_in_dim3A_3321 = vector.shape_cast %xor3A_3320 : vector<16xi32> to vector<16x1xi32>
      %gather3A_3322 = vector.shape_cast %broadcast_in_dim3A_3321 : vector<16x1xi32> to vector<16xi32>
      %gather3A_3323 = tpu.dynamic_gather %add3A_3317[%gather3A_3322] in [0] : vector<16xf32>, vector<16xi32> -> vector<16xf32>
      %add3A_3324 = arith.addf %add3A_3317, %gather3A_3323 : vector<16xf32>
      %xor3A_3325 = arith.constant 8 : i32
      %xor3A_3326 = vector.broadcast %xor3A_3325 : i32 to vector<16xi32>
      %xor3A_3327 = arith.xori %iota3A, %xor3A_3326 : vector<16xi32>
      %broadcast_in_dim3A_3328 = vector.shape_cast %xor3A_3327 : vector<16xi32> to vector<16x1xi32>
      %gather3A_3329 = vector.shape_cast %broadcast_in_dim3A_3328 : vector<16x1xi32> to vector<16xi32>
      %gather3A_3330 = tpu.dynamic_gather %add3A_3324[%gather3A_3329] in [0] : vector<16xf32>, vector<16xi32> -> vector<16xf32>
      %add3A_3331 = arith.addf %add3A_3324, %gather3A_3330 : vector<16xf32>
      %eq3A_3332 = arith.constant 5 : i32
      %eq3A_3333 = vector.broadcast %eq3A_3332 : i32 to vector<16xi32>
      %eq3A_3334 = arith.cmpi eq, %iota3A, %eq3A_3333 : vector<16xi32>
      %select_n3A_3335 = arith.select %eq3A_3334, %add3A_3331, %select_n3A_3303 : vector<16xi1>, vector<16xf32>
      %xor3A_3336 = arith.constant 1 : i32
      %xor3A_3337 = vector.broadcast %xor3A_3336 : i32 to vector<16xi32>
      %xor3A_3338 = arith.xori %iota3A, %xor3A_3337 : vector<16xi32>
      %broadcast_in_dim3A_3339 = vector.shape_cast %xor3A_3338 : vector<16xi32> to vector<16x1xi32>
      %gather3A_3340 = vector.shape_cast %broadcast_in_dim3A_3339 : vector<16x1xi32> to vector<16xi32>
      %gather3A_3341 = tpu.dynamic_gather %add3A_3135[%gather3A_3340] in [0] : vector<16xf32>, vector<16xi32> -> vector<16xf32>
      %add3A_3342 = arith.addf %add3A_3135, %gather3A_3341 : vector<16xf32>
      %xor3A_3343 = arith.constant 2 : i32
      %xor3A_3344 = vector.broadcast %xor3A_3343 : i32 to vector<16xi32>
      %xor3A_3345 = arith.xori %iota3A, %xor3A_3344 : vector<16xi32>
      %broadcast_in_dim3A_3346 = vector.shape_cast %xor3A_3345 : vector<16xi32> to vector<16x1xi32>
      %gather3A_3347 = vector.shape_cast %broadcast_in_dim3A_3346 : vector<16x1xi32> to vector<16xi32>
      %gather3A_3348 = tpu.dynamic_gather %add3A_3342[%gather3A_3347] in [0] : vector<16xf32>, vector<16xi32> -> vector<16xf32>
      %add3A_3349 = arith.addf %add3A_3342, %gather3A_3348 : vector<16xf32>
      %xor3A_3350 = arith.constant 4 : i32
      %xor3A_3351 = vector.broadcast %xor3A_3350 : i32 to vector<16xi32>
      %xor3A_3352 = arith.xori %iota3A, %xor3A_3351 : vector<16xi32>
      %broadcast_in_dim3A_3353 = vector.shape_cast %xor3A_3352 : vector<16xi32> to vector<16x1xi32>
      %gather3A_3354 = vector.shape_cast %broadcast_in_dim3A_3353 : vector<16x1xi32> to vector<16xi32>
      %gather3A_3355 = tpu.dynamic_gather %add3A_3349[%gather3A_3354] in [0] : vector<16xf32>, vector<16xi32> -> vector<16xf32>
      %add3A_3356 = arith.addf %add3A_3349, %gather3A_3355 : vector<16xf32>
      %xor3A_3357 = arith.constant 8 : i32
      %xor3A_3358 = vector.broadcast %xor3A_3357 : i32 to vector<16xi32>
      %xor3A_3359 = arith.xori %iota3A, %xor3A_3358 : vector<16xi32>
      %broadcast_in_dim3A_3360 = vector.shape_cast %xor3A_3359 : vector<16xi32> to vector<16x1xi32>
      %gather3A_3361 = vector.shape_cast %broadcast_in_dim3A_3360 : vector<16x1xi32> to vector<16xi32>
      %gather3A_3362 = tpu.dynamic_gather %add3A_3356[%gather3A_3361] in [0] : vector<16xf32>, vector<16xi32> -> vector<16xf32>
      %add3A_3363 = arith.addf %add3A_3356, %gather3A_3362 : vector<16xf32>
      %eq3A_3364 = arith.constant 6 : i32
      %eq3A_3365 = vector.broadcast %eq3A_3364 : i32 to vector<16xi32>
      %eq3A_3366 = arith.cmpi eq, %iota3A, %eq3A_3365 : vector<16xi32>
      %select_n3A_3367 = arith.select %eq3A_3366, %add3A_3363, %select_n3A_3335 : vector<16xi1>, vector<16xf32>
      %xor3A_3368 = arith.constant 1 : i32
      %xor3A_3369 = vector.broadcast %xor3A_3368 : i32 to vector<16xi32>
      %xor3A_3370 = arith.xori %iota3A, %xor3A_3369 : vector<16xi32>
      %broadcast_in_dim3A_3371 = vector.shape_cast %xor3A_3370 : vector<16xi32> to vector<16x1xi32>
      %gather3A_3372 = vector.shape_cast %broadcast_in_dim3A_3371 : vector<16x1xi32> to vector<16xi32>
      %gather3A_3373 = tpu.dynamic_gather %add3A_3142[%gather3A_3372] in [0] : vector<16xf32>, vector<16xi32> -> vector<16xf32>
      %add3A_3374 = arith.addf %add3A_3142, %gather3A_3373 : vector<16xf32>
      %xor3A_3375 = arith.constant 2 : i32
      %xor3A_3376 = vector.broadcast %xor3A_3375 : i32 to vector<16xi32>
      %xor3A_3377 = arith.xori %iota3A, %xor3A_3376 : vector<16xi32>
      %broadcast_in_dim3A_3378 = vector.shape_cast %xor3A_3377 : vector<16xi32> to vector<16x1xi32>
      %gather3A_3379 = vector.shape_cast %broadcast_in_dim3A_3378 : vector<16x1xi32> to vector<16xi32>
      %gather3A_3380 = tpu.dynamic_gather %add3A_3374[%gather3A_3379] in [0] : vector<16xf32>, vector<16xi32> -> vector<16xf32>
      %add3A_3381 = arith.addf %add3A_3374, %gather3A_3380 : vector<16xf32>
      %xor3A_3382 = arith.constant 4 : i32
      %xor3A_3383 = vector.broadcast %xor3A_3382 : i32 to vector<16xi32>
      %xor3A_3384 = arith.xori %iota3A, %xor3A_3383 : vector<16xi32>
      %broadcast_in_dim3A_3385 = vector.shape_cast %xor3A_3384 : vector<16xi32> to vector<16x1xi32>
      %gather3A_3386 = vector.shape_cast %broadcast_in_dim3A_3385 : vector<16x1xi32> to vector<16xi32>
      %gather3A_3387 = tpu.dynamic_gather %add3A_3381[%gather3A_3386] in [0] : vector<16xf32>, vector<16xi32> -> vector<16xf32>
      %add3A_3388 = arith.addf %add3A_3381, %gather3A_3387 : vector<16xf32>
      %xor3A_3389 = arith.constant 8 : i32
      %xor3A_3390 = vector.broadcast %xor3A_3389 : i32 to vector<16xi32>
      %xor3A_3391 = arith.xori %iota3A, %xor3A_3390 : vector<16xi32>
      %broadcast_in_dim3A_3392 = vector.shape_cast %xor3A_3391 : vector<16xi32> to vector<16x1xi32>
      %gather3A_3393 = vector.shape_cast %broadcast_in_dim3A_3392 : vector<16x1xi32> to vector<16xi32>
      %gather3A_3394 = tpu.dynamic_gather %add3A_3388[%gather3A_3393] in [0] : vector<16xf32>, vector<16xi32> -> vector<16xf32>
      %add3A_3395 = arith.addf %add3A_3388, %gather3A_3394 : vector<16xf32>
      %eq3A_3396 = arith.constant 7 : i32
      %eq3A_3397 = vector.broadcast %eq3A_3396 : i32 to vector<16xi32>
      %eq3A_3398 = arith.cmpi eq, %iota3A, %eq3A_3397 : vector<16xi32>
      %select_n3A_3399 = arith.select %eq3A_3398, %add3A_3395, %select_n3A_3367 : vector<16xi1>, vector<16xf32>
      %swap3A_3400 = arith.constant 0 : index
      %swap3A_3401 = tpu.vector_load %arg11[%swap3A_3400] {strides = array<i32>} : memref<16xf32, #tpu.memory_space<vmem>>, vector<16xf32>,
      %swap3A_3402 = vector.shape_cast %swap3A_3401 : vector<16xf32> to vector<16xf32>
      %swap3A_3403 = vector.shape_cast %select_n3A_3399 : vector<16xf32> to vector<16xf32>
      tpu.vector_store %arg11[%swap3A_3400], %swap3A_3403 {strides = array<i32>} : memref<16xf32, #tpu.memory_space<vmem>>, vector<16xf32>,
      %mul3A_3404 = arith.constant 8 : i32
      %mul3A_3405 = arith.muli %add3A, %mul3A_3404 : i32
      "tpu.region"() ({
        %run_scoped3A = tpu.sem_alloc : memref<!tpu.dma_semaphore, #tpu.memory_space<semaphore_mem>>
        %dma_start3A_3406 = arith.constant 0 : i32
        %dma_start3A_3407 = tpu.memref_slice %arg11[%dma_start3A_3406] : memref<16xf32, #tpu.memory_space<vmem>> -> memref<8xf32, #tpu.memory_space<vmem>>
        %dma_start3A_3408 = tpu.memref_slice %arg5[%mul3A_3405] : memref<104xf32, #tpu.memory_space<hbm>> -> memref<8xf32, #tpu.memory_space<hbm>>
        %dma_start3A_3409 = tpu.memref_slice %arg5[%mul3A_3405] : memref<104xf32, #tpu.memory_space<hbm>> -> memref<8xf32, #tpu.memory_space<hbm>>
        %dma_start3A_3410 = arith.constant 0 : i32
        %dma_start3A_3411 = tpu.memref_slice %arg11[%dma_start3A_3410] : memref<16xf32, #tpu.memory_space<vmem>> -> memref<8xf32, #tpu.memory_space<vmem>>
        tpu.enqueue_dma source(%dma_start3A_3411 : memref<8xf32, #tpu.memory_space<vmem>>) target(%dma_start3A_3409 : memref<8xf32, #tpu.memory_space<hbm>>) target_semaphore(%run_scoped3A : memref<!tpu.dma_semaphore, #tpu.memory_space<semaphore_mem>>)
        %dma_wait3A_3412 = arith.constant 0 : i32
        %dma_wait3A_3413 = tpu.memref_slice %arg11[%dma_wait3A_3412] : memref<16xf32, #tpu.memory_space<vmem>> -> memref<8xf32, #tpu.memory_space<vmem>>
        %dma_wait3A_3414 = tpu.memref_slice %arg5[%mul3A_3405] : memref<104xf32, #tpu.memory_space<hbm>> -> memref<8xf32, #tpu.memory_space<hbm>>
        %dma_wait3A_3415 = tpu.memref_slice %arg5[%mul3A_3405] : memref<104xf32, #tpu.memory_space<hbm>> -> memref<8xf32, #tpu.memory_space<hbm>>
        %dma_wait3A_3416 = arith.constant 0 : i32
        %dma_wait3A_3417 = tpu.memref_slice %arg11[%dma_wait3A_3416] : memref<16xf32, #tpu.memory_space<vmem>> -> memref<8xf32, #tpu.memory_space<vmem>>
        tpu.wait_dma2 semaphore(%run_scoped3A : memref<!tpu.dma_semaphore, #tpu.memory_space<semaphore_mem>>) src(%dma_wait3A_3417 : memref<8xf32, #tpu.memory_space<vmem>>) dst(%dma_wait3A_3415 : memref<8xf32, #tpu.memory_space<hbm>>)
        tpu.yield
      }) : () -> ()
    } else {
    }
    return
  }
}

</mosaic_0001>

<sc_bundles>
// kernel: _run.3.cloned.1.call-start
scs
__scs_entry_jumppad:
0x0: {  	(pc) =	sbr.rel $0x88, $3  }
0x1: {  	(tag) =	ssettag $0x0;
	lr =	simm.s32 $0x1  }
0x2: {  	[smem:$0x3F9E] =	sst lr;
	_ =	strace $0xD0000000  }
0x3: {  	_ = 	snop  }
0x4: {  	_ = 	snop  }
0x5: {  	_ = 	snop  }
0x6: {  	_ = 	snop  }
0x7: {  	_ = 	snop  }
__scs_overlays_trampoline_lowered:
0x8: {  	[smem:$0x3FAD] =	sst s0  }
0x9: {  	[smem:$0x3FAE] =	sst s1  }
0xa: {  	[smem:$0x3FAF] =	sst s2  }
0xb: {  	[smem:$0x3FB0] =	sst s3  }
0xc: {  	[smem:$0x3FB1] =	sst s4  }
0xd: {  	[smem:$0x3FB2] =	sst s5  }
0xe: {  	[smem:$0x3FB3] =	sst s6  }
0xf: {  	[smem:$0x3FB4] =	sst s7  }
0x10: {  	[smem:$0x3FB5] =	sst s8  }
0x11: {  	[smem:$0x3FB6] =	sst s9;
	s0 =	simm.s32 @!p0 $0x0  }
0x12: {  	s1 =	sld [smem:$0x3F9C];
	s0 =	simm.s32 @p0 $0x1  }
0x13: {  	[smem:$0x3FB7] =	sst s0;
	s0 =	simm.s32 @!p1 $0x0  }
0x14: {  	s2 =	sld [smem:$0x3F9B];
	s0 =	simm.s32 @p1 $0x1  }
0x15: {  	[smem:$0x3FB8] =	sst s0;
	s0 =	simm.s32 @!p2 $0x0  }
0x16: {  	s3 =	sld [smem:$0x3FDB];
	s0 =	simm.s32 @p2 $0x1  }
0x17: {  	s4 =	simm.s32 $0x1BF5;
	[smem:$0x3FBA] =	sst s0  }
0x18: {  	s0 =	sld [smem:$0x3F9D];
	_ =	swait.ge [sflag:s4], $0x0  }
0x19: {  	s7 =	sld [smem:$0x3F9E]  }
0x1a: {  	s8 =	sadd.s32 $0xFFFFE003, lr  }
0x1b: {  	s9 =	sadd.s32 $0xFFFFFEF7, lr;
	s5 =	simm.s32 $0xFFFFFFFF;
	p2 =	slt.u32 s8, $0xFFFFF086  }
0x1c: {  	p1 =	slt.u32 s9, $0xF7A;
	s5 =	simm.s32 @!p2 $0x0  }
0x1d: {  	s5 =	simm.s32 @p1 $0x1;
	p0 =	seq.s32 s7, s2  }
0x1e: {  	s7 =	smul.u32 @!p0 $0xF7A, s2;
	p2 =	seq.s32 @!p0 s5, $0x0  }
0x1f: {  	s9 =	smul.u32 $0xF7A, s1;
	s8 =	simm.s32 @!p0 $0x1BF5;
	p2 =	por !p2, p0  }
0x20: {  	[sflag:s8] =	ssyncset.s32 @!p0 $0xFFFFF086;
	s6 =	sadd.s32 @!p0 s3, s7;
	s7 =	simm.s32 @!p0 $0x108  }
0x21: {  	s3 =	sadd.s32 s3, s9;
	s6 =	sadd.s32 @!p0 $0x88, s6;
	s7 =	simm.s32 @p2 $0x1082  }
0x22: {  	[simem:s7], [sflag:s8] =	dma.local @!p0 [hbm:s6], $0xF7A  }
0x23: {  	s9 =	sor.u32 $0xD0000000, s2;
	s6 =	simm.s32 $0x108;
	_ =	swait.ge @!p0 [sflag:s8], $0x0  }
0x24: {  	s3 =	sadd.s32 $0x88, s3;
	s6 =	simm.s32 @!p1 $0x1082;
	[sflag:s4] =	ssyncset.s32 $0xFFFFF086  }
0x25: {  	[simem:s6], [sflag:s4] =	dma.local [hbm:s3], $0xF7A  }
0x26: {  	[smem:$0x3F9E] =	sst s1;
	(tag) =	ssettag s2;
	_ =	strace s9  }
0x27: {  	s1 =	sld [smem:$0x3FAE]  }
0x28: {  	s2 =	sld [smem:$0x3FAF]  }
0x29: {  	s4 =	sld [smem:$0x3FB1]  }
0x2a: {  	p0 =	seq.s32 s5, $0x0;
	s5 =	sld [smem:$0x3FB2]  }
0x2b: {  	s6 =	sld [smem:$0x3FB3]  }
0x2c: {  	s7 =	sld [smem:$0x3FB4]  }
0x2d: {  	s3 =	simm.s32 $0x108;
	s8 =	sld [smem:$0x3FB5]  }
0x2e: {  	s3 =	simm.s32 @!p0 $0x1082;
	s9 =	sld [smem:$0x3FB6]  }
0x2f: {  	lr =	sadd.s32 s0, s3;
	s0 =	sld [smem:$0x3FAD]  }
0x30: {  	s3 =	sld [smem:$0x3FB0]  }
0x31: {  	[smem:$0x3FB9] =	sst s10  }
0x32: {  	s10 =	sld [smem:$0x3FB7];
	_ =	sdelay $0x3  }
0x33: {  	p0 =	seq.s32 s10, $0x1;
	s10 =	sld [smem:$0x3FB9];
	_ =	sdelay $0x3  }
0x34: {  	[smem:$0x3FB9] =	sst s10  }
0x35: {  	s10 =	sld [smem:$0x3FB8];
	_ =	sdelay $0x3  }
0x36: {  	p1 =	seq.s32 s10, $0x1;
	s10 =	sld [smem:$0x3FB9];
	_ =	sdelay $0x3  }
0x37: {  	[smem:$0x3FB9] =	sst s10  }
0x38: {  	s10 =	sld [smem:$0x3FBA]  }
0x39: {  	_ = 	snop;
	(pc) =	sbr.ind lr, $3  }
0x3a: {  	_ = 	snop  }
0x3b: {  	_ = 	snop  }
0x3c: {  	p2 =	seq.s32 s10, $0x1;
	s10 =	sld [smem:$0x3FB9]  }
0x3d: {  	_ =	shalt  }
0x3e: {  	_ =	shalt  }
0x3f: {  	_ =	shalt  }
0x40: {  	_ =	shalt  }
0x41: {  	_ =	shalt  }
0x42: {  	_ =	shalt  }
0x43: {  	_ =	shalt  }
0x44: {  	_ =	shalt  }
0x45: {  	_ =	shalt  }
0x46: {  	_ =	shalt  }
0x47: {  	_ =	shalt  }
0x48: {  	_ =	shalt  }
0x49: {  	_ =	shalt  }
0x4a: {  	_ =	shalt  }
0x4b: {  	_ =	shalt  }
0x4c: {  	_ =	shalt  }
0x4d: {  	_ =	shalt  }
0x4e: {  	_ =	shalt  }
0x4f: {  	_ =	shalt  }
0x50: {  	_ =	shalt  }
0x51: {  	_ =	shalt  }
0x52: {  	_ =	shalt  }
0x53: {  	_ =	shalt  }
0x54: {  	_ =	shalt  }
0x55: {  	_ =	shalt  }
0x56: {  	_ =	shalt  }
0x57: {  	_ =	shalt  }
0x58: {  	_ =	shalt  }
0x59: {  	_ =	shalt  }
0x5a: {  	_ =	shalt  }
0x5b: {  	_ =	shalt  }
0x5c: {  	_ =	shalt  }
0x5d: {  	_ =	shalt  }
0x5e: {  	_ =	shalt  }
0x5f: {  	_ =	shalt  }
0x60: {  	_ =	shalt  }
0x61: {  	_ =	shalt  }
0x62: {  	_ =	shalt  }
0x63: {  	_ =	shalt  }
0x64: {  	_ =	shalt  }
0x65: {  	_ =	shalt  }
0x66: {  	_ =	shalt  }
0x67: {  	_ =	shalt  }
0x68: {  	_ =	shalt  }
0x69: {  	_ =	shalt  }
0x6a: {  	_ =	shalt  }
0x6b: {  	_ =	shalt  }
0x6c: {  	_ =	shalt  }
0x6d: {  	_ =	shalt  }
0x6e: {  	_ =	shalt  }
0x6f: {  	_ =	shalt  }
0x70: {  	_ =	shalt  }
0x71: {  	_ =	shalt  }
0x72: {  	_ =	shalt  }
0x73: {  	_ =	shalt  }
0x74: {  	_ =	shalt  }
0x75: {  	_ =	shalt  }
0x76: {  	_ =	shalt  }
0x77: {  	_ =	shalt  }
0x78: {  	_ =	shalt  }
0x79: {  	_ =	shalt  }
0x7a: {  	_ =	shalt  }
0x7b: {  	_ =	shalt  }
0x7c: {  	_ =	shalt  }
0x7d: {  	_ =	shalt  }
0x7e: {  	_ =	shalt  }
0x7f: {  	_ =	shalt  }
0x80: {  	_ =	shalt  }
0x81: {  	_ =	shalt  }
0x82: {  	_ =	shalt  }
0x83: {  	_ =	shalt  }
0x84: {  	_ =	shalt  }
0x85: {  	_ =	shalt  }
0x86: {  	_ =	shalt  }
0x87: {  	_ =	shalt  }
.Lfunc_end0:
.L_simem_size_0:
called_computation_lowered:
.L_overlay_start_0:
0x88: {  	s2 =	sld [smem:$0x3FD9]  }
0x89: {  	s3 =	sld [smem:$0x3FFE];
	_ =	sdelay $0x1  }
0x8a: {  	s1 =	srdreg.scid  }
0x8b: {  	s0 =	sand.u32 $0x1, s1  }
0x8c: {  	s17 =	sshll.u32 s0, $0xA;
	s2 =	sadd.s32 s3, s2  }
0x8d: {  	s2 =	sadd.s32 s2, s17  }
0x8e: {  	[smem:$0x3FC5] =	sst s2  }
0x8f: {  	_ = 	snop  }
0x90: {  	s2 =	sld [smem:$0x3FC8]  }
0x91: {  	s18 =	sld [smem:$0x3FC7]  }
0x92: {  	s4 =	sld [smem:$0x3FD0];
	(tm) =	ssettm $0x1  }
0x93: {  	s5 =	sld [smem:$0x3FFB];
	_ =	sdelay $0x3  }
0x94: {  	_ =	strace s5  }
0x95: {  	s5 =	sld [smem:$0x3FFC];
	_ =	sdelay $0x3  }
0x96: {  	_ =	strace s5  }
0x97: {  	s5 =	sld [smem:$0x3FFD];
	_ =	sdelay $0x3  }
0x98: {  	_ =	strace s5  }
0x99: {  	_ =	strace $0x8FFFFFFF  }
0x9a: {  	s19 =	sld [smem:$0x3FDB];
	_ =	sdelay $0x1  }
0x9b: {  	s6 =	simm.s32 $_scs_section_size  }
0x9c: {  	s7 =	simm.s32 $_size__tile_overlayer_lowered;
	s8 =	simm.s32 $_tile_overlayer_lowered  }
0x9d: {  	s22 =	simm.s32 $0x1BFF;
	s21 =	sshll.u32 s8, $0x1;
	s5 =	sadd.s32 s6, s19  }
0x9e: {  	s9 =	simm.s32 $0x0;
	s20 =	sshll.u32 s7, $0x1;
	s7 =	sadd.s32 s21, s5  }
0x9f: {  	[timem:s9], [sflag:s22] =	dma.local [hbm:s7], s20  }
0xa0: {  	_ =	swait.ge [sflag:s22], s20  }
0xa1: {  	s6 =	ssub.s32 $0x0, s20;
	[sflag:s22] =	ssyncset.done $0x0  }
0xa2: {  	[sflag:s22] =	ssyncadd.s32 s6;
	_ =	sdelay $0x1  }
0xa3: {  	s23 =	simm.s32 $0x1B8B  }
0xa4: {  	_ =	swait.ge [sflag:s23], $0x1  }
0xa5: {  	[sflag:s23] =	ssyncset.done $0x0  }
0xa6: {  	s25 =	simm.s32 $0x1B8E;
	s24 =	sld [smem:$0x3FFE];
	[sflag:s23] =	ssyncadd.s32 $0xFFFFFFFF  }
0xa7: {  	s26 =	simm.s32 $execute0_lowered;
	[smem:$0x3FD2] =	sst s25  }
0xa8: {  	s7 =	sshll.u32 s26, $0x1;
	_ =	strace $0x80000046;
	[dreg:$0x1] =	wrdreg $0xFFFFFFFF  }
0xa9: {  	s28 =	simm.s32 $_size_execute0_lowered;
	s5 =	sadd.s32 s5, s7;
	[dreg:$0x0] =	wrdreg $0x0  }
0xaa: {  	s7 =	sshll.u32 s28, $0x1;
	[dreg:$0x2] =	wrdreg s5  }
0xab: {  	[dreg:$0x3] =	wrdreg s7  }
0xac: {  	[dreg:$0x4] =	wrdreg $0xC0  }
0xad: {  	_ =	task [dreg:s9], $0x5FFFF  }
0xae: {  	[dreg:$0x1] =	wrdreg $0xFFFFFFFF  }
0xaf: {  	[dreg:$0x0] =	wrdreg $0x60  }
0xb0: {  	[dreg:$0x2] =	wrdreg s24  }
0xb1: {  	[dreg:$0x3] =	wrdreg s2  }
0xb2: {  	[dreg:$0x4] =	wrdreg s18  }
0xb3: {  	[dreg:$0x5] =	wrdreg s4  }
0xb4: {  	[dreg:$0x6] =	wrdreg $0x9  }
0xb5: {  	_ =	task.clear_ibuf [dreg:s9], $0x7FFFF;
	_ =	strace $0x90000046  }
0xb6: {  	s29 =	simm.s32 $0x9;
	_ =	strace $0x80000048  }
0xb7: {  	_ =	swait.ge [sflag:s29], $0x1  }
0xb8: {  	[sflag:s29] =	ssyncadd.s32 $0xFFFFFFFF  }
0xb9: {  	_ =	strace $0x90000048  }
0xba: {  	_ =	sfence  }
0xbb: {  	s30 =	sld [smem:$0x0];
	_ =	sdelay $0x2  }
0xbc: {  	s31 =	sshll.u32 s1, $0xD;
	s1 =	sshrl.u32 s1, $0x2  }
0xbd: {  	s3 =	sand.u32 $0x4000, s31;
	s1 =	sadd.s32 s1, s30  }
0xbe: {  	s0 =	sor.u32 s3, s0;
	s1 =	sshll.u32 s1, $0x11  }
0xbf: {  	s0 =	sor.u32 s1, s0  }
0xc0: {  	s0 =	sadd.s32 $0x8F2B, s0  }
0xc1: {  	[sflag:s0] =	ssyncadd.remote.s32 $0x1  }
0xc2: {  	_ =	sfence.sel $0xFFFF  }
0xc3: {  	[dreg:$0x0] =	wrdreg $0xFFFFFFFF;
	(pc) =	sbr.abs _section_cstart, $3  }
0xc4: {  	[dreg:$0x1] =	wrdreg $0xFFFFFFFF  }
0xc5: {  	_ =	task.clear_ibuf [dreg:s9], $0x2FFFF;
	_ =	strace $0x9FFFFFFF  }
0xc6: {  	(tm) =	ssettm $0x7FFFFFFF  }
0xc7: {  	_ =	shalt  }
tec
execute0_lowered:
.L_overlay_start_1:
0x0: {  	(tag) =	ssettag $0x1  }
0x1: {  	s2 =	srdreg.scid;
	s0 =	stileid.u32  }
0x2: {  	s5 =	sand.u32 $0x1, s2;
	s8 =	sshll.u32 s0, $0x1  }
0x3: {  	s9 =	sor.u32 s5, s8  }
0x4: {  	s4 =	rddreg [dreg:$0x0];
	p0 =	sgt.u32 s9, $0xC  }
.Ltmp0:
0x5: {  	s1 =	rddreg [dreg:$0x1];
	(pc) =	sbr.rel @p0 .LBB2_3-.Ltmp0, $4  }
0x6: {  	s6 =	rddreg [dreg:$0x2]  }
0x7: {  	s7 =	rddreg [dreg:$0x3];
	s3 =	simm.s32 $0x0  }
0x8: {  	[smem:$0x7FF] =	sst s3  }
0x9: {  	s2 =	rddreg [dreg:$0x4];
	_ =	strace $0x80000047  }
0xa: {  	v0 =	vimm.s32 $0x3210FEDC;
	v1 =	vimm.s32 $0xBA987654  }
0xb: {  	v3 =	vlaneseq.u32;
	v4 =	vimm.s32 $0xEFCDAB89;
	v52 =	vimm.s32 $0x67452301  }
0xc: {  	v54 =	vimm.s32 $0xDCFE98BA;
	v0 =	vunpack.c.l.s4.s8 v0;
	v1 =	vunpack.c.l.s4.s8 v1  }
0xd: {  	v55 =	vimm.s32 $0x54761032;
	v5 =	vimm.s32 $0xBA98FEDC;
	v6 =	vimm.s32 $0x32107654  }
0xe: {  	s8 =	sshll.u32 s9, $0x3;
	v7 =	vimm.s32 $0xFEDCBA98;
	v0 =	vunpack.c.0.s8.s32 v0;
	v1 =	vunpack.c.0.s8.s32 v1  }
0xf: {  	v8 =	vimm.s32 $0x76543210;
	s8 =	ssub.s32 $0x64, s8;
	v51 =	vunpack.c.l.s4.s8 v4;
	v4 =	vunpack.c.l.s4.s8 v55  }
0x10: {  	v5 =	vunpack.c.l.s4.s8 v5;
	v6 =	vunpack.c.l.s4.s8 v6;
	s8 =	smin.u32 s8, $0x8;
	v0 =	vcombine.low v1, v0  }
0x11: {  	v7 =	vunpack.c.l.s4.s8 v7;
	v56 =	vunpack.c.l.s4.s8 v8;
	v2 =	vmov s8  }
0x12: {  	v5 =	vunpack.c.0.s8.s32 v5;
	v6 =	vunpack.c.0.s8.s32 v6;
	[tilespmem:$0x1FF90] =	vst v0;
	v0 =	vunpack.c.l.s4.s8 v52  }
0x13: {  	vm0 =	vgt.u32 v2, v3;
	v3 =	vand.u32 $0x7, v3;
	v2 =	vunpack.c.l.s4.s8 v54  }
0x14: {  	v53 =	vunpack.c.0.s8.s32 v51;
	v9 =	vmul.u32 $0x2, v3;
	v0 =	vunpack.c.0.s8.s32 v0  }
0x15: {  	s30 =	sshll.u32 s9, $0x1;
	s10 =	ssub.s32 $0x2, s5;
	v4 =	vunpack.c.0.s8.s32 v4;
	v57 =	vcombine.low v6, v5;
	v2 =	vunpack.c.0.s8.s32 v2  }
0x16: {  	s4 =	sadd.s32 $0x400, s4;
	s7 =	sadd.s32 s7, s9;
	p0 =	seq.s32 s9, $0xC;
	v58 =	vunpack.c.0.s8.s32 v7;
	[tilespmem:$0x1FFA0] =	vst v9;
	v59 =	vor.u32 $0x1, v9;
	v0 =	vcombine.low v0, v53  }
0x17: {  	s9 =	simm.s32 $0x18B0;
	s11 =	simm.s32 $0x10;
	s12 =	simm.s32 $0x30;
	v60 =	vunpack.c.0.s8.s32 v56;
	v62 =	vand.u32 $0xF, v57;
	v2 =	vcombine.low v4, v2;
	[tilespmem:$0x1FFB0] =	vst v59  }
0x18: {  	vm1 =	vmmov $0x1;
	s13 =	simm.s32 $0x20;
	s14 =	simm.s32 $0xC70;
	s15 =	simm.s32 $0x3;
	v63 =	vand.u32 $0xF, v58;
	[tilespmem:$0x1FFE0] =	vst v62;
	v0 =	vand.u32 $0xF, v0  }
0x19: {  	vm2 =	vcmask $0x320;
	s16 =	simm.s32 $0x2;
	s17 =	simm.s32 $0x1BC0;
	s31 =	sshrl.u32 s10, $0x1;
	v61 =	vand.u32 $0xF, v2;
	[tilespmem:$0x1FFC0] =	vst v0;
	v0 =	vcombine.low v63, v60  }
0x1a: {  	vm3 =	vcmask $0x720;
	vm4 =	vcmask $0xB20;
	vm5 =	vcmask $0xF20;
	s18 =	simm.s32 $0x5;
	s5 =	sadd.s32 s6, s30;
	s8 =	ssub.s32 s10, s31;
	[tilespmem:$0x1FFD0] =	vst v61  }
0x1b: {  	vm6 =	vcmask $0x1320;
	vm7 =	vcmask $0x1720;
	vm8 =	vcmask $0x1B20;
	s6 =	sadd.s32 $0x18, s6;
	s10 =	simm.s32 $0x4;
	s8 =	smax.u32 s8, $0x1;
	[tilespmem:$0x1FFF0] =	vst v0  }
.LBB2_2:
0x1c: {  	[tilespmem:s9], [sflag:$0x2] =	stream.linear.gather [hbm4b:s1+s3], $0x310, $0x38;
	[tilespmem:$0x1BD0] =	vst v63  }
0x1d: {  	s19 =	simm.s32 @p0 $0x0  }
0x1e: {  	[tilespmem:s19], [sflag:$0x1] =	stream.linear.gather @p0 [hbm4b:s6+s19], $0x8, $0x38;
	[tilespmem:$0x1BD0] =	vst v63  }
0x1f: {  	s19 =	simm.s32 @p0 $0x1  }
0x20: {  	_ =	swait.ge @p0 [sflag:s19], $0x8  }
0x21: {  	[sflag:s19] =	ssyncset.done @p0 $0x0  }
0x22: {  	[sflag:s19] =	ssyncadd.s32 @p0 $0xFFFFFFF8;
	s19 =	simm.s32 @!p0 $0x0  }
0x23: {  	[tilespmem:s19], [sflag:$0x1] =	stream.linear.gather @!p0 [hbm4b:s5+s19], $0x10, $0x38;
	[tilespmem:$0x1BD0] =	vst v63  }
0x24: {  	s19 =	simm.s32 @!p0 $0x1  }
0x25: {  	_ =	swait.ge @!p0 [sflag:s19], $0x10  }
0x26: {  	[sflag:s19] =	ssyncset.done @!p0 $0x0  }
0x27: {  	v1 =	vld [tilespmem:$0x1FFA0];
	[sflag:s19] =	ssyncadd.s32 @!p0 $0xFFFFFFF0  }
0x28: {  	v0 =	vld [tilespmem:$0x0];
	_ =	sdelay $0x1  }
0x29: {  	v2 =	vld [tilespmem:$0x1FFB0];
	_ =	sdelay $0x2  }
0x2a: {  	v1 =	vperm.xlane v0, v1  }
0x2b: {  	v23 =	vld [tilespmem:$0x1FF90]  }
0x2c: {  	v0 =	vperm.xlane v0, v2;
	v1 =	vmul.u32 $0x1C, v1;
	_ =	sdelay $0x1  }
0x2d: {  	v0 =	vadd.s32 v0, v1  }
0x2e: {  	v0 =	vnsel vm0, $0x0, v0  }
0x2f: {  	v1 =	vperm.xlane v0, v23  }
0x30: {  	[tilespmem:$0x10] =	vst v0  }
0x31: {  	[tilespmem:$0x20] =	vst v1  }
0x32: {  	[tilespmem:s12], [sflag:$0x3] =	stream.indirect.gather [hbm4b:s4+s10], $0x310, s11, s10, $0xb8;
	[tilespmem:$0x1BD0] =	vst v63  }
0x33: {  	_ = 	snop  }
0x34: {  	[tilespmem:s14], [sflag:$0x4] =	stream.indirect.gather [hbm4b:s4+s10], $0x310, s13, s10, $0xb8;
	[tilespmem:$0x1BD0] =	vst v63  }
0x35: {  	_ =	swait.ge [sflag:s15], $0xC40  }
0x36: {  	[sflag:s15] =	ssyncset.done $0x0  }
0x37: {  	[sflag:s15] =	ssyncadd.s32 $0xFFFFF3C0  }
0x38: {  	_ =	swait.ge [sflag:s16], $0x310  }
0x39: {  	[sflag:s16] =	ssyncset.done $0x0  }
0x3a: {  	[sflag:s16] =	ssyncadd.s32 $0xFFFFFCF0  }
0x3b: {  	v55 =	vld [tilespmem:$0x18B0]  }
0x3c: {  	v1 =	vld [tilespmem:$0x30]  }
0x3d: {  	v2 =	vld [tilespmem:$0x340]  }
0x3e: {  	v3 =	vld [tilespmem:$0x650]  }
0x3f: {  	v8 =	vld [tilespmem:$0x960]  }
0x40: {  	v54 =	vld [tilespmem:$0x18C0]  }
0x41: {  	v0 =	vld [tilespmem:$0x40]  }
0x42: {  	v4 =	vld [tilespmem:$0x350]  }
0x43: {  	v6 =	vld [tilespmem:$0x660]  }
0x44: {  	v5 =	vld [tilespmem:$0x970]  }
0x45: {  	v53 =	vld [tilespmem:$0x18D0]  }
0x46: {  	v13 =	vld [tilespmem:$0x50]  }
0x47: {  	v11 =	vld [tilespmem:$0x360]  }
0x48: {  	v16 =	vld [tilespmem:$0x670]  }
0x49: {  	v18 =	vld [tilespmem:$0x980]  }
0x4a: {  	v52 =	vld [tilespmem:$0x18E0]  }
0x4b: {  	v21 =	vld [tilespmem:$0x60]  }
0x4c: {  	v23 =	vld [tilespmem:$0x370]  }
0x4d: {  	v27 =	vld [tilespmem:$0x680]  }
0x4e: {  	v28 =	vld [tilespmem:$0x990]  }
0x4f: {  	v51 =	vld [tilespmem:$0x18F0]  }
0x50: {  	v30 =	vld [tilespmem:$0x70]  }
0x51: {  	v32 =	vld [tilespmem:$0x380]  }
0x52: {  	v7 =	vld [tilespmem:$0x690]  }
0x53: {  	v34 =	vld [tilespmem:$0x9A0]  }
0x54: {  	v50 =	vld [tilespmem:$0x1900]  }
0x55: {  	v9 =	vld [tilespmem:$0x80]  }
0x56: {  	v10 =	vld [tilespmem:$0x390]  }
0x57: {  	v12 =	vld [tilespmem:$0x6A0]  }
0x58: {  	v14 =	vld [tilespmem:$0x9B0]  }
0x59: {  	v49 =	vld [tilespmem:$0x1910]  }
0x5a: {  	v15 =	vld [tilespmem:$0x90]  }
0x5b: {  	v24 =	vld [tilespmem:$0x3A0]  }
0x5c: {  	v25 =	vld [tilespmem:$0x6B0]  }
0x5d: {  	v26 =	vld [tilespmem:$0x9C0]  }
0x5e: {  	v48 =	vld [tilespmem:$0x1920]  }
0x5f: {  	v29 =	vld [tilespmem:$0xA0]  }
0x60: {  	v31 =	vld [tilespmem:$0x3B0]  }
0x61: {  	v33 =	vld [tilespmem:$0x6C0]  }
0x62: {  	v35 =	vld [tilespmem:$0x9D0]  }
0x63: {  	v47 =	vld [tilespmem:$0x1930]  }
0x64: {  	v36 =	vld [tilespmem:$0xB0]  }
0x65: {  	v37 =	vld [tilespmem:$0x3C0]  }
0x66: {  	v38 =	vld [tilespmem:$0x6D0]  }
0x67: {  	v39 =	vld [tilespmem:$0x9E0]  }
0x68: {  	v46 =	vld [tilespmem:$0x1940]  }
0x69: {  	v40 =	vld [tilespmem:$0xC0]  }
0x6a: {  	v41 =	vld [tilespmem:$0x3D0]  }
0x6b: {  	v42 =	vld [tilespmem:$0x6E0]  }
0x6c: {  	v43 =	vld [tilespmem:$0x9F0]  }
0x6d: {  	v45 =	vld [tilespmem:$0x1950]  }
0x6e: {  	v44 =	vld [tilespmem:$0xD0]  }
0x6f: {  	v56 =	vld [tilespmem:$0x3E0]  }
0x70: {  	v57 =	vld [tilespmem:$0x6F0]  }
0x71: {  	v58 =	vld [tilespmem:$0xA00]  }
0x72: {  	v59 =	vld [tilespmem:$0xE0]  }
0x73: {  	v60 =	vld [tilespmem:$0x3F0]  }
0x74: {  	v61 =	vld [tilespmem:$0x700]  }
0x75: {  	v62 =	vld [tilespmem:$0xA10]  }
0x76: {  	v63 =	vld [tilespmem:$0xF0]  }
0x77: {  	v19 =	vld [tilespmem:$0x400]  }
0x78: {  	v20 =	vld [tilespmem:$0x710]  }
0x79: {  	v22 =	vld [tilespmem:$0xA20]  }
0x7a: {  	v17 =	vld [tilespmem:$0x1D0]  }
0x7b: {  	[tilespmem:$0x1F1E0] =	vst v44;
	v44 =	vld [tilespmem:$0x1960]  }
0x7c: {  	[tilespmem:$0x1F1D0] =	vst v43;
	v43 =	vld [tilespmem:$0x1970]  }
0x7d: {  	[tilespmem:$0x1F1C0] =	vst v42;
	v42 =	vld [tilespmem:$0x1980]  }
0x7e: {  	[tilespmem:$0x1F0F0] =	vst v24;
	v24 =	vld [tilespmem:$0x100]  }
0x7f: {  	[tilespmem:$0x1F100] =	vst v25;
	v25 =	vld [tilespmem:$0x410]  }
0x80: {  	[tilespmem:$0x1F110] =	vst v26;
	v26 =	vld [tilespmem:$0x720]  }
0x81: {  	[tilespmem:$0x1F120] =	vst v29;
	v29 =	vld [tilespmem:$0xA30]  }
0x82: {  	[tilespmem:$0x1F1B0] =	vst v41;
	v41 =	vld [tilespmem:$0x1990]  }
0x83: {  	[tilespmem:$0x1F240] =	vst v61;
	v61 =	vld [tilespmem:$0x110]  }
0x84: {  	[tilespmem:$0x1F130] =	vst v31;
	v31 =	vld [tilespmem:$0x420]  }
0x85: {  	[tilespmem:$0x1F140] =	vst v33;
	v33 =	vld [tilespmem:$0x730]  }
0x86: {  	[tilespmem:$0x1F150] =	vst v35;
	v35 =	vld [tilespmem:$0xA40]  }
0x87: {  	[tilespmem:$0x1F1A0] =	vst v40;
	v40 =	vld [tilespmem:$0x19A0]  }
0x88: {  	[tilespmem:$0x1F160] =	vst v36;
	v36 =	vld [tilespmem:$0x120]  }
0x89: {  	[tilespmem:$0x1F170] =	vst v37;
	v37 =	vld [tilespmem:$0x430]  }
0x8a: {  	[tilespmem:$0x1F180] =	vst v38;
	v38 =	vld [tilespmem:$0x740]  }
0x8b: {  	[tilespmem:$0x1F190] =	vst v39;
	v39 =	vld [tilespmem:$0xA50]  }
0x8c: {  	[tilespmem:$0x1F220] =	vst v59;
	v59 =	vld [tilespmem:$0x130]  }
0x8d: {  	[tilespmem:$0x1F1F0] =	vst v56;
	v56 =	vld [tilespmem:$0x440]  }
0x8e: {  	[tilespmem:$0x1F200] =	vst v57;
	v57 =	vld [tilespmem:$0x750]  }
0x8f: {  	[tilespmem:$0x1F210] =	vst v58;
	v58 =	vld [tilespmem:$0xA60]  }
0x90: {  	[tilespmem:$0x1F230] =	vst v60;
	v60 =	vld [tilespmem:$0x140]  }
0x91: {  	[tilespmem:$0x1F250] =	vst v62;
	v62 =	vld [tilespmem:$0x450]  }
0x92: {  	[tilespmem:$0x1F260] =	vst v63;
	v63 =	vld [tilespmem:$0x760]  }
0x93: {  	[tilespmem:$0x1F270] =	vst v19;
	v19 =	vld [tilespmem:$0x150]  }
0x94: {  	[tilespmem:$0x1F280] =	vst v20;
	v20 =	vld [tilespmem:$0x460];
	v1 =	vmul.f32 v1, v55  }
0x95: {  	[tilespmem:$0x1F290] =	vst v22;
	v22 =	vld [tilespmem:$0x770];
	v2 =	vmul.f32 v2, v55  }
0x96: {  	[tilespmem:$0x1F0E0] =	vst v15;
	v15 =	vld [tilespmem:$0x1A50];
	v0 =	vmul.f32 v0, v54;
	v1 =	vadd.f32 $0.0e+00, v1  }
0x97: {  	[tilespmem:$0x1F5B0] =	vst v17;
	v17 =	vld [tilespmem:$0x250];
	v4 =	vmul.f32 v4, v54;
	v2 =	vadd.f32 $0.0e+00, v2  }
0x98: {  	v0 =	vadd.f32 v0, v1;
	v1 =	vmul.f32 v8, v55;
	v8 =	vld [tilespmem:$0x280]  }
0x99: {  	v2 =	vadd.f32 v4, v2;
	v4 =	vmul.f32 v13, v53;
	v13 =	vld [tilespmem:$0x8A0]  }
0x9a: {  	[tilespmem:$0x1F340] =	vst v39;
	v39 =	vld [tilespmem:$0x19B0]  }
0x9b: {  	[tilespmem:$0x1F330] =	vst v38;
	v38 =	vld [tilespmem:$0x19C0]  }
0x9c: {  	[tilespmem:$0x1F360] =	vst v57;
	v57 =	vld [tilespmem:$0xA70]  }
0x9d: {  	[tilespmem:$0x1F320] =	vst v37;
	v37 =	vld [tilespmem:$0x19D0]  }
0x9e: {  	[tilespmem:$0x1F2A0] =	vst v24;
	v24 =	vld [tilespmem:$0xA80]  }
0x9f: {  	[tilespmem:$0x1F310] =	vst v36;
	v36 =	vld [tilespmem:$0x19E0]  }
0xa0: {  	[tilespmem:$0x1F2B0] =	vst v25;
	v25 =	vld [tilespmem:$0x160]  }
0xa1: {  	[tilespmem:$0x1F2C0] =	vst v26;
	v26 =	vld [tilespmem:$0x470]  }
0xa2: {  	[tilespmem:$0x1F2D0] =	vst v29;
	v29 =	vld [tilespmem:$0x780]  }
0xa3: {  	[tilespmem:$0x1F2E0] =	vst v31;
	v31 =	vld [tilespmem:$0xA90]  }
0xa4: {  	[tilespmem:$0x1F300] =	vst v35;
	v35 =	vld [tilespmem:$0x19F0]  }
0xa5: {  	[tilespmem:$0x1F2F0] =	vst v33;
	v33 =	vld [tilespmem:$0x170]  }
0xa6: {  	[tilespmem:$0x1F350] =	vst v56;
	v56 =	vld [tilespmem:$0x480]  }
0xa7: {  	[tilespmem:$0x1F370] =	vst v58;
	v58 =	vld [tilespmem:$0x790]  }
0xa8: {  	[tilespmem:$0x1F380] =	vst v60;
	v60 =	vld [tilespmem:$0xAA0]  }
0xa9: {  	[tilespmem:$0x1F390] =	vst v62;
	v62 =	vld [tilespmem:$0x180]  }
0xaa: {  	[tilespmem:$0x1F3A0] =	vst v63;
	v63 =	vld [tilespmem:$0x490]  }
0xab: {  	[tilespmem:$0x1F3B0] =	vst v19;
	v19 =	vld [tilespmem:$0x7A0]  }
0xac: {  	[tilespmem:$0x1F3C0] =	vst v20;
	v20 =	vld [tilespmem:$0xAB0]  }
0xad: {  	[tilespmem:$0x1F3D0] =	vst v22;
	v22 =	vld [tilespmem:$0x190]  }
0xae: {  	v5 =	vmul.f32 v5, v54;
	[tilespmem:$0x1F7B0] =	vst v17;
	v17 =	vld [tilespmem:$0x560];
	v1 =	vadd.f32 $0.0e+00, v1  }
0xaf: {  	v0 =	vadd.f32 v4, v0;
	v4 =	vmul.f32 v18, v53;
	v18 =	vld [tilespmem:$0x290]  }
0xb0: {  	v1 =	vadd.f32 v5, v1;
	v5 =	vmul.f32 v21, v52;
	v21 =	vld [tilespmem:$0x5A0]  }
0xb1: {  	[tilespmem:$0x1F870] =	vst v8;
	v8 =	vld [tilespmem:$0x590]  }
0xb2: {  	[tilespmem:$0x1F890] =	vst v13;
	v13 =	vmul.f32 v16, v53;
	v16 =	vld [tilespmem:$0xBB0]  }
0xb3: {  	[tilespmem:$0x1F430] =	vst v33;
	v33 =	vld [tilespmem:$0x1A00]  }
0xb4: {  	[tilespmem:$0x1F440] =	vst v56;
	v56 =	vld [tilespmem:$0x1A10]  }
0xb5: {  	[tilespmem:$0x1F3E0] =	vst v24;
	v24 =	vld [tilespmem:$0x4A0]  }
0xb6: {  	[tilespmem:$0x1F3F0] =	vst v25;
	v25 =	vld [tilespmem:$0x7B0]  }
0xb7: {  	[tilespmem:$0x1F400] =	vst v26;
	v26 =	vld [tilespmem:$0xAC0]  }
0xb8: {  	[tilespmem:$0x1F450] =	vst v58;
	v58 =	vld [tilespmem:$0x1A20]  }
0xb9: {  	[tilespmem:$0x1F410] =	vst v29;
	v29 =	vld [tilespmem:$0x1A0]  }
0xba: {  	[tilespmem:$0x1F420] =	vst v31;
	v31 =	vld [tilespmem:$0x4B0]  }
0xbb: {  	[tilespmem:$0x1F460] =	vst v60;
	v60 =	vld [tilespmem:$0x7C0]  }
0xbc: {  	v3 =	vmul.f32 v3, v55;
	[tilespmem:$0x1F470] =	vst v62;
	v62 =	vld [tilespmem:$0xAD0]  }
0xbd: {  	[tilespmem:$0x1F480] =	vst v63;
	v63 =	vld [tilespmem:$0x1B0]  }
0xbe: {  	v6 =	vmul.f32 v6, v54;
	v3 =	vadd.f32 $0.0e+00, v3;
	[tilespmem:$0x1F490] =	vst v19;
	v19 =	vld [tilespmem:$0x4C0]  }
0xbf: {  	[tilespmem:$0x1F4A0] =	vst v20;
	v20 =	vld [tilespmem:$0x7D0]  }
0xc0: {  	v3 =	vadd.f32 v6, v3;
	[tilespmem:$0x1F4B0] =	vst v22;
	v22 =	vld [tilespmem:$0xAE0]  }
0xc1: {  	v28 =	vmul.f32 v28, v52;
	[tilespmem:$0x1F7C0] =	vst v17;
	v17 =	vld [tilespmem:$0x870];
	v1 =	vadd.f32 v4, v1  }
0xc2: {  	v27 =	vmul.f32 v27, v52;
	v3 =	vadd.f32 v13, v3;
	v13 =	vmul.f32 v23, v52;
	v23 =	vld [tilespmem:$0x8B0]  }
0xc3: {  	v1 =	vadd.f32 v28, v1;
	v28 =	vld [tilespmem:$0x2A0]  }
0xc4: {  	v34 =	vmul.f32 v34, v51;
	v3 =	vadd.f32 v27, v3;
	v27 =	vld [tilespmem:$0xBC0]  }
0xc5: {  	[tilespmem:$0x1F880] =	vst v8;
	v8 =	vmul.f32 v11, v53;
	v11 =	vld [tilespmem:$0x1B10]  }
0xc6: {  	v1 =	vadd.f32 v34, v1;
	v34 =	vld [tilespmem:$0x1F0F0]  }
0xc7: {  	[tilespmem:$0x1F510] =	vst v60;
	v60 =	vld [tilespmem:$0x1A30]  }
0xc8: {  	[tilespmem:$0x1F530] =	vst v63;
	v63 =	vld [tilespmem:$0x1A40]  }
0xc9: {  	[tilespmem:$0x1F4C0] =	vst v24;
	v24 =	vld [tilespmem:$0x1C0]  }
0xca: {  	[tilespmem:$0x1F4D0] =	vst v25;
	v25 =	vld [tilespmem:$0x4D0]  }
0xcb: {  	[tilespmem:$0x1F4E0] =	vst v26;
	v26 =	vld [tilespmem:$0x7E0]  }
0xcc: {  	[tilespmem:$0x1F4F0] =	vst v29;
	v29 =	vld [tilespmem:$0xAF0]  }
0xcd: {  	[tilespmem:$0x1F500] =	vst v31;
	v31 =	vld [tilespmem:$0x4E0]  }
0xce: {  	[tilespmem:$0x1F520] =	vst v62;
	v62 =	vld [tilespmem:$0x7F0]  }
0xcf: {  	[tilespmem:$0x1F550] =	vst v20;
	v20 =	vld [tilespmem:$0xB00]  }
0xd0: {  	[tilespmem:$0x1F560] =	vst v22;
	v22 =	vld [tilespmem:$0x1E0]  }
0xd1: {  	[tilespmem:$0x1F7D0] =	vst v17;
	v17 =	vld [tilespmem:$0xB80]  }
0xd2: {  	[tilespmem:$0x1F540] =	vst v19;
	v19 =	vld [tilespmem:$0x1AE0]  }
0xd3: {  	v2 =	vadd.f32 v8, v2;
	v8 =	vld [tilespmem:$0x1B20]  }
0xd4: {  	v6 =	vmul.f32 v34, v49;
	v34 =	vld [tilespmem:$0x5C0]  }
0xd5: {  	[tilespmem:$0x1F5D0] =	vst v62;
	v62 =	vld [tilespmem:$0x1A60]  }
0xd6: {  	[tilespmem:$0x1F570] =	vst v24;
	v24 =	vld [tilespmem:$0x4F0]  }
0xd7: {  	[tilespmem:$0x1F580] =	vst v25;
	v25 =	vld [tilespmem:$0x800]  }
0xd8: {  	[tilespmem:$0x1F590] =	vst v26;
	v26 =	vld [tilespmem:$0xB10]  }
0xd9: {  	[tilespmem:$0x1F5C0] =	vst v31;
	v31 =	vld [tilespmem:$0x1A70]  }
0xda: {  	[tilespmem:$0x1F5A0] =	vst v29;
	v29 =	vld [tilespmem:$0x1F0]  }
0xdb: {  	[tilespmem:$0x1F5E0] =	vst v20;
	v20 =	vld [tilespmem:$0x500]  }
0xdc: {  	v2 =	vadd.f32 v13, v2;
	v13 =	vmul.f32 v30, v51;
	v30 =	vmul.f32 v32, v51;
	[tilespmem:$0x1F5F0] =	vst v22;
	v22 =	vld [tilespmem:$0x810]  }
0xdd: {  	v0 =	vadd.f32 v5, v0;
	[tilespmem:$0x1F7E0] =	vst v17;
	v17 =	vld [tilespmem:$0x260]  }
0xde: {  	v32 =	vmul.f32 v7, v51;
	v2 =	vadd.f32 v30, v2;
	v30 =	vld [tilespmem:$0x5B0]  }
0xdf: {  	v9 =	vmul.f32 v9, v50;
	v0 =	vadd.f32 v13, v0;
	v13 =	vmul.f32 v14, v50;
	v14 =	vld [tilespmem:$0x8C0]  }
0xe0: {  	v10 =	vmul.f32 v10, v50;
	v3 =	vadd.f32 v32, v3;
	v32 =	vld [tilespmem:$0x1F0E0]  }
0xe1: {  	v12 =	vmul.f32 v12, v50;
	v0 =	vadd.f32 v9, v0;
	v9 =	vld [tilespmem:$0xBD0]  }
0xe2: {  	v2 =	vadd.f32 v10, v2;
	v10 =	vld [tilespmem:$0x1F100]  }
0xe3: {  	v3 =	vadd.f32 v12, v3;
	v12 =	vld [tilespmem:$0x1F110]  }
0xe4: {  	v1 =	vadd.f32 v13, v1;
	v13 =	vld [tilespmem:$0x1F120]  }
0xe5: {  	[tilespmem:$0x1F8D0] =	vst v34;
	v34 =	vld [tilespmem:$0xBE0]  }
0xe6: {  	[tilespmem:$0x1F600] =	vst v24;
	v24 =	vld [tilespmem:$0xB20]  }
0xe7: {  	[tilespmem:$0x1F630] =	vst v29;
	v29 =	vld [tilespmem:$0x1A80]  }
0xe8: {  	[tilespmem:$0x1F610] =	vst v25;
	v25 =	vld [tilespmem:$0x200]  }
0xe9: {  	[tilespmem:$0x1F620] =	vst v26;
	v26 =	vld [tilespmem:$0x510]  }
0xea: {  	[tilespmem:$0x1F640] =	vst v20;
	v20 =	vld [tilespmem:$0x820]  }
0xeb: {  	[tilespmem:$0x1F650] =	vst v22;
	v22 =	vld [tilespmem:$0xB30]  }
0xec: {  	[tilespmem:$0x1F7F0] =	vst v17;
	v17 =	vld [tilespmem:$0x570]  }
0xed: {  	[tilespmem:$0x1F8A0] =	vst v14;
	v14 =	vld [tilespmem:$0x2B0]  }
0xee: {  	v5 =	vmul.f32 v32, v49;
	v32 =	vld [tilespmem:$0x1F130]  }
0xef: {  	[tilespmem:$0x1F8B0] =	vst v9;
	v9 =	vld [tilespmem:$0x1B30]  }
0xf0: {  	v4 =	vmul.f32 v10, v49;
	v10 =	vld [tilespmem:$0x1F140]  }
0xf1: {  	v7 =	vmul.f32 v12, v49;
	v12 =	vld [tilespmem:$0x1F150]  }
0xf2: {  	v0 =	vadd.f32 v5, v0;
	v5 =	vmul.f32 v13, v48;
	v13 =	vld [tilespmem:$0x8D0]  }
0xf3: {  	[tilespmem:$0x1F8F0] =	vst v34;
	v34 =	vld [tilespmem:$0x1F1B0]  }
0xf4: {  	[tilespmem:$0x1F680] =	vst v26;
	v26 =	vld [tilespmem:$0x1A90]  }
0xf5: {  	[tilespmem:$0x1F660] =	vst v24;
	v24 =	vld [tilespmem:$0x210]  }
0xf6: {  	[tilespmem:$0x1F670] =	vst v25;
	v25 =	vld [tilespmem:$0x520]  }
0xf7: {  	[tilespmem:$0x1F690] =	vst v20;
	v20 =	vld [tilespmem:$0x830]  }
0xf8: {  	[tilespmem:$0x1F6A0] =	vst v22;
	v22 =	vld [tilespmem:$0xB40]  }
0xf9: {  	[tilespmem:$0x1F800] =	vst v17;
	v17 =	vld [tilespmem:$0x880]  }
0xfa: {  	[tilespmem:$0x1F8C0] =	vst v14;
	v14 =	vld [tilespmem:$0x1F160]  }
0xfb: {  	v3 =	vadd.f32 v4, v3;
	v4 =	vmul.f32 v32, v48;
	v32 =	vld [tilespmem:$0x1F170]  }
0xfc: {  	v2 =	vadd.f32 v6, v2;
	v6 =	vmul.f32 v12, v48;
	v12 =	vld [tilespmem:$0x1F180]  }
0xfd: {  	v1 =	vadd.f32 v7, v1;
	v0 =	vadd.f32 v5, v0;
	v5 =	vmul.f32 v10, v48;
	v10 =	vld [tilespmem:$0x1B40]  }
0xfe: {  	[tilespmem:$0x1F8E0] =	vst v13;
	v13 =	vld [tilespmem:$0x1F190]  }
0xff: {  	v1 =	vadd.f32 v6, v1;
	v6 =	vmul.f32 v34, v46;
	v34 =	vld [tilespmem:$0x1F1E0]  }
0x100: {  	[tilespmem:$0x1F6C0] =	vst v25;
	v25 =	vld [tilespmem:$0x1AA0]  }
0x101: {  	v7 =	vmul.f32 v32, v47;
	v32 =	vld [tilespmem:$0x1F1A0]  }
0x102: {  	[tilespmem:$0x1F6B0] =	vst v24;
	v24 =	vld [tilespmem:$0x220]  }
0x103: {  	v2 =	vadd.f32 v4, v2;
	v4 =	vmul.f32 v14, v47;
	v14 =	vld [tilespmem:$0x2C0]  }
0x104: {  	v3 =	vadd.f32 v5, v3;
	[tilespmem:$0x1F6D0] =	vst v20;
	v20 =	vld [tilespmem:$0x530];
	v5 =	vmul.f32 v12, v47  }
0x105: {  	[tilespmem:$0x1F6E0] =	vst v22;
	v22 =	vld [tilespmem:$0x840]  }
0x106: {  	v3 =	vadd.f32 v5, v3;
	v5 =	vmul.f32 v32, v46;
	v32 =	vld [tilespmem:$0x8E0]  }
0x107: {  	[tilespmem:$0x1F810] =	vst v17;
	v17 =	vld [tilespmem:$0xB90]  }
0x108: {  	v0 =	vadd.f32 v4, v0;
	[tilespmem:$0x1F900] =	vst v14;
	v14 =	vld [tilespmem:$0x1F1D0]  }
0x109: {  	v4 =	vmul.f32 v13, v47;
	v13 =	vld [tilespmem:$0x1F1C0]  }
0x10a: {  	v0 =	vadd.f32 v5, v0;
	v5 =	vmul.f32 v34, v45;
	v34 =	vld [tilespmem:$0x2D0]  }
0x10b: {  	[tilespmem:$0x1F920] =	vst v32;
	v32 =	vld [tilespmem:$0x1F210]  }
0x10c: {  	v12 =	vld [tilespmem:$0x5D0]  }
0x10d: {  	v2 =	vadd.f32 v7, v2;
	v7 =	vmul.f32 v14, v46;
	v14 =	vld [tilespmem:$0x1F200]  }
0x10e: {  	v1 =	vadd.f32 v4, v1;
	v4 =	vmul.f32 v13, v46;
	v13 =	vld [tilespmem:$0x1F1F0]  }
0x10f: {  	[tilespmem:$0x1F940] =	vst v34;
	v34 =	vld [tilespmem:$0x1F240]  }
0x110: {  	v2 =	vadd.f32 v6, v2;
	v6 =	vmul.f32 v32, v45;
	v32 =	vld [tilespmem:$0x5E0]  }
0x111: {  	[tilespmem:$0x1F6F0] =	vst v24;
	v24 =	vld [tilespmem:$0xB50]  }
0x112: {  	v3 =	vadd.f32 v4, v3;
	v0 =	vadd.f32 v5, v0;
	v5 =	vmul.f32 v14, v45;
	v14 =	vld [tilespmem:$0x1F230]  }
0x113: {  	v4 =	vmul.f32 v13, v45;
	v13 =	vld [tilespmem:$0x1F220]  }
0x114: {  	v3 =	vadd.f32 v5, v3;
	v5 =	vmul.f32 v34, v44;
	v34 =	vld [tilespmem:$0x1F260]  }
0x115: {  	[tilespmem:$0x1F950] =	vst v32;
	v32 =	vld [tilespmem:$0xC00]  }
0x116: {  	[tilespmem:$0x1F700] =	vst v20;
	v20 =	vld [tilespmem:$0x230]  }
0x117: {  	v1 =	vadd.f32 v7, v1;
	v7 =	vmul.f32 v14, v44;
	v14 =	vld [tilespmem:$0x1F250]  }
0x118: {  	[tilespmem:$0x1F710] =	vst v22;
	v22 =	vld [tilespmem:$0x540]  }
0x119: {  	v3 =	vadd.f32 v5, v3;
	v5 =	vmul.f32 v34, v43;
	v34 =	vld [tilespmem:$0x2E0]  }
0x11a: {  	v2 =	vadd.f32 v4, v2;
	v4 =	vmul.f32 v13, v44;
	[tilespmem:$0x1F970] =	vst v32;
	v32 =	vld [tilespmem:$0x1F290]  }
0x11b: {  	v13 =	vld [tilespmem:$0x8F0]  }
0x11c: {  	v0 =	vadd.f32 v4, v0;
	v4 =	vmul.f32 v14, v44;
	v14 =	vld [tilespmem:$0x1F280]  }
0x11d: {  	[tilespmem:$0x1F820] =	vst v17;
	v17 =	vld [tilespmem:$0x1AF0]  }
0x11e: {  	[tilespmem:$0x1F980] =	vst v34;
	v34 =	vld [tilespmem:$0x1F2B0]  }
0x11f: {  	v1 =	vadd.f32 v6, v1;
	v2 =	vadd.f32 v7, v2;
	v7 =	vmul.f32 v32, v43;
	v32 =	vld [tilespmem:$0x5F0]  }
0x120: {  	[tilespmem:$0x1F910] =	vst v12;
	v12 =	vld [tilespmem:$0xBF0]  }
0x121: {  	[tilespmem:$0x1F960] =	vst v13;
	v13 =	vld [tilespmem:$0x1F270];
	v1 =	vadd.f32 v4, v1;
	v4 =	vmul.f32 v14, v43  }
0x122: {  	v14 =	vld [tilespmem:$0x1F2A0]  }
0x123: {  	v3 =	vadd.f32 v4, v3;
	v4 =	vmul.f32 v34, v42;
	v34 =	vld [tilespmem:$0x1F2D0]  }
0x124: {  	[tilespmem:$0x1F990] =	vst v32;
	v32 =	vld [tilespmem:$0x1F2C0]  }
0x125: {  	[tilespmem:$0x1F720] =	vst v24;
	v24 =	vld [tilespmem:$0x1AB0]  }
0x126: {  	[tilespmem:$0x1F730] =	vst v20;
	v20 =	vld [tilespmem:$0x850];
	v6 =	vmul.f32 v13, v43  }
0x127: {  	v0 =	vadd.f32 v5, v0;
	v5 =	vmul.f32 v14, v42;
	v14 =	vld [tilespmem:$0x900]  }
0x128: {  	v2 =	vadd.f32 v6, v2;
	v6 =	vmul.f32 v34, v42;
	v34 =	vld [tilespmem:$0x1F2F0]  }
0x129: {  	v0 =	vadd.f32 v5, v0;
	v5 =	vmul.f32 v32, v42;
	v32 =	vld [tilespmem:$0x1F2E0]  }
0x12a: {  	[tilespmem:$0x1F740] =	vst v22;
	v22 =	vld [tilespmem:$0xB60]  }
0x12b: {  	[tilespmem:$0x1FED0] =	vst v17;
	v17 =	vld [tilespmem:$0x270]  }
0x12c: {  	[tilespmem:$0x1F9A0] =	vst v14;
	v14 =	vld [tilespmem:$0xC10]  }
0x12d: {  	v3 =	vadd.f32 v5, v3;
	v5 =	vmul.f32 v34, v41;
	v34 =	vld [tilespmem:$0x600]  }
0x12e: {  	v1 =	vadd.f32 v7, v1;
	v7 =	vmul.f32 v32, v41;
	v32 =	vld [tilespmem:$0x1F300]  }
0x12f: {  	[tilespmem:$0x1F930] =	vst v12;
	v12 =	vld [tilespmem:$0x1B50]  }
0x130: {  	[tilespmem:$0x1F760] =	vst v22;
	v22 =	vld [tilespmem:$0x1AC0]  }
0x131: {  	v2 =	vadd.f32 v4, v2;
	v4 =	vmul.f32 v61, v41;
	[tilespmem:$0x1F9B0] =	vst v14;
	v14 =	vld [tilespmem:$0x2F0]  }
0x132: {  	[tilespmem:$0x1F9D0] =	vst v34;
	v34 =	vld [tilespmem:$0x910]  }
0x133: {  	v0 =	vadd.f32 v4, v0;
	v4 =	vmul.f32 v32, v41;
	v32 =	vld [tilespmem:$0x1F320]  }
0x134: {  	[tilespmem:$0x1F750] =	vst v20;
	v20 =	vld [tilespmem:$0x240]  }
0x135: {  	[tilespmem:$0x1F830] =	vst v17;
	v17 =	vld [tilespmem:$0x580]  }
0x136: {  	[tilespmem:$0x1F9C0] =	vst v14;
	v14 =	vld [tilespmem:$0x1F310]  }
0x137: {  	[tilespmem:$0x1F9E0] =	vst v34;
	v34 =	vld [tilespmem:$0xC20]  }
0x138: {  	v1 =	vadd.f32 v6, v1;
	v6 =	vmul.f32 v32, v40;
	v32 =	vld [tilespmem:$0x1F340]  }
0x139: {  	[tilespmem:$0x1F770] =	vst v20;
	v20 =	vld [tilespmem:$0x550]  }
0x13a: {  	[tilespmem:$0x1F840] =	vst v17;
	v17 =	vld [tilespmem:$0x890]  }
0x13b: {  	v3 =	vadd.f32 v5, v3;
	v5 =	vmul.f32 v14, v40;
	v14 =	vld [tilespmem:$0x1F330]  }
0x13c: {  	[tilespmem:$0x1F9F0] =	vst v34;
	v34 =	vld [tilespmem:$0x300]  }
0x13d: {  	v2 =	vadd.f32 v7, v2;
	v7 =	vmul.f32 v32, v40;
	v32 =	vld [tilespmem:$0x1F350]  }
0x13e: {  	[tilespmem:$0x1F780] =	vst v20;
	v20 =	vld [tilespmem:$0x860]  }
0x13f: {  	[tilespmem:$0x1F850] =	vst v17;
	v17 =	vld [tilespmem:$0xBA0]  }
0x140: {  	v13 =	vld [tilespmem:$0x1B60];
	v1 =	vadd.f32 v4, v1;
	v4 =	vmul.f32 v14, v40  }
0x141: {  	v0 =	vadd.f32 v5, v0;
	[tilespmem:$0x1FA00] =	vst v34;
	v34 =	vld [tilespmem:$0x610]  }
0x142: {  	v14 =	vmul.f32 v59, v39;
	v3 =	vadd.f32 v4, v3;
	v4 =	vmul.f32 v32, v39;
	v32 =	vld [tilespmem:$0x1F370]  }
0x143: {  	[tilespmem:$0x1F790] =	vst v20;
	v20 =	vld [tilespmem:$0xB70]  }
0x144: {  	v0 =	vadd.f32 v14, v0;
	v14 =	vld [tilespmem:$0x1F360]  }
0x145: {  	[tilespmem:$0x1F860] =	vst v17;
	v17 =	vld [tilespmem:$0x1B00]  }
0x146: {  	[tilespmem:$0x1FA10] =	vst v34;
	v34 =	vld [tilespmem:$0x920]  }
0x147: {  	v2 =	vadd.f32 v6, v2;
	v6 =	vmul.f32 v32, v39;
	v32 =	vld [tilespmem:$0x1F390]  }
0x148: {  	v61 =	vld [tilespmem:$0x1B70]  }
0x149: {  	v5 =	vmul.f32 v14, v39;
	v14 =	vld [tilespmem:$0x1F380]  }
0x14a: {  	[tilespmem:$0x1F7A0] =	vst v20;
	v20 =	vld [tilespmem:$0x1AD0]  }
0x14b: {  	v59 =	vld [tilespmem:$0x1B80];
	[tilespmem:$0x1FA20] =	vst v34  }
0x14c: {  	v1 =	vadd.f32 v7, v1;
	v7 =	vmul.f32 v32, v38;
	v32 =	vld [tilespmem:$0x1F3A0];
	_ =	sdelay $0x1  }
0x14d: {  	v2 =	vadd.f32 v4, v2;
	v4 =	vmul.f32 v14, v38;
	v14 =	vld [tilespmem:$0x1F3B0];
	_ =	sdelay $0x2  }
0x14e: {  	v3 =	vadd.f32 v5, v3;
	v5 =	vmul.f32 v32, v38;
	_ =	sdelay $0x1  }
0x14f: {  	v3 =	vadd.f32 v5, v3;
	v5 =	vmul.f32 v14, v37;
	v14 =	vld [tilespmem:$0x1F3D0];
	_ =	sdelay $0x2  }
0x150: {  	v1 =	vadd.f32 v6, v1;
	v34 =	vld [tilespmem:$0xC30];
	v0 =	vadd.f32 v4, v0;
	v4 =	vmul.f32 v57, v38;
	_ =	sdelay $0x1  }
0x151: {  	v1 =	vadd.f32 v4, v1;
	v4 =	vmul.f32 v14, v37;
	v14 =	vld [tilespmem:$0x620];
	_ =	sdelay $0x2  }
0x152: {  	[tilespmem:$0x1FA30] =	vst v34;
	v34 =	vld [tilespmem:$0x310];
	_ =	sdelay $0x1  }
0x153: {  	[tilespmem:$0x1FA50] =	vst v14;
	v14 =	vld [tilespmem:$0x930]  }
0x154: {  	v32 =	vld [tilespmem:$0x1F3C0];
	_ =	sdelay $0x1  }
0x155: {  	[tilespmem:$0x1FA40] =	vst v34;
	v34 =	vld [tilespmem:$0x1F3F0];
	_ =	sdelay $0x1  }
0x156: {  	[tilespmem:$0x1FA60] =	vst v14;
	v14 =	vld [tilespmem:$0x1F410]  }
0x157: {  	v6 =	vmul.f32 v32, v37;
	v32 =	vld [tilespmem:$0x1F3E0];
	_ =	sdelay $0x1  }
0x158: {  	v0 =	vadd.f32 v5, v0;
	v5 =	vmul.f32 v34, v36;
	v34 =	vld [tilespmem:$0xC40];
	_ =	sdelay $0x1  }
0x159: {  	v0 =	vadd.f32 v5, v0;
	v5 =	vmul.f32 v14, v36;
	v14 =	vld [tilespmem:$0x1F440]  }
0x15a: {  	v2 =	vadd.f32 v7, v2;
	v7 =	vmul.f32 v32, v37;
	v32 =	vld [tilespmem:$0x1F400];
	_ =	sdelay $0x1  }
0x15b: {  	[tilespmem:$0x1FA70] =	vst v34;
	v34 =	vld [tilespmem:$0x1F430];
	_ =	sdelay $0x1  }
0x15c: {  	v1 =	vadd.f32 v7, v1;
	v7 =	vmul.f32 v14, v35;
	v14 =	vld [tilespmem:$0x630]  }
0x15d: {  	v2 =	vadd.f32 v6, v2;
	v3 =	vadd.f32 v4, v3;
	v4 =	vmul.f32 v32, v36;
	_ =	sdelay $0x1  }
0x15e: {  	v2 =	vadd.f32 v4, v2;
	v4 =	vmul.f32 v34, v35;
	v34 =	vld [tilespmem:$0x320];
	_ =	sdelay $0x1  }
0x15f: {  	[tilespmem:$0x1FA90] =	vst v14;
	v14 =	vld [tilespmem:$0x940];
	_ =	sdelay $0x1  }
0x160: {  	v32 =	vld [tilespmem:$0x1F420]  }
0x161: {  	[tilespmem:$0x1FA80] =	vst v34;
	v34 =	vld [tilespmem:$0x1F450];
	_ =	sdelay $0x1  }
0x162: {  	[tilespmem:$0x1FAA0] =	vst v14;
	v14 =	vld [tilespmem:$0x1F480];
	_ =	sdelay $0x2  }
0x163: {  	v6 =	vmul.f32 v32, v36;
	v3 =	vadd.f32 v5, v3;
	v5 =	vmul.f32 v34, v35;
	v34 =	vld [tilespmem:$0x1F460];
	_ =	sdelay $0x1  }
0x164: {  	v1 =	vadd.f32 v6, v1;
	v6 =	vmul.f32 v14, v33;
	v14 =	vld [tilespmem:$0x1F490];
	_ =	sdelay $0x2  }
0x165: {  	v0 =	vadd.f32 v4, v0;
	v4 =	vmul.f32 v34, v35;
	v34 =	vld [tilespmem:$0x1F470];
	_ =	sdelay $0x1  }
0x166: {  	v1 =	vadd.f32 v4, v1;
	v4 =	vmul.f32 v14, v33;
	v14 =	vld [tilespmem:$0x1F4B0];
	_ =	sdelay $0x2  }
0x167: {  	v3 =	vadd.f32 v5, v3;
	v5 =	vmul.f32 v34, v33;
	_ =	sdelay $0x1  }
0x168: {  	v0 =	vadd.f32 v5, v0;
	v5 =	vmul.f32 v14, v56;
	v14 =	vld [tilespmem:$0x330];
	_ =	sdelay $0x4  }
0x169: {  	[tilespmem:$0x1FAC0] =	vst v14;
	v14 =	vld [tilespmem:$0x1F4C0];
	_ =	sdelay $0x4  }
0x16a: {  	v3 =	vadd.f32 v4, v3;
	v4 =	vmul.f32 v14, v56;
	v14 =	vld [tilespmem:$0x640];
	_ =	sdelay $0x4  }
0x16b: {  	[tilespmem:$0x1FAD0] =	vst v14;
	v14 =	vld [tilespmem:$0x1F4D0];
	_ =	sdelay $0x4  }
0x16c: {  	v0 =	vadd.f32 v5, v0;
	v5 =	vmul.f32 v14, v56;
	v14 =	vld [tilespmem:$0x1F4E0];
	_ =	sdelay $0x2  }
0x16d: {  	v2 =	vadd.f32 v7, v2;
	_ =	sdelay $0x1  }
0x16e: {  	v2 =	vadd.f32 v6, v2;
	v6 =	vmul.f32 v14, v56;
	v14 =	vld [tilespmem:$0x950];
	_ =	sdelay $0x2  }
0x16f: {  	v34 =	vld [tilespmem:$0xC50];
	_ =	sdelay $0x1  }
0x170: {  	[tilespmem:$0x1FAE0] =	vst v14;
	v14 =	vld [tilespmem:$0x1F4F0];
	_ =	sdelay $0x2  }
0x171: {  	[tilespmem:$0x1FAB0] =	vst v34;
	v34 =	vld [tilespmem:$0x1F4A0];
	_ =	sdelay $0x1  }
0x172: {  	v2 =	vadd.f32 v4, v2;
	v4 =	vmul.f32 v14, v58;
	v14 =	vld [tilespmem:$0x1F500];
	_ =	sdelay $0x2  }
0x173: {  	v7 =	vmul.f32 v34, v33;
	_ =	sdelay $0x1  }
0x174: {  	v1 =	vadd.f32 v7, v1;
	v7 =	vmul.f32 v14, v58;
	v14 =	vld [tilespmem:$0xC60];
	_ =	sdelay $0x4  }
0x175: {  	[tilespmem:$0x1FAF0] =	vst v14;
	v14 =	vld [tilespmem:$0x1F510];
	_ =	sdelay $0x1  }
0x176: {  	v57 =	vld [tilespmem:$0x1B90]  }
0x177: {  	v32 =	vld [tilespmem:$0x1BA0]  }
0x178: {  	v34 =	vld [tilespmem:$0x1BB0];
	_ =	swait.ge [sflag:s10], $0xC40  }
0x179: {  	v3 =	vadd.f32 v5, v3;
	v5 =	vmul.f32 v14, v58;
	v14 =	vld [tilespmem:$0x1F520];
	_ =	sdelay $0x4  }
0x17a: {  	v0 =	vadd.f32 v4, v0;
	v4 =	vmul.f32 v14, v58;
	v14 =	vld [tilespmem:$0x1F530];
	_ =	sdelay $0x4  }
0x17b: {  	v3 =	vadd.f32 v5, v3;
	v5 =	vmul.f32 v14, v60;
	v14 =	vld [tilespmem:$0x1F540];
	_ =	sdelay $0x4  }
0x17c: {  	v1 =	vadd.f32 v6, v1;
	v6 =	vmul.f32 v14, v60;
	v14 =	vld [tilespmem:$0x1F550];
	_ =	sdelay $0x4  }
0x17d: {  	v1 =	vadd.f32 v4, v1;
	v4 =	vmul.f32 v14, v60;
	v14 =	vld [tilespmem:$0x1F560];
	_ =	sdelay $0x2  }
0x17e: {  	[sflag:s10] =	ssyncset.done $0x0  }
0x17f: {  	[sflag:s10] =	ssyncadd.s32 $0xFFFFF3C0  }
0x180: {  	v2 =	vadd.f32 v7, v2;
	v7 =	vmul.f32 v14, v60;
	v14 =	vld [tilespmem:$0xC70];
	_ =	sdelay $0x4  }
0x181: {  	[tilespmem:$0x1FB00] =	vst v14;
	v14 =	vld [tilespmem:$0x1F570];
	_ =	sdelay $0x4  }
0x182: {  	v0 =	vadd.f32 v5, v0;
	v5 =	vmul.f32 v14, v63;
	v14 =	vld [tilespmem:$0xF80];
	_ =	sdelay $0x4  }
0x183: {  	[tilespmem:$0x1FB10] =	vst v14;
	v14 =	vld [tilespmem:$0x1F580];
	_ =	sdelay $0x4  }
0x184: {  	v3 =	vadd.f32 v4, v3;
	v4 =	vmul.f32 v14, v63;
	v14 =	vld [tilespmem:$0x1290];
	_ =	sdelay $0x4  }
0x185: {  	[tilespmem:$0x1FB20] =	vst v14;
	v14 =	vld [tilespmem:$0x1F590];
	_ =	sdelay $0x4  }
0x186: {  	v0 =	vadd.f32 v5, v0;
	v5 =	vmul.f32 v14, v63;
	v14 =	vld [tilespmem:$0x1F5A0];
	_ =	sdelay $0x4  }
0x187: {  	v2 =	vadd.f32 v6, v2;
	v6 =	vmul.f32 v14, v63;
	v14 =	vld [tilespmem:$0x15A0];
	_ =	sdelay $0x4  }
0x188: {  	[tilespmem:$0x1FB40] =	vst v14;
	v14 =	vld [tilespmem:$0x1F5B0];
	_ =	sdelay $0x4  }
0x189: {  	v2 =	vadd.f32 v4, v2;
	v4 =	vmul.f32 v14, v15;
	v14 =	vld [tilespmem:$0x1F5C0];
	_ =	sdelay $0x4  }
0x18a: {  	v1 =	vadd.f32 v7, v1;
	v7 =	vmul.f32 v14, v15;
	v14 =	vld [tilespmem:$0xC80];
	_ =	sdelay $0x4  }
0x18b: {  	[tilespmem:$0x1FB30] =	vst v14;
	v14 =	vld [tilespmem:$0x1F5D0];
	_ =	sdelay $0x4  }
0x18c: {  	v3 =	vadd.f32 v5, v3;
	v5 =	vmul.f32 v14, v15;
	v14 =	vld [tilespmem:$0xF90];
	_ =	sdelay $0x4  }
0x18d: {  	[tilespmem:$0x1FB50] =	vst v14;
	v14 =	vld [tilespmem:$0x1F5E0];
	_ =	sdelay $0x4  }
0x18e: {  	v0 =	vadd.f32 v4, v0;
	v4 =	vmul.f32 v14, v15;
	v14 =	vld [tilespmem:$0x1F5F0];
	_ =	sdelay $0x4  }
0x18f: {  	v3 =	vadd.f32 v5, v3;
	v5 =	vmul.f32 v14, v62;
	v14 =	vld [tilespmem:$0x1F600];
	_ =	sdelay $0x4  }
0x190: {  	v1 =	vadd.f32 v6, v1;
	v6 =	vmul.f32 v14, v62;
	v14 =	vld [tilespmem:$0x15B0];
	_ =	sdelay $0x4  }
0x191: {  	[tilespmem:$0x1FB60] =	vst v14;
	v14 =	vld [tilespmem:$0x1F610];
	_ =	sdelay $0x4  }
0x192: {  	v1 =	vadd.f32 v4, v1;
	v4 =	vmul.f32 v14, v62;
	v14 =	vld [tilespmem:$0x1F620];
	_ =	sdelay $0x4  }
0x193: {  	[tilespmem:$0x1FE40] =	vst v62;
	v2 =	vadd.f32 v7, v2;
	v7 =	vmul.f32 v14, v62;
	v62 =	vld [tilespmem:$0xC90];
	_ =	sdelay $0x4  }
0x194: {  	[tilespmem:$0x1FB70] =	vst v62;
	v62 =	vld [tilespmem:$0x1F630];
	_ =	sdelay $0x4  }
0x195: {  	v0 =	vadd.f32 v5, v0;
	v5 =	vmul.f32 v62, v31;
	v62 =	vld [tilespmem:$0x1F640];
	_ =	sdelay $0x4  }
0x196: {  	v3 =	vadd.f32 v4, v3;
	v4 =	vmul.f32 v62, v31;
	v62 =	vld [tilespmem:$0x1F650];
	_ =	sdelay $0x2  }
0x197: {  	v14 =	vld [tilespmem:$0xFA0];
	_ =	sdelay $0x1  }
0x198: {  	v0 =	vadd.f32 v5, v0;
	v5 =	vmul.f32 v62, v31;
	v62 =	vld [tilespmem:$0x1F670];
	_ =	sdelay $0x2  }
0x199: {  	v2 =	vadd.f32 v6, v2;
	[tilespmem:$0x1FB80] =	vst v14;
	v14 =	vld [tilespmem:$0x12B0];
	_ =	sdelay $0x1  }
0x19a: {  	v2 =	vadd.f32 v4, v2;
	v4 =	vmul.f32 v62, v29;
	v62 =	vld [tilespmem:$0xCA0];
	_ =	sdelay $0x2  }
0x19b: {  	[tilespmem:$0x1FB90] =	vst v14;
	v14 =	vld [tilespmem:$0x1F660];
	_ =	sdelay $0x1  }
0x19c: {  	[tilespmem:$0x1FBA0] =	vst v62;
	v62 =	vld [tilespmem:$0x1F690];
	_ =	sdelay $0x2  }
0x19d: {  	v6 =	vmul.f32 v14, v31;
	v14 =	vld [tilespmem:$0x1F680];
	_ =	sdelay $0x1  }
0x19e: {  	v3 =	vadd.f32 v5, v3;
	v5 =	vmul.f32 v62, v29;
	v62 =	vld [tilespmem:$0x1F6A0];
	_ =	sdelay $0x2  }
0x19f: {  	v1 =	vadd.f32 v7, v1;
	v7 =	vmul.f32 v14, v29;
	v14 =	vld [tilespmem:$0xFB0];
	_ =	sdelay $0x1  }
0x1a0: {  	v0 =	vadd.f32 v4, v0;
	v4 =	vmul.f32 v62, v29;
	v62 =	vld [tilespmem:$0x1F6C0]  }
0x1a1: {  	[tilespmem:$0x1FE60] =	vst v29;
	v29 =	vld [tilespmem:$0x1F6B0];
	_ =	sdelay $0x1  }
0x1a2: {  	[tilespmem:$0x1FBB0] =	vst v14;
	v14 =	vld [tilespmem:$0x12C0];
	_ =	sdelay $0x1  }
0x1a3: {  	v1 =	vadd.f32 v6, v1;
	v6 =	vmul.f32 v62, v26;
	v62 =	vld [tilespmem:$0x1F6E0]  }
0x1a4: {  	v3 =	vadd.f32 v5, v3;
	v5 =	vmul.f32 v29, v26;
	v29 =	vld [tilespmem:$0x1F6D0];
	_ =	sdelay $0x1  }
0x1a5: {  	[tilespmem:$0x1FBC0] =	vst v14;
	v14 =	vld [tilespmem:$0x15D0];
	_ =	sdelay $0x1  }
0x1a6: {  	v2 =	vadd.f32 v7, v2;
	v7 =	vmul.f32 v62, v26;
	v62 =	vld [tilespmem:$0x1F700]  }
0x1a7: {  	v1 =	vadd.f32 v4, v1;
	v4 =	vmul.f32 v29, v26;
	v29 =	vld [tilespmem:$0xFC0];
	_ =	sdelay $0x1  }
0x1a8: {  	[tilespmem:$0x1FBD0] =	vst v14;
	v14 =	vld [tilespmem:$0x1F6F0];
	_ =	sdelay $0x1  }
0x1a9: {  	v3 =	vadd.f32 v4, v3;
	v4 =	vmul.f32 v62, v25;
	v62 =	vld [tilespmem:$0x1F720]  }
0x1aa: {  	[tilespmem:$0x1FBE0] =	vst v29;
	v29 =	vld [tilespmem:$0x1F710];
	_ =	sdelay $0x1  }
0x1ab: {  	v0 =	vadd.f32 v5, v0;
	v5 =	vmul.f32 v14, v25;
	v14 =	vld [tilespmem:$0x12D0];
	_ =	sdelay $0x1  }
0x1ac: {  	v2 =	vadd.f32 v6, v2;
	v6 =	vmul.f32 v62, v25;
	v62 =	vld [tilespmem:$0xCC0]  }
0x1ad: {  	v0 =	vadd.f32 v5, v0;
	v5 =	vmul.f32 v29, v25;
	v29 =	vld [tilespmem:$0x1F740];
	_ =	sdelay $0x1  }
0x1ae: {  	[tilespmem:$0x1FBF0] =	vst v14;
	v14 =	vld [tilespmem:$0x1F730];
	_ =	sdelay $0x1  }
0x1af: {  	[tilespmem:$0x1FC00] =	vst v62;
	v62 =	vld [tilespmem:$0xFD0]  }
0x1b0: {  	v1 =	vadd.f32 v7, v1;
	v7 =	vmul.f32 v29, v24;
	v29 =	vld [tilespmem:$0x1F750];
	_ =	sdelay $0x1  }
0x1b1: {  	v2 =	vadd.f32 v4, v2;
	v4 =	vmul.f32 v14, v24;
	v14 =	vld [tilespmem:$0x1F760];
	_ =	sdelay $0x1  }
0x1b2: {  	[tilespmem:$0x1FC10] =	vst v62;
	v62 =	vld [tilespmem:$0x1F780]  }
0x1b3: {  	v3 =	vadd.f32 v5, v3;
	v5 =	vmul.f32 v29, v24;
	v29 =	vld [tilespmem:$0x1F770];
	_ =	sdelay $0x1  }
0x1b4: {  	v0 =	vadd.f32 v4, v0;
	v4 =	vmul.f32 v14, v24;
	v14 =	vld [tilespmem:$0x15F0];
	_ =	sdelay $0x1  }
0x1b5: {  	v1 =	vadd.f32 v6, v1;
	v6 =	vmul.f32 v62, v22;
	v62 =	vld [tilespmem:$0x1F7A0]  }
0x1b6: {  	v3 =	vadd.f32 v5, v3;
	v5 =	vmul.f32 v29, v22;
	v29 =	vld [tilespmem:$0x1F790];
	_ =	sdelay $0x1  }
0x1b7: {  	[tilespmem:$0x1FC20] =	vst v14;
	v14 =	vld [tilespmem:$0x1F7B0];
	_ =	sdelay $0x1  }
0x1b8: {  	v2 =	vadd.f32 v7, v2;
	v7 =	vmul.f32 v62, v22;
	v62 =	vld [tilespmem:$0x1F7C0]  }
0x1b9: {  	v1 =	vadd.f32 v4, v1;
	v4 =	vmul.f32 v29, v22;
	v29 =	vld [tilespmem:$0xFE0];
	_ =	sdelay $0x1  }
0x1ba: {  	v0 =	vadd.f32 v5, v0;
	v5 =	vmul.f32 v14, v20;
	v14 =	vld [tilespmem:$0x12F0];
	_ =	sdelay $0x1  }
0x1bb: {  	v3 =	vadd.f32 v4, v3;
	v4 =	vmul.f32 v62, v20;
	v62 =	vld [tilespmem:$0x1F7E0]  }
0x1bc: {  	[tilespmem:$0x1FC30] =	vst v29;
	v29 =	vld [tilespmem:$0x1F7D0];
	_ =	sdelay $0x1  }
0x1bd: {  	[tilespmem:$0x1FC40] =	vst v14;
	v14 =	vld [tilespmem:$0x1F7F0];
	_ =	sdelay $0x1  }
0x1be: {  	v2 =	vadd.f32 v6, v2;
	v6 =	vmul.f32 v62, v20;
	v62 =	vld [tilespmem:$0xCE0]  }
0x1bf: {  	v0 =	vadd.f32 v5, v0;
	v5 =	vmul.f32 v29, v20;
	v29 =	vld [tilespmem:$0x1F800];
	_ =	sdelay $0x1  }
0x1c0: {  	v2 =	vadd.f32 v4, v2;
	v4 =	vmul.f32 v14, v19;
	v14 =	vld [tilespmem:$0x1F810];
	_ =	sdelay $0x1  }
0x1c1: {  	[tilespmem:$0x1FC50] =	vst v62;
	v62 =	vld [tilespmem:$0x1F820]  }
0x1c2: {  	v1 =	vadd.f32 v7, v1;
	v7 =	vmul.f32 v29, v19;
	v29 =	vld [tilespmem:$0xFF0];
	_ =	sdelay $0x1  }
0x1c3: {  	v3 =	vadd.f32 v5, v3;
	v5 =	vmul.f32 v14, v19;
	v14 =	vld [tilespmem:$0x1F830]  }
0x1c4: {  	v2 =	vadd.f32 v7, v2;
	v7 =	vld [tilespmem:$0x1FED0]  }
0x1c5: {  	v0 =	vadd.f32 v4, v0;
	v4 =	vmul.f32 v62, v19;
	v62 =	vld [tilespmem:$0x1610]  }
0x1c6: {  	[tilespmem:$0x1FC60] =	vst v29;
	v29 =	vld [tilespmem:$0x1F840];
	_ =	sdelay $0x2  }
0x1c7: {  	v3 =	vadd.f32 v5, v3;
	v5 =	vmul.f32 v14, v7;
	v14 =	vld [tilespmem:$0x1F850]  }
0x1c8: {  	[tilespmem:$0x1FC70] =	vst v62;
	v62 =	vld [tilespmem:$0x1F870]  }
0x1c9: {  	v1 =	vadd.f32 v6, v1;
	v6 =	vmul.f32 v29, v7;
	v29 =	vld [tilespmem:$0x1F860];
	_ =	sdelay $0x3  }
0x1ca: {  	v0 =	vadd.f32 v5, v0;
	v5 =	vmul.f32 v62, v17;
	v62 =	vld [tilespmem:$0x1F880]  }
0x1cb: {  	v1 =	vadd.f32 v4, v1;
	v4 =	vmul.f32 v14, v7;
	v7 =	vmul.f32 v29, v7;
	v29 =	vld [tilespmem:$0x1000]  }
0x1cc: {  	[tilespmem:$0x1FE30] =	vst v15;
	v15 =	vld [tilespmem:$0x12A0]  }
0x1cd: {  	[tilespmem:$0x1FE50] =	vst v31;
	v31 =	vld [tilespmem:$0x15C0]  }
0x1ce: {  	[tilespmem:$0x1FE70] =	vst v26;
	v26 =	vld [tilespmem:$0xCB0]  }
0x1cf: {  	[tilespmem:$0x1FE80] =	vst v25;
	v3 =	vadd.f32 v4, v3;
	v4 =	vmul.f32 v62, v17;
	v62 =	vld [tilespmem:$0x1F890]  }
0x1d0: {  	[tilespmem:$0x1FC80] =	vst v29;
	v29 =	vld [tilespmem:$0x1310]  }
0x1d1: {  	[tilespmem:$0x1FE90] =	vst v24;
	v25 =	vld [tilespmem:$0x15E0]  }
0x1d2: {  	[tilespmem:$0x1FEA0] =	vst v22;
	v24 =	vld [tilespmem:$0x12E0]  }
0x1d3: {  	[tilespmem:$0x1FEB0] =	vst v20;
	v22 =	vld [tilespmem:$0xCD0];
	v2 =	vadd.f32 v6, v2  }
0x1d4: {  	[tilespmem:$0x1FEC0] =	vst v19;
	v20 =	vld [tilespmem:$0x1600];
	v6 =	vmul.f32 v16, v17;
	v0 =	vadd.f32 v5, v0;
	v5 =	vmul.f32 v62, v17  }
0x1d5: {  	v19 =	vld [tilespmem:$0x1300];
	[tilespmem:$0x1FC90] =	vst v29;
	v29 =	vmul.f32 v18, v11;
	v62 =	vmul.f32 v21, v11  }
0x1d6: {  	v14 =	vld [tilespmem:$0xCF0];
	v1 =	vadd.f32 v7, v1;
	v21 =	vmul.f32 v23, v11;
	v23 =	vmul.f32 v27, v11  }
0x1d7: {  	v2 =	vadd.f32 v4, v2;
	v27 =	vmul.f32 v28, v8;
	v28 =	vmul.f32 v30, v8;
	v30 =	vld [tilespmem:$0x1F8A0]  }
0x1d8: {  	v1 =	vadd.f32 v6, v1;
	v0 =	vadd.f32 v29, v0;
	v29 =	vld [tilespmem:$0x1630]  }
0x1d9: {  	v3 =	vadd.f32 v5, v3;
	v2 =	vadd.f32 v62, v2;
	v62 =	vld [tilespmem:$0x1F8B0]  }
0x1da: {  	v1 =	vadd.f32 v23, v1;
	v23 =	vld [tilespmem:$0x1F8C0]  }
0x1db: {  	v3 =	vadd.f32 v21, v3;
	v21 =	vld [tilespmem:$0xD10]  }
0x1dc: {  	v0 =	vadd.f32 v27, v0;
	v27 =	vld [tilespmem:$0x1020]  }
0x1dd: {  	v2 =	vadd.f32 v28, v2;
	v28 =	vld [tilespmem:$0x1F8D0]  }
0x1de: {  	v4 =	vmul.f32 v30, v8;
	v30 =	vld [tilespmem:$0x1F8E0]  }
0x1df: {  	[tilespmem:$0x1FCA0] =	vst v29;
	v29 =	vld [tilespmem:$0x1330]  }
0x1e0: {  	v7 =	vmul.f32 v62, v8;
	v62 =	vld [tilespmem:$0x1F8F0]  }
0x1e1: {  	[tilespmem:$0x1FF00] =	vst v8;
	v8 =	vld [tilespmem:$0x1F900]  }
0x1e2: {  	v5 =	vmul.f32 v23, v9;
	v23 =	vld [tilespmem:$0xD20]  }
0x1e3: {  	[tilespmem:$0x1FCB0] =	vst v21;
	v21 =	vld [tilespmem:$0x1F910]  }
0x1e4: {  	[tilespmem:$0x1FCC0] =	vst v27;
	v27 =	vld [tilespmem:$0x1F920]  }
0x1e5: {  	v3 =	vadd.f32 v4, v3;
	v4 =	vmul.f32 v28, v9;
	v28 =	vld [tilespmem:$0x1030]  }
0x1e6: {  	v0 =	vadd.f32 v5, v0;
	v5 =	vmul.f32 v30, v9;
	v30 =	vld [tilespmem:$0x1F940]  }
0x1e7: {  	[tilespmem:$0x1FCD0] =	vst v29;
	v29 =	vld [tilespmem:$0x1F930]  }
0x1e8: {  	v6 =	vmul.f32 v62, v9;
	v62 =	vld [tilespmem:$0x1F950]  }
0x1e9: {  	[tilespmem:$0x1FCE0] =	vst v23;
	v23 =	vld [tilespmem:$0x1F960]  }
0x1ea: {  	v2 =	vadd.f32 v4, v2;
	v4 =	vmul.f32 v8, v10;
	v8 =	vld [tilespmem:$0x1F9F0]  }
0x1eb: {  	v1 =	vadd.f32 v7, v1;
	v7 =	vmul.f32 v21, v10;
	v21 =	vld [tilespmem:$0x1650]  }
0x1ec: {  	v3 =	vadd.f32 v5, v3;
	v5 =	vmul.f32 v27, v10;
	v27 =	vld [tilespmem:$0x1F970]  }
0x1ed: {  	[tilespmem:$0x1FCF0] =	vst v28;
	v28 =	vld [tilespmem:$0x1F980]  }
0x1ee: {  	v3 =	vadd.f32 v5, v3;
	v5 =	vmul.f32 v30, v12;
	v30 =	vld [tilespmem:$0x1F990]  }
0x1ef: {  	v0 =	vadd.f32 v4, v0;
	v4 =	vmul.f32 v29, v10;
	v29 =	vld [tilespmem:$0x1040]  }
0x1f0: {  	v1 =	vadd.f32 v6, v1;
	v6 =	vmul.f32 v62, v12;
	v62 =	vld [tilespmem:$0x1350]  }
0x1f1: {  	[tilespmem:$0x1FD00] =	vst v21;
	v21 =	vld [tilespmem:$0x1F9A0]  }
0x1f2: {  	v1 =	vadd.f32 v4, v1;
	v4 =	vmul.f32 v23, v12;
	v23 =	vld [tilespmem:$0x1F9B0]  }
0x1f3: {  	v2 =	vadd.f32 v7, v2;
	v7 =	vmul.f32 v27, v12;
	v27 =	vld [tilespmem:$0x1F9C0]  }
0x1f4: {  	v0 =	vadd.f32 v5, v0;
	v5 =	vmul.f32 v28, v13;
	v28 =	vld [tilespmem:$0x1F9D0]  }
0x1f5: {  	v3 =	vadd.f32 v4, v3;
	v4 =	vmul.f32 v30, v13;
	v30 =	vld [tilespmem:$0x1F9E0]  }
0x1f6: {  	[tilespmem:$0x1FD10] =	vst v29;
	v29 =	vld [tilespmem:$0xD40]  }
0x1f7: {  	[tilespmem:$0x1FD20] =	vst v62;
	v62 =	vld [tilespmem:$0x1050]  }
0x1f8: {  	v2 =	vadd.f32 v6, v2;
	v0 =	vadd.f32 v5, v0;
	v5 =	vmul.f32 v21, v13;
	v21 =	vld [tilespmem:$0x1360]  }
0x1f9: {  	v6 =	vmul.f32 v23, v13;
	v23 =	vld [tilespmem:$0x1FA00]  }
0x1fa: {  	v2 =	vadd.f32 v4, v2;
	v4 =	vmul.f32 v27, v61;
	v27 =	vld [tilespmem:$0x1FA10]  }
0x1fb: {  	v1 =	vadd.f32 v7, v1;
	v7 =	vmul.f32 v28, v61;
	v28 =	vld [tilespmem:$0x1670]  }
0x1fc: {  	v3 =	vadd.f32 v5, v3;
	v5 =	vmul.f32 v30, v61;
	v30 =	vld [tilespmem:$0x1FA30]  }
0x1fd: {  	v0 =	vadd.f32 v4, v0;
	v4 =	vmul.f32 v8, v61;
	v8 =	vld [tilespmem:$0x1FAC0]  }
0x1fe: {  	[tilespmem:$0x1FD30] =	vst v29;
	v29 =	vld [tilespmem:$0x1FA20]  }
0x1ff: {  	[tilespmem:$0x1FD40] =	vst v62;
	v62 =	vld [tilespmem:$0xD50]  }
0x200: {  	[tilespmem:$0x1FD50] =	vst v21;
	v21 =	vld [tilespmem:$0x1FA40]  }
0x201: {  	v3 =	vadd.f32 v5, v3;
	v5 =	vmul.f32 v23, v59;
	v23 =	vld [tilespmem:$0x1060]  }
0x202: {  	v1 =	vadd.f32 v6, v1;
	v6 =	vmul.f32 v27, v59;
	v27 =	vld [tilespmem:$0x1FA50]  }
0x203: {  	[tilespmem:$0x1FD60] =	vst v28;
	v28 =	vld [tilespmem:$0x1370]  }
0x204: {  	v2 =	vadd.f32 v7, v2;
	v7 =	vmul.f32 v30, v59;
	v30 =	vld [tilespmem:$0x1FA70]  }
0x205: {  	v1 =	vadd.f32 v4, v1;
	v4 =	vmul.f32 v29, v59;
	v29 =	vld [tilespmem:$0x1FA60]  }
0x206: {  	[tilespmem:$0x1FD70] =	vst v62;
	v62 =	vld [tilespmem:$0x1680]  }
0x207: {  	v0 =	vadd.f32 v5, v0;
	v5 =	vmul.f32 v21, v57;
	v21 =	vld [tilespmem:$0x1FA80]  }
0x208: {  	[tilespmem:$0x1FD90] =	vst v28;
	v28 =	vld [tilespmem:$0x1FAA0]  }
0x209: {  	[tilespmem:$0x1FD80] =	vst v23;
	v23 =	vld [tilespmem:$0x1FA90]  }
0x20a: {  	v2 =	vadd.f32 v6, v2;
	v3 =	vadd.f32 v4, v3;
	v4 =	vmul.f32 v27, v57;
	v27 =	vld [tilespmem:$0xD60]  }
0x20b: {  	v0 =	vadd.f32 v5, v0;
	v6 =	vmul.f32 v30, v57;
	v30 =	vld [tilespmem:$0x1FAB0];
	v5 =	vmul.f32 v29, v57  }
0x20c: {  	v29 =	vld [tilespmem:$0x1070]  }
0x20d: {  	v1 =	vadd.f32 v7, v1;
	v3 =	vadd.f32 v5, v3;
	v5 =	vmul.f32 v28, v32;
	v28 =	vld [tilespmem:$0x1FAF0]  }
0x20e: {  	v2 =	vadd.f32 v4, v2;
	v4 =	vmul.f32 v21, v32;
	v21 =	vld [tilespmem:$0x1FAD0]  }
0x20f: {  	[tilespmem:$0x1FDA0] =	vst v62;
	v62 =	vld [tilespmem:$0x1380];
	v1 =	vadd.f32 v6, v1  }
0x210: {  	v7 =	vmul.f32 v23, v32;
	v23 =	vld [tilespmem:$0x1690];
	v0 =	vadd.f32 v4, v0;
	v4 =	vmul.f32 v30, v32  }
0x211: {  	[tilespmem:$0x1FDC0] =	vst v29;
	v29 =	vld [tilespmem:$0xD70]  }
0x212: {  	[tilespmem:$0x1FDB0] =	vst v27;
	v27 =	vld [tilespmem:$0x1FAE0];
	v2 =	vadd.f32 v7, v2;
	v1 =	vadd.f32 v4, v1;
	v7 =	vmul.f32 v28, v34  }
0x213: {  	v3 =	vadd.f32 v5, v3;
	v5 =	vmul.f32 v8, v34;
	v6 =	vmul.f32 v21, v34;
	v21 =	vld [tilespmem:$0x1FB20]  }
0x214: {  	v1 =	vadd.f32 v7, v1;
	v7 =	vld [tilespmem:$0x1FB10]  }
0x215: {  	[tilespmem:$0x1FEE0] =	vst v17;
	v0 =	vadd.f32 v5, v0;
	v5 =	vld [tilespmem:$0x1080]  }
0x216: {  	[tilespmem:$0x1FDF0] =	vst v29;
	v29 =	vld [tilespmem:$0x1FB50]  }
0x217: {  	[tilespmem:$0x1FDD0] =	vst v62;
	v62 =	vld [tilespmem:$0x1FB00]  }
0x218: {  	[tilespmem:$0x1FDE0] =	vst v23;
	v30 =	vadd.f32 v6, v2;
	v2 =	vmul.f32 v21, v55;
	v21 =	vld [tilespmem:$0x1FB80]  }
0x219: {  	v16 =	vld [tilespmem:$0x1620];
	v4 =	vmul.f32 v27, v34;
	[tilespmem:$0x1FF80] =	vst v1;
	v1 =	vmul.f32 v7, v55  }
0x21a: {  	v23 =	vld [tilespmem:$0x1FB30];
	[tilespmem:$0x1FF50] =	vst v0  }
0x21b: {  	v17 =	vld [tilespmem:$0xD00];
	v6 =	vadd.f32 v4, v3;
	[tilespmem:$0x1FE00] =	vst v5;
	v5 =	vmul.f32 v29, v54;
	v1 =	vadd.f32 $0.0e+00, v1  }
0x21c: {  	[tilespmem:$0x1FF60] =	vst v30;
	v30 =	vmul.f32 v15, v54;
	v15 =	vld [tilespmem:$0x1FB70]  }
0x21d: {  	v18 =	vld [tilespmem:$0x1010];
	v0 =	vmul.f32 v62, v55;
	[tilespmem:$0x1FF70] =	vst v6;
	v6 =	vmul.f32 v21, v53;
	v1 =	vadd.f32 v5, v1  }
0x21e: {  	v8 =	vld [tilespmem:$0x1390]  }
0x21f: {  	v0 =	vadd.f32 $0.0e+00, v0;
	v3 =	vmul.f32 v23, v54;
	v1 =	vadd.f32 v6, v1;
	v6 =	vld [tilespmem:$0x1FBA0]  }
0x220: {  	v28 =	vld [tilespmem:$0x1FB40]  }
0x221: {  	v0 =	vadd.f32 v3, v0;
	v3 =	vmul.f32 v15, v53;
	v15 =	vld [tilespmem:$0x1FBC0]  }
0x222: {  	v27 =	vld [tilespmem:$0x16A0]  }
0x223: {  	[tilespmem:$0x1FE10] =	vst v8;
	v8 =	vld [tilespmem:$0x1FB60]  }
0x224: {  	v21 =	vld [tilespmem:$0x1FBD0];
	v0 =	vadd.f32 v3, v0;
	v3 =	vmul.f32 v6, v52  }
0x225: {  	v23 =	vld [tilespmem:$0x1FB90]  }
0x226: {  	v4 =	vmul.f32 v28, v55;
	v0 =	vadd.f32 v3, v0;
	v3 =	vmul.f32 v15, v52;
	v15 =	vld [tilespmem:$0x1FBE0]  }
0x227: {  	[tilespmem:$0x1FEF0] =	vst v11;
	v11 =	vld [tilespmem:$0x1320]  }
0x228: {  	[tilespmem:$0x1FF10] =	vst v9;
	v9 =	vld [tilespmem:$0x1640];
	v2 =	vadd.f32 $0.0e+00, v2;
	v4 =	vadd.f32 $0.0e+00, v4;
	v5 =	vmul.f32 v8, v54  }
0x229: {  	[tilespmem:$0x1FE20] =	vst v27;
	v27 =	vmul.f32 v31, v53;
	v6 =	vmul.f32 v21, v52;
	v21 =	vld [tilespmem:$0x1FBF0]  }
0x22a: {  	[tilespmem:$0x1FF20] =	vst v10;
	v10 =	vld [tilespmem:$0x1340];
	v2 =	vadd.f32 v30, v2;
	v4 =	vadd.f32 v5, v4;
	v5 =	vmul.f32 v23, v53  }
0x22b: {  	v7 =	vmul.f32 v15, v51;
	v15 =	vld [tilespmem:$0x1FC00]  }
0x22c: {  	v8 =	vld [tilespmem:$0x1FBB0];
	v2 =	vadd.f32 v5, v2;
	v4 =	vadd.f32 v27, v4  }
0x22d: {  	[tilespmem:$0x1FF30] =	vst v12;
	v12 =	vld [tilespmem:$0xD30]  }
0x22e: {  	v2 =	vadd.f32 v3, v2;
	v3 =	vadd.f32 v6, v4;
	v4 =	vmul.f32 v21, v51;
	v21 =	vld [tilespmem:$0x1FC10]  }
0x22f: {  	[tilespmem:$0x1FF40] =	vst v13;
	v13 =	vld [tilespmem:$0x1660]  }
0x230: {  	v2 =	vadd.f32 v4, v2;
	v4 =	vmul.f32 v15, v50;
	v15 =	vld [tilespmem:$0x1FC20]  }
0x231: {  	v62 =	vld [tilespmem:$0xD80];
	v5 =	vmul.f32 v8, v52  }
0x232: {  	v31 =	vld [tilespmem:$0x10A0]  }
0x233: {  	v1 =	vadd.f32 v5, v1;
	v6 =	vmul.f32 v21, v50;
	v21 =	vmul.f32 v22, v49;
	v22 =	vld [tilespmem:$0x1FC30]  }
0x234: {  	v28 =	vld [tilespmem:$0xDA0];
	v23 =	vmul.f32 v26, v51  }
0x235: {  	v1 =	vadd.f32 v7, v1;
	v7 =	vmul.f32 v15, v50;
	v15 =	vld [tilespmem:$0x1FC60]  }
0x236: {  	v55 =	vld [tilespmem:$0x1090];
	v0 =	vadd.f32 v23, v0;
	v23 =	vmul.f32 v25, v51  }
0x237: {  	v29 =	vld [tilespmem:$0x13B0]  }
0x238: {  	v30 =	vld [tilespmem:$0x16B0];
	v3 =	vadd.f32 v23, v3;
	v1 =	vadd.f32 v6, v1;
	v5 =	vmul.f32 v22, v49  }
0x239: {  	v54 =	vld [tilespmem:$0x13A0];
	v23 =	vmul.f32 v24, v50  }
0x23a: {  	v8 =	vld [tilespmem:$0x1FC50];
	v1 =	vadd.f32 v5, v1;
	v3 =	vadd.f32 v7, v3;
	v7 =	vmul.f32 v15, v48  }
0x23b: {  	v2 =	vadd.f32 v23, v2;
	v23 =	vld [tilespmem:$0x1FC40]  }
0x23c: {  	v1 =	vadd.f32 v7, v1;
	v7 =	vld [tilespmem:$0x1FC70]  }
0x23d: {  	v53 =	vld [tilespmem:$0xD90];
	v0 =	vadd.f32 v4, v0  }
0x23e: {  	v26 =	vld [tilespmem:$0x10B0]  }
0x23f: {  	v27 =	vld [tilespmem:$0x16D0];
	v6 =	vmul.f32 v20, v49;
	v0 =	vadd.f32 v21, v0;
	v5 =	vmul.f32 v8, v48  }
0x240: {  	v52 =	vld [tilespmem:$0x16C0];
	v4 =	vmul.f32 v23, v49  }
0x241: {  	v8 =	vadd.f32 v5, v0;
	v3 =	vadd.f32 v6, v3;
	v15 =	vld [tilespmem:$0x1FC80];
	v5 =	vmul.f32 v7, v48  }
0x242: {  	v25 =	vld [tilespmem:$0x10C0]  }
0x243: {  	v2 =	vadd.f32 v4, v2;
	v4 =	vmul.f32 v14, v47;
	v3 =	vadd.f32 v5, v3;
	v5 =	vld [tilespmem:$0x1FC90]  }
0x244: {  	v19 =	vmul.f32 v19, v48;
	v24 =	vld [tilespmem:$0x13D0]  }
0x245: {  	v51 =	vld [tilespmem:$0x13C0];
	v4 =	vadd.f32 v4, v8  }
0x246: {  	v20 =	vld [tilespmem:$0x13F0];
	v7 =	vadd.f32 v19, v2;
	v19 =	vmul.f32 v15, v47;
	v15 =	vmul.f32 v17, v46  }
0x247: {  	v23 =	vld [tilespmem:$0x10D0];
	v14 =	vmul.f32 v16, v47  }
0x248: {  	v8 =	vadd.f32 v15, v4;
	v15 =	vmul.f32 v11, v46;
	v11 =	vld [tilespmem:$0x1FCD0];
	v5 =	vmul.f32 v5, v47  }
0x249: {  	v49 =	vld [tilespmem:$0x16E0]  }
0x24a: {  	v6 =	vadd.f32 v5, v7;
	v5 =	vadd.f32 v14, v3;
	v14 =	vmul.f32 v18, v46;
	v18 =	vld [tilespmem:$0x1FCB0]  }
0x24b: {  	v17 =	vld [tilespmem:$0x1FCA0];
	v2 =	vadd.f32 v19, v1  }
0x24c: {  	v22 =	vld [tilespmem:$0xDC0]  }
0x24d: {  	v4 =	vadd.f32 v14, v2;
	v14 =	vmul.f32 v11, v45;
	v11 =	vld [tilespmem:$0x1FCE0]  }
0x24e: {  	v21 =	vld [tilespmem:$0x16F0]  }
0x24f: {  	v7 =	vld [tilespmem:$0x1FCC0];
	v3 =	vmul.f32 v18, v45  }
0x250: {  	v16 =	vld [tilespmem:$0x1710];
	v1 =	vmul.f32 v17, v46;
	v0 =	vadd.f32 v15, v6  }
0x251: {  	v3 =	vadd.f32 v3, v8;
	v8 =	vmul.f32 v9, v45;
	v9 =	vld [tilespmem:$0x1FCF0]  }
0x252: {  	v1 =	vadd.f32 v1, v5;
	v5 =	vadd.f32 v14, v0;
	v14 =	vmul.f32 v11, v44;
	v11 =	vld [tilespmem:$0x1FD00]  }
0x253: {  	v50 =	vld [tilespmem:$0xDB0]  }
0x254: {  	v2 =	vmul.f32 v7, v45;
	v6 =	vadd.f32 v14, v3;
	v14 =	vld [tilespmem:$0x1FD10]  }
0x255: {  	v48 =	vld [tilespmem:$0x13E0]  }
0x256: {  	v10 =	vmul.f32 v10, v44;
	v19 =	vld [tilespmem:$0x10E0];
	v4 =	vadd.f32 v2, v4  }
0x257: {  	v7 =	vld [tilespmem:$0x1FD20];
	v8 =	vadd.f32 v8, v1;
	v0 =	vmul.f32 v9, v44;
	v2 =	vmul.f32 v11, v44  }
0x258: {  	v17 =	vld [tilespmem:$0x10F0];
	v5 =	vadd.f32 v10, v5  }
0x259: {  	v10 =	vld [tilespmem:$0x1FD50];
	v4 =	vadd.f32 v0, v4;
	v2 =	vadd.f32 v2, v8;
	v8 =	vmul.f32 v14, v43  }
0x25a: {  	v9 =	vld [tilespmem:$0x1FD40];
	v0 =	vmul.f32 v12, v43  }
0x25b: {  	v4 =	vadd.f32 v8, v4;
	v8 =	vld [tilespmem:$0x1FD30]  }
0x25c: {  	v1 =	vadd.f32 v0, v6;
	v6 =	vmul.f32 v7, v43;
	v7 =	vld [tilespmem:$0x1FD70]  }
0x25d: {  	v47 =	vld [tilespmem:$0xDD0]  }
0x25e: {  	v46 =	vld [tilespmem:$0x1700]  }
0x25f: {  	v11 =	vld [tilespmem:$0x1FD60];
	v5 =	vadd.f32 v6, v5;
	v6 =	vmul.f32 v10, v42  }
0x260: {  	v0 =	vmul.f32 v9, v42;
	v9 =	vld [tilespmem:$0x1FD90];
	v8 =	vmul.f32 v8, v42  }
0x261: {  	v5 =	vadd.f32 v6, v5;
	v6 =	vmul.f32 v7, v41;
	v7 =	vld [tilespmem:$0x1FDA0]  }
0x262: {  	v43 =	vmul.f32 v13, v43;
	v1 =	vadd.f32 v8, v1;
	v8 =	vld [tilespmem:$0x1FD80]  }
0x263: {  	v15 =	vld [tilespmem:$0x1100]  }
0x264: {  	v18 =	vld [tilespmem:$0xDE0];
	v2 =	vadd.f32 v43, v2;
	v0 =	vadd.f32 v0, v4;
	v4 =	vmul.f32 v11, v42  }
0x265: {  	v45 =	vld [tilespmem:$0x1400]  }
0x266: {  	v44 =	vld [tilespmem:$0xDF0];
	v2 =	vadd.f32 v4, v2;
	v4 =	vmul.f32 v9, v41  }
0x267: {  	v42 =	vmul.f32 v8, v41;
	v41 =	vmul.f32 v7, v41;
	v8 =	vld [tilespmem:$0x1FDB0]  }
0x268: {  	v14 =	vld [tilespmem:$0x1410]  }
0x269: {  	v2 =	vadd.f32 v41, v2;
	v41 =	vld [tilespmem:$0x1FDC0]  }
0x26a: {  	v12 =	vld [tilespmem:$0xE00]  }
0x26b: {  	v7 =	vld [tilespmem:$0x1FDD0]  }
0x26c: {  	v1 =	vadd.f32 v6, v1;
	v6 =	vmul.f32 v8, v40;
	v8 =	vld [tilespmem:$0x1FDE0]  }
0x26d: {  	v13 =	vld [tilespmem:$0x1720]  }
0x26e: {  	v43 =	vld [tilespmem:$0x1110];
	v4 =	vadd.f32 v4, v5;
	v0 =	vadd.f32 v42, v0;
	v5 =	vmul.f32 v41, v40  }
0x26f: {  	v10 =	vld [tilespmem:$0x1420]  }
0x270: {  	v3 =	vadd.f32 v6, v1;
	v1 =	vadd.f32 v5, v0;
	v5 =	vld [tilespmem:$0x1FDF0]  }
0x271: {  	v11 =	vld [tilespmem:$0x1730];
	v6 =	vmul.f32 v7, v40;
	v40 =	vmul.f32 v8, v40  }
0x272: {  	v9 =	vld [tilespmem:$0xE10]  }
0x273: {  	v2 =	vadd.f32 v40, v2;
	v40 =	vld [tilespmem:$0x1FE10]  }
0x274: {  	v8 =	vld [tilespmem:$0x1FE00]  }
0x275: {  	v42 =	vld [tilespmem:$0x1120];
	v5 =	vmul.f32 v5, v39  }
0x276: {  	v41 =	vld [tilespmem:$0x1430]  }
0x277: {  	v3 =	vadd.f32 v5, v3;
	v5 =	vld [tilespmem:$0x1FE20]  }
0x278: {  	v7 =	vld [tilespmem:$0x1740];
	v4 =	vadd.f32 v6, v4;
	v6 =	vmul.f32 v40, v39  }
0x279: {  	v0 =	vmul.f32 v8, v39;
	v8 =	vld [tilespmem:$0xE20]  }
0x27a: {  	v40 =	vld [tilespmem:$0x1130];
	v4 =	vadd.f32 v6, v4;
	v6 =	vmul.f32 v62, v38  }
0x27b: {  	v62 =	vmul.f32 v54, v38;
	v54 =	vmul.f32 v31, v37;
	v31 =	vld [tilespmem:$0x1760]  }
0x27c: {  	v0 =	vadd.f32 v0, v1;
	v1 =	vmul.f32 v5, v39;
	v5 =	vld [tilespmem:$0x1440]  }
0x27d: {  	v39 =	vmul.f32 v55, v38;
	v55 =	vld [tilespmem:$0x1750]  }
0x27e: {  	v30 =	vmul.f32 v30, v38;
	v38 =	vld [tilespmem:$0xE30]  }
0x27f: {  	v3 =	vadd.f32 v6, v3;
	v6 =	vld [tilespmem:$0x11B0]  }
0x280: {  	v53 =	vmul.f32 v53, v37;
	v0 =	vadd.f32 v39, v0;
	v39 =	vld [tilespmem:$0x1140]  }
0x281: {  	v1 =	vadd.f32 v1, v2;
	v2 =	vadd.f32 v62, v4;
	v62 =	vmul.f32 v29, v37;
	v29 =	vld [tilespmem:$0x1150]  }
0x282: {  	v3 =	vadd.f32 v53, v3;
	v53 =	vmul.f32 v52, v37;
	v37 =	vmul.f32 v27, v36;
	v27 =	vld [tilespmem:$0x1770]  }
0x283: {  	v25 =	vmul.f32 v25, v35;
	v50 =	vmul.f32 v50, v35;
	v1 =	vadd.f32 v30, v1;
	v30 =	vld [tilespmem:$0x1450]  }
0x284: {  	v52 =	vmul.f32 v49, v35;
	v0 =	vadd.f32 v54, v0;
	v54 =	vmul.f32 v28, v36;
	v28 =	vld [tilespmem:$0xE40]  }
0x285: {  	v2 =	vadd.f32 v62, v2;
	v62 =	vmul.f32 v51, v36;
	v51 =	vmul.f32 v24, v35;
	v35 =	vld [tilespmem:$0xE50]  }
0x286: {  	v26 =	vmul.f32 v26, v36;
	v24 =	vld [tilespmem:$0x1780]  }
0x287: {  	v36 =	vmul.f32 v47, v56;
	v47 =	vmul.f32 v18, v58;
	v18 =	vld [tilespmem:$0x1790]  }
0x288: {  	v0 =	vadd.f32 v26, v0;
	v26 =	vld [tilespmem:$0x1460]  }
0x289: {  	v16 =	vmul.f32 v16, v58;
	v1 =	vadd.f32 v53, v1;
	v53 =	vmul.f32 v22, v33;
	v22 =	vld [tilespmem:$0x1160]  }
0x28a: {  	v17 =	vmul.f32 v17, v58;
	v3 =	vadd.f32 v54, v3;
	v54 =	vmul.f32 v23, v33;
	v23 =	vld [tilespmem:$0x1470]  }
0x28b: {  	v2 =	vadd.f32 v62, v2;
	v62 =	vmul.f32 v48, v33;
	v48 =	vmul.f32 v45, v58;
	v58 =	vld [tilespmem:$0x1FE30]  }
0x28c: {  	v21 =	vmul.f32 v21, v33;
	v33 =	vld [tilespmem:$0x1FE40]  }
0x28d: {  	v0 =	vadd.f32 v25, v0;
	v25 =	vld [tilespmem:$0xE60]  }
0x28e: {  	v1 =	vadd.f32 v37, v1;
	v37 =	vmul.f32 v20, v56;
	v20 =	vld [tilespmem:$0x1170]  }
0x28f: {  	v3 =	vadd.f32 v50, v3;
	v50 =	vmul.f32 v15, v60;
	v15 =	vld [tilespmem:$0x1490]  }
0x290: {  	v19 =	vmul.f32 v19, v56;
	v2 =	vadd.f32 v51, v2;
	v51 =	vmul.f32 v14, v60;
	v14 =	vld [tilespmem:$0x17A0]  }
0x291: {  	v46 =	vmul.f32 v46, v56;
	v56 =	vmul.f32 v11, v63;
	v11 =	vld [tilespmem:$0x14A0]  }
0x292: {  	v0 =	vadd.f32 v54, v0;
	v54 =	vmul.f32 v10, v63;
	v10 =	vld [tilespmem:$0x1190]  }
0x293: {  	v13 =	vmul.f32 v13, v60;
	v1 =	vadd.f32 v52, v1;
	v52 =	vmul.f32 v12, v63;
	v12 =	vld [tilespmem:$0x17B0]  }
0x294: {  	v49 =	vmul.f32 v44, v60;
	v60 =	vmul.f32 v9, v58;
	v9 =	vld [tilespmem:$0x17C0]  }
0x295: {  	v3 =	vadd.f32 v53, v3;
	v53 =	vmul.f32 v43, v63;
	v63 =	vmul.f32 v41, v58;
	v41 =	vld [tilespmem:$0x1FE50]  }
0x296: {  	v0 =	vadd.f32 v19, v0;
	v19 =	vld [tilespmem:$0x1480]  }
0x297: {  	v2 =	vadd.f32 v62, v2;
	v1 =	vadd.f32 v21, v1;
	v21 =	vld [tilespmem:$0xE70]  }
0x298: {  	v5 =	vmul.f32 v5, v33;
	v3 =	vadd.f32 v36, v3;
	v36 =	vmul.f32 v8, v33;
	v8 =	vld [tilespmem:$0x11A0]  }
0x299: {  	v2 =	vadd.f32 v37, v2;
	v37 =	vmul.f32 v40, v33;
	v40 =	vmul.f32 v55, v33;
	v33 =	vld [tilespmem:$0x1FEA0]  }
0x29a: {  	v1 =	vadd.f32 v46, v1;
	v0 =	vadd.f32 v17, v0;
	v17 =	vld [tilespmem:$0x1180]  }
0x29b: {  	v46 =	vld [tilespmem:$0x1FE60]  }
0x29c: {  	v2 =	vadd.f32 v48, v2;
	v1 =	vadd.f32 v16, v1;
	v16 =	vld [tilespmem:$0xE80]  }
0x29d: {  	v44 =	vmul.f32 v30, v41;
	v30 =	vld [tilespmem:$0x14C0]  }
0x29e: {  	v2 =	vadd.f32 v51, v2;
	v51 =	vld [tilespmem:$0x1FE70]  }
0x29f: {  	v62 =	vmul.f32 v42, v58;
	v42 =	vmul.f32 v38, v41;
	v38 =	vld [tilespmem:$0x14F0]  }
0x2a0: {  	v43 =	vmul.f32 v39, v41;
	v45 =	vmul.f32 v31, v41;
	v41 =	vld [tilespmem:$0x1800]  }
0x2a1: {  	v1 =	vadd.f32 v13, v1;
	v13 =	vld [tilespmem:$0xE90]  }
0x2a2: {  	v48 =	vmul.f32 v29, v46;
	v29 =	vld [tilespmem:$0x17D0]  }
0x2a3: {  	v3 =	vadd.f32 v47, v3;
	v0 =	vadd.f32 v50, v0;
	v50 =	vmul.f32 v27, v46;
	v27 =	vld [tilespmem:$0xEB0]  }
0x2a4: {  	v47 =	vmul.f32 v28, v46;
	v28 =	vld [tilespmem:$0x11C0]  }
0x2a5: {  	v3 =	vadd.f32 v49, v3;
	v2 =	vadd.f32 v54, v2;
	v49 =	vmul.f32 v26, v46;
	v46 =	vld [tilespmem:$0x11F0]  }
0x2a6: {  	v1 =	vadd.f32 v56, v1;
	v56 =	vld [tilespmem:$0x1FE80]  }
0x2a7: {  	v2 =	vadd.f32 v63, v2;
	v63 =	vld [tilespmem:$0x1FE90]  }
0x2a8: {  	v0 =	vadd.f32 v53, v0;
	v53 =	vmul.f32 v22, v51;
	v22 =	vld [tilespmem:$0x14D0]  }
0x2a9: {  	v3 =	vadd.f32 v52, v3;
	v55 =	vmul.f32 v24, v51;
	v24 =	vld [tilespmem:$0x17E0]  }
0x2aa: {  	v52 =	vmul.f32 v35, v51;
	v35 =	vmul.f32 v16, v33;
	v16 =	vld [tilespmem:$0x11E0]  }
0x2ab: {  	v7 =	vmul.f32 v7, v58;
	v3 =	vadd.f32 v60, v3;
	v54 =	vmul.f32 v23, v51;
	v51 =	vld [tilespmem:$0x1810]  }
0x2ac: {  	v23 =	vld [tilespmem:$0x1240]  }
0x2ad: {  	v1 =	vadd.f32 v7, v1;
	v7 =	vld [tilespmem:$0x14B0];
	v3 =	vadd.f32 v36, v3  }
0x2ae: {  	v0 =	vadd.f32 v62, v0;
	v36 =	vld [tilespmem:$0xEA0];
	v2 =	vadd.f32 v5, v2  }
0x2af: {  	v3 =	vadd.f32 v42, v3;
	v42 =	vld [tilespmem:$0x1FEB0]  }
0x2b0: {  	v39 =	vmul.f32 v11, v33;
	v0 =	vadd.f32 v37, v0;
	v2 =	vadd.f32 v44, v2;
	v44 =	vld [tilespmem:$0xEE0]  }
0x2b1: {  	v37 =	vmul.f32 v10, v33;
	v1 =	vadd.f32 v40, v1;
	v40 =	vmul.f32 v12, v33;
	v33 =	vld [tilespmem:$0x1FEF0]  }
0x2b2: {  	v58 =	vmul.f32 v25, v56;
	v25 =	vld [tilespmem:$0xEC0]  }
0x2b3: {  	v60 =	vmul.f32 v19, v56;
	v19 =	vld [tilespmem:$0x11D0]  }
0x2b4: {  	v62 =	vmul.f32 v18, v56;
	v18 =	vld [tilespmem:$0x14E0]  }
0x2b5: {  	v31 =	vmul.f32 v15, v63;
	v15 =	vld [tilespmem:$0xED0]  }
0x2b6: {  	v20 =	vmul.f32 v20, v56;
	v26 =	vmul.f32 v21, v63;
	v56 =	vld [tilespmem:$0x1200]  }
0x2b7: {  	v0 =	vadd.f32 v43, v0;
	v17 =	vmul.f32 v17, v63;
	v14 =	vmul.f32 v14, v63;
	v63 =	vld [tilespmem:$0x1820]  }
0x2b8: {  	v21 =	vld [tilespmem:$0x1FF30]  }
0x2b9: {  	v0 =	vadd.f32 v48, v0;
	v48 =	vld [tilespmem:$0x1500]  }
0x2ba: {  	v2 =	vadd.f32 v49, v2;
	v49 =	vld [tilespmem:$0x1FEC0]  }
0x2bb: {  	v0 =	vadd.f32 v53, v0;
	v53 =	vld [tilespmem:$0xEF0]  }
0x2bc: {  	v1 =	vadd.f32 v45, v1;
	v2 =	vadd.f32 v54, v2;
	v54 =	vld [tilespmem:$0x1FED0]  }
0x2bd: {  	v3 =	vadd.f32 v47, v3;
	v0 =	vadd.f32 v20, v0;
	v20 =	vld [tilespmem:$0x17F0]  }
0x2be: {  	v1 =	vadd.f32 v50, v1;
	v2 =	vadd.f32 v60, v2;
	v60 =	vld [tilespmem:$0x1510]  }
0x2bf: {  	v3 =	vadd.f32 v52, v3;
	v50 =	vmul.f32 v36, v49;
	v11 =	vmul.f32 v29, v49;
	v29 =	vld [tilespmem:$0x1210]  }
0x2c0: {  	v1 =	vadd.f32 v55, v1;
	v6 =	vmul.f32 v6, v49;
	v52 =	vmul.f32 v30, v49;
	v49 =	vld [tilespmem:$0x1FF10]  }
0x2c1: {  	v3 =	vadd.f32 v58, v3;
	v2 =	vadd.f32 v31, v2;
	v31 =	vld [tilespmem:$0x1520]  }
0x2c2: {  	v1 =	vadd.f32 v62, v1;
	v0 =	vadd.f32 v17, v0;
	v17 =	vmul.f32 v24, v54;
	v24 =	vld [tilespmem:$0x1FEE0]  }
0x2c3: {  	v43 =	vmul.f32 v13, v42;
	v3 =	vadd.f32 v26, v3;
	v55 =	vmul.f32 v27, v54;
	v27 =	vld [tilespmem:$0xF00]  }
0x2c4: {  	v8 =	vmul.f32 v8, v42;
	v1 =	vadd.f32 v14, v1;
	v0 =	vadd.f32 v37, v0;
	v37 =	vld [tilespmem:$0x1830]  }
0x2c5: {  	v3 =	vadd.f32 v35, v3;
	v2 =	vadd.f32 v39, v2;
	v39 =	vmul.f32 v41, v33;
	v41 =	vld [tilespmem:$0x1FF00]  }
0x2c6: {  	v45 =	vmul.f32 v7, v42;
	v47 =	vmul.f32 v9, v42;
	v1 =	vadd.f32 v40, v1;
	v40 =	vld [tilespmem:$0xF10]  }
0x2c7: {  	v38 =	vmul.f32 v38, v33;
	v36 =	vmul.f32 v16, v33;
	v3 =	vadd.f32 v43, v3;
	v43 =	vld [tilespmem:$0x1220]  }
0x2c8: {  	v58 =	vmul.f32 v28, v54;
	v0 =	vadd.f32 v8, v0;
	v2 =	vadd.f32 v45, v2;
	v45 =	vld [tilespmem:$0x1530]  }
0x2c9: {  	v62 =	vmul.f32 v22, v54;
	v3 =	vadd.f32 v50, v3;
	v50 =	vmul.f32 v53, v49;
	v53 =	vld [tilespmem:$0x1230]  }
0x2ca: {  	v35 =	vmul.f32 v15, v33;
	v0 =	vadd.f32 v6, v0;
	v6 =	vmul.f32 v56, v49;
	v56 =	vld [tilespmem:$0x1FF20]  }
0x2cb: {  	v54 =	vmul.f32 v63, v49;
	v30 =	vmul.f32 v20, v24;
	v20 =	vld [tilespmem:$0xF30]  }
0x2cc: {  	v1 =	vadd.f32 v47, v1;
	v26 =	vmul.f32 v25, v24;
	v19 =	vmul.f32 v19, v24;
	v25 =	vld [tilespmem:$0x1550]  }
0x2cd: {  	v2 =	vadd.f32 v52, v2;
	v28 =	vmul.f32 v18, v24;
	v52 =	vmul.f32 v60, v49;
	v49 =	vld [tilespmem:$0x1FF50]  }
0x2ce: {  	v18 =	vld [tilespmem:$0xF70];
	v42 =	vmul.f32 v44, v41;
	v44 =	vmul.f32 v46, v41  }
0x2cf: {  	v46 =	vmul.f32 v48, v41;
	v48 =	vld [tilespmem:$0x1840];
	v1 =	vadd.f32 v11, v1;
	v3 =	vadd.f32 v55, v3  }
0x2d0: {  	v47 =	vmul.f32 v51, v41;
	v51 =	vld [tilespmem:$0xF20];
	v0 =	vadd.f32 v58, v0;
	v2 =	vadd.f32 v62, v2  }
0x2d1: {  	v55 =	vld [tilespmem:$0x1540];
	v22 =	vmul.f32 v40, v21;
	v24 =	vmul.f32 v43, v21;
	v1 =	vadd.f32 v17, v1  }
0x2d2: {  	v62 =	vld [tilespmem:$0x1850];
	v3 =	vadd.f32 v26, v3;
	v0 =	vadd.f32 v19, v0;
	v26 =	vmul.f32 v45, v21  }
0x2d3: {  	v2 =	vadd.f32 v28, v2;
	v28 =	vld [tilespmem:$0x1860];
	v58 =	vmul.f32 v27, v56;
	v60 =	vmul.f32 v29, v56  }
0x2d4: {  	v63 =	vmul.f32 v31, v56;
	v15 =	vmul.f32 v37, v56;
	v29 =	vld [tilespmem:$0x1FF40];
	v1 =	vadd.f32 v30, v1  }
0x2d5: {  	v31 =	vld [tilespmem:$0xF40];
	v41 =	vmul.f32 v25, v61;
	v3 =	vadd.f32 v35, v3;
	v0 =	vadd.f32 v36, v0  }
0x2d6: {  	v37 =	vld [tilespmem:$0x1560];
	v2 =	vadd.f32 v38, v2;
	v27 =	vmul.f32 v48, v21;
	v1 =	vadd.f32 v39, v1  }
0x2d7: {  	v40 =	vld [tilespmem:$0x1870];
	v38 =	vmul.f32 v20, v61;
	v3 =	vadd.f32 v42, v3;
	v0 =	vadd.f32 v44, v0  }
0x2d8: {  	v35 =	vld [tilespmem:$0x1250];
	v2 =	vadd.f32 v46, v2;
	v39 =	vmul.f32 v23, v61;
	v9 =	vmul.f32 v28, v61  }
0x2d9: {  	v48 =	vld [tilespmem:$0x1880];
	v1 =	vadd.f32 v47, v1;
	v30 =	vmul.f32 v51, v29;
	v8 =	vmul.f32 v53, v29  }
0x2da: {  	v21 =	vld [tilespmem:$0x1280];
	v3 =	vadd.f32 v50, v3;
	v33 =	vmul.f32 v55, v29;
	v36 =	vmul.f32 v62, v29  }
0x2db: {  	v25 =	vld [tilespmem:$0x18A0];
	v0 =	vadd.f32 v6, v0;
	v43 =	vmul.f32 v31, v59;
	v47 =	vmul.f32 v37, v59  }
0x2dc: {  	v42 =	vld [tilespmem:$0xF50];
	v2 =	vadd.f32 v52, v2;
	v51 =	vmul.f32 v40, v59;
	v29 =	vmul.f32 v18, v34  }
0x2dd: {  	v44 =	vld [tilespmem:$0x1260];
	v45 =	vmul.f32 v35, v59;
	v1 =	vadd.f32 v54, v1;
	v3 =	vadd.f32 v58, v3  }
0x2de: {  	v46 =	vld [tilespmem:$0x1570];
	v17 =	vmul.f32 v48, v57;
	v0 =	vadd.f32 v60, v0;
	v2 =	vadd.f32 v63, v2  }
0x2df: {  	v31 =	vmul.f32 v21, v34;
	v1 =	vadd.f32 v15, v1;
	v3 =	vadd.f32 v22, v3;
	v15 =	vld [tilespmem:$0x1FFC0]  }
0x2e0: {  	v53 =	vld [tilespmem:$0x1FF60];
	v35 =	vmul.f32 v25, v34;
	v0 =	vadd.f32 v24, v0;
	v2 =	vadd.f32 v26, v2  }
0x2e1: {  	v56 =	vld [tilespmem:$0x1270];
	v55 =	vmul.f32 v42, v57;
	v1 =	vadd.f32 v27, v1;
	v3 =	vadd.f32 v30, v3  }
0x2e2: {  	v52 =	vld [tilespmem:$0xF60];
	v58 =	vmul.f32 v44, v57;
	v0 =	vadd.f32 v8, v0;
	v2 =	vadd.f32 v33, v2  }
0x2e3: {  	v59 =	vld [tilespmem:$0x1580];
	v60 =	vmul.f32 v46, v57;
	v1 =	vadd.f32 v36, v1;
	v3 =	vadd.f32 v38, v3  }
0x2e4: {  	v61 =	vld [tilespmem:$0x1890];
	v0 =	vadd.f32 v39, v0;
	v2 =	vadd.f32 v41, v2;
	v50 =	vperm.xlane v49, v15  }
0x2e5: {  	v62 =	vld [tilespmem:$0x1FFD0];
	v54 =	vperm.xlane v53, v15;
	v1 =	vadd.f32 v9, v1;
	v3 =	vadd.f32 v43, v3  }
0x2e6: {  	v22 =	vmul.f32 v56, v32;
	v38 =	vld [tilespmem:$0x1FF70];
	v0 =	vadd.f32 v45, v0;
	v2 =	vadd.f32 v47, v2  }
0x2e7: {  	v20 =	vmul.f32 v52, v32;
	v41 =	vld [tilespmem:$0x1FF80];
	v9 =	vadd.f32 v50, v49;
	v11 =	vadd.f32 v54, v53  }
0x2e8: {  	v23 =	vld [tilespmem:$0x1590];
	v24 =	vmul.f32 v59, v32;
	v1 =	vadd.f32 v51, v1;
	v3 =	vadd.f32 v55, v3  }
0x2e9: {  	v26 =	vld [tilespmem:$0x1FFE0];
	v27 =	vmul.f32 v61, v32;
	v0 =	vadd.f32 v58, v0;
	v2 =	vadd.f32 v60, v2  }
0x2ea: {  	v63 =	vperm.xlane v9, v62;
	v19 =	vperm.xlane v11, v62;
	v1 =	vadd.f32 v17, v1  }
0x2eb: {  	v39 =	vperm.xlane v38, v15;
	v3 =	vadd.f32 v20, v3;
	v0 =	vadd.f32 v22, v0  }
0x2ec: {  	v42 =	vperm.xlane v41, v15;
	v2 =	vadd.f32 v24, v2;
	v9 =	vadd.f32 v63, v9  }
0x2ed: {  	v32 =	vmul.f32 v23, v34;
	v33 =	vld [tilespmem:$0x1FFF0];
	v11 =	vadd.f32 v19, v11;
	v7 =	vadd.f32 v39, v38  }
0x2ee: {  	v44 =	vadd.f32 v42, v41;
	v1 =	vadd.f32 v27, v1;
	v13 =	vperm.xlane v9, v26  }
0x2ef: {  	v3 =	vadd.f32 v29, v3;
	v0 =	vadd.f32 v31, v0;
	v28 =	vperm.xlane v11, v26  }
0x2f0: {  	v2 =	vadd.f32 v32, v2;
	v46 =	vperm.xlane v7, v62;
	v30 =	vadd.f32 v13, v9  }
0x2f1: {  	v43 =	vperm.xlane v3, v15;
	v45 =	vperm.xlane v0, v15;
	v6 =	vadd.f32 v28, v11  }
0x2f2: {  	v1 =	vadd.f32 v35, v1;
	v47 =	vperm.xlane v2, v15;
	v9 =	vperm.xlane v30, v33  }
0x2f3: {  	v7 =	vadd.f32 v46, v7;
	v3 =	vadd.f32 v43, v3;
	v36 =	vperm.xlane v6, v33  }
0x2f4: {  	v48 =	vperm.xlane v44, v62;
	v0 =	vadd.f32 v45, v0;
	v37 =	vadd.f32 v9, v30  }
0x2f5: {  	v49 =	vperm.xlane v1, v15;
	v2 =	vadd.f32 v47, v2;
	v40 =	vadd.f32 v36, v6  }
0x2f6: {  	v50 =	vperm.xlane v3, v62;
	v51 =	vperm.xlane v0, v62;
	v5 =	vnsel vm1, $0x0, v37  }
0x2f7: {  	v1 =	vadd.f32 v49, v1;
	v4 =	vsel vm2, v5, v40;
	v5 =	vadd.f32 v48, v44  }
0x2f8: {  	v52 =	vperm.xlane v7, v26;
	v53 =	vperm.xlane v2, v62;
	v3 =	vadd.f32 v50, v3  }
0x2f9: {  	v0 =	vadd.f32 v51, v0;
	v54 =	vperm.xlane v1, v62;
	v10 =	vperm.xlane v5, v26  }
0x2fa: {  	v6 =	vadd.f32 v52, v7;
	v2 =	vadd.f32 v53, v2;
	v55 =	vperm.xlane v3, v26  }
0x2fb: {  	v56 =	vperm.xlane v0, v26;
	v1 =	vadd.f32 v54, v1;
	v5 =	vadd.f32 v10, v5  }
0x2fc: {  	v57 =	vperm.xlane v6, v33;
	v58 =	vperm.xlane v2, v26;
	v3 =	vadd.f32 v55, v3  }
0x2fd: {  	v0 =	vadd.f32 v56, v0;
	v59 =	vperm.xlane v1, v26;
	v10 =	vperm.xlane v5, v33  }
0x2fe: {  	v6 =	vadd.f32 v57, v6;
	v2 =	vadd.f32 v58, v2;
	v60 =	vperm.xlane v3, v33  }
0x2ff: {  	v61 =	vperm.xlane v0, v33;
	v1 =	vadd.f32 v59, v1;
	v5 =	vadd.f32 v10, v5  }
0x300: {  	v4 =	vsel vm3, v4, v6;
	v62 =	vperm.xlane v2, v33;
	v3 =	vadd.f32 v60, v3  }
0x301: {  	v0 =	vadd.f32 v61, v0;
	v63 =	vperm.xlane v1, v33;
	v4 =	vsel vm4, v4, v5  }
0x302: {  	v2 =	vadd.f32 v62, v2;
	v3 =	vsel vm5, v4, v3  }
0x303: {  	v1 =	vadd.f32 v63, v1;
	v0 =	vsel vm6, v3, v0  }
0x304: {  	s8 =	sadd.s32 $0xFFFFFFFF, s8;
	v0 =	vsel vm7, v0, v2  }
0x305: {  	p1 =	sne.s32 s8, $0x0;
	v0 =	vsel vm8, v0, v1  }
.Ltmp1:
0x306: {  	[tilespmem:$0x1BC0] =	vst v0;
	(pc) =	sbr.rel @p1 .LBB2_2-.Ltmp1, $4  }
0x307: {  	[hbm4b:s7+s3] =	stream.linear.scatter [tilespmem:s17], [sflag:$0x5], $0x8, $0x38;
	[tilespmem:$0x1BD0] =	vst v63  }
0x308: {  	_ =	swait.ge [sflag:s18], $0x8  }
0x309: {  	[sflag:s18] =	ssyncset.done $0x0  }
0x30a: {  	[sflag:s18] =	ssyncadd.s32 $0xFFFFFFF8  }
.LBB2_3:
0x30b: {  	_ =	sfence.sel $0x180000  }
0x30c: {  	[bflag:$0x0] =	sbarrier.arrive $0xFFFF  }
0x30d: {  	p0 =	sne.s32 s0, $0x0;
	_ =	strace $0x90000047  }
0x30e: {  	s0 =	sadd.s32 @!p0 $0x100000, s2;
	[bflag:$0x2] =	sbarrier.arrive $0xFFFF  }
0x30f: {  	[sflag:s0] =	ssyncadd.tile.s32 @!p0 $0x1;
	_ =	shalt  }
.Lfunc_end2:
_tile_overlayer_lowered:
.L_overlay_start_2:
0x310: {  	(tag) =	ssettag $0x2  }
0x311: {  	s0 =	rddreg [dreg:$0x0];
	s2 =	stileid.u32  }
0x312: {  	s1 =	rddreg [dreg:$0x1];
	p0 =	sne.s32 s2, $0x0  }
0x313: {  	s3 =	rddreg [dreg:$0x2];
	[bflag:$0x3] =	sbarrier.arrive $0xFFFF;
	s2 =	simm.s32 @!p0 $0x1C05  }
0x314: {  	[timem:s3], [sflag:s2] =	dma.local @!p0 [hbm:s0], s1  }
0x315: {  	s0 =	simm.s32 @!p0 $0x5  }
0x316: {  	_ =	swait.ge @!p0 [sflag:s0], s1  }
0x317: {  	s1 =	ssub.s32 @!p0 $0x0, s1;
	[sflag:s0] =	ssyncset.done @!p0 $0x0  }
0x318: {  	[sflag:s0] =	ssyncadd.s32 @!p0 s1  }
0x319: {  	[bflag:$0x3] =	sbarrier.arrive $0xFFFF  }
0x31a: {  	_ =	shalt  }

</sc_bundles>
